<compile_context>
chip_gen: v7x
topology: tpu7x:2x2x1
jax: 0.10.2.dev20260603
libtpu: 0.0.44.dev20260713+nightly
codegen_flags: <defaults>
</compile_context>

<pallas_src>
import jax
import jax.numpy as jnp
from jax import lax
from jax.experimental import pallas as pl
from jax.experimental.pallas import tpu as pltpu
from jax.experimental.pallas import tpu_sc as plsc

_N = 2048
_L = 16
_S = _N // _L
_NBITS = 8
_NBINS = 1 << _NBITS
_HV = _NBINS // _L
_PASSES = 4
_B = 4
_K = 8
_MINI = -(1 << 31)


def _fspool_body(num_workers, chans_per_worker, core_axis, subcore_axis):
    def body(x_hbm, wflip_hbm, out_hbm, kbufA, kbufB, hist, xstage, wbuf2,
             accbuf, resbuf, sem):
        bufs = (kbufA, kbufB)

        wid = lax.axis_index(subcore_axis) * 2 + lax.axis_index(core_axis)
        c0 = wid * chans_per_worker

        for r in range(_B):
            pltpu.async_copy(x_hbm.at[r, c0], xstage.at[pl.ds(r * _N, _N)],
                             sem)
        pltpu.async_copy(wflip_hbm.at[c0], wbuf2.at[pl.ds(0, _N)], sem)

        def chan_body(ci, _):
            c = c0 + ci
            par = (ci & 1) * (_B * _N)
            wpar = (ci & 1) * _N
            for r in range(_B):
                pltpu.make_async_copy(
                    x_hbm.at[r, c], xstage.at[pl.ds(par + r * _N, _N)],
                    sem).wait()
            pltpu.make_async_copy(wflip_hbm.at[c],
                                  wbuf2.at[pl.ds(wpar, _N)], sem).wait()

            @pl.when(ci + 1 < chans_per_worker)
            def _():
                npar = ((ci + 1) & 1) * (_B * _N)
                nwpar = ((ci + 1) & 1) * _N
                for r in range(_B):
                    pltpu.async_copy(x_hbm.at[r, c + 1],
                                     xstage.at[pl.ds(npar + r * _N, _N)],
                                     sem)
                pltpu.async_copy(wflip_hbm.at[c + 1],
                                 wbuf2.at[pl.ds(nwpar, _N)], sem)

            z = jnp.zeros((_L,), jnp.float32)
            for r in range(_B):
                accbuf[pl.ds(r * _L, _L)] = z

            @plsc.parallel_loop(0, _B * _PASSES * _HV, unroll=4)
            def _clr(i):
                hist[pl.ds(i * _L, _L)] = jnp.zeros((_L,), jnp.int32)

            @plsc.parallel_loop(0, _S, unroll=2)
            def _prep(s):
                base = s * _L
                ones = jnp.ones((_L,), jnp.int32)
                for r in range(_B):
                    v = xstage[pl.ds(par + r * _N + base, _L)]
                    u = plsc.bitcast(v, jnp.int32)
                    m = lax.shift_right_arithmetic(u, 31)
                    key = u ^ (m | _MINI)
                    kbufA[pl.ds(r * _N + base, _L)] = \
                        plsc.bitcast(key, jnp.float32)
                    for p in range(_PASSES):
                        d = lax.shift_right_logical(key, p * _NBITS) \
                            & (_NBINS - 1)
                        plsc.addupdate_scatter(
                            hist, [d + (r * _PASSES + p) * _NBINS], ones)

            for p in range(_PASSES):
                sh = p * _NBITS
                src = bufs[p % 2]
                dst = bufs[1 - p % 2]
                final = p == _PASSES - 1

                def scan_body(i, carry, p=p):
                    out = []
                    for r in range(_B):
                        hb = (r * _PASSES + p) * _NBINS + i * _L
                        v = hist[pl.ds(hb, _L)]
                        inc = plsc.cumsum(v)
                        hist[pl.ds(hb, _L)] = inc - v + carry[r]
                        out.append(carry[r] + jnp.sum(v))
                    return tuple(out)

                lax.fori_loop(0, _HV, scan_body, (jnp.int32(-1),) * _B,
                              unroll=2)

                if not final:
                    def perm_body(s, _, src=src, dst=dst, p=p, sh=sh):
                        base = s * (_K * _L)

                        @plsc.parallel_loop(0, _B, unroll=_B)
                        def _rows(r):
                            hb = (r * _PASSES + p) * _NBINS
                            rbase = r * _N + base
                            vs, ds_, cs, ls = [], [], [], []
                            for k in range(_K):
                                v = src[pl.ds(rbase + k * _L, _L)]
                                u = plsc.bitcast(v, jnp.int32)
                                d = (lax.shift_right_logical(u, sh)
                                     & (_NBINS - 1)) + hb
                                cnt, last = plsc.scan_count(d)
                                vs.append(v)
                                ds_.append(d)
                                cs.append(cnt)
                                ls.append(last)
                            for k in range(_K):
                                pos = plsc.load_gather(hist, [ds_[k]]) + cs[k]
                                plsc.addupdate_scatter(hist, [ds_[k]], cs[k],
                                                       mask=ls[k])
                                plsc.store_scatter(dst, [pos + r * _N], vs[k])
                        return 0

                    lax.fori_loop(0, _S // _K, perm_body, 0)
                else:
                    def final_body(s, _, src=src, p=p, sh=sh):
                        base = s * (_K * _L)

                        @plsc.parallel_loop(0, _B, unroll=_B)
                        def _rows(r):
                            hb = (r * _PASSES + p) * _NBINS
                            rbase = r * _N + base
                            us, ds_, cs, ls = [], [], [], []
                            for k in range(_K):
                                v = src[pl.ds(rbase + k * _L, _L)]
                                u = plsc.bitcast(v, jnp.int32)
                                d = (lax.shift_right_logical(u, sh)
                                     & (_NBINS - 1)) + hb
                                cnt, last = plsc.scan_count(d)
                                us.append(u)
                                ds_.append(d)
                                cs.append(cnt)
                                ls.append(last)
                            acc = None
                            for k in range(_K):
                                pos = plsc.load_gather(hist, [ds_[k]]) + cs[k]
                                plsc.addupdate_scatter(hist, [ds_[k]], cs[k],
                                                       mask=ls[k])
                                wv = plsc.load_gather(wbuf2, [pos + wpar])
                                m2 = lax.shift_right_arithmetic(us[k], 31)
                                og = us[k] ^ (~m2 | _MINI)
                                term = plsc.bitcast(og, jnp.float32) * wv
                                acc = term if acc is None else acc + term
                            plsc.addupdate(accbuf.at[pl.ds(r * _L, _L)], acc)
                        return 0

                    lax.fori_loop(0, _S // _K, final_body, 0)

            lane0 = lax.iota(jnp.int32, _L) == 0
            for r in range(_B):
                res = jnp.sum(accbuf[pl.ds(r * _L, _L)])
                idx = jnp.full((_L,), r * chans_per_worker + ci, jnp.int32)
                plsc.store_scatter(resbuf, [idx], jnp.full((_L,), res),
                                   mask=lane0)
            return 0

        lax.fori_loop(0, chans_per_worker, chan_body, 0)

        for r in range(_B):
            pltpu.sync_copy(
                resbuf.at[pl.ds(r * chans_per_worker, chans_per_worker)],
                out_hbm.at[r, pl.ds(c0, chans_per_worker)])

    return body


def kernel(x, weight):
    b, c, n = x.shape
    assert (b, n) == (_B, _N) and weight.shape == (c, n)
    info = plsc.get_sparse_core_info()
    num_workers = info.num_cores * info.num_subcores
    chans_per_worker = c // num_workers
    mesh = plsc.VectorSubcoreMesh(core_axis_name="sc_core",
                                  subcore_axis_name="sc_subcore")
    scratch = [
        pltpu.VMEM((_B * _N,), jnp.float32),
        pltpu.VMEM((_B * _N,), jnp.float32),
        pltpu.VMEM((_B * _PASSES * _NBINS,), jnp.int32),
        pltpu.VMEM((2 * _B * _N,), jnp.float32),
        pltpu.VMEM((2 * _N,), jnp.float32),
        pltpu.VMEM((_B * _L,), jnp.float32),
        pltpu.VMEM((_B * chans_per_worker,), jnp.float32),
        pltpu.SemaphoreType.DMA,
    ]
    k = pl.kernel(
        _fspool_body(num_workers, chans_per_worker, "sc_core", "sc_subcore"),
        out_type=jax.ShapeDtypeStruct((b, c), jnp.float32),
        mesh=mesh,
        scratch_types=scratch,
        compiler_params=pltpu.CompilerParams(needs_layout_passes=False),
    )
    wflip = jnp.flip(weight, axis=1)
    return k(x, wflip)

# --- scband reference (transcript-rebuilt; emitter-appended) ---
"""Pipeline reference for scband-fspool-44367012168456 (READ-ONLY COPY).

The authoritative reference and input builder live on the scoring server;
editing this copy changes nothing except your own understanding.
"""

import jax, jax.numpy as jnp
import numpy as np


def setup_inputs(seed: int = 0) -> dict:
    key = jax.random.key(seed)
    k1, k2 = jax.random.split(key)
    x = jax.random.normal(k1, (4, 1024, 2048), dtype=jnp.float32)
    weight = jax.random.normal(k2, (1024, 2048), dtype=jnp.float32)
    return {"x": x, "weight": weight}


def reference(x, weight):
    # FSPool: sort each set (last dim) in descending order, then weighted sum
    x_sorted = jnp.flip(jnp.sort(x, axis=2), axis=2)
    return (x_sorted * weight).sum(axis=2)

if __name__ == "__main__":
    import jax
    _d = setup_inputs()
    print(jax.jit(kernel)(*tuple(_d.values())))

</pallas_src>

<mosaic_0001>
#map = affine_map<(d0, d1) -> (0, 0, 0)>
#map1 = affine_map<(d0, d1) -> (0, 0)>
module attributes {stable_mosaic.version = 14 : i64} {
  func.func @body(%arg0: i32, %arg1: i32, %arg2: memref<4x1024x2048xf32, #tpu.memory_space<hbm>>, %arg3: memref<1024x2048xf32, #tpu.memory_space<hbm>>, %arg4: memref<4x1024xf32, #tpu.memory_space<hbm>>, %arg5: memref<8192xf32, #tpu.memory_space<vmem>>, %arg6: memref<8192xf32, #tpu.memory_space<vmem>>, %arg7: memref<4096xi32, #tpu.memory_space<vmem>>, %arg8: memref<16384xf32, #tpu.memory_space<vmem>>, %arg9: memref<4096xf32, #tpu.memory_space<vmem>>, %arg10: memref<64xf32, #tpu.memory_space<vmem>>, %arg11: memref<128xf32, #tpu.memory_space<vmem>>, %arg12: memref<!tpu.dma_semaphore, #tpu.memory_space<semaphore_mem>>) attributes {dimension_semantics = [#tpu.dimension_semantics<core_parallel>, #tpu.dimension_semantics<subcore_parallel>], iteration_bounds = array<i64: 2, 16>, scalar_prefetch = 0 : i64, scratch_operands = 8 : i64, tpu.core_type = #tpu.core_type<sc_vector_subcore>, window_params = [{transform_indices = #map}, {transform_indices = #map1}, {transform_indices = #map1}]} {
    %mul3A = arith.constant 2 : i32
    %mul3A_0 = arith.muli %arg1, %mul3A : i32
    %add3A = arith.addi %mul3A_0, %arg0 : i32
    %mul3A_1 = arith.constant 32 : i32
    %mul3A_2 = arith.muli %add3A, %mul3A_1 : i32
    %dma_start3A = arith.constant 0 : i32
    %dma_start3A_3 = arith.constant 0 : i32
    %dma_start3A_4 = tpu.memref_slice %arg8[%dma_start3A_3] : memref<16384xf32, #tpu.memory_space<vmem>> -> memref<2048xf32, #tpu.memory_space<vmem>>
    %dma_start3A_5 = arith.constant 0 : i32
    %dma_start3A_6 = tpu.memref_slice %arg2[%dma_start3A, %mul3A_2, %dma_start3A_5] : memref<4x1024x2048xf32, #tpu.memory_space<hbm>> -> memref<1x1x2048xf32, #tpu.memory_space<hbm>>
    %dma_start3A_7 = tpu.memref_squeeze %dma_start3A_6 : memref<1x1x2048xf32, #tpu.memory_space<hbm>> -> memref<2048xf32, #tpu.memory_space<hbm>>
    %dma_start3A_8 = arith.constant 0 : i32
    %dma_start3A_9 = tpu.memref_slice %arg8[%dma_start3A_8] : memref<16384xf32, #tpu.memory_space<vmem>> -> memref<2048xf32, #tpu.memory_space<vmem>>
    %dma_start3A_10 = arith.constant 0 : i32
    %dma_start3A_11 = tpu.memref_slice %arg2[%dma_start3A, %mul3A_2, %dma_start3A_10] : memref<4x1024x2048xf32, #tpu.memory_space<hbm>> -> memref<1x1x2048xf32, #tpu.memory_space<hbm>>
    %dma_start3A_12 = tpu.memref_squeeze %dma_start3A_11 : memref<1x1x2048xf32, #tpu.memory_space<hbm>> -> memref<2048xf32, #tpu.memory_space<hbm>>
    tpu.enqueue_dma source(%dma_start3A_12 : memref<2048xf32, #tpu.memory_space<hbm>>) target(%dma_start3A_9 : memref<2048xf32, #tpu.memory_space<vmem>>) target_semaphore(%arg12 : memref<!tpu.dma_semaphore, #tpu.memory_space<semaphore_mem>>)
    %dma_start3A_13 = arith.constant 1 : i32
    %dma_start3A_14 = arith.constant 2048 : i32
    %dma_start3A_15 = tpu.memref_slice %arg8[%dma_start3A_14] : memref<16384xf32, #tpu.memory_space<vmem>> -> memref<2048xf32, #tpu.memory_space<vmem>>
    %dma_start3A_16 = arith.constant 0 : i32
    %dma_start3A_17 = tpu.memref_slice %arg2[%dma_start3A_13, %mul3A_2, %dma_start3A_16] : memref<4x1024x2048xf32, #tpu.memory_space<hbm>> -> memref<1x1x2048xf32, #tpu.memory_space<hbm>>
    %dma_start3A_18 = tpu.memref_squeeze %dma_start3A_17 : memref<1x1x2048xf32, #tpu.memory_space<hbm>> -> memref<2048xf32, #tpu.memory_space<hbm>>
    %dma_start3A_19 = arith.constant 2048 : i32
    %dma_start3A_20 = tpu.memref_slice %arg8[%dma_start3A_19] : memref<16384xf32, #tpu.memory_space<vmem>> -> memref<2048xf32, #tpu.memory_space<vmem>>
    %dma_start3A_21 = arith.constant 0 : i32
    %dma_start3A_22 = tpu.memref_slice %arg2[%dma_start3A_13, %mul3A_2, %dma_start3A_21] : memref<4x1024x2048xf32, #tpu.memory_space<hbm>> -> memref<1x1x2048xf32, #tpu.memory_space<hbm>>
    %dma_start3A_23 = tpu.memref_squeeze %dma_start3A_22 : memref<1x1x2048xf32, #tpu.memory_space<hbm>> -> memref<2048xf32, #tpu.memory_space<hbm>>
    tpu.enqueue_dma source(%dma_start3A_23 : memref<2048xf32, #tpu.memory_space<hbm>>) target(%dma_start3A_20 : memref<2048xf32, #tpu.memory_space<vmem>>) target_semaphore(%arg12 : memref<!tpu.dma_semaphore, #tpu.memory_space<semaphore_mem>>)
    %dma_start3A_24 = arith.constant 2 : i32
    %dma_start3A_25 = arith.constant 4096 : i32
    %dma_start3A_26 = tpu.memref_slice %arg8[%dma_start3A_25] : memref<16384xf32, #tpu.memory_space<vmem>> -> memref<2048xf32, #tpu.memory_space<vmem>>
    %dma_start3A_27 = arith.constant 0 : i32
    %dma_start3A_28 = tpu.memref_slice %arg2[%dma_start3A_24, %mul3A_2, %dma_start3A_27] : memref<4x1024x2048xf32, #tpu.memory_space<hbm>> -> memref<1x1x2048xf32, #tpu.memory_space<hbm>>
    %dma_start3A_29 = tpu.memref_squeeze %dma_start3A_28 : memref<1x1x2048xf32, #tpu.memory_space<hbm>> -> memref<2048xf32, #tpu.memory_space<hbm>>
    %dma_start3A_30 = arith.constant 4096 : i32
    %dma_start3A_31 = tpu.memref_slice %arg8[%dma_start3A_30] : memref<16384xf32, #tpu.memory_space<vmem>> -> memref<2048xf32, #tpu.memory_space<vmem>>
    %dma_start3A_32 = arith.constant 0 : i32
    %dma_start3A_33 = tpu.memref_slice %arg2[%dma_start3A_24, %mul3A_2, %dma_start3A_32] : memref<4x1024x2048xf32, #tpu.memory_space<hbm>> -> memref<1x1x2048xf32, #tpu.memory_space<hbm>>
    %dma_start3A_34 = tpu.memref_squeeze %dma_start3A_33 : memref<1x1x2048xf32, #tpu.memory_space<hbm>> -> memref<2048xf32, #tpu.memory_space<hbm>>
    tpu.enqueue_dma source(%dma_start3A_34 : memref<2048xf32, #tpu.memory_space<hbm>>) target(%dma_start3A_31 : memref<2048xf32, #tpu.memory_space<vmem>>) target_semaphore(%arg12 : memref<!tpu.dma_semaphore, #tpu.memory_space<semaphore_mem>>)
    %dma_start3A_35 = arith.constant 3 : i32
    %dma_start3A_36 = arith.constant 6144 : i32
    %dma_start3A_37 = tpu.memref_slice %arg8[%dma_start3A_36] : memref<16384xf32, #tpu.memory_space<vmem>> -> memref<2048xf32, #tpu.memory_space<vmem>>
    %dma_start3A_38 = arith.constant 0 : i32
    %dma_start3A_39 = tpu.memref_slice %arg2[%dma_start3A_35, %mul3A_2, %dma_start3A_38] : memref<4x1024x2048xf32, #tpu.memory_space<hbm>> -> memref<1x1x2048xf32, #tpu.memory_space<hbm>>
    %dma_start3A_40 = tpu.memref_squeeze %dma_start3A_39 : memref<1x1x2048xf32, #tpu.memory_space<hbm>> -> memref<2048xf32, #tpu.memory_space<hbm>>
    %dma_start3A_41 = arith.constant 6144 : i32
    %dma_start3A_42 = tpu.memref_slice %arg8[%dma_start3A_41] : memref<16384xf32, #tpu.memory_space<vmem>> -> memref<2048xf32, #tpu.memory_space<vmem>>
    %dma_start3A_43 = arith.constant 0 : i32
    %dma_start3A_44 = tpu.memref_slice %arg2[%dma_start3A_35, %mul3A_2, %dma_start3A_43] : memref<4x1024x2048xf32, #tpu.memory_space<hbm>> -> memref<1x1x2048xf32, #tpu.memory_space<hbm>>
    %dma_start3A_45 = tpu.memref_squeeze %dma_start3A_44 : memref<1x1x2048xf32, #tpu.memory_space<hbm>> -> memref<2048xf32, #tpu.memory_space<hbm>>
    tpu.enqueue_dma source(%dma_start3A_45 : memref<2048xf32, #tpu.memory_space<hbm>>) target(%dma_start3A_42 : memref<2048xf32, #tpu.memory_space<vmem>>) target_semaphore(%arg12 : memref<!tpu.dma_semaphore, #tpu.memory_space<semaphore_mem>>)
    %dma_start3A_46 = arith.constant 0 : i32
    %dma_start3A_47 = tpu.memref_slice %arg9[%dma_start3A_46] : memref<4096xf32, #tpu.memory_space<vmem>> -> memref<2048xf32, #tpu.memory_space<vmem>>
    %dma_start3A_48 = arith.constant 0 : i32
    %dma_start3A_49 = tpu.memref_slice %arg3[%mul3A_2, %dma_start3A_48] : memref<1024x2048xf32, #tpu.memory_space<hbm>> -> memref<1x2048xf32, #tpu.memory_space<hbm>>
    %dma_start3A_50 = tpu.memref_squeeze %dma_start3A_49 : memref<1x2048xf32, #tpu.memory_space<hbm>> -> memref<2048xf32, #tpu.memory_space<hbm>>
    %dma_start3A_51 = arith.constant 0 : i32
    %dma_start3A_52 = tpu.memref_slice %arg9[%dma_start3A_51] : memref<4096xf32, #tpu.memory_space<vmem>> -> memref<2048xf32, #tpu.memory_space<vmem>>
    %dma_start3A_53 = arith.constant 0 : i32
    %dma_start3A_54 = tpu.memref_slice %arg3[%mul3A_2, %dma_start3A_53] : memref<1024x2048xf32, #tpu.memory_space<hbm>> -> memref<1x2048xf32, #tpu.memory_space<hbm>>
    %dma_start3A_55 = tpu.memref_squeeze %dma_start3A_54 : memref<1x2048xf32, #tpu.memory_space<hbm>> -> memref<2048xf32, #tpu.memory_space<hbm>>
    tpu.enqueue_dma source(%dma_start3A_55 : memref<2048xf32, #tpu.memory_space<hbm>>) target(%dma_start3A_52 : memref<2048xf32, #tpu.memory_space<vmem>>) target_semaphore(%arg12 : memref<!tpu.dma_semaphore, #tpu.memory_space<semaphore_mem>>)
    %scan3A = arith.constant 0 : i32
    %scan3A_56 = arith.constant 0 : i32
    %scan3A_57 = arith.constant 32 : i32
    %scan3A_58 = arith.addi %scan3A_56, %scan3A_57 : i32
    %scan3A_59 = arith.constant 1 : i32
    %scan3A_60 = scf.for %scan3A_65 = %scan3A_56 to %scan3A_58 step %scan3A_59 iter_args(%scan3A_66 = %scan3A) -> (i32)  : i32 {
      %add3A_67 = arith.addi %mul3A_2, %scan3A_65 : i32
      %and3A = arith.constant 1 : i32
      %and3A_68 = arith.andi %scan3A_65, %and3A : i32
      %mul3A_69 = arith.constant 8192 : i32
      %mul3A_70 = arith.muli %and3A_68, %mul3A_69 : i32
      %and3A_71 = arith.constant 1 : i32
      %and3A_72 = arith.andi %scan3A_65, %and3A_71 : i32
      %mul3A_73 = arith.constant 2048 : i32
      %mul3A_74 = arith.muli %and3A_72, %mul3A_73 : i32
      %add3A_75 = arith.constant 0 : i32
      %add3A_76 = arith.addi %mul3A_70, %add3A_75 : i32
      %dma_wait3A = arith.constant 0 : i32
      %dma_wait3A_77 = tpu.memref_slice %arg8[%add3A_76] : memref<16384xf32, #tpu.memory_space<vmem>> -> memref<2048xf32, #tpu.memory_space<vmem>>
      %dma_wait3A_78 = arith.constant 0 : i32
      %dma_wait3A_79 = tpu.memref_slice %arg2[%dma_wait3A, %add3A_67, %dma_wait3A_78] : memref<4x1024x2048xf32, #tpu.memory_space<hbm>> -> memref<1x1x2048xf32, #tpu.memory_space<hbm>>
      %dma_wait3A_80 = tpu.memref_squeeze %dma_wait3A_79 : memref<1x1x2048xf32, #tpu.memory_space<hbm>> -> memref<2048xf32, #tpu.memory_space<hbm>>
      %dma_wait3A_81 = tpu.memref_slice %arg8[%add3A_76] : memref<16384xf32, #tpu.memory_space<vmem>> -> memref<2048xf32, #tpu.memory_space<vmem>>
      %dma_wait3A_82 = arith.constant 0 : i32
      %dma_wait3A_83 = tpu.memref_slice %arg2[%dma_wait3A, %add3A_67, %dma_wait3A_82] : memref<4x1024x2048xf32, #tpu.memory_space<hbm>> -> memref<1x1x2048xf32, #tpu.memory_space<hbm>>
      %dma_wait3A_84 = tpu.memref_squeeze %dma_wait3A_83 : memref<1x1x2048xf32, #tpu.memory_space<hbm>> -> memref<2048xf32, #tpu.memory_space<hbm>>
      tpu.wait_dma2 semaphore(%arg12 : memref<!tpu.dma_semaphore, #tpu.memory_space<semaphore_mem>>) src(%dma_wait3A_84 : memref<2048xf32, #tpu.memory_space<hbm>>) dst(%dma_wait3A_81 : memref<2048xf32, #tpu.memory_space<vmem>>)
      %add3A_85 = arith.constant 2048 : i32
      %add3A_86 = arith.addi %mul3A_70, %add3A_85 : i32
      %dma_wait3A_87 = arith.constant 1 : i32
      %dma_wait3A_88 = tpu.memref_slice %arg8[%add3A_86] : memref<16384xf32, #tpu.memory_space<vmem>> -> memref<2048xf32, #tpu.memory_space<vmem>>
      %dma_wait3A_89 = arith.constant 0 : i32
      %dma_wait3A_90 = tpu.memref_slice %arg2[%dma_wait3A_87, %add3A_67, %dma_wait3A_89] : memref<4x1024x2048xf32, #tpu.memory_space<hbm>> -> memref<1x1x2048xf32, #tpu.memory_space<hbm>>
      %dma_wait3A_91 = tpu.memref_squeeze %dma_wait3A_90 : memref<1x1x2048xf32, #tpu.memory_space<hbm>> -> memref<2048xf32, #tpu.memory_space<hbm>>
      %dma_wait3A_92 = tpu.memref_slice %arg8[%add3A_86] : memref<16384xf32, #tpu.memory_space<vmem>> -> memref<2048xf32, #tpu.memory_space<vmem>>
      %dma_wait3A_93 = arith.constant 0 : i32
      %dma_wait3A_94 = tpu.memref_slice %arg2[%dma_wait3A_87, %add3A_67, %dma_wait3A_93] : memref<4x1024x2048xf32, #tpu.memory_space<hbm>> -> memref<1x1x2048xf32, #tpu.memory_space<hbm>>
      %dma_wait3A_95 = tpu.memref_squeeze %dma_wait3A_94 : memref<1x1x2048xf32, #tpu.memory_space<hbm>> -> memref<2048xf32, #tpu.memory_space<hbm>>
      tpu.wait_dma2 semaphore(%arg12 : memref<!tpu.dma_semaphore, #tpu.memory_space<semaphore_mem>>) src(%dma_wait3A_95 : memref<2048xf32, #tpu.memory_space<hbm>>) dst(%dma_wait3A_92 : memref<2048xf32, #tpu.memory_space<vmem>>)
      %add3A_96 = arith.constant 4096 : i32
      %add3A_97 = arith.addi %mul3A_70, %add3A_96 : i32
      %dma_wait3A_98 = arith.constant 2 : i32
      %dma_wait3A_99 = tpu.memref_slice %arg8[%add3A_97] : memref<16384xf32, #tpu.memory_space<vmem>> -> memref<2048xf32, #tpu.memory_space<vmem>>
      %dma_wait3A_100 = arith.constant 0 : i32
      %dma_wait3A_101 = tpu.memref_slice %arg2[%dma_wait3A_98, %add3A_67, %dma_wait3A_100] : memref<4x1024x2048xf32, #tpu.memory_space<hbm>> -> memref<1x1x2048xf32, #tpu.memory_space<hbm>>
      %dma_wait3A_102 = tpu.memref_squeeze %dma_wait3A_101 : memref<1x1x2048xf32, #tpu.memory_space<hbm>> -> memref<2048xf32, #tpu.memory_space<hbm>>
      %dma_wait3A_103 = tpu.memref_slice %arg8[%add3A_97] : memref<16384xf32, #tpu.memory_space<vmem>> -> memref<2048xf32, #tpu.memory_space<vmem>>
      %dma_wait3A_104 = arith.constant 0 : i32
      %dma_wait3A_105 = tpu.memref_slice %arg2[%dma_wait3A_98, %add3A_67, %dma_wait3A_104] : memref<4x1024x2048xf32, #tpu.memory_space<hbm>> -> memref<1x1x2048xf32, #tpu.memory_space<hbm>>
      %dma_wait3A_106 = tpu.memref_squeeze %dma_wait3A_105 : memref<1x1x2048xf32, #tpu.memory_space<hbm>> -> memref<2048xf32, #tpu.memory_space<hbm>>
      tpu.wait_dma2 semaphore(%arg12 : memref<!tpu.dma_semaphore, #tpu.memory_space<semaphore_mem>>) src(%dma_wait3A_106 : memref<2048xf32, #tpu.memory_space<hbm>>) dst(%dma_wait3A_103 : memref<2048xf32, #tpu.memory_space<vmem>>)
      %add3A_107 = arith.constant 6144 : i32
      %add3A_108 = arith.addi %mul3A_70, %add3A_107 : i32
      %dma_wait3A_109 = arith.constant 3 : i32
      %dma_wait3A_110 = tpu.memref_slice %arg8[%add3A_108] : memref<16384xf32, #tpu.memory_space<vmem>> -> memref<2048xf32, #tpu.memory_space<vmem>>
      %dma_wait3A_111 = arith.constant 0 : i32
      %dma_wait3A_112 = tpu.memref_slice %arg2[%dma_wait3A_109, %add3A_67, %dma_wait3A_111] : memref<4x1024x2048xf32, #tpu.memory_space<hbm>> -> memref<1x1x2048xf32, #tpu.memory_space<hbm>>
      %dma_wait3A_113 = tpu.memref_squeeze %dma_wait3A_112 : memref<1x1x2048xf32, #tpu.memory_space<hbm>> -> memref<2048xf32, #tpu.memory_space<hbm>>
      %dma_wait3A_114 = tpu.memref_slice %arg8[%add3A_108] : memref<16384xf32, #tpu.memory_space<vmem>> -> memref<2048xf32, #tpu.memory_space<vmem>>
      %dma_wait3A_115 = arith.constant 0 : i32
      %dma_wait3A_116 = tpu.memref_slice %arg2[%dma_wait3A_109, %add3A_67, %dma_wait3A_115] : memref<4x1024x2048xf32, #tpu.memory_space<hbm>> -> memref<1x1x2048xf32, #tpu.memory_space<hbm>>
      %dma_wait3A_117 = tpu.memref_squeeze %dma_wait3A_116 : memref<1x1x2048xf32, #tpu.memory_space<hbm>> -> memref<2048xf32, #tpu.memory_space<hbm>>
      tpu.wait_dma2 semaphore(%arg12 : memref<!tpu.dma_semaphore, #tpu.memory_space<semaphore_mem>>) src(%dma_wait3A_117 : memref<2048xf32, #tpu.memory_space<hbm>>) dst(%dma_wait3A_114 : memref<2048xf32, #tpu.memory_space<vmem>>)
      %dma_wait3A_118 = tpu.memref_slice %arg9[%mul3A_74] : memref<4096xf32, #tpu.memory_space<vmem>> -> memref<2048xf32, #tpu.memory_space<vmem>>
      %dma_wait3A_119 = arith.constant 0 : i32
      %dma_wait3A_120 = tpu.memref_slice %arg3[%add3A_67, %dma_wait3A_119] : memref<1024x2048xf32, #tpu.memory_space<hbm>> -> memref<1x2048xf32, #tpu.memory_space<hbm>>
      %dma_wait3A_121 = tpu.memref_squeeze %dma_wait3A_120 : memref<1x2048xf32, #tpu.memory_space<hbm>> -> memref<2048xf32, #tpu.memory_space<hbm>>
      %dma_wait3A_122 = tpu.memref_slice %arg9[%mul3A_74] : memref<4096xf32, #tpu.memory_space<vmem>> -> memref<2048xf32, #tpu.memory_space<vmem>>
      %dma_wait3A_123 = arith.constant 0 : i32
      %dma_wait3A_124 = tpu.memref_slice %arg3[%add3A_67, %dma_wait3A_123] : memref<1024x2048xf32, #tpu.memory_space<hbm>> -> memref<1x2048xf32, #tpu.memory_space<hbm>>
      %dma_wait3A_125 = tpu.memref_squeeze %dma_wait3A_124 : memref<1x2048xf32, #tpu.memory_space<hbm>> -> memref<2048xf32, #tpu.memory_space<hbm>>
      tpu.wait_dma2 semaphore(%arg12 : memref<!tpu.dma_semaphore, #tpu.memory_space<semaphore_mem>>) src(%dma_wait3A_125 : memref<2048xf32, #tpu.memory_space<hbm>>) dst(%dma_wait3A_122 : memref<2048xf32, #tpu.memory_space<vmem>>)
      %add3A_126 = arith.constant 1 : i32
      %add3A_127 = arith.addi %scan3A_65, %add3A_126 : i32
      %lt3A = arith.constant 32 : i32
      %lt3A_128 = arith.cmpi slt, %add3A_127, %lt3A : i32
      %convert_element_type3A = arith.extui %lt3A_128 : i1 to i32
      %cond3A = arith.constant 0 : i32
      %cond3A_129 = arith.cmpi ne, %convert_element_type3A, %cond3A : i32
      scf.if %cond3A_129 {
        %add3A_252 = arith.constant 1 : i32
        %add3A_253 = arith.addi %scan3A_65, %add3A_252 : i32
        %and3A_254 = arith.constant 1 : i32
        %and3A_255 = arith.andi %add3A_253, %and3A_254 : i32
        %mul3A_256 = arith.constant 8192 : i32
        %mul3A_257 = arith.muli %and3A_255, %mul3A_256 : i32
        %add3A_258 = arith.constant 1 : i32
        %add3A_259 = arith.addi %scan3A_65, %add3A_258 : i32
        %and3A_260 = arith.constant 1 : i32
        %and3A_261 = arith.andi %add3A_259, %and3A_260 : i32
        %mul3A_262 = arith.constant 2048 : i32
        %mul3A_263 = arith.muli %and3A_261, %mul3A_262 : i32
        %add3A_264 = arith.constant 1 : i32
        %add3A_265 = arith.addi %add3A_67, %add3A_264 : i32
        %add3A_266 = arith.constant 0 : i32
        %add3A_267 = arith.addi %mul3A_257, %add3A_266 : i32
        %dma_start3A_268 = arith.constant 0 : i32
        %dma_start3A_269 = tpu.memref_slice %arg8[%add3A_267] : memref<16384xf32, #tpu.memory_space<vmem>> -> memref<2048xf32, #tpu.memory_space<vmem>>
        %dma_start3A_270 = arith.constant 0 : i32
        %dma_start3A_271 = tpu.memref_slice %arg2[%dma_start3A_268, %add3A_265, %dma_start3A_270] : memref<4x1024x2048xf32, #tpu.memory_space<hbm>> -> memref<1x1x2048xf32, #tpu.memory_space<hbm>>
        %dma_start3A_272 = tpu.memref_squeeze %dma_start3A_271 : memref<1x1x2048xf32, #tpu.memory_space<hbm>> -> memref<2048xf32, #tpu.memory_space<hbm>>
        %dma_start3A_273 = tpu.memref_slice %arg8[%add3A_267] : memref<16384xf32, #tpu.memory_space<vmem>> -> memref<2048xf32, #tpu.memory_space<vmem>>
        %dma_start3A_274 = arith.constant 0 : i32
        %dma_start3A_275 = tpu.memref_slice %arg2[%dma_start3A_268, %add3A_265, %dma_start3A_274] : memref<4x1024x2048xf32, #tpu.memory_space<hbm>> -> memref<1x1x2048xf32, #tpu.memory_space<hbm>>
        %dma_start3A_276 = tpu.memref_squeeze %dma_start3A_275 : memref<1x1x2048xf32, #tpu.memory_space<hbm>> -> memref<2048xf32, #tpu.memory_space<hbm>>
        tpu.enqueue_dma source(%dma_start3A_276 : memref<2048xf32, #tpu.memory_space<hbm>>) target(%dma_start3A_273 : memref<2048xf32, #tpu.memory_space<vmem>>) target_semaphore(%arg12 : memref<!tpu.dma_semaphore, #tpu.memory_space<semaphore_mem>>)
        %add3A_277 = arith.constant 1 : i32
        %add3A_278 = arith.addi %add3A_67, %add3A_277 : i32
        %add3A_279 = arith.constant 2048 : i32
        %add3A_280 = arith.addi %mul3A_257, %add3A_279 : i32
        %dma_start3A_281 = arith.constant 1 : i32
        %dma_start3A_282 = tpu.memref_slice %arg8[%add3A_280] : memref<16384xf32, #tpu.memory_space<vmem>> -> memref<2048xf32, #tpu.memory_space<vmem>>
        %dma_start3A_283 = arith.constant 0 : i32
        %dma_start3A_284 = tpu.memref_slice %arg2[%dma_start3A_281, %add3A_278, %dma_start3A_283] : memref<4x1024x2048xf32, #tpu.memory_space<hbm>> -> memref<1x1x2048xf32, #tpu.memory_space<hbm>>
        %dma_start3A_285 = tpu.memref_squeeze %dma_start3A_284 : memref<1x1x2048xf32, #tpu.memory_space<hbm>> -> memref<2048xf32, #tpu.memory_space<hbm>>
        %dma_start3A_286 = tpu.memref_slice %arg8[%add3A_280] : memref<16384xf32, #tpu.memory_space<vmem>> -> memref<2048xf32, #tpu.memory_space<vmem>>
        %dma_start3A_287 = arith.constant 0 : i32
        %dma_start3A_288 = tpu.memref_slice %arg2[%dma_start3A_281, %add3A_278, %dma_start3A_287] : memref<4x1024x2048xf32, #tpu.memory_space<hbm>> -> memref<1x1x2048xf32, #tpu.memory_space<hbm>>
        %dma_start3A_289 = tpu.memref_squeeze %dma_start3A_288 : memref<1x1x2048xf32, #tpu.memory_space<hbm>> -> memref<2048xf32, #tpu.memory_space<hbm>>
        tpu.enqueue_dma source(%dma_start3A_289 : memref<2048xf32, #tpu.memory_space<hbm>>) target(%dma_start3A_286 : memref<2048xf32, #tpu.memory_space<vmem>>) target_semaphore(%arg12 : memref<!tpu.dma_semaphore, #tpu.memory_space<semaphore_mem>>)
        %add3A_290 = arith.constant 1 : i32
        %add3A_291 = arith.addi %add3A_67, %add3A_290 : i32
        %add3A_292 = arith.constant 4096 : i32
        %add3A_293 = arith.addi %mul3A_257, %add3A_292 : i32
        %dma_start3A_294 = arith.constant 2 : i32
        %dma_start3A_295 = tpu.memref_slice %arg8[%add3A_293] : memref<16384xf32, #tpu.memory_space<vmem>> -> memref<2048xf32, #tpu.memory_space<vmem>>
        %dma_start3A_296 = arith.constant 0 : i32
        %dma_start3A_297 = tpu.memref_slice %arg2[%dma_start3A_294, %add3A_291, %dma_start3A_296] : memref<4x1024x2048xf32, #tpu.memory_space<hbm>> -> memref<1x1x2048xf32, #tpu.memory_space<hbm>>
        %dma_start3A_298 = tpu.memref_squeeze %dma_start3A_297 : memref<1x1x2048xf32, #tpu.memory_space<hbm>> -> memref<2048xf32, #tpu.memory_space<hbm>>
        %dma_start3A_299 = tpu.memref_slice %arg8[%add3A_293] : memref<16384xf32, #tpu.memory_space<vmem>> -> memref<2048xf32, #tpu.memory_space<vmem>>
        %dma_start3A_300 = arith.constant 0 : i32
        %dma_start3A_301 = tpu.memref_slice %arg2[%dma_start3A_294, %add3A_291, %dma_start3A_300] : memref<4x1024x2048xf32, #tpu.memory_space<hbm>> -> memref<1x1x2048xf32, #tpu.memory_space<hbm>>
        %dma_start3A_302 = tpu.memref_squeeze %dma_start3A_301 : memref<1x1x2048xf32, #tpu.memory_space<hbm>> -> memref<2048xf32, #tpu.memory_space<hbm>>
        tpu.enqueue_dma source(%dma_start3A_302 : memref<2048xf32, #tpu.memory_space<hbm>>) target(%dma_start3A_299 : memref<2048xf32, #tpu.memory_space<vmem>>) target_semaphore(%arg12 : memref<!tpu.dma_semaphore, #tpu.memory_space<semaphore_mem>>)
        %add3A_303 = arith.constant 1 : i32
        %add3A_304 = arith.addi %add3A_67, %add3A_303 : i32
        %add3A_305 = arith.constant 6144 : i32
        %add3A_306 = arith.addi %mul3A_257, %add3A_305 : i32
        %dma_start3A_307 = arith.constant 3 : i32
        %dma_start3A_308 = tpu.memref_slice %arg8[%add3A_306] : memref<16384xf32, #tpu.memory_space<vmem>> -> memref<2048xf32, #tpu.memory_space<vmem>>
        %dma_start3A_309 = arith.constant 0 : i32
        %dma_start3A_310 = tpu.memref_slice %arg2[%dma_start3A_307, %add3A_304, %dma_start3A_309] : memref<4x1024x2048xf32, #tpu.memory_space<hbm>> -> memref<1x1x2048xf32, #tpu.memory_space<hbm>>
        %dma_start3A_311 = tpu.memref_squeeze %dma_start3A_310 : memref<1x1x2048xf32, #tpu.memory_space<hbm>> -> memref<2048xf32, #tpu.memory_space<hbm>>
        %dma_start3A_312 = tpu.memref_slice %arg8[%add3A_306] : memref<16384xf32, #tpu.memory_space<vmem>> -> memref<2048xf32, #tpu.memory_space<vmem>>
        %dma_start3A_313 = arith.constant 0 : i32
        %dma_start3A_314 = tpu.memref_slice %arg2[%dma_start3A_307, %add3A_304, %dma_start3A_313] : memref<4x1024x2048xf32, #tpu.memory_space<hbm>> -> memref<1x1x2048xf32, #tpu.memory_space<hbm>>
        %dma_start3A_315 = tpu.memref_squeeze %dma_start3A_314 : memref<1x1x2048xf32, #tpu.memory_space<hbm>> -> memref<2048xf32, #tpu.memory_space<hbm>>
        tpu.enqueue_dma source(%dma_start3A_315 : memref<2048xf32, #tpu.memory_space<hbm>>) target(%dma_start3A_312 : memref<2048xf32, #tpu.memory_space<vmem>>) target_semaphore(%arg12 : memref<!tpu.dma_semaphore, #tpu.memory_space<semaphore_mem>>)
        %add3A_316 = arith.constant 1 : i32
        %add3A_317 = arith.addi %add3A_67, %add3A_316 : i32
        %dma_start3A_318 = tpu.memref_slice %arg9[%mul3A_263] : memref<4096xf32, #tpu.memory_space<vmem>> -> memref<2048xf32, #tpu.memory_space<vmem>>
        %dma_start3A_319 = arith.constant 0 : i32
        %dma_start3A_320 = tpu.memref_slice %arg3[%add3A_317, %dma_start3A_319] : memref<1024x2048xf32, #tpu.memory_space<hbm>> -> memref<1x2048xf32, #tpu.memory_space<hbm>>
        %dma_start3A_321 = tpu.memref_squeeze %dma_start3A_320 : memref<1x2048xf32, #tpu.memory_space<hbm>> -> memref<2048xf32, #tpu.memory_space<hbm>>
        %dma_start3A_322 = tpu.memref_slice %arg9[%mul3A_263] : memref<4096xf32, #tpu.memory_space<vmem>> -> memref<2048xf32, #tpu.memory_space<vmem>>
        %dma_start3A_323 = arith.constant 0 : i32
        %dma_start3A_324 = tpu.memref_slice %arg3[%add3A_317, %dma_start3A_323] : memref<1024x2048xf32, #tpu.memory_space<hbm>> -> memref<1x2048xf32, #tpu.memory_space<hbm>>
        %dma_start3A_325 = tpu.memref_squeeze %dma_start3A_324 : memref<1x2048xf32, #tpu.memory_space<hbm>> -> memref<2048xf32, #tpu.memory_space<hbm>>
        tpu.enqueue_dma source(%dma_start3A_325 : memref<2048xf32, #tpu.memory_space<hbm>>) target(%dma_start3A_322 : memref<2048xf32, #tpu.memory_space<vmem>>) target_semaphore(%arg12 : memref<!tpu.dma_semaphore, #tpu.memory_space<semaphore_mem>>)
      } else {
      }
      %broadcast_in_dim3A = arith.constant 0.000000e+00 : f32
      %broadcast_in_dim3A_130 = vector.broadcast %broadcast_in_dim3A : f32 to vector<16xf32>
      %swap3A = arith.constant 0 : index
      %swap3A_131 = tpu.vector_load %arg10[%swap3A] {strides = array<i32>} : memref<64xf32, #tpu.memory_space<vmem>>, vector<16xf32>,
      tpu.vector_store %arg10[%swap3A], %broadcast_in_dim3A_130 {strides = array<i32>} : memref<64xf32, #tpu.memory_space<vmem>>, vector<16xf32>,
      %swap3A_132 = arith.constant 16 : index
      %swap3A_133 = tpu.vector_load %arg10[%swap3A_132] {strides = array<i32>} : memref<64xf32, #tpu.memory_space<vmem>>, vector<16xf32>,
      tpu.vector_store %arg10[%swap3A_132], %broadcast_in_dim3A_130 {strides = array<i32>} : memref<64xf32, #tpu.memory_space<vmem>>, vector<16xf32>,
      %swap3A_134 = arith.constant 32 : index
      %swap3A_135 = tpu.vector_load %arg10[%swap3A_134] {strides = array<i32>} : memref<64xf32, #tpu.memory_space<vmem>>, vector<16xf32>,
      tpu.vector_store %arg10[%swap3A_134], %broadcast_in_dim3A_130 {strides = array<i32>} : memref<64xf32, #tpu.memory_space<vmem>>, vector<16xf32>,
      %swap3A_136 = arith.constant 48 : index
      %swap3A_137 = tpu.vector_load %arg10[%swap3A_136] {strides = array<i32>} : memref<64xf32, #tpu.memory_space<vmem>>, vector<16xf32>,
      tpu.vector_store %arg10[%swap3A_136], %broadcast_in_dim3A_130 {strides = array<i32>} : memref<64xf32, #tpu.memory_space<vmem>>, vector<16xf32>,
      %parallel_loop3A = arith.constant 0 : i32
      %parallel_loop3A_138 = arith.constant 256 : i32
      %parallel_loop3A_139 = arith.constant 1 : i32
      scf.for %parallel_loop3A_252 = %parallel_loop3A to %parallel_loop3A_138 step %parallel_loop3A_139  : i32 {
        %parallel_loop3A_253 = arith.constant 0 : i32
        %parallel_loop3A_254 = vector.broadcast %parallel_loop3A_253 : i32 to vector<16xi32>
        %parallel_loop3A_255 = arith.constant 16 : i32
        %parallel_loop3A_256 = arith.muli %parallel_loop3A_252, %parallel_loop3A_255 : i32
        %parallel_loop3A_257 = arith.index_cast %parallel_loop3A_256 : i32 to index
        %parallel_loop3A_258 = tpu.vector_load %arg7[%parallel_loop3A_257] {strides = array<i32>} : memref<4096xi32, #tpu.memory_space<vmem>>, vector<16xi32>,
        tpu.vector_store %arg7[%parallel_loop3A_257], %parallel_loop3A_254 {strides = array<i32>} : memref<4096xi32, #tpu.memory_space<vmem>>, vector<16xi32>,
      } {sc.loop_unroll_factor = 4 : i64, sc.parallel_access}
      %parallel_loop3A_140 = arith.constant 0 : i32
      %parallel_loop3A_141 = arith.constant 128 : i32
      %parallel_loop3A_142 = arith.constant 1 : i32
      scf.for %parallel_loop3A_252 = %parallel_loop3A_140 to %parallel_loop3A_141 step %parallel_loop3A_142  : i32 {
        %parallel_loop3A_253 = arith.constant 16 : i32
        %parallel_loop3A_254 = arith.muli %parallel_loop3A_252, %parallel_loop3A_253 : i32
        %parallel_loop3A_255 = arith.constant 1 : i32
        %parallel_loop3A_256 = vector.broadcast %parallel_loop3A_255 : i32 to vector<16xi32>
        %parallel_loop3A_257 = arith.constant 0 : i32
        %parallel_loop3A_258 = arith.addi %mul3A_70, %parallel_loop3A_257 : i32
        %parallel_loop3A_259 = arith.addi %parallel_loop3A_258, %parallel_loop3A_254 : i32
        %parallel_loop3A_260 = arith.index_cast %parallel_loop3A_259 : i32 to index
        %parallel_loop3A_261 = tpu.vector_load %arg8[%parallel_loop3A_260] {strides = array<i32>} : memref<16384xf32, #tpu.memory_space<vmem>>, vector<16xf32>,
        %parallel_loop3A_262 = vector.bitcast %parallel_loop3A_261 : vector<16xf32> to vector<16xi32>
        %parallel_loop3A_263 = arith.constant 31 : i32
        %parallel_loop3A_264 = vector.broadcast %parallel_loop3A_263 : i32 to vector<16xi32>
        %parallel_loop3A_265 = arith.shrsi %parallel_loop3A_262, %parallel_loop3A_264 : vector<16xi32>
        %parallel_loop3A_266 = arith.constant -2147483648 : i32
        %parallel_loop3A_267 = vector.broadcast %parallel_loop3A_266 : i32 to vector<16xi32>
        %parallel_loop3A_268 = arith.ori %parallel_loop3A_265, %parallel_loop3A_267 : vector<16xi32>
        %parallel_loop3A_269 = arith.xori %parallel_loop3A_262, %parallel_loop3A_268 : vector<16xi32>
        %parallel_loop3A_270 = vector.bitcast %parallel_loop3A_269 : vector<16xi32> to vector<16xf32>
        %parallel_loop3A_271 = arith.constant 0 : i32
        %parallel_loop3A_272 = arith.addi %parallel_loop3A_271, %parallel_loop3A_254 : i32
        %parallel_loop3A_273 = arith.index_cast %parallel_loop3A_272 : i32 to index
        %parallel_loop3A_274 = tpu.vector_load %arg5[%parallel_loop3A_273] {strides = array<i32>} : memref<8192xf32, #tpu.memory_space<vmem>>, vector<16xf32>,
        tpu.vector_store %arg5[%parallel_loop3A_273], %parallel_loop3A_270 {strides = array<i32>} : memref<8192xf32, #tpu.memory_space<vmem>>, vector<16xf32>,
        %parallel_loop3A_275 = arith.constant 0 : i32
        %parallel_loop3A_276 = vector.broadcast %parallel_loop3A_275 : i32 to vector<16xi32>
        %parallel_loop3A_277 = arith.shrui %parallel_loop3A_269, %parallel_loop3A_276 : vector<16xi32>
        %parallel_loop3A_278 = arith.constant 255 : i32
        %parallel_loop3A_279 = vector.broadcast %parallel_loop3A_278 : i32 to vector<16xi32>
        %parallel_loop3A_280 = arith.andi %parallel_loop3A_277, %parallel_loop3A_279 : vector<16xi32>
        %parallel_loop3A_281 = arith.constant 0 : i32
        %parallel_loop3A_282 = vector.broadcast %parallel_loop3A_281 : i32 to vector<16xi32>
        %parallel_loop3A_283 = arith.addi %parallel_loop3A_280, %parallel_loop3A_282 : vector<16xi32>
        tpu.vector_store_idx %arg7[%parallel_loop3A_283], %parallel_loop3A_256 {add = true} : memref<4096xi32, #tpu.memory_space<vmem>>[vector<16xi32>], vector<16xi32>,
        %parallel_loop3A_284 = arith.constant 8 : i32
        %parallel_loop3A_285 = vector.broadcast %parallel_loop3A_284 : i32 to vector<16xi32>
        %parallel_loop3A_286 = arith.shrui %parallel_loop3A_269, %parallel_loop3A_285 : vector<16xi32>
        %parallel_loop3A_287 = arith.constant 255 : i32
        %parallel_loop3A_288 = vector.broadcast %parallel_loop3A_287 : i32 to vector<16xi32>
        %parallel_loop3A_289 = arith.andi %parallel_loop3A_286, %parallel_loop3A_288 : vector<16xi32>
        %parallel_loop3A_290 = arith.constant 256 : i32
        %parallel_loop3A_291 = vector.broadcast %parallel_loop3A_290 : i32 to vector<16xi32>
        %parallel_loop3A_292 = arith.addi %parallel_loop3A_289, %parallel_loop3A_291 : vector<16xi32>
        tpu.vector_store_idx %arg7[%parallel_loop3A_292], %parallel_loop3A_256 {add = true} : memref<4096xi32, #tpu.memory_space<vmem>>[vector<16xi32>], vector<16xi32>,
        %parallel_loop3A_293 = arith.constant 16 : i32
        %parallel_loop3A_294 = vector.broadcast %parallel_loop3A_293 : i32 to vector<16xi32>
        %parallel_loop3A_295 = arith.shrui %parallel_loop3A_269, %parallel_loop3A_294 : vector<16xi32>
        %parallel_loop3A_296 = arith.constant 255 : i32
        %parallel_loop3A_297 = vector.broadcast %parallel_loop3A_296 : i32 to vector<16xi32>
        %parallel_loop3A_298 = arith.andi %parallel_loop3A_295, %parallel_loop3A_297 : vector<16xi32>
        %parallel_loop3A_299 = arith.constant 512 : i32
        %parallel_loop3A_300 = vector.broadcast %parallel_loop3A_299 : i32 to vector<16xi32>
        %parallel_loop3A_301 = arith.addi %parallel_loop3A_298, %parallel_loop3A_300 : vector<16xi32>
        tpu.vector_store_idx %arg7[%parallel_loop3A_301], %parallel_loop3A_256 {add = true} : memref<4096xi32, #tpu.memory_space<vmem>>[vector<16xi32>], vector<16xi32>,
        %parallel_loop3A_302 = arith.constant 24 : i32
        %parallel_loop3A_303 = vector.broadcast %parallel_loop3A_302 : i32 to vector<16xi32>
        %parallel_loop3A_304 = arith.shrui %parallel_loop3A_269, %parallel_loop3A_303 : vector<16xi32>
        %parallel_loop3A_305 = arith.constant 255 : i32
        %parallel_loop3A_306 = vector.broadcast %parallel_loop3A_305 : i32 to vector<16xi32>
        %parallel_loop3A_307 = arith.andi %parallel_loop3A_304, %parallel_loop3A_306 : vector<16xi32>
        %parallel_loop3A_308 = arith.constant 768 : i32
        %parallel_loop3A_309 = vector.broadcast %parallel_loop3A_308 : i32 to vector<16xi32>
        %parallel_loop3A_310 = arith.addi %parallel_loop3A_307, %parallel_loop3A_309 : vector<16xi32>
        tpu.vector_store_idx %arg7[%parallel_loop3A_310], %parallel_loop3A_256 {add = true} : memref<4096xi32, #tpu.memory_space<vmem>>[vector<16xi32>], vector<16xi32>,
        %parallel_loop3A_311 = arith.constant 2048 : i32
        %parallel_loop3A_312 = arith.addi %mul3A_70, %parallel_loop3A_311 : i32
        %parallel_loop3A_313 = arith.addi %parallel_loop3A_312, %parallel_loop3A_254 : i32
        %parallel_loop3A_314 = arith.index_cast %parallel_loop3A_313 : i32 to index
        %parallel_loop3A_315 = tpu.vector_load %arg8[%parallel_loop3A_314] {strides = array<i32>} : memref<16384xf32, #tpu.memory_space<vmem>>, vector<16xf32>,
        %parallel_loop3A_316 = vector.bitcast %parallel_loop3A_315 : vector<16xf32> to vector<16xi32>
        %parallel_loop3A_317 = arith.constant 31 : i32
        %parallel_loop3A_318 = vector.broadcast %parallel_loop3A_317 : i32 to vector<16xi32>
        %parallel_loop3A_319 = arith.shrsi %parallel_loop3A_316, %parallel_loop3A_318 : vector<16xi32>
        %parallel_loop3A_320 = arith.constant -2147483648 : i32
        %parallel_loop3A_321 = vector.broadcast %parallel_loop3A_320 : i32 to vector<16xi32>
        %parallel_loop3A_322 = arith.ori %parallel_loop3A_319, %parallel_loop3A_321 : vector<16xi32>
        %parallel_loop3A_323 = arith.xori %parallel_loop3A_316, %parallel_loop3A_322 : vector<16xi32>
        %parallel_loop3A_324 = vector.bitcast %parallel_loop3A_323 : vector<16xi32> to vector<16xf32>
        %parallel_loop3A_325 = arith.constant 2048 : i32
        %parallel_loop3A_326 = arith.addi %parallel_loop3A_325, %parallel_loop3A_254 : i32
        %parallel_loop3A_327 = arith.index_cast %parallel_loop3A_326 : i32 to index
        %parallel_loop3A_328 = tpu.vector_load %arg5[%parallel_loop3A_327] {strides = array<i32>} : memref<8192xf32, #tpu.memory_space<vmem>>, vector<16xf32>,
        tpu.vector_store %arg5[%parallel_loop3A_327], %parallel_loop3A_324 {strides = array<i32>} : memref<8192xf32, #tpu.memory_space<vmem>>, vector<16xf32>,
        %parallel_loop3A_329 = arith.constant 0 : i32
        %parallel_loop3A_330 = vector.broadcast %parallel_loop3A_329 : i32 to vector<16xi32>
        %parallel_loop3A_331 = arith.shrui %parallel_loop3A_323, %parallel_loop3A_330 : vector<16xi32>
        %parallel_loop3A_332 = arith.constant 255 : i32
        %parallel_loop3A_333 = vector.broadcast %parallel_loop3A_332 : i32 to vector<16xi32>
        %parallel_loop3A_334 = arith.andi %parallel_loop3A_331, %parallel_loop3A_333 : vector<16xi32>
        %parallel_loop3A_335 = arith.constant 1024 : i32
        %parallel_loop3A_336 = vector.broadcast %parallel_loop3A_335 : i32 to vector<16xi32>
        %parallel_loop3A_337 = arith.addi %parallel_loop3A_334, %parallel_loop3A_336 : vector<16xi32>
        tpu.vector_store_idx %arg7[%parallel_loop3A_337], %parallel_loop3A_256 {add = true} : memref<4096xi32, #tpu.memory_space<vmem>>[vector<16xi32>], vector<16xi32>,
        %parallel_loop3A_338 = arith.constant 8 : i32
        %parallel_loop3A_339 = vector.broadcast %parallel_loop3A_338 : i32 to vector<16xi32>
        %parallel_loop3A_340 = arith.shrui %parallel_loop3A_323, %parallel_loop3A_339 : vector<16xi32>
        %parallel_loop3A_341 = arith.constant 255 : i32
        %parallel_loop3A_342 = vector.broadcast %parallel_loop3A_341 : i32 to vector<16xi32>
        %parallel_loop3A_343 = arith.andi %parallel_loop3A_340, %parallel_loop3A_342 : vector<16xi32>
        %parallel_loop3A_344 = arith.constant 1280 : i32
        %parallel_loop3A_345 = vector.broadcast %parallel_loop3A_344 : i32 to vector<16xi32>
        %parallel_loop3A_346 = arith.addi %parallel_loop3A_343, %parallel_loop3A_345 : vector<16xi32>
        tpu.vector_store_idx %arg7[%parallel_loop3A_346], %parallel_loop3A_256 {add = true} : memref<4096xi32, #tpu.memory_space<vmem>>[vector<16xi32>], vector<16xi32>,
        %parallel_loop3A_347 = arith.constant 16 : i32
        %parallel_loop3A_348 = vector.broadcast %parallel_loop3A_347 : i32 to vector<16xi32>
        %parallel_loop3A_349 = arith.shrui %parallel_loop3A_323, %parallel_loop3A_348 : vector<16xi32>
        %parallel_loop3A_350 = arith.constant 255 : i32
        %parallel_loop3A_351 = vector.broadcast %parallel_loop3A_350 : i32 to vector<16xi32>
        %parallel_loop3A_352 = arith.andi %parallel_loop3A_349, %parallel_loop3A_351 : vector<16xi32>
        %parallel_loop3A_353 = arith.constant 1536 : i32
        %parallel_loop3A_354 = vector.broadcast %parallel_loop3A_353 : i32 to vector<16xi32>
        %parallel_loop3A_355 = arith.addi %parallel_loop3A_352, %parallel_loop3A_354 : vector<16xi32>
        tpu.vector_store_idx %arg7[%parallel_loop3A_355], %parallel_loop3A_256 {add = true} : memref<4096xi32, #tpu.memory_space<vmem>>[vector<16xi32>], vector<16xi32>,
        %parallel_loop3A_356 = arith.constant 24 : i32
        %parallel_loop3A_357 = vector.broadcast %parallel_loop3A_356 : i32 to vector<16xi32>
        %parallel_loop3A_358 = arith.shrui %parallel_loop3A_323, %parallel_loop3A_357 : vector<16xi32>
        %parallel_loop3A_359 = arith.constant 255 : i32
        %parallel_loop3A_360 = vector.broadcast %parallel_loop3A_359 : i32 to vector<16xi32>
        %parallel_loop3A_361 = arith.andi %parallel_loop3A_358, %parallel_loop3A_360 : vector<16xi32>
        %parallel_loop3A_362 = arith.constant 1792 : i32
        %parallel_loop3A_363 = vector.broadcast %parallel_loop3A_362 : i32 to vector<16xi32>
        %parallel_loop3A_364 = arith.addi %parallel_loop3A_361, %parallel_loop3A_363 : vector<16xi32>
        tpu.vector_store_idx %arg7[%parallel_loop3A_364], %parallel_loop3A_256 {add = true} : memref<4096xi32, #tpu.memory_space<vmem>>[vector<16xi32>], vector<16xi32>,
        %parallel_loop3A_365 = arith.constant 4096 : i32
        %parallel_loop3A_366 = arith.addi %mul3A_70, %parallel_loop3A_365 : i32
        %parallel_loop3A_367 = arith.addi %parallel_loop3A_366, %parallel_loop3A_254 : i32
        %parallel_loop3A_368 = arith.index_cast %parallel_loop3A_367 : i32 to index
        %parallel_loop3A_369 = tpu.vector_load %arg8[%parallel_loop3A_368] {strides = array<i32>} : memref<16384xf32, #tpu.memory_space<vmem>>, vector<16xf32>,
        %parallel_loop3A_370 = vector.bitcast %parallel_loop3A_369 : vector<16xf32> to vector<16xi32>
        %parallel_loop3A_371 = arith.constant 31 : i32
        %parallel_loop3A_372 = vector.broadcast %parallel_loop3A_371 : i32 to vector<16xi32>
        %parallel_loop3A_373 = arith.shrsi %parallel_loop3A_370, %parallel_loop3A_372 : vector<16xi32>
        %parallel_loop3A_374 = arith.constant -2147483648 : i32
        %parallel_loop3A_375 = vector.broadcast %parallel_loop3A_374 : i32 to vector<16xi32>
        %parallel_loop3A_376 = arith.ori %parallel_loop3A_373, %parallel_loop3A_375 : vector<16xi32>
        %parallel_loop3A_377 = arith.xori %parallel_loop3A_370, %parallel_loop3A_376 : vector<16xi32>
        %parallel_loop3A_378 = vector.bitcast %parallel_loop3A_377 : vector<16xi32> to vector<16xf32>
        %parallel_loop3A_379 = arith.constant 4096 : i32
        %parallel_loop3A_380 = arith.addi %parallel_loop3A_379, %parallel_loop3A_254 : i32
        %parallel_loop3A_381 = arith.index_cast %parallel_loop3A_380 : i32 to index
        %parallel_loop3A_382 = tpu.vector_load %arg5[%parallel_loop3A_381] {strides = array<i32>} : memref<8192xf32, #tpu.memory_space<vmem>>, vector<16xf32>,
        tpu.vector_store %arg5[%parallel_loop3A_381], %parallel_loop3A_378 {strides = array<i32>} : memref<8192xf32, #tpu.memory_space<vmem>>, vector<16xf32>,
        %parallel_loop3A_383 = arith.constant 0 : i32
        %parallel_loop3A_384 = vector.broadcast %parallel_loop3A_383 : i32 to vector<16xi32>
        %parallel_loop3A_385 = arith.shrui %parallel_loop3A_377, %parallel_loop3A_384 : vector<16xi32>
        %parallel_loop3A_386 = arith.constant 255 : i32
        %parallel_loop3A_387 = vector.broadcast %parallel_loop3A_386 : i32 to vector<16xi32>
        %parallel_loop3A_388 = arith.andi %parallel_loop3A_385, %parallel_loop3A_387 : vector<16xi32>
        %parallel_loop3A_389 = arith.constant 2048 : i32
        %parallel_loop3A_390 = vector.broadcast %parallel_loop3A_389 : i32 to vector<16xi32>
        %parallel_loop3A_391 = arith.addi %parallel_loop3A_388, %parallel_loop3A_390 : vector<16xi32>
        tpu.vector_store_idx %arg7[%parallel_loop3A_391], %parallel_loop3A_256 {add = true} : memref<4096xi32, #tpu.memory_space<vmem>>[vector<16xi32>], vector<16xi32>,
        %parallel_loop3A_392 = arith.constant 8 : i32
        %parallel_loop3A_393 = vector.broadcast %parallel_loop3A_392 : i32 to vector<16xi32>
        %parallel_loop3A_394 = arith.shrui %parallel_loop3A_377, %parallel_loop3A_393 : vector<16xi32>
        %parallel_loop3A_395 = arith.constant 255 : i32
        %parallel_loop3A_396 = vector.broadcast %parallel_loop3A_395 : i32 to vector<16xi32>
        %parallel_loop3A_397 = arith.andi %parallel_loop3A_394, %parallel_loop3A_396 : vector<16xi32>
        %parallel_loop3A_398 = arith.constant 2304 : i32
        %parallel_loop3A_399 = vector.broadcast %parallel_loop3A_398 : i32 to vector<16xi32>
        %parallel_loop3A_400 = arith.addi %parallel_loop3A_397, %parallel_loop3A_399 : vector<16xi32>
        tpu.vector_store_idx %arg7[%parallel_loop3A_400], %parallel_loop3A_256 {add = true} : memref<4096xi32, #tpu.memory_space<vmem>>[vector<16xi32>], vector<16xi32>,
        %parallel_loop3A_401 = arith.constant 16 : i32
        %parallel_loop3A_402 = vector.broadcast %parallel_loop3A_401 : i32 to vector<16xi32>
        %parallel_loop3A_403 = arith.shrui %parallel_loop3A_377, %parallel_loop3A_402 : vector<16xi32>
        %parallel_loop3A_404 = arith.constant 255 : i32
        %parallel_loop3A_405 = vector.broadcast %parallel_loop3A_404 : i32 to vector<16xi32>
        %parallel_loop3A_406 = arith.andi %parallel_loop3A_403, %parallel_loop3A_405 : vector<16xi32>
        %parallel_loop3A_407 = arith.constant 2560 : i32
        %parallel_loop3A_408 = vector.broadcast %parallel_loop3A_407 : i32 to vector<16xi32>
        %parallel_loop3A_409 = arith.addi %parallel_loop3A_406, %parallel_loop3A_408 : vector<16xi32>
        tpu.vector_store_idx %arg7[%parallel_loop3A_409], %parallel_loop3A_256 {add = true} : memref<4096xi32, #tpu.memory_space<vmem>>[vector<16xi32>], vector<16xi32>,
        %parallel_loop3A_410 = arith.constant 24 : i32
        %parallel_loop3A_411 = vector.broadcast %parallel_loop3A_410 : i32 to vector<16xi32>
        %parallel_loop3A_412 = arith.shrui %parallel_loop3A_377, %parallel_loop3A_411 : vector<16xi32>
        %parallel_loop3A_413 = arith.constant 255 : i32
        %parallel_loop3A_414 = vector.broadcast %parallel_loop3A_413 : i32 to vector<16xi32>
        %parallel_loop3A_415 = arith.andi %parallel_loop3A_412, %parallel_loop3A_414 : vector<16xi32>
        %parallel_loop3A_416 = arith.constant 2816 : i32
        %parallel_loop3A_417 = vector.broadcast %parallel_loop3A_416 : i32 to vector<16xi32>
        %parallel_loop3A_418 = arith.addi %parallel_loop3A_415, %parallel_loop3A_417 : vector<16xi32>
        tpu.vector_store_idx %arg7[%parallel_loop3A_418], %parallel_loop3A_256 {add = true} : memref<4096xi32, #tpu.memory_space<vmem>>[vector<16xi32>], vector<16xi32>,
        %parallel_loop3A_419 = arith.constant 6144 : i32
        %parallel_loop3A_420 = arith.addi %mul3A_70, %parallel_loop3A_419 : i32
        %parallel_loop3A_421 = arith.addi %parallel_loop3A_420, %parallel_loop3A_254 : i32
        %parallel_loop3A_422 = arith.index_cast %parallel_loop3A_421 : i32 to index
        %parallel_loop3A_423 = tpu.vector_load %arg8[%parallel_loop3A_422] {strides = array<i32>} : memref<16384xf32, #tpu.memory_space<vmem>>, vector<16xf32>,
        %parallel_loop3A_424 = vector.bitcast %parallel_loop3A_423 : vector<16xf32> to vector<16xi32>
        %parallel_loop3A_425 = arith.constant 31 : i32
        %parallel_loop3A_426 = vector.broadcast %parallel_loop3A_425 : i32 to vector<16xi32>
        %parallel_loop3A_427 = arith.shrsi %parallel_loop3A_424, %parallel_loop3A_426 : vector<16xi32>
        %parallel_loop3A_428 = arith.constant -2147483648 : i32
        %parallel_loop3A_429 = vector.broadcast %parallel_loop3A_428 : i32 to vector<16xi32>
        %parallel_loop3A_430 = arith.ori %parallel_loop3A_427, %parallel_loop3A_429 : vector<16xi32>
        %parallel_loop3A_431 = arith.xori %parallel_loop3A_424, %parallel_loop3A_430 : vector<16xi32>
        %parallel_loop3A_432 = vector.bitcast %parallel_loop3A_431 : vector<16xi32> to vector<16xf32>
        %parallel_loop3A_433 = arith.constant 6144 : i32
        %parallel_loop3A_434 = arith.addi %parallel_loop3A_433, %parallel_loop3A_254 : i32
        %parallel_loop3A_435 = arith.index_cast %parallel_loop3A_434 : i32 to index
        %parallel_loop3A_436 = tpu.vector_load %arg5[%parallel_loop3A_435] {strides = array<i32>} : memref<8192xf32, #tpu.memory_space<vmem>>, vector<16xf32>,
        tpu.vector_store %arg5[%parallel_loop3A_435], %parallel_loop3A_432 {strides = array<i32>} : memref<8192xf32, #tpu.memory_space<vmem>>, vector<16xf32>,
        %parallel_loop3A_437 = arith.constant 0 : i32
        %parallel_loop3A_438 = vector.broadcast %parallel_loop3A_437 : i32 to vector<16xi32>
        %parallel_loop3A_439 = arith.shrui %parallel_loop3A_431, %parallel_loop3A_438 : vector<16xi32>
        %parallel_loop3A_440 = arith.constant 255 : i32
        %parallel_loop3A_441 = vector.broadcast %parallel_loop3A_440 : i32 to vector<16xi32>
        %parallel_loop3A_442 = arith.andi %parallel_loop3A_439, %parallel_loop3A_441 : vector<16xi32>
        %parallel_loop3A_443 = arith.constant 3072 : i32
        %parallel_loop3A_444 = vector.broadcast %parallel_loop3A_443 : i32 to vector<16xi32>
        %parallel_loop3A_445 = arith.addi %parallel_loop3A_442, %parallel_loop3A_444 : vector<16xi32>
        tpu.vector_store_idx %arg7[%parallel_loop3A_445], %parallel_loop3A_256 {add = true} : memref<4096xi32, #tpu.memory_space<vmem>>[vector<16xi32>], vector<16xi32>,
        %parallel_loop3A_446 = arith.constant 8 : i32
        %parallel_loop3A_447 = vector.broadcast %parallel_loop3A_446 : i32 to vector<16xi32>
        %parallel_loop3A_448 = arith.shrui %parallel_loop3A_431, %parallel_loop3A_447 : vector<16xi32>
        %parallel_loop3A_449 = arith.constant 255 : i32
        %parallel_loop3A_450 = vector.broadcast %parallel_loop3A_449 : i32 to vector<16xi32>
        %parallel_loop3A_451 = arith.andi %parallel_loop3A_448, %parallel_loop3A_450 : vector<16xi32>
        %parallel_loop3A_452 = arith.constant 3328 : i32
        %parallel_loop3A_453 = vector.broadcast %parallel_loop3A_452 : i32 to vector<16xi32>
        %parallel_loop3A_454 = arith.addi %parallel_loop3A_451, %parallel_loop3A_453 : vector<16xi32>
        tpu.vector_store_idx %arg7[%parallel_loop3A_454], %parallel_loop3A_256 {add = true} : memref<4096xi32, #tpu.memory_space<vmem>>[vector<16xi32>], vector<16xi32>,
        %parallel_loop3A_455 = arith.constant 16 : i32
        %parallel_loop3A_456 = vector.broadcast %parallel_loop3A_455 : i32 to vector<16xi32>
        %parallel_loop3A_457 = arith.shrui %parallel_loop3A_431, %parallel_loop3A_456 : vector<16xi32>
        %parallel_loop3A_458 = arith.constant 255 : i32
        %parallel_loop3A_459 = vector.broadcast %parallel_loop3A_458 : i32 to vector<16xi32>
        %parallel_loop3A_460 = arith.andi %parallel_loop3A_457, %parallel_loop3A_459 : vector<16xi32>
        %parallel_loop3A_461 = arith.constant 3584 : i32
        %parallel_loop3A_462 = vector.broadcast %parallel_loop3A_461 : i32 to vector<16xi32>
        %parallel_loop3A_463 = arith.addi %parallel_loop3A_460, %parallel_loop3A_462 : vector<16xi32>
        tpu.vector_store_idx %arg7[%parallel_loop3A_463], %parallel_loop3A_256 {add = true} : memref<4096xi32, #tpu.memory_space<vmem>>[vector<16xi32>], vector<16xi32>,
        %parallel_loop3A_464 = arith.constant 24 : i32
        %parallel_loop3A_465 = vector.broadcast %parallel_loop3A_464 : i32 to vector<16xi32>
        %parallel_loop3A_466 = arith.shrui %parallel_loop3A_431, %parallel_loop3A_465 : vector<16xi32>
        %parallel_loop3A_467 = arith.constant 255 : i32
        %parallel_loop3A_468 = vector.broadcast %parallel_loop3A_467 : i32 to vector<16xi32>
        %parallel_loop3A_469 = arith.andi %parallel_loop3A_466, %parallel_loop3A_468 : vector<16xi32>
        %parallel_loop3A_470 = arith.constant 3840 : i32
        %parallel_loop3A_471 = vector.broadcast %parallel_loop3A_470 : i32 to vector<16xi32>
        %parallel_loop3A_472 = arith.addi %parallel_loop3A_469, %parallel_loop3A_471 : vector<16xi32>
        tpu.vector_store_idx %arg7[%parallel_loop3A_472], %parallel_loop3A_256 {add = true} : memref<4096xi32, #tpu.memory_space<vmem>>[vector<16xi32>], vector<16xi32>,
      } {sc.loop_unroll_factor = 2 : i64, sc.parallel_access}
      %scan3A_143 = arith.constant -1 : i32
      %scan3A_144 = arith.constant -1 : i32
      %scan3A_145 = arith.constant -1 : i32
      %scan3A_146 = arith.constant -1 : i32
      %scan3A_147 = arith.constant 0 : i32
      %scan3A_148 = arith.constant 16 : i32
      %scan3A_149 = arith.addi %scan3A_147, %scan3A_148 : i32
      %scan3A_150 = arith.constant 2 : i32
      %scan3A_151:4 = scf.for %scan3A_252 = %scan3A_147 to %scan3A_149 step %scan3A_150 iter_args(%scan3A_253 = %scan3A_143, %scan3A_254 = %scan3A_144, %scan3A_255 = %scan3A_145, %scan3A_256 = %scan3A_146) -> (i32, i32, i32, i32)  : i32 {
        %mul3A_257 = arith.constant 16 : i32
        %mul3A_258 = arith.muli %scan3A_252, %mul3A_257 : i32
        %add3A_259 = arith.constant 0 : i32
        %add3A_260 = arith.addi %add3A_259, %mul3A_258 : i32
        %get3A_261 = arith.index_cast %add3A_260 : i32 to index
        %get3A_262 = tpu.vector_load %arg7[%get3A_261] {strides = array<i32>} : memref<4096xi32, #tpu.memory_space<vmem>>, vector<16xi32>,
        %broadcast_in_dim3A_263 = arith.constant true
        %broadcast_in_dim3A_264 = vector.broadcast %broadcast_in_dim3A_263 : i1 to vector<16xi1>
        %masked_cumsum3A = tpu.scan <sum>, %get3A_262 masked %broadcast_in_dim3A_264 : vector<16xi32>, vector<16xi1> -> vector<16xi32>
        %sub3A = arith.subi %masked_cumsum3A, %get3A_262 : vector<16xi32>
        %add3A_265 = vector.broadcast %scan3A_253 : i32 to vector<16xi32>
        %add3A_266 = arith.addi %sub3A, %add3A_265 : vector<16xi32>
        %swap3A_267 = arith.index_cast %add3A_260 : i32 to index
        %swap3A_268 = tpu.vector_load %arg7[%swap3A_267] {strides = array<i32>} : memref<4096xi32, #tpu.memory_space<vmem>>, vector<16xi32>,
        tpu.vector_store %arg7[%swap3A_267], %add3A_266 {strides = array<i32>} : memref<4096xi32, #tpu.memory_space<vmem>>, vector<16xi32>,
        %reduce_sum3A_269 = arith.constant true
        %reduce_sum3A_270 = vector.broadcast %reduce_sum3A_269 : i1 to vector<16xi1>
        %reduce_sum3A_271 = tpu.scan <sum>, %get3A_262 masked %reduce_sum3A_270 : vector<16xi32>, vector<16xi1> -> vector<16xi32>
        %reduce_sum3A_272 = vector.extract %reduce_sum3A_271[15] : i32 from vector<16xi32>
        %add3A_273 = arith.addi %scan3A_253, %reduce_sum3A_272 : i32
        %mul3A_274 = arith.constant 16 : i32
        %mul3A_275 = arith.muli %scan3A_252, %mul3A_274 : i32
        %add3A_276 = arith.constant 1024 : i32
        %add3A_277 = arith.addi %add3A_276, %mul3A_275 : i32
        %get3A_278 = arith.index_cast %add3A_277 : i32 to index
        %get3A_279 = tpu.vector_load %arg7[%get3A_278] {strides = array<i32>} : memref<4096xi32, #tpu.memory_space<vmem>>, vector<16xi32>,
        %broadcast_in_dim3A_280 = arith.constant true
        %broadcast_in_dim3A_281 = vector.broadcast %broadcast_in_dim3A_280 : i1 to vector<16xi1>
        %masked_cumsum3A_282 = tpu.scan <sum>, %get3A_279 masked %broadcast_in_dim3A_281 : vector<16xi32>, vector<16xi1> -> vector<16xi32>
        %sub3A_283 = arith.subi %masked_cumsum3A_282, %get3A_279 : vector<16xi32>
        %add3A_284 = vector.broadcast %scan3A_254 : i32 to vector<16xi32>
        %add3A_285 = arith.addi %sub3A_283, %add3A_284 : vector<16xi32>
        %swap3A_286 = arith.index_cast %add3A_277 : i32 to index
        %swap3A_287 = tpu.vector_load %arg7[%swap3A_286] {strides = array<i32>} : memref<4096xi32, #tpu.memory_space<vmem>>, vector<16xi32>,
        tpu.vector_store %arg7[%swap3A_286], %add3A_285 {strides = array<i32>} : memref<4096xi32, #tpu.memory_space<vmem>>, vector<16xi32>,
        %reduce_sum3A_288 = arith.constant true
        %reduce_sum3A_289 = vector.broadcast %reduce_sum3A_288 : i1 to vector<16xi1>
        %reduce_sum3A_290 = tpu.scan <sum>, %get3A_279 masked %reduce_sum3A_289 : vector<16xi32>, vector<16xi1> -> vector<16xi32>
        %reduce_sum3A_291 = vector.extract %reduce_sum3A_290[15] : i32 from vector<16xi32>
        %add3A_292 = arith.addi %scan3A_254, %reduce_sum3A_291 : i32
        %mul3A_293 = arith.constant 16 : i32
        %mul3A_294 = arith.muli %scan3A_252, %mul3A_293 : i32
        %add3A_295 = arith.constant 2048 : i32
        %add3A_296 = arith.addi %add3A_295, %mul3A_294 : i32
        %get3A_297 = arith.index_cast %add3A_296 : i32 to index
        %get3A_298 = tpu.vector_load %arg7[%get3A_297] {strides = array<i32>} : memref<4096xi32, #tpu.memory_space<vmem>>, vector<16xi32>,
        %broadcast_in_dim3A_299 = arith.constant true
        %broadcast_in_dim3A_300 = vector.broadcast %broadcast_in_dim3A_299 : i1 to vector<16xi1>
        %masked_cumsum3A_301 = tpu.scan <sum>, %get3A_298 masked %broadcast_in_dim3A_300 : vector<16xi32>, vector<16xi1> -> vector<16xi32>
        %sub3A_302 = arith.subi %masked_cumsum3A_301, %get3A_298 : vector<16xi32>
        %add3A_303 = vector.broadcast %scan3A_255 : i32 to vector<16xi32>
        %add3A_304 = arith.addi %sub3A_302, %add3A_303 : vector<16xi32>
        %swap3A_305 = arith.index_cast %add3A_296 : i32 to index
        %swap3A_306 = tpu.vector_load %arg7[%swap3A_305] {strides = array<i32>} : memref<4096xi32, #tpu.memory_space<vmem>>, vector<16xi32>,
        tpu.vector_store %arg7[%swap3A_305], %add3A_304 {strides = array<i32>} : memref<4096xi32, #tpu.memory_space<vmem>>, vector<16xi32>,
        %reduce_sum3A_307 = arith.constant true
        %reduce_sum3A_308 = vector.broadcast %reduce_sum3A_307 : i1 to vector<16xi1>
        %reduce_sum3A_309 = tpu.scan <sum>, %get3A_298 masked %reduce_sum3A_308 : vector<16xi32>, vector<16xi1> -> vector<16xi32>
        %reduce_sum3A_310 = vector.extract %reduce_sum3A_309[15] : i32 from vector<16xi32>
        %add3A_311 = arith.addi %scan3A_255, %reduce_sum3A_310 : i32
        %mul3A_312 = arith.constant 16 : i32
        %mul3A_313 = arith.muli %scan3A_252, %mul3A_312 : i32
        %add3A_314 = arith.constant 3072 : i32
        %add3A_315 = arith.addi %add3A_314, %mul3A_313 : i32
        %get3A_316 = arith.index_cast %add3A_315 : i32 to index
        %get3A_317 = tpu.vector_load %arg7[%get3A_316] {strides = array<i32>} : memref<4096xi32, #tpu.memory_space<vmem>>, vector<16xi32>,
        %broadcast_in_dim3A_318 = arith.constant true
        %broadcast_in_dim3A_319 = vector.broadcast %broadcast_in_dim3A_318 : i1 to vector<16xi1>
        %masked_cumsum3A_320 = tpu.scan <sum>, %get3A_317 masked %broadcast_in_dim3A_319 : vector<16xi32>, vector<16xi1> -> vector<16xi32>
        %sub3A_321 = arith.subi %masked_cumsum3A_320, %get3A_317 : vector<16xi32>
        %add3A_322 = vector.broadcast %scan3A_256 : i32 to vector<16xi32>
        %add3A_323 = arith.addi %sub3A_321, %add3A_322 : vector<16xi32>
        %swap3A_324 = arith.index_cast %add3A_315 : i32 to index
        %swap3A_325 = tpu.vector_load %arg7[%swap3A_324] {strides = array<i32>} : memref<4096xi32, #tpu.memory_space<vmem>>, vector<16xi32>,
        tpu.vector_store %arg7[%swap3A_324], %add3A_323 {strides = array<i32>} : memref<4096xi32, #tpu.memory_space<vmem>>, vector<16xi32>,
        %reduce_sum3A_326 = arith.constant true
        %reduce_sum3A_327 = vector.broadcast %reduce_sum3A_326 : i1 to vector<16xi1>
        %reduce_sum3A_328 = tpu.scan <sum>, %get3A_317 masked %reduce_sum3A_327 : vector<16xi32>, vector<16xi1> -> vector<16xi32>
        %reduce_sum3A_329 = vector.extract %reduce_sum3A_328[15] : i32 from vector<16xi32>
        %add3A_330 = arith.addi %scan3A_256, %reduce_sum3A_329 : i32
        %scan3A_331 = arith.constant 1 : i32
        %scan3A_332 = arith.addi %scan3A_252, %scan3A_331 : i32
        %mul3A_333 = arith.constant 16 : i32
        %mul3A_334 = arith.muli %scan3A_332, %mul3A_333 : i32
        %add3A_335 = arith.constant 0 : i32
        %add3A_336 = arith.addi %add3A_335, %mul3A_334 : i32
        %get3A_337 = arith.index_cast %add3A_336 : i32 to index
        %get3A_338 = tpu.vector_load %arg7[%get3A_337] {strides = array<i32>} : memref<4096xi32, #tpu.memory_space<vmem>>, vector<16xi32>,
        %broadcast_in_dim3A_339 = arith.constant true
        %broadcast_in_dim3A_340 = vector.broadcast %broadcast_in_dim3A_339 : i1 to vector<16xi1>
        %masked_cumsum3A_341 = tpu.scan <sum>, %get3A_338 masked %broadcast_in_dim3A_340 : vector<16xi32>, vector<16xi1> -> vector<16xi32>
        %sub3A_342 = arith.subi %masked_cumsum3A_341, %get3A_338 : vector<16xi32>
        %add3A_343 = vector.broadcast %add3A_273 : i32 to vector<16xi32>
        %add3A_344 = arith.addi %sub3A_342, %add3A_343 : vector<16xi32>
        %swap3A_345 = arith.index_cast %add3A_336 : i32 to index
        %swap3A_346 = tpu.vector_load %arg7[%swap3A_345] {strides = array<i32>} : memref<4096xi32, #tpu.memory_space<vmem>>, vector<16xi32>,
        tpu.vector_store %arg7[%swap3A_345], %add3A_344 {strides = array<i32>} : memref<4096xi32, #tpu.memory_space<vmem>>, vector<16xi32>,
        %reduce_sum3A_347 = arith.constant true
        %reduce_sum3A_348 = vector.broadcast %reduce_sum3A_347 : i1 to vector<16xi1>
        %reduce_sum3A_349 = tpu.scan <sum>, %get3A_338 masked %reduce_sum3A_348 : vector<16xi32>, vector<16xi1> -> vector<16xi32>
        %reduce_sum3A_350 = vector.extract %reduce_sum3A_349[15] : i32 from vector<16xi32>
        %add3A_351 = arith.addi %add3A_273, %reduce_sum3A_350 : i32
        %mul3A_352 = arith.constant 16 : i32
        %mul3A_353 = arith.muli %scan3A_332, %mul3A_352 : i32
        %add3A_354 = arith.constant 1024 : i32
        %add3A_355 = arith.addi %add3A_354, %mul3A_353 : i32
        %get3A_356 = arith.index_cast %add3A_355 : i32 to index
        %get3A_357 = tpu.vector_load %arg7[%get3A_356] {strides = array<i32>} : memref<4096xi32, #tpu.memory_space<vmem>>, vector<16xi32>,
        %broadcast_in_dim3A_358 = arith.constant true
        %broadcast_in_dim3A_359 = vector.broadcast %broadcast_in_dim3A_358 : i1 to vector<16xi1>
        %masked_cumsum3A_360 = tpu.scan <sum>, %get3A_357 masked %broadcast_in_dim3A_359 : vector<16xi32>, vector<16xi1> -> vector<16xi32>
        %sub3A_361 = arith.subi %masked_cumsum3A_360, %get3A_357 : vector<16xi32>
        %add3A_362 = vector.broadcast %add3A_292 : i32 to vector<16xi32>
        %add3A_363 = arith.addi %sub3A_361, %add3A_362 : vector<16xi32>
        %swap3A_364 = arith.index_cast %add3A_355 : i32 to index
        %swap3A_365 = tpu.vector_load %arg7[%swap3A_364] {strides = array<i32>} : memref<4096xi32, #tpu.memory_space<vmem>>, vector<16xi32>,
        tpu.vector_store %arg7[%swap3A_364], %add3A_363 {strides = array<i32>} : memref<4096xi32, #tpu.memory_space<vmem>>, vector<16xi32>,
        %reduce_sum3A_366 = arith.constant true
        %reduce_sum3A_367 = vector.broadcast %reduce_sum3A_366 : i1 to vector<16xi1>
        %reduce_sum3A_368 = tpu.scan <sum>, %get3A_357 masked %reduce_sum3A_367 : vector<16xi32>, vector<16xi1> -> vector<16xi32>
        %reduce_sum3A_369 = vector.extract %reduce_sum3A_368[15] : i32 from vector<16xi32>
        %add3A_370 = arith.addi %add3A_292, %reduce_sum3A_369 : i32
        %mul3A_371 = arith.constant 16 : i32
        %mul3A_372 = arith.muli %scan3A_332, %mul3A_371 : i32
        %add3A_373 = arith.constant 2048 : i32
        %add3A_374 = arith.addi %add3A_373, %mul3A_372 : i32
        %get3A_375 = arith.index_cast %add3A_374 : i32 to index
        %get3A_376 = tpu.vector_load %arg7[%get3A_375] {strides = array<i32>} : memref<4096xi32, #tpu.memory_space<vmem>>, vector<16xi32>,
        %broadcast_in_dim3A_377 = arith.constant true
        %broadcast_in_dim3A_378 = vector.broadcast %broadcast_in_dim3A_377 : i1 to vector<16xi1>
        %masked_cumsum3A_379 = tpu.scan <sum>, %get3A_376 masked %broadcast_in_dim3A_378 : vector<16xi32>, vector<16xi1> -> vector<16xi32>
        %sub3A_380 = arith.subi %masked_cumsum3A_379, %get3A_376 : vector<16xi32>
        %add3A_381 = vector.broadcast %add3A_311 : i32 to vector<16xi32>
        %add3A_382 = arith.addi %sub3A_380, %add3A_381 : vector<16xi32>
        %swap3A_383 = arith.index_cast %add3A_374 : i32 to index
        %swap3A_384 = tpu.vector_load %arg7[%swap3A_383] {strides = array<i32>} : memref<4096xi32, #tpu.memory_space<vmem>>, vector<16xi32>,
        tpu.vector_store %arg7[%swap3A_383], %add3A_382 {strides = array<i32>} : memref<4096xi32, #tpu.memory_space<vmem>>, vector<16xi32>,
        %reduce_sum3A_385 = arith.constant true
        %reduce_sum3A_386 = vector.broadcast %reduce_sum3A_385 : i1 to vector<16xi1>
        %reduce_sum3A_387 = tpu.scan <sum>, %get3A_376 masked %reduce_sum3A_386 : vector<16xi32>, vector<16xi1> -> vector<16xi32>
        %reduce_sum3A_388 = vector.extract %reduce_sum3A_387[15] : i32 from vector<16xi32>
        %add3A_389 = arith.addi %add3A_311, %reduce_sum3A_388 : i32
        %mul3A_390 = arith.constant 16 : i32
        %mul3A_391 = arith.muli %scan3A_332, %mul3A_390 : i32
        %add3A_392 = arith.constant 3072 : i32
        %add3A_393 = arith.addi %add3A_392, %mul3A_391 : i32
        %get3A_394 = arith.index_cast %add3A_393 : i32 to index
        %get3A_395 = tpu.vector_load %arg7[%get3A_394] {strides = array<i32>} : memref<4096xi32, #tpu.memory_space<vmem>>, vector<16xi32>,
        %broadcast_in_dim3A_396 = arith.constant true
        %broadcast_in_dim3A_397 = vector.broadcast %broadcast_in_dim3A_396 : i1 to vector<16xi1>
        %masked_cumsum3A_398 = tpu.scan <sum>, %get3A_395 masked %broadcast_in_dim3A_397 : vector<16xi32>, vector<16xi1> -> vector<16xi32>
        %sub3A_399 = arith.subi %masked_cumsum3A_398, %get3A_395 : vector<16xi32>
        %add3A_400 = vector.broadcast %add3A_330 : i32 to vector<16xi32>
        %add3A_401 = arith.addi %sub3A_399, %add3A_400 : vector<16xi32>
        %swap3A_402 = arith.index_cast %add3A_393 : i32 to index
        %swap3A_403 = tpu.vector_load %arg7[%swap3A_402] {strides = array<i32>} : memref<4096xi32, #tpu.memory_space<vmem>>, vector<16xi32>,
        tpu.vector_store %arg7[%swap3A_402], %add3A_401 {strides = array<i32>} : memref<4096xi32, #tpu.memory_space<vmem>>, vector<16xi32>,
        %reduce_sum3A_404 = arith.constant true
        %reduce_sum3A_405 = vector.broadcast %reduce_sum3A_404 : i1 to vector<16xi1>
        %reduce_sum3A_406 = tpu.scan <sum>, %get3A_395 masked %reduce_sum3A_405 : vector<16xi32>, vector<16xi1> -> vector<16xi32>
        %reduce_sum3A_407 = vector.extract %reduce_sum3A_406[15] : i32 from vector<16xi32>
        %add3A_408 = arith.addi %add3A_330, %reduce_sum3A_407 : i32
        scf.yield %add3A_351, %add3A_370, %add3A_389, %add3A_408 : i32, i32, i32, i32
      }
      %scan3A_152 = arith.constant 16 : i32
      %scan3A_153 = arith.constant 0 : i32
      %scan3A_154 = arith.constant 0 : i32
      %scan3A_155 = arith.constant 16 : i32
      %scan3A_156 = arith.addi %scan3A_154, %scan3A_155 : i32
      %scan3A_157 = arith.constant 1 : i32
      %scan3A_158 = scf.for %scan3A_252 = %scan3A_154 to %scan3A_156 step %scan3A_157 iter_args(%scan3A_253 = %scan3A_153) -> (i32)  : i32 {
        %mul3A_254 = arith.constant 128 : i32
        %mul3A_255 = arith.muli %scan3A_252, %mul3A_254 : i32
        %parallel_loop3A_256 = arith.constant 0 : i32
        %parallel_loop3A_257 = arith.constant 4 : i32
        %parallel_loop3A_258 = arith.constant 1 : i32
        scf.for %parallel_loop3A_260 = %parallel_loop3A_256 to %parallel_loop3A_257 step %parallel_loop3A_258  : i32 {
          %parallel_loop3A_261 = arith.constant 4 : i32
          %parallel_loop3A_262 = arith.muli %parallel_loop3A_260, %parallel_loop3A_261 : i32
          %parallel_loop3A_263 = arith.constant 0 : i32
          %parallel_loop3A_264 = arith.addi %parallel_loop3A_262, %parallel_loop3A_263 : i32
          %parallel_loop3A_265 = arith.constant 256 : i32
          %parallel_loop3A_266 = arith.muli %parallel_loop3A_264, %parallel_loop3A_265 : i32
          %parallel_loop3A_267 = arith.constant 2048 : i32
          %parallel_loop3A_268 = arith.muli %parallel_loop3A_260, %parallel_loop3A_267 : i32
          %parallel_loop3A_269 = arith.addi %parallel_loop3A_268, %mul3A_255 : i32
          %parallel_loop3A_270 = arith.constant 0 : i32
          %parallel_loop3A_271 = arith.addi %parallel_loop3A_269, %parallel_loop3A_270 : i32
          %parallel_loop3A_272 = arith.index_cast %parallel_loop3A_271 : i32 to index
          %parallel_loop3A_273 = tpu.vector_load %arg5[%parallel_loop3A_272] {strides = array<i32>} : memref<8192xf32, #tpu.memory_space<vmem>>, vector<16xf32>,
          %parallel_loop3A_274 = vector.bitcast %parallel_loop3A_273 : vector<16xf32> to vector<16xi32>
          %parallel_loop3A_275 = arith.constant 0 : i32
          %parallel_loop3A_276 = vector.broadcast %parallel_loop3A_275 : i32 to vector<16xi32>
          %parallel_loop3A_277 = arith.shrui %parallel_loop3A_274, %parallel_loop3A_276 : vector<16xi32>
          %parallel_loop3A_278 = arith.constant 255 : i32
          %parallel_loop3A_279 = vector.broadcast %parallel_loop3A_278 : i32 to vector<16xi32>
          %parallel_loop3A_280 = arith.andi %parallel_loop3A_277, %parallel_loop3A_279 : vector<16xi32>
          %parallel_loop3A_281 = vector.broadcast %parallel_loop3A_266 : i32 to vector<16xi32>
          %parallel_loop3A_282 = arith.addi %parallel_loop3A_280, %parallel_loop3A_281 : vector<16xi32>
          %parallel_loop3A_283 = arith.constant true
          %parallel_loop3A_284 = vector.broadcast %parallel_loop3A_283 : i1 to vector<16xi1>
          %parallel_loop3A_285, %parallel_loop3A_286 = tpu.scan_count mask(%parallel_loop3A_284 : vector<16xi1>) value(%parallel_loop3A_282 : vector<16xi32>) : vector<16xi1>, vector<16xi32>
          %parallel_loop3A_287 = arith.constant 16 : i32
          %parallel_loop3A_288 = arith.addi %parallel_loop3A_269, %parallel_loop3A_287 : i32
          %parallel_loop3A_289 = arith.index_cast %parallel_loop3A_288 : i32 to index
          %parallel_loop3A_290 = tpu.vector_load %arg5[%parallel_loop3A_289] {strides = array<i32>} : memref<8192xf32, #tpu.memory_space<vmem>>, vector<16xf32>,
          %parallel_loop3A_291 = vector.bitcast %parallel_loop3A_290 : vector<16xf32> to vector<16xi32>
          %parallel_loop3A_292 = arith.constant 0 : i32
          %parallel_loop3A_293 = vector.broadcast %parallel_loop3A_292 : i32 to vector<16xi32>
          %parallel_loop3A_294 = arith.shrui %parallel_loop3A_291, %parallel_loop3A_293 : vector<16xi32>
          %parallel_loop3A_295 = arith.constant 255 : i32
          %parallel_loop3A_296 = vector.broadcast %parallel_loop3A_295 : i32 to vector<16xi32>
          %parallel_loop3A_297 = arith.andi %parallel_loop3A_294, %parallel_loop3A_296 : vector<16xi32>
          %parallel_loop3A_298 = vector.broadcast %parallel_loop3A_266 : i32 to vector<16xi32>
          %parallel_loop3A_299 = arith.addi %parallel_loop3A_297, %parallel_loop3A_298 : vector<16xi32>
          %parallel_loop3A_300 = arith.constant true
          %parallel_loop3A_301 = vector.broadcast %parallel_loop3A_300 : i1 to vector<16xi1>
          %parallel_loop3A_302, %parallel_loop3A_303 = tpu.scan_count mask(%parallel_loop3A_301 : vector<16xi1>) value(%parallel_loop3A_299 : vector<16xi32>) : vector<16xi1>, vector<16xi32>
          %parallel_loop3A_304 = arith.constant 32 : i32
          %parallel_loop3A_305 = arith.addi %parallel_loop3A_269, %parallel_loop3A_304 : i32
          %parallel_loop3A_306 = arith.index_cast %parallel_loop3A_305 : i32 to index
          %parallel_loop3A_307 = tpu.vector_load %arg5[%parallel_loop3A_306] {strides = array<i32>} : memref<8192xf32, #tpu.memory_space<vmem>>, vector<16xf32>,
          %parallel_loop3A_308 = vector.bitcast %parallel_loop3A_307 : vector<16xf32> to vector<16xi32>
          %parallel_loop3A_309 = arith.constant 0 : i32
          %parallel_loop3A_310 = vector.broadcast %parallel_loop3A_309 : i32 to vector<16xi32>
          %parallel_loop3A_311 = arith.shrui %parallel_loop3A_308, %parallel_loop3A_310 : vector<16xi32>
          %parallel_loop3A_312 = arith.constant 255 : i32
          %parallel_loop3A_313 = vector.broadcast %parallel_loop3A_312 : i32 to vector<16xi32>
          %parallel_loop3A_314 = arith.andi %parallel_loop3A_311, %parallel_loop3A_313 : vector<16xi32>
          %parallel_loop3A_315 = vector.broadcast %parallel_loop3A_266 : i32 to vector<16xi32>
          %parallel_loop3A_316 = arith.addi %parallel_loop3A_314, %parallel_loop3A_315 : vector<16xi32>
          %parallel_loop3A_317 = arith.constant true
          %parallel_loop3A_318 = vector.broadcast %parallel_loop3A_317 : i1 to vector<16xi1>
          %parallel_loop3A_319, %parallel_loop3A_320 = tpu.scan_count mask(%parallel_loop3A_318 : vector<16xi1>) value(%parallel_loop3A_316 : vector<16xi32>) : vector<16xi1>, vector<16xi32>
          %parallel_loop3A_321 = arith.constant 48 : i32
          %parallel_loop3A_322 = arith.addi %parallel_loop3A_269, %parallel_loop3A_321 : i32
          %parallel_loop3A_323 = arith.index_cast %parallel_loop3A_322 : i32 to index
          %parallel_loop3A_324 = tpu.vector_load %arg5[%parallel_loop3A_323] {strides = array<i32>} : memref<8192xf32, #tpu.memory_space<vmem>>, vector<16xf32>,
          %parallel_loop3A_325 = vector.bitcast %parallel_loop3A_324 : vector<16xf32> to vector<16xi32>
          %parallel_loop3A_326 = arith.constant 0 : i32
          %parallel_loop3A_327 = vector.broadcast %parallel_loop3A_326 : i32 to vector<16xi32>
          %parallel_loop3A_328 = arith.shrui %parallel_loop3A_325, %parallel_loop3A_327 : vector<16xi32>
          %parallel_loop3A_329 = arith.constant 255 : i32
          %parallel_loop3A_330 = vector.broadcast %parallel_loop3A_329 : i32 to vector<16xi32>
          %parallel_loop3A_331 = arith.andi %parallel_loop3A_328, %parallel_loop3A_330 : vector<16xi32>
          %parallel_loop3A_332 = vector.broadcast %parallel_loop3A_266 : i32 to vector<16xi32>
          %parallel_loop3A_333 = arith.addi %parallel_loop3A_331, %parallel_loop3A_332 : vector<16xi32>
          %parallel_loop3A_334 = arith.constant true
          %parallel_loop3A_335 = vector.broadcast %parallel_loop3A_334 : i1 to vector<16xi1>
          %parallel_loop3A_336, %parallel_loop3A_337 = tpu.scan_count mask(%parallel_loop3A_335 : vector<16xi1>) value(%parallel_loop3A_333 : vector<16xi32>) : vector<16xi1>, vector<16xi32>
          %parallel_loop3A_338 = arith.constant 64 : i32
          %parallel_loop3A_339 = arith.addi %parallel_loop3A_269, %parallel_loop3A_338 : i32
          %parallel_loop3A_340 = arith.index_cast %parallel_loop3A_339 : i32 to index
          %parallel_loop3A_341 = tpu.vector_load %arg5[%parallel_loop3A_340] {strides = array<i32>} : memref<8192xf32, #tpu.memory_space<vmem>>, vector<16xf32>,
          %parallel_loop3A_342 = vector.bitcast %parallel_loop3A_341 : vector<16xf32> to vector<16xi32>
          %parallel_loop3A_343 = arith.constant 0 : i32
          %parallel_loop3A_344 = vector.broadcast %parallel_loop3A_343 : i32 to vector<16xi32>
          %parallel_loop3A_345 = arith.shrui %parallel_loop3A_342, %parallel_loop3A_344 : vector<16xi32>
          %parallel_loop3A_346 = arith.constant 255 : i32
          %parallel_loop3A_347 = vector.broadcast %parallel_loop3A_346 : i32 to vector<16xi32>
          %parallel_loop3A_348 = arith.andi %parallel_loop3A_345, %parallel_loop3A_347 : vector<16xi32>
          %parallel_loop3A_349 = vector.broadcast %parallel_loop3A_266 : i32 to vector<16xi32>
          %parallel_loop3A_350 = arith.addi %parallel_loop3A_348, %parallel_loop3A_349 : vector<16xi32>
          %parallel_loop3A_351 = arith.constant true
          %parallel_loop3A_352 = vector.broadcast %parallel_loop3A_351 : i1 to vector<16xi1>
          %parallel_loop3A_353, %parallel_loop3A_354 = tpu.scan_count mask(%parallel_loop3A_352 : vector<16xi1>) value(%parallel_loop3A_350 : vector<16xi32>) : vector<16xi1>, vector<16xi32>
          %parallel_loop3A_355 = arith.constant 80 : i32
          %parallel_loop3A_356 = arith.addi %parallel_loop3A_269, %parallel_loop3A_355 : i32
          %parallel_loop3A_357 = arith.index_cast %parallel_loop3A_356 : i32 to index
          %parallel_loop3A_358 = tpu.vector_load %arg5[%parallel_loop3A_357] {strides = array<i32>} : memref<8192xf32, #tpu.memory_space<vmem>>, vector<16xf32>,
          %parallel_loop3A_359 = vector.bitcast %parallel_loop3A_358 : vector<16xf32> to vector<16xi32>
          %parallel_loop3A_360 = arith.constant 0 : i32
          %parallel_loop3A_361 = vector.broadcast %parallel_loop3A_360 : i32 to vector<16xi32>
          %parallel_loop3A_362 = arith.shrui %parallel_loop3A_359, %parallel_loop3A_361 : vector<16xi32>
          %parallel_loop3A_363 = arith.constant 255 : i32
          %parallel_loop3A_364 = vector.broadcast %parallel_loop3A_363 : i32 to vector<16xi32>
          %parallel_loop3A_365 = arith.andi %parallel_loop3A_362, %parallel_loop3A_364 : vector<16xi32>
          %parallel_loop3A_366 = vector.broadcast %parallel_loop3A_266 : i32 to vector<16xi32>
          %parallel_loop3A_367 = arith.addi %parallel_loop3A_365, %parallel_loop3A_366 : vector<16xi32>
          %parallel_loop3A_368 = arith.constant true
          %parallel_loop3A_369 = vector.broadcast %parallel_loop3A_368 : i1 to vector<16xi1>
          %parallel_loop3A_370, %parallel_loop3A_371 = tpu.scan_count mask(%parallel_loop3A_369 : vector<16xi1>) value(%parallel_loop3A_367 : vector<16xi32>) : vector<16xi1>, vector<16xi32>
          %parallel_loop3A_372 = arith.constant 96 : i32
          %parallel_loop3A_373 = arith.addi %parallel_loop3A_269, %parallel_loop3A_372 : i32
          %parallel_loop3A_374 = arith.index_cast %parallel_loop3A_373 : i32 to index
          %parallel_loop3A_375 = tpu.vector_load %arg5[%parallel_loop3A_374] {strides = array<i32>} : memref<8192xf32, #tpu.memory_space<vmem>>, vector<16xf32>,
          %parallel_loop3A_376 = vector.bitcast %parallel_loop3A_375 : vector<16xf32> to vector<16xi32>
          %parallel_loop3A_377 = arith.constant 0 : i32
          %parallel_loop3A_378 = vector.broadcast %parallel_loop3A_377 : i32 to vector<16xi32>
          %parallel_loop3A_379 = arith.shrui %parallel_loop3A_376, %parallel_loop3A_378 : vector<16xi32>
          %parallel_loop3A_380 = arith.constant 255 : i32
          %parallel_loop3A_381 = vector.broadcast %parallel_loop3A_380 : i32 to vector<16xi32>
          %parallel_loop3A_382 = arith.andi %parallel_loop3A_379, %parallel_loop3A_381 : vector<16xi32>
          %parallel_loop3A_383 = vector.broadcast %parallel_loop3A_266 : i32 to vector<16xi32>
          %parallel_loop3A_384 = arith.addi %parallel_loop3A_382, %parallel_loop3A_383 : vector<16xi32>
          %parallel_loop3A_385 = arith.constant true
          %parallel_loop3A_386 = vector.broadcast %parallel_loop3A_385 : i1 to vector<16xi1>
          %parallel_loop3A_387, %parallel_loop3A_388 = tpu.scan_count mask(%parallel_loop3A_386 : vector<16xi1>) value(%parallel_loop3A_384 : vector<16xi32>) : vector<16xi1>, vector<16xi32>
          %parallel_loop3A_389 = arith.constant 112 : i32
          %parallel_loop3A_390 = arith.addi %parallel_loop3A_269, %parallel_loop3A_389 : i32
          %parallel_loop3A_391 = arith.index_cast %parallel_loop3A_390 : i32 to index
          %parallel_loop3A_392 = tpu.vector_load %arg5[%parallel_loop3A_391] {strides = array<i32>} : memref<8192xf32, #tpu.memory_space<vmem>>, vector<16xf32>,
          %parallel_loop3A_393 = vector.bitcast %parallel_loop3A_392 : vector<16xf32> to vector<16xi32>
          %parallel_loop3A_394 = arith.constant 0 : i32
          %parallel_loop3A_395 = vector.broadcast %parallel_loop3A_394 : i32 to vector<16xi32>
          %parallel_loop3A_396 = arith.shrui %parallel_loop3A_393, %parallel_loop3A_395 : vector<16xi32>
          %parallel_loop3A_397 = arith.constant 255 : i32
          %parallel_loop3A_398 = vector.broadcast %parallel_loop3A_397 : i32 to vector<16xi32>
          %parallel_loop3A_399 = arith.andi %parallel_loop3A_396, %parallel_loop3A_398 : vector<16xi32>
          %parallel_loop3A_400 = vector.broadcast %parallel_loop3A_266 : i32 to vector<16xi32>
          %parallel_loop3A_401 = arith.addi %parallel_loop3A_399, %parallel_loop3A_400 : vector<16xi32>
          %parallel_loop3A_402 = arith.constant true
          %parallel_loop3A_403 = vector.broadcast %parallel_loop3A_402 : i1 to vector<16xi1>
          %parallel_loop3A_404, %parallel_loop3A_405 = tpu.scan_count mask(%parallel_loop3A_403 : vector<16xi1>) value(%parallel_loop3A_401 : vector<16xi32>) : vector<16xi1>, vector<16xi32>
          %parallel_loop3A_406 = tpu.vector_load_idx %arg7[%parallel_loop3A_282] : memref<4096xi32, #tpu.memory_space<vmem>>[vector<16xi32>], vector<16xi32>,
          %parallel_loop3A_407 = arith.addi %parallel_loop3A_406, %parallel_loop3A_286 : vector<16xi32>
          tpu.vector_store_idx %arg7[%parallel_loop3A_282], %parallel_loop3A_286 masked %parallel_loop3A_285 {add = true} : memref<4096xi32, #tpu.memory_space<vmem>>[vector<16xi32>], vector<16xi32>, vector<16xi1>
          %parallel_loop3A_408 = arith.constant 2048 : i32
          %parallel_loop3A_409 = arith.muli %parallel_loop3A_260, %parallel_loop3A_408 : i32
          %parallel_loop3A_410 = vector.broadcast %parallel_loop3A_409 : i32 to vector<16xi32>
          %parallel_loop3A_411 = arith.addi %parallel_loop3A_407, %parallel_loop3A_410 : vector<16xi32>
          tpu.vector_store_idx %arg6[%parallel_loop3A_411], %parallel_loop3A_273 : memref<8192xf32, #tpu.memory_space<vmem>>[vector<16xi32>], vector<16xf32>,
          %parallel_loop3A_412 = tpu.vector_load_idx %arg7[%parallel_loop3A_299] : memref<4096xi32, #tpu.memory_space<vmem>>[vector<16xi32>], vector<16xi32>,
          %parallel_loop3A_413 = arith.addi %parallel_loop3A_412, %parallel_loop3A_303 : vector<16xi32>
          tpu.vector_store_idx %arg7[%parallel_loop3A_299], %parallel_loop3A_303 masked %parallel_loop3A_302 {add = true} : memref<4096xi32, #tpu.memory_space<vmem>>[vector<16xi32>], vector<16xi32>, vector<16xi1>
          %parallel_loop3A_414 = arith.constant 2048 : i32
          %parallel_loop3A_415 = arith.muli %parallel_loop3A_260, %parallel_loop3A_414 : i32
          %parallel_loop3A_416 = vector.broadcast %parallel_loop3A_415 : i32 to vector<16xi32>
          %parallel_loop3A_417 = arith.addi %parallel_loop3A_413, %parallel_loop3A_416 : vector<16xi32>
          tpu.vector_store_idx %arg6[%parallel_loop3A_417], %parallel_loop3A_290 : memref<8192xf32, #tpu.memory_space<vmem>>[vector<16xi32>], vector<16xf32>,
          %parallel_loop3A_418 = tpu.vector_load_idx %arg7[%parallel_loop3A_316] : memref<4096xi32, #tpu.memory_space<vmem>>[vector<16xi32>], vector<16xi32>,
          %parallel_loop3A_419 = arith.addi %parallel_loop3A_418, %parallel_loop3A_320 : vector<16xi32>
          tpu.vector_store_idx %arg7[%parallel_loop3A_316], %parallel_loop3A_320 masked %parallel_loop3A_319 {add = true} : memref<4096xi32, #tpu.memory_space<vmem>>[vector<16xi32>], vector<16xi32>, vector<16xi1>
          %parallel_loop3A_420 = arith.constant 2048 : i32
          %parallel_loop3A_421 = arith.muli %parallel_loop3A_260, %parallel_loop3A_420 : i32
          %parallel_loop3A_422 = vector.broadcast %parallel_loop3A_421 : i32 to vector<16xi32>
          %parallel_loop3A_423 = arith.addi %parallel_loop3A_419, %parallel_loop3A_422 : vector<16xi32>
          tpu.vector_store_idx %arg6[%parallel_loop3A_423], %parallel_loop3A_307 : memref<8192xf32, #tpu.memory_space<vmem>>[vector<16xi32>], vector<16xf32>,
          %parallel_loop3A_424 = tpu.vector_load_idx %arg7[%parallel_loop3A_333] : memref<4096xi32, #tpu.memory_space<vmem>>[vector<16xi32>], vector<16xi32>,
          %parallel_loop3A_425 = arith.addi %parallel_loop3A_424, %parallel_loop3A_337 : vector<16xi32>
          tpu.vector_store_idx %arg7[%parallel_loop3A_333], %parallel_loop3A_337 masked %parallel_loop3A_336 {add = true} : memref<4096xi32, #tpu.memory_space<vmem>>[vector<16xi32>], vector<16xi32>, vector<16xi1>
          %parallel_loop3A_426 = arith.constant 2048 : i32
          %parallel_loop3A_427 = arith.muli %parallel_loop3A_260, %parallel_loop3A_426 : i32
          %parallel_loop3A_428 = vector.broadcast %parallel_loop3A_427 : i32 to vector<16xi32>
          %parallel_loop3A_429 = arith.addi %parallel_loop3A_425, %parallel_loop3A_428 : vector<16xi32>
          tpu.vector_store_idx %arg6[%parallel_loop3A_429], %parallel_loop3A_324 : memref<8192xf32, #tpu.memory_space<vmem>>[vector<16xi32>], vector<16xf32>,
          %parallel_loop3A_430 = tpu.vector_load_idx %arg7[%parallel_loop3A_350] : memref<4096xi32, #tpu.memory_space<vmem>>[vector<16xi32>], vector<16xi32>,
          %parallel_loop3A_431 = arith.addi %parallel_loop3A_430, %parallel_loop3A_354 : vector<16xi32>
          tpu.vector_store_idx %arg7[%parallel_loop3A_350], %parallel_loop3A_354 masked %parallel_loop3A_353 {add = true} : memref<4096xi32, #tpu.memory_space<vmem>>[vector<16xi32>], vector<16xi32>, vector<16xi1>
          %parallel_loop3A_432 = arith.constant 2048 : i32
          %parallel_loop3A_433 = arith.muli %parallel_loop3A_260, %parallel_loop3A_432 : i32
          %parallel_loop3A_434 = vector.broadcast %parallel_loop3A_433 : i32 to vector<16xi32>
          %parallel_loop3A_435 = arith.addi %parallel_loop3A_431, %parallel_loop3A_434 : vector<16xi32>
          tpu.vector_store_idx %arg6[%parallel_loop3A_435], %parallel_loop3A_341 : memref<8192xf32, #tpu.memory_space<vmem>>[vector<16xi32>], vector<16xf32>,
          %parallel_loop3A_436 = tpu.vector_load_idx %arg7[%parallel_loop3A_367] : memref<4096xi32, #tpu.memory_space<vmem>>[vector<16xi32>], vector<16xi32>,
          %parallel_loop3A_437 = arith.addi %parallel_loop3A_436, %parallel_loop3A_371 : vector<16xi32>
          tpu.vector_store_idx %arg7[%parallel_loop3A_367], %parallel_loop3A_371 masked %parallel_loop3A_370 {add = true} : memref<4096xi32, #tpu.memory_space<vmem>>[vector<16xi32>], vector<16xi32>, vector<16xi1>
          %parallel_loop3A_438 = arith.constant 2048 : i32
          %parallel_loop3A_439 = arith.muli %parallel_loop3A_260, %parallel_loop3A_438 : i32
          %parallel_loop3A_440 = vector.broadcast %parallel_loop3A_439 : i32 to vector<16xi32>
          %parallel_loop3A_441 = arith.addi %parallel_loop3A_437, %parallel_loop3A_440 : vector<16xi32>
          tpu.vector_store_idx %arg6[%parallel_loop3A_441], %parallel_loop3A_358 : memref<8192xf32, #tpu.memory_space<vmem>>[vector<16xi32>], vector<16xf32>,
          %parallel_loop3A_442 = tpu.vector_load_idx %arg7[%parallel_loop3A_384] : memref<4096xi32, #tpu.memory_space<vmem>>[vector<16xi32>], vector<16xi32>,
          %parallel_loop3A_443 = arith.addi %parallel_loop3A_442, %parallel_loop3A_388 : vector<16xi32>
          tpu.vector_store_idx %arg7[%parallel_loop3A_384], %parallel_loop3A_388 masked %parallel_loop3A_387 {add = true} : memref<4096xi32, #tpu.memory_space<vmem>>[vector<16xi32>], vector<16xi32>, vector<16xi1>
          %parallel_loop3A_444 = arith.constant 2048 : i32
          %parallel_loop3A_445 = arith.muli %parallel_loop3A_260, %parallel_loop3A_444 : i32
          %parallel_loop3A_446 = vector.broadcast %parallel_loop3A_445 : i32 to vector<16xi32>
          %parallel_loop3A_447 = arith.addi %parallel_loop3A_443, %parallel_loop3A_446 : vector<16xi32>
          tpu.vector_store_idx %arg6[%parallel_loop3A_447], %parallel_loop3A_375 : memref<8192xf32, #tpu.memory_space<vmem>>[vector<16xi32>], vector<16xf32>,
          %parallel_loop3A_448 = tpu.vector_load_idx %arg7[%parallel_loop3A_401] : memref<4096xi32, #tpu.memory_space<vmem>>[vector<16xi32>], vector<16xi32>,
          %parallel_loop3A_449 = arith.addi %parallel_loop3A_448, %parallel_loop3A_405 : vector<16xi32>
          tpu.vector_store_idx %arg7[%parallel_loop3A_401], %parallel_loop3A_405 masked %parallel_loop3A_404 {add = true} : memref<4096xi32, #tpu.memory_space<vmem>>[vector<16xi32>], vector<16xi32>, vector<16xi1>
          %parallel_loop3A_450 = arith.constant 2048 : i32
          %parallel_loop3A_451 = arith.muli %parallel_loop3A_260, %parallel_loop3A_450 : i32
          %parallel_loop3A_452 = vector.broadcast %parallel_loop3A_451 : i32 to vector<16xi32>
          %parallel_loop3A_453 = arith.addi %parallel_loop3A_449, %parallel_loop3A_452 : vector<16xi32>
          tpu.vector_store_idx %arg6[%parallel_loop3A_453], %parallel_loop3A_392 : memref<8192xf32, #tpu.memory_space<vmem>>[vector<16xi32>], vector<16xf32>,
        } {sc.loop_unroll_factor = 4 : i64, sc.parallel_access}
        %scan3A_259 = arith.constant 0 : i32
        scf.yield %scan3A_259 : i32
      }
      %scan3A_159 = arith.constant 16 : i32
      %scan3A_160 = arith.constant -1 : i32
      %scan3A_161 = arith.constant -1 : i32
      %scan3A_162 = arith.constant -1 : i32
      %scan3A_163 = arith.constant -1 : i32
      %scan3A_164 = arith.constant 0 : i32
      %scan3A_165 = arith.constant 16 : i32
      %scan3A_166 = arith.addi %scan3A_164, %scan3A_165 : i32
      %scan3A_167 = arith.constant 2 : i32
      %scan3A_168:4 = scf.for %scan3A_252 = %scan3A_164 to %scan3A_166 step %scan3A_167 iter_args(%scan3A_253 = %scan3A_160, %scan3A_254 = %scan3A_161, %scan3A_255 = %scan3A_162, %scan3A_256 = %scan3A_163) -> (i32, i32, i32, i32)  : i32 {
        %mul3A_257 = arith.constant 16 : i32
        %mul3A_258 = arith.muli %scan3A_252, %mul3A_257 : i32
        %add3A_259 = arith.constant 256 : i32
        %add3A_260 = arith.addi %add3A_259, %mul3A_258 : i32
        %get3A_261 = arith.index_cast %add3A_260 : i32 to index
        %get3A_262 = tpu.vector_load %arg7[%get3A_261] {strides = array<i32>} : memref<4096xi32, #tpu.memory_space<vmem>>, vector<16xi32>,
        %broadcast_in_dim3A_263 = arith.constant true
        %broadcast_in_dim3A_264 = vector.broadcast %broadcast_in_dim3A_263 : i1 to vector<16xi1>
        %masked_cumsum3A = tpu.scan <sum>, %get3A_262 masked %broadcast_in_dim3A_264 : vector<16xi32>, vector<16xi1> -> vector<16xi32>
        %sub3A = arith.subi %masked_cumsum3A, %get3A_262 : vector<16xi32>
        %add3A_265 = vector.broadcast %scan3A_253 : i32 to vector<16xi32>
        %add3A_266 = arith.addi %sub3A, %add3A_265 : vector<16xi32>
        %swap3A_267 = arith.index_cast %add3A_260 : i32 to index
        %swap3A_268 = tpu.vector_load %arg7[%swap3A_267] {strides = array<i32>} : memref<4096xi32, #tpu.memory_space<vmem>>, vector<16xi32>,
        tpu.vector_store %arg7[%swap3A_267], %add3A_266 {strides = array<i32>} : memref<4096xi32, #tpu.memory_space<vmem>>, vector<16xi32>,
        %reduce_sum3A_269 = arith.constant true
        %reduce_sum3A_270 = vector.broadcast %reduce_sum3A_269 : i1 to vector<16xi1>
        %reduce_sum3A_271 = tpu.scan <sum>, %get3A_262 masked %reduce_sum3A_270 : vector<16xi32>, vector<16xi1> -> vector<16xi32>
        %reduce_sum3A_272 = vector.extract %reduce_sum3A_271[15] : i32 from vector<16xi32>
        %add3A_273 = arith.addi %scan3A_253, %reduce_sum3A_272 : i32
        %mul3A_274 = arith.constant 16 : i32
        %mul3A_275 = arith.muli %scan3A_252, %mul3A_274 : i32
        %add3A_276 = arith.constant 1280 : i32
        %add3A_277 = arith.addi %add3A_276, %mul3A_275 : i32
        %get3A_278 = arith.index_cast %add3A_277 : i32 to index
        %get3A_279 = tpu.vector_load %arg7[%get3A_278] {strides = array<i32>} : memref<4096xi32, #tpu.memory_space<vmem>>, vector<16xi32>,
        %broadcast_in_dim3A_280 = arith.constant true
        %broadcast_in_dim3A_281 = vector.broadcast %broadcast_in_dim3A_280 : i1 to vector<16xi1>
        %masked_cumsum3A_282 = tpu.scan <sum>, %get3A_279 masked %broadcast_in_dim3A_281 : vector<16xi32>, vector<16xi1> -> vector<16xi32>
        %sub3A_283 = arith.subi %masked_cumsum3A_282, %get3A_279 : vector<16xi32>
        %add3A_284 = vector.broadcast %scan3A_254 : i32 to vector<16xi32>
        %add3A_285 = arith.addi %sub3A_283, %add3A_284 : vector<16xi32>
        %swap3A_286 = arith.index_cast %add3A_277 : i32 to index
        %swap3A_287 = tpu.vector_load %arg7[%swap3A_286] {strides = array<i32>} : memref<4096xi32, #tpu.memory_space<vmem>>, vector<16xi32>,
        tpu.vector_store %arg7[%swap3A_286], %add3A_285 {strides = array<i32>} : memref<4096xi32, #tpu.memory_space<vmem>>, vector<16xi32>,
        %reduce_sum3A_288 = arith.constant true
        %reduce_sum3A_289 = vector.broadcast %reduce_sum3A_288 : i1 to vector<16xi1>
        %reduce_sum3A_290 = tpu.scan <sum>, %get3A_279 masked %reduce_sum3A_289 : vector<16xi32>, vector<16xi1> -> vector<16xi32>
        %reduce_sum3A_291 = vector.extract %reduce_sum3A_290[15] : i32 from vector<16xi32>
        %add3A_292 = arith.addi %scan3A_254, %reduce_sum3A_291 : i32
        %mul3A_293 = arith.constant 16 : i32
        %mul3A_294 = arith.muli %scan3A_252, %mul3A_293 : i32
        %add3A_295 = arith.constant 2304 : i32
        %add3A_296 = arith.addi %add3A_295, %mul3A_294 : i32
        %get3A_297 = arith.index_cast %add3A_296 : i32 to index
        %get3A_298 = tpu.vector_load %arg7[%get3A_297] {strides = array<i32>} : memref<4096xi32, #tpu.memory_space<vmem>>, vector<16xi32>,
        %broadcast_in_dim3A_299 = arith.constant true
        %broadcast_in_dim3A_300 = vector.broadcast %broadcast_in_dim3A_299 : i1 to vector<16xi1>
        %masked_cumsum3A_301 = tpu.scan <sum>, %get3A_298 masked %broadcast_in_dim3A_300 : vector<16xi32>, vector<16xi1> -> vector<16xi32>
        %sub3A_302 = arith.subi %masked_cumsum3A_301, %get3A_298 : vector<16xi32>
        %add3A_303 = vector.broadcast %scan3A_255 : i32 to vector<16xi32>
        %add3A_304 = arith.addi %sub3A_302, %add3A_303 : vector<16xi32>
        %swap3A_305 = arith.index_cast %add3A_296 : i32 to index
        %swap3A_306 = tpu.vector_load %arg7[%swap3A_305] {strides = array<i32>} : memref<4096xi32, #tpu.memory_space<vmem>>, vector<16xi32>,
        tpu.vector_store %arg7[%swap3A_305], %add3A_304 {strides = array<i32>} : memref<4096xi32, #tpu.memory_space<vmem>>, vector<16xi32>,
        %reduce_sum3A_307 = arith.constant true
        %reduce_sum3A_308 = vector.broadcast %reduce_sum3A_307 : i1 to vector<16xi1>
        %reduce_sum3A_309 = tpu.scan <sum>, %get3A_298 masked %reduce_sum3A_308 : vector<16xi32>, vector<16xi1> -> vector<16xi32>
        %reduce_sum3A_310 = vector.extract %reduce_sum3A_309[15] : i32 from vector<16xi32>
        %add3A_311 = arith.addi %scan3A_255, %reduce_sum3A_310 : i32
        %mul3A_312 = arith.constant 16 : i32
        %mul3A_313 = arith.muli %scan3A_252, %mul3A_312 : i32
        %add3A_314 = arith.constant 3328 : i32
        %add3A_315 = arith.addi %add3A_314, %mul3A_313 : i32
        %get3A_316 = arith.index_cast %add3A_315 : i32 to index
        %get3A_317 = tpu.vector_load %arg7[%get3A_316] {strides = array<i32>} : memref<4096xi32, #tpu.memory_space<vmem>>, vector<16xi32>,
        %broadcast_in_dim3A_318 = arith.constant true
        %broadcast_in_dim3A_319 = vector.broadcast %broadcast_in_dim3A_318 : i1 to vector<16xi1>
        %masked_cumsum3A_320 = tpu.scan <sum>, %get3A_317 masked %broadcast_in_dim3A_319 : vector<16xi32>, vector<16xi1> -> vector<16xi32>
        %sub3A_321 = arith.subi %masked_cumsum3A_320, %get3A_317 : vector<16xi32>
        %add3A_322 = vector.broadcast %scan3A_256 : i32 to vector<16xi32>
        %add3A_323 = arith.addi %sub3A_321, %add3A_322 : vector<16xi32>
        %swap3A_324 = arith.index_cast %add3A_315 : i32 to index
        %swap3A_325 = tpu.vector_load %arg7[%swap3A_324] {strides = array<i32>} : memref<4096xi32, #tpu.memory_space<vmem>>, vector<16xi32>,
        tpu.vector_store %arg7[%swap3A_324], %add3A_323 {strides = array<i32>} : memref<4096xi32, #tpu.memory_space<vmem>>, vector<16xi32>,
        %reduce_sum3A_326 = arith.constant true
        %reduce_sum3A_327 = vector.broadcast %reduce_sum3A_326 : i1 to vector<16xi1>
        %reduce_sum3A_328 = tpu.scan <sum>, %get3A_317 masked %reduce_sum3A_327 : vector<16xi32>, vector<16xi1> -> vector<16xi32>
        %reduce_sum3A_329 = vector.extract %reduce_sum3A_328[15] : i32 from vector<16xi32>
        %add3A_330 = arith.addi %scan3A_256, %reduce_sum3A_329 : i32
        %scan3A_331 = arith.constant 1 : i32
        %scan3A_332 = arith.addi %scan3A_252, %scan3A_331 : i32
        %mul3A_333 = arith.constant 16 : i32
        %mul3A_334 = arith.muli %scan3A_332, %mul3A_333 : i32
        %add3A_335 = arith.constant 256 : i32
        %add3A_336 = arith.addi %add3A_335, %mul3A_334 : i32
        %get3A_337 = arith.index_cast %add3A_336 : i32 to index
        %get3A_338 = tpu.vector_load %arg7[%get3A_337] {strides = array<i32>} : memref<4096xi32, #tpu.memory_space<vmem>>, vector<16xi32>,
        %broadcast_in_dim3A_339 = arith.constant true
        %broadcast_in_dim3A_340 = vector.broadcast %broadcast_in_dim3A_339 : i1 to vector<16xi1>
        %masked_cumsum3A_341 = tpu.scan <sum>, %get3A_338 masked %broadcast_in_dim3A_340 : vector<16xi32>, vector<16xi1> -> vector<16xi32>
        %sub3A_342 = arith.subi %masked_cumsum3A_341, %get3A_338 : vector<16xi32>
        %add3A_343 = vector.broadcast %add3A_273 : i32 to vector<16xi32>
        %add3A_344 = arith.addi %sub3A_342, %add3A_343 : vector<16xi32>
        %swap3A_345 = arith.index_cast %add3A_336 : i32 to index
        %swap3A_346 = tpu.vector_load %arg7[%swap3A_345] {strides = array<i32>} : memref<4096xi32, #tpu.memory_space<vmem>>, vector<16xi32>,
        tpu.vector_store %arg7[%swap3A_345], %add3A_344 {strides = array<i32>} : memref<4096xi32, #tpu.memory_space<vmem>>, vector<16xi32>,
        %reduce_sum3A_347 = arith.constant true
        %reduce_sum3A_348 = vector.broadcast %reduce_sum3A_347 : i1 to vector<16xi1>
        %reduce_sum3A_349 = tpu.scan <sum>, %get3A_338 masked %reduce_sum3A_348 : vector<16xi32>, vector<16xi1> -> vector<16xi32>
        %reduce_sum3A_350 = vector.extract %reduce_sum3A_349[15] : i32 from vector<16xi32>
        %add3A_351 = arith.addi %add3A_273, %reduce_sum3A_350 : i32
        %mul3A_352 = arith.constant 16 : i32
        %mul3A_353 = arith.muli %scan3A_332, %mul3A_352 : i32
        %add3A_354 = arith.constant 1280 : i32
        %add3A_355 = arith.addi %add3A_354, %mul3A_353 : i32
        %get3A_356 = arith.index_cast %add3A_355 : i32 to index
        %get3A_357 = tpu.vector_load %arg7[%get3A_356] {strides = array<i32>} : memref<4096xi32, #tpu.memory_space<vmem>>, vector<16xi32>,
        %broadcast_in_dim3A_358 = arith.constant true
        %broadcast_in_dim3A_359 = vector.broadcast %broadcast_in_dim3A_358 : i1 to vector<16xi1>
        %masked_cumsum3A_360 = tpu.scan <sum>, %get3A_357 masked %broadcast_in_dim3A_359 : vector<16xi32>, vector<16xi1> -> vector<16xi32>
        %sub3A_361 = arith.subi %masked_cumsum3A_360, %get3A_357 : vector<16xi32>
        %add3A_362 = vector.broadcast %add3A_292 : i32 to vector<16xi32>
        %add3A_363 = arith.addi %sub3A_361, %add3A_362 : vector<16xi32>
        %swap3A_364 = arith.index_cast %add3A_355 : i32 to index
        %swap3A_365 = tpu.vector_load %arg7[%swap3A_364] {strides = array<i32>} : memref<4096xi32, #tpu.memory_space<vmem>>, vector<16xi32>,
        tpu.vector_store %arg7[%swap3A_364], %add3A_363 {strides = array<i32>} : memref<4096xi32, #tpu.memory_space<vmem>>, vector<16xi32>,
        %reduce_sum3A_366 = arith.constant true
        %reduce_sum3A_367 = vector.broadcast %reduce_sum3A_366 : i1 to vector<16xi1>
        %reduce_sum3A_368 = tpu.scan <sum>, %get3A_357 masked %reduce_sum3A_367 : vector<16xi32>, vector<16xi1> -> vector<16xi32>
        %reduce_sum3A_369 = vector.extract %reduce_sum3A_368[15] : i32 from vector<16xi32>
        %add3A_370 = arith.addi %add3A_292, %reduce_sum3A_369 : i32
        %mul3A_371 = arith.constant 16 : i32
        %mul3A_372 = arith.muli %scan3A_332, %mul3A_371 : i32
        %add3A_373 = arith.constant 2304 : i32
        %add3A_374 = arith.addi %add3A_373, %mul3A_372 : i32
        %get3A_375 = arith.index_cast %add3A_374 : i32 to index
        %get3A_376 = tpu.vector_load %arg7[%get3A_375] {strides = array<i32>} : memref<4096xi32, #tpu.memory_space<vmem>>, vector<16xi32>,
        %broadcast_in_dim3A_377 = arith.constant true
        %broadcast_in_dim3A_378 = vector.broadcast %broadcast_in_dim3A_377 : i1 to vector<16xi1>
        %masked_cumsum3A_379 = tpu.scan <sum>, %get3A_376 masked %broadcast_in_dim3A_378 : vector<16xi32>, vector<16xi1> -> vector<16xi32>
        %sub3A_380 = arith.subi %masked_cumsum3A_379, %get3A_376 : vector<16xi32>
        %add3A_381 = vector.broadcast %add3A_311 : i32 to vector<16xi32>
        %add3A_382 = arith.addi %sub3A_380, %add3A_381 : vector<16xi32>
        %swap3A_383 = arith.index_cast %add3A_374 : i32 to index
        %swap3A_384 = tpu.vector_load %arg7[%swap3A_383] {strides = array<i32>} : memref<4096xi32, #tpu.memory_space<vmem>>, vector<16xi32>,
        tpu.vector_store %arg7[%swap3A_383], %add3A_382 {strides = array<i32>} : memref<4096xi32, #tpu.memory_space<vmem>>, vector<16xi32>,
        %reduce_sum3A_385 = arith.constant true
        %reduce_sum3A_386 = vector.broadcast %reduce_sum3A_385 : i1 to vector<16xi1>
        %reduce_sum3A_387 = tpu.scan <sum>, %get3A_376 masked %reduce_sum3A_386 : vector<16xi32>, vector<16xi1> -> vector<16xi32>
        %reduce_sum3A_388 = vector.extract %reduce_sum3A_387[15] : i32 from vector<16xi32>
        %add3A_389 = arith.addi %add3A_311, %reduce_sum3A_388 : i32
        %mul3A_390 = arith.constant 16 : i32
        %mul3A_391 = arith.muli %scan3A_332, %mul3A_390 : i32
        %add3A_392 = arith.constant 3328 : i32
        %add3A_393 = arith.addi %add3A_392, %mul3A_391 : i32
        %get3A_394 = arith.index_cast %add3A_393 : i32 to index
        %get3A_395 = tpu.vector_load %arg7[%get3A_394] {strides = array<i32>} : memref<4096xi32, #tpu.memory_space<vmem>>, vector<16xi32>,
        %broadcast_in_dim3A_396 = arith.constant true
        %broadcast_in_dim3A_397 = vector.broadcast %broadcast_in_dim3A_396 : i1 to vector<16xi1>
        %masked_cumsum3A_398 = tpu.scan <sum>, %get3A_395 masked %broadcast_in_dim3A_397 : vector<16xi32>, vector<16xi1> -> vector<16xi32>
        %sub3A_399 = arith.subi %masked_cumsum3A_398, %get3A_395 : vector<16xi32>
        %add3A_400 = vector.broadcast %add3A_330 : i32 to vector<16xi32>
        %add3A_401 = arith.addi %sub3A_399, %add3A_400 : vector<16xi32>
        %swap3A_402 = arith.index_cast %add3A_393 : i32 to index
        %swap3A_403 = tpu.vector_load %arg7[%swap3A_402] {strides = array<i32>} : memref<4096xi32, #tpu.memory_space<vmem>>, vector<16xi32>,
        tpu.vector_store %arg7[%swap3A_402], %add3A_401 {strides = array<i32>} : memref<4096xi32, #tpu.memory_space<vmem>>, vector<16xi32>,
        %reduce_sum3A_404 = arith.constant true
        %reduce_sum3A_405 = vector.broadcast %reduce_sum3A_404 : i1 to vector<16xi1>
        %reduce_sum3A_406 = tpu.scan <sum>, %get3A_395 masked %reduce_sum3A_405 : vector<16xi32>, vector<16xi1> -> vector<16xi32>
        %reduce_sum3A_407 = vector.extract %reduce_sum3A_406[15] : i32 from vector<16xi32>
        %add3A_408 = arith.addi %add3A_330, %reduce_sum3A_407 : i32
        scf.yield %add3A_351, %add3A_370, %add3A_389, %add3A_408 : i32, i32, i32, i32
      }
      %scan3A_169 = arith.constant 16 : i32
      %scan3A_170 = arith.constant 0 : i32
      %scan3A_171 = arith.constant 0 : i32
      %scan3A_172 = arith.constant 16 : i32
      %scan3A_173 = arith.addi %scan3A_171, %scan3A_172 : i32
      %scan3A_174 = arith.constant 1 : i32
      %scan3A_175 = scf.for %scan3A_252 = %scan3A_171 to %scan3A_173 step %scan3A_174 iter_args(%scan3A_253 = %scan3A_170) -> (i32)  : i32 {
        %mul3A_254 = arith.constant 128 : i32
        %mul3A_255 = arith.muli %scan3A_252, %mul3A_254 : i32
        %parallel_loop3A_256 = arith.constant 0 : i32
        %parallel_loop3A_257 = arith.constant 4 : i32
        %parallel_loop3A_258 = arith.constant 1 : i32
        scf.for %parallel_loop3A_260 = %parallel_loop3A_256 to %parallel_loop3A_257 step %parallel_loop3A_258  : i32 {
          %parallel_loop3A_261 = arith.constant 4 : i32
          %parallel_loop3A_262 = arith.muli %parallel_loop3A_260, %parallel_loop3A_261 : i32
          %parallel_loop3A_263 = arith.constant 1 : i32
          %parallel_loop3A_264 = arith.addi %parallel_loop3A_262, %parallel_loop3A_263 : i32
          %parallel_loop3A_265 = arith.constant 256 : i32
          %parallel_loop3A_266 = arith.muli %parallel_loop3A_264, %parallel_loop3A_265 : i32
          %parallel_loop3A_267 = arith.constant 2048 : i32
          %parallel_loop3A_268 = arith.muli %parallel_loop3A_260, %parallel_loop3A_267 : i32
          %parallel_loop3A_269 = arith.addi %parallel_loop3A_268, %mul3A_255 : i32
          %parallel_loop3A_270 = arith.constant 0 : i32
          %parallel_loop3A_271 = arith.addi %parallel_loop3A_269, %parallel_loop3A_270 : i32
          %parallel_loop3A_272 = arith.index_cast %parallel_loop3A_271 : i32 to index
          %parallel_loop3A_273 = tpu.vector_load %arg6[%parallel_loop3A_272] {strides = array<i32>} : memref<8192xf32, #tpu.memory_space<vmem>>, vector<16xf32>,
          %parallel_loop3A_274 = vector.bitcast %parallel_loop3A_273 : vector<16xf32> to vector<16xi32>
          %parallel_loop3A_275 = arith.constant 8 : i32
          %parallel_loop3A_276 = vector.broadcast %parallel_loop3A_275 : i32 to vector<16xi32>
          %parallel_loop3A_277 = arith.shrui %parallel_loop3A_274, %parallel_loop3A_276 : vector<16xi32>
          %parallel_loop3A_278 = arith.constant 255 : i32
          %parallel_loop3A_279 = vector.broadcast %parallel_loop3A_278 : i32 to vector<16xi32>
          %parallel_loop3A_280 = arith.andi %parallel_loop3A_277, %parallel_loop3A_279 : vector<16xi32>
          %parallel_loop3A_281 = vector.broadcast %parallel_loop3A_266 : i32 to vector<16xi32>
          %parallel_loop3A_282 = arith.addi %parallel_loop3A_280, %parallel_loop3A_281 : vector<16xi32>
          %parallel_loop3A_283 = arith.constant true
          %parallel_loop3A_284 = vector.broadcast %parallel_loop3A_283 : i1 to vector<16xi1>
          %parallel_loop3A_285, %parallel_loop3A_286 = tpu.scan_count mask(%parallel_loop3A_284 : vector<16xi1>) value(%parallel_loop3A_282 : vector<16xi32>) : vector<16xi1>, vector<16xi32>
          %parallel_loop3A_287 = arith.constant 16 : i32
          %parallel_loop3A_288 = arith.addi %parallel_loop3A_269, %parallel_loop3A_287 : i32
          %parallel_loop3A_289 = arith.index_cast %parallel_loop3A_288 : i32 to index
          %parallel_loop3A_290 = tpu.vector_load %arg6[%parallel_loop3A_289] {strides = array<i32>} : memref<8192xf32, #tpu.memory_space<vmem>>, vector<16xf32>,
          %parallel_loop3A_291 = vector.bitcast %parallel_loop3A_290 : vector<16xf32> to vector<16xi32>
          %parallel_loop3A_292 = arith.constant 8 : i32
          %parallel_loop3A_293 = vector.broadcast %parallel_loop3A_292 : i32 to vector<16xi32>
          %parallel_loop3A_294 = arith.shrui %parallel_loop3A_291, %parallel_loop3A_293 : vector<16xi32>
          %parallel_loop3A_295 = arith.constant 255 : i32
          %parallel_loop3A_296 = vector.broadcast %parallel_loop3A_295 : i32 to vector<16xi32>
          %parallel_loop3A_297 = arith.andi %parallel_loop3A_294, %parallel_loop3A_296 : vector<16xi32>
          %parallel_loop3A_298 = vector.broadcast %parallel_loop3A_266 : i32 to vector<16xi32>
          %parallel_loop3A_299 = arith.addi %parallel_loop3A_297, %parallel_loop3A_298 : vector<16xi32>
          %parallel_loop3A_300 = arith.constant true
          %parallel_loop3A_301 = vector.broadcast %parallel_loop3A_300 : i1 to vector<16xi1>
          %parallel_loop3A_302, %parallel_loop3A_303 = tpu.scan_count mask(%parallel_loop3A_301 : vector<16xi1>) value(%parallel_loop3A_299 : vector<16xi32>) : vector<16xi1>, vector<16xi32>
          %parallel_loop3A_304 = arith.constant 32 : i32
          %parallel_loop3A_305 = arith.addi %parallel_loop3A_269, %parallel_loop3A_304 : i32
          %parallel_loop3A_306 = arith.index_cast %parallel_loop3A_305 : i32 to index
          %parallel_loop3A_307 = tpu.vector_load %arg6[%parallel_loop3A_306] {strides = array<i32>} : memref<8192xf32, #tpu.memory_space<vmem>>, vector<16xf32>,
          %parallel_loop3A_308 = vector.bitcast %parallel_loop3A_307 : vector<16xf32> to vector<16xi32>
          %parallel_loop3A_309 = arith.constant 8 : i32
          %parallel_loop3A_310 = vector.broadcast %parallel_loop3A_309 : i32 to vector<16xi32>
          %parallel_loop3A_311 = arith.shrui %parallel_loop3A_308, %parallel_loop3A_310 : vector<16xi32>
          %parallel_loop3A_312 = arith.constant 255 : i32
          %parallel_loop3A_313 = vector.broadcast %parallel_loop3A_312 : i32 to vector<16xi32>
          %parallel_loop3A_314 = arith.andi %parallel_loop3A_311, %parallel_loop3A_313 : vector<16xi32>
          %parallel_loop3A_315 = vector.broadcast %parallel_loop3A_266 : i32 to vector<16xi32>
          %parallel_loop3A_316 = arith.addi %parallel_loop3A_314, %parallel_loop3A_315 : vector<16xi32>
          %parallel_loop3A_317 = arith.constant true
          %parallel_loop3A_318 = vector.broadcast %parallel_loop3A_317 : i1 to vector<16xi1>
          %parallel_loop3A_319, %parallel_loop3A_320 = tpu.scan_count mask(%parallel_loop3A_318 : vector<16xi1>) value(%parallel_loop3A_316 : vector<16xi32>) : vector<16xi1>, vector<16xi32>
          %parallel_loop3A_321 = arith.constant 48 : i32
          %parallel_loop3A_322 = arith.addi %parallel_loop3A_269, %parallel_loop3A_321 : i32
          %parallel_loop3A_323 = arith.index_cast %parallel_loop3A_322 : i32 to index
          %parallel_loop3A_324 = tpu.vector_load %arg6[%parallel_loop3A_323] {strides = array<i32>} : memref<8192xf32, #tpu.memory_space<vmem>>, vector<16xf32>,
          %parallel_loop3A_325 = vector.bitcast %parallel_loop3A_324 : vector<16xf32> to vector<16xi32>
          %parallel_loop3A_326 = arith.constant 8 : i32
          %parallel_loop3A_327 = vector.broadcast %parallel_loop3A_326 : i32 to vector<16xi32>
          %parallel_loop3A_328 = arith.shrui %parallel_loop3A_325, %parallel_loop3A_327 : vector<16xi32>
          %parallel_loop3A_329 = arith.constant 255 : i32
          %parallel_loop3A_330 = vector.broadcast %parallel_loop3A_329 : i32 to vector<16xi32>
          %parallel_loop3A_331 = arith.andi %parallel_loop3A_328, %parallel_loop3A_330 : vector<16xi32>
          %parallel_loop3A_332 = vector.broadcast %parallel_loop3A_266 : i32 to vector<16xi32>
          %parallel_loop3A_333 = arith.addi %parallel_loop3A_331, %parallel_loop3A_332 : vector<16xi32>
          %parallel_loop3A_334 = arith.constant true
          %parallel_loop3A_335 = vector.broadcast %parallel_loop3A_334 : i1 to vector<16xi1>
          %parallel_loop3A_336, %parallel_loop3A_337 = tpu.scan_count mask(%parallel_loop3A_335 : vector<16xi1>) value(%parallel_loop3A_333 : vector<16xi32>) : vector<16xi1>, vector<16xi32>
          %parallel_loop3A_338 = arith.constant 64 : i32
          %parallel_loop3A_339 = arith.addi %parallel_loop3A_269, %parallel_loop3A_338 : i32
          %parallel_loop3A_340 = arith.index_cast %parallel_loop3A_339 : i32 to index
          %parallel_loop3A_341 = tpu.vector_load %arg6[%parallel_loop3A_340] {strides = array<i32>} : memref<8192xf32, #tpu.memory_space<vmem>>, vector<16xf32>,
          %parallel_loop3A_342 = vector.bitcast %parallel_loop3A_341 : vector<16xf32> to vector<16xi32>
          %parallel_loop3A_343 = arith.constant 8 : i32
          %parallel_loop3A_344 = vector.broadcast %parallel_loop3A_343 : i32 to vector<16xi32>
          %parallel_loop3A_345 = arith.shrui %parallel_loop3A_342, %parallel_loop3A_344 : vector<16xi32>
          %parallel_loop3A_346 = arith.constant 255 : i32
          %parallel_loop3A_347 = vector.broadcast %parallel_loop3A_346 : i32 to vector<16xi32>
          %parallel_loop3A_348 = arith.andi %parallel_loop3A_345, %parallel_loop3A_347 : vector<16xi32>
          %parallel_loop3A_349 = vector.broadcast %parallel_loop3A_266 : i32 to vector<16xi32>
          %parallel_loop3A_350 = arith.addi %parallel_loop3A_348, %parallel_loop3A_349 : vector<16xi32>
          %parallel_loop3A_351 = arith.constant true
          %parallel_loop3A_352 = vector.broadcast %parallel_loop3A_351 : i1 to vector<16xi1>
          %parallel_loop3A_353, %parallel_loop3A_354 = tpu.scan_count mask(%parallel_loop3A_352 : vector<16xi1>) value(%parallel_loop3A_350 : vector<16xi32>) : vector<16xi1>, vector<16xi32>
          %parallel_loop3A_355 = arith.constant 80 : i32
          %parallel_loop3A_356 = arith.addi %parallel_loop3A_269, %parallel_loop3A_355 : i32
          %parallel_loop3A_357 = arith.index_cast %parallel_loop3A_356 : i32 to index
          %parallel_loop3A_358 = tpu.vector_load %arg6[%parallel_loop3A_357] {strides = array<i32>} : memref<8192xf32, #tpu.memory_space<vmem>>, vector<16xf32>,
          %parallel_loop3A_359 = vector.bitcast %parallel_loop3A_358 : vector<16xf32> to vector<16xi32>
          %parallel_loop3A_360 = arith.constant 8 : i32
          %parallel_loop3A_361 = vector.broadcast %parallel_loop3A_360 : i32 to vector<16xi32>
          %parallel_loop3A_362 = arith.shrui %parallel_loop3A_359, %parallel_loop3A_361 : vector<16xi32>
          %parallel_loop3A_363 = arith.constant 255 : i32
          %parallel_loop3A_364 = vector.broadcast %parallel_loop3A_363 : i32 to vector<16xi32>
          %parallel_loop3A_365 = arith.andi %parallel_loop3A_362, %parallel_loop3A_364 : vector<16xi32>
          %parallel_loop3A_366 = vector.broadcast %parallel_loop3A_266 : i32 to vector<16xi32>
          %parallel_loop3A_367 = arith.addi %parallel_loop3A_365, %parallel_loop3A_366 : vector<16xi32>
          %parallel_loop3A_368 = arith.constant true
          %parallel_loop3A_369 = vector.broadcast %parallel_loop3A_368 : i1 to vector<16xi1>
          %parallel_loop3A_370, %parallel_loop3A_371 = tpu.scan_count mask(%parallel_loop3A_369 : vector<16xi1>) value(%parallel_loop3A_367 : vector<16xi32>) : vector<16xi1>, vector<16xi32>
          %parallel_loop3A_372 = arith.constant 96 : i32
          %parallel_loop3A_373 = arith.addi %parallel_loop3A_269, %parallel_loop3A_372 : i32
          %parallel_loop3A_374 = arith.index_cast %parallel_loop3A_373 : i32 to index
          %parallel_loop3A_375 = tpu.vector_load %arg6[%parallel_loop3A_374] {strides = array<i32>} : memref<8192xf32, #tpu.memory_space<vmem>>, vector<16xf32>,
          %parallel_loop3A_376 = vector.bitcast %parallel_loop3A_375 : vector<16xf32> to vector<16xi32>
          %parallel_loop3A_377 = arith.constant 8 : i32
          %parallel_loop3A_378 = vector.broadcast %parallel_loop3A_377 : i32 to vector<16xi32>
          %parallel_loop3A_379 = arith.shrui %parallel_loop3A_376, %parallel_loop3A_378 : vector<16xi32>
          %parallel_loop3A_380 = arith.constant 255 : i32
          %parallel_loop3A_381 = vector.broadcast %parallel_loop3A_380 : i32 to vector<16xi32>
          %parallel_loop3A_382 = arith.andi %parallel_loop3A_379, %parallel_loop3A_381 : vector<16xi32>
          %parallel_loop3A_383 = vector.broadcast %parallel_loop3A_266 : i32 to vector<16xi32>
          %parallel_loop3A_384 = arith.addi %parallel_loop3A_382, %parallel_loop3A_383 : vector<16xi32>
          %parallel_loop3A_385 = arith.constant true
          %parallel_loop3A_386 = vector.broadcast %parallel_loop3A_385 : i1 to vector<16xi1>
          %parallel_loop3A_387, %parallel_loop3A_388 = tpu.scan_count mask(%parallel_loop3A_386 : vector<16xi1>) value(%parallel_loop3A_384 : vector<16xi32>) : vector<16xi1>, vector<16xi32>
          %parallel_loop3A_389 = arith.constant 112 : i32
          %parallel_loop3A_390 = arith.addi %parallel_loop3A_269, %parallel_loop3A_389 : i32
          %parallel_loop3A_391 = arith.index_cast %parallel_loop3A_390 : i32 to index
          %parallel_loop3A_392 = tpu.vector_load %arg6[%parallel_loop3A_391] {strides = array<i32>} : memref<8192xf32, #tpu.memory_space<vmem>>, vector<16xf32>,
          %parallel_loop3A_393 = vector.bitcast %parallel_loop3A_392 : vector<16xf32> to vector<16xi32>
          %parallel_loop3A_394 = arith.constant 8 : i32
          %parallel_loop3A_395 = vector.broadcast %parallel_loop3A_394 : i32 to vector<16xi32>
          %parallel_loop3A_396 = arith.shrui %parallel_loop3A_393, %parallel_loop3A_395 : vector<16xi32>
          %parallel_loop3A_397 = arith.constant 255 : i32
          %parallel_loop3A_398 = vector.broadcast %parallel_loop3A_397 : i32 to vector<16xi32>
          %parallel_loop3A_399 = arith.andi %parallel_loop3A_396, %parallel_loop3A_398 : vector<16xi32>
          %parallel_loop3A_400 = vector.broadcast %parallel_loop3A_266 : i32 to vector<16xi32>
          %parallel_loop3A_401 = arith.addi %parallel_loop3A_399, %parallel_loop3A_400 : vector<16xi32>
          %parallel_loop3A_402 = arith.constant true
          %parallel_loop3A_403 = vector.broadcast %parallel_loop3A_402 : i1 to vector<16xi1>
          %parallel_loop3A_404, %parallel_loop3A_405 = tpu.scan_count mask(%parallel_loop3A_403 : vector<16xi1>) value(%parallel_loop3A_401 : vector<16xi32>) : vector<16xi1>, vector<16xi32>
          %parallel_loop3A_406 = tpu.vector_load_idx %arg7[%parallel_loop3A_282] : memref<4096xi32, #tpu.memory_space<vmem>>[vector<16xi32>], vector<16xi32>,
          %parallel_loop3A_407 = arith.addi %parallel_loop3A_406, %parallel_loop3A_286 : vector<16xi32>
          tpu.vector_store_idx %arg7[%parallel_loop3A_282], %parallel_loop3A_286 masked %parallel_loop3A_285 {add = true} : memref<4096xi32, #tpu.memory_space<vmem>>[vector<16xi32>], vector<16xi32>, vector<16xi1>
          %parallel_loop3A_408 = arith.constant 2048 : i32
          %parallel_loop3A_409 = arith.muli %parallel_loop3A_260, %parallel_loop3A_408 : i32
          %parallel_loop3A_410 = vector.broadcast %parallel_loop3A_409 : i32 to vector<16xi32>
          %parallel_loop3A_411 = arith.addi %parallel_loop3A_407, %parallel_loop3A_410 : vector<16xi32>
          tpu.vector_store_idx %arg5[%parallel_loop3A_411], %parallel_loop3A_273 : memref<8192xf32, #tpu.memory_space<vmem>>[vector<16xi32>], vector<16xf32>,
          %parallel_loop3A_412 = tpu.vector_load_idx %arg7[%parallel_loop3A_299] : memref<4096xi32, #tpu.memory_space<vmem>>[vector<16xi32>], vector<16xi32>,
          %parallel_loop3A_413 = arith.addi %parallel_loop3A_412, %parallel_loop3A_303 : vector<16xi32>
          tpu.vector_store_idx %arg7[%parallel_loop3A_299], %parallel_loop3A_303 masked %parallel_loop3A_302 {add = true} : memref<4096xi32, #tpu.memory_space<vmem>>[vector<16xi32>], vector<16xi32>, vector<16xi1>
          %parallel_loop3A_414 = arith.constant 2048 : i32
          %parallel_loop3A_415 = arith.muli %parallel_loop3A_260, %parallel_loop3A_414 : i32
          %parallel_loop3A_416 = vector.broadcast %parallel_loop3A_415 : i32 to vector<16xi32>
          %parallel_loop3A_417 = arith.addi %parallel_loop3A_413, %parallel_loop3A_416 : vector<16xi32>
          tpu.vector_store_idx %arg5[%parallel_loop3A_417], %parallel_loop3A_290 : memref<8192xf32, #tpu.memory_space<vmem>>[vector<16xi32>], vector<16xf32>,
          %parallel_loop3A_418 = tpu.vector_load_idx %arg7[%parallel_loop3A_316] : memref<4096xi32, #tpu.memory_space<vmem>>[vector<16xi32>], vector<16xi32>,
          %parallel_loop3A_419 = arith.addi %parallel_loop3A_418, %parallel_loop3A_320 : vector<16xi32>
          tpu.vector_store_idx %arg7[%parallel_loop3A_316], %parallel_loop3A_320 masked %parallel_loop3A_319 {add = true} : memref<4096xi32, #tpu.memory_space<vmem>>[vector<16xi32>], vector<16xi32>, vector<16xi1>
          %parallel_loop3A_420 = arith.constant 2048 : i32
          %parallel_loop3A_421 = arith.muli %parallel_loop3A_260, %parallel_loop3A_420 : i32
          %parallel_loop3A_422 = vector.broadcast %parallel_loop3A_421 : i32 to vector<16xi32>
          %parallel_loop3A_423 = arith.addi %parallel_loop3A_419, %parallel_loop3A_422 : vector<16xi32>
          tpu.vector_store_idx %arg5[%parallel_loop3A_423], %parallel_loop3A_307 : memref<8192xf32, #tpu.memory_space<vmem>>[vector<16xi32>], vector<16xf32>,
          %parallel_loop3A_424 = tpu.vector_load_idx %arg7[%parallel_loop3A_333] : memref<4096xi32, #tpu.memory_space<vmem>>[vector<16xi32>], vector<16xi32>,
          %parallel_loop3A_425 = arith.addi %parallel_loop3A_424, %parallel_loop3A_337 : vector<16xi32>
          tpu.vector_store_idx %arg7[%parallel_loop3A_333], %parallel_loop3A_337 masked %parallel_loop3A_336 {add = true} : memref<4096xi32, #tpu.memory_space<vmem>>[vector<16xi32>], vector<16xi32>, vector<16xi1>
          %parallel_loop3A_426 = arith.constant 2048 : i32
          %parallel_loop3A_427 = arith.muli %parallel_loop3A_260, %parallel_loop3A_426 : i32
          %parallel_loop3A_428 = vector.broadcast %parallel_loop3A_427 : i32 to vector<16xi32>
          %parallel_loop3A_429 = arith.addi %parallel_loop3A_425, %parallel_loop3A_428 : vector<16xi32>
          tpu.vector_store_idx %arg5[%parallel_loop3A_429], %parallel_loop3A_324 : memref<8192xf32, #tpu.memory_space<vmem>>[vector<16xi32>], vector<16xf32>,
          %parallel_loop3A_430 = tpu.vector_load_idx %arg7[%parallel_loop3A_350] : memref<4096xi32, #tpu.memory_space<vmem>>[vector<16xi32>], vector<16xi32>,
          %parallel_loop3A_431 = arith.addi %parallel_loop3A_430, %parallel_loop3A_354 : vector<16xi32>
          tpu.vector_store_idx %arg7[%parallel_loop3A_350], %parallel_loop3A_354 masked %parallel_loop3A_353 {add = true} : memref<4096xi32, #tpu.memory_space<vmem>>[vector<16xi32>], vector<16xi32>, vector<16xi1>
          %parallel_loop3A_432 = arith.constant 2048 : i32
          %parallel_loop3A_433 = arith.muli %parallel_loop3A_260, %parallel_loop3A_432 : i32
          %parallel_loop3A_434 = vector.broadcast %parallel_loop3A_433 : i32 to vector<16xi32>
          %parallel_loop3A_435 = arith.addi %parallel_loop3A_431, %parallel_loop3A_434 : vector<16xi32>
          tpu.vector_store_idx %arg5[%parallel_loop3A_435], %parallel_loop3A_341 : memref<8192xf32, #tpu.memory_space<vmem>>[vector<16xi32>], vector<16xf32>,
          %parallel_loop3A_436 = tpu.vector_load_idx %arg7[%parallel_loop3A_367] : memref<4096xi32, #tpu.memory_space<vmem>>[vector<16xi32>], vector<16xi32>,
          %parallel_loop3A_437 = arith.addi %parallel_loop3A_436, %parallel_loop3A_371 : vector<16xi32>
          tpu.vector_store_idx %arg7[%parallel_loop3A_367], %parallel_loop3A_371 masked %parallel_loop3A_370 {add = true} : memref<4096xi32, #tpu.memory_space<vmem>>[vector<16xi32>], vector<16xi32>, vector<16xi1>
          %parallel_loop3A_438 = arith.constant 2048 : i32
          %parallel_loop3A_439 = arith.muli %parallel_loop3A_260, %parallel_loop3A_438 : i32
          %parallel_loop3A_440 = vector.broadcast %parallel_loop3A_439 : i32 to vector<16xi32>
          %parallel_loop3A_441 = arith.addi %parallel_loop3A_437, %parallel_loop3A_440 : vector<16xi32>
          tpu.vector_store_idx %arg5[%parallel_loop3A_441], %parallel_loop3A_358 : memref<8192xf32, #tpu.memory_space<vmem>>[vector<16xi32>], vector<16xf32>,
          %parallel_loop3A_442 = tpu.vector_load_idx %arg7[%parallel_loop3A_384] : memref<4096xi32, #tpu.memory_space<vmem>>[vector<16xi32>], vector<16xi32>,
          %parallel_loop3A_443 = arith.addi %parallel_loop3A_442, %parallel_loop3A_388 : vector<16xi32>
          tpu.vector_store_idx %arg7[%parallel_loop3A_384], %parallel_loop3A_388 masked %parallel_loop3A_387 {add = true} : memref<4096xi32, #tpu.memory_space<vmem>>[vector<16xi32>], vector<16xi32>, vector<16xi1>
          %parallel_loop3A_444 = arith.constant 2048 : i32
          %parallel_loop3A_445 = arith.muli %parallel_loop3A_260, %parallel_loop3A_444 : i32
          %parallel_loop3A_446 = vector.broadcast %parallel_loop3A_445 : i32 to vector<16xi32>
          %parallel_loop3A_447 = arith.addi %parallel_loop3A_443, %parallel_loop3A_446 : vector<16xi32>
          tpu.vector_store_idx %arg5[%parallel_loop3A_447], %parallel_loop3A_375 : memref<8192xf32, #tpu.memory_space<vmem>>[vector<16xi32>], vector<16xf32>,
          %parallel_loop3A_448 = tpu.vector_load_idx %arg7[%parallel_loop3A_401] : memref<4096xi32, #tpu.memory_space<vmem>>[vector<16xi32>], vector<16xi32>,
          %parallel_loop3A_449 = arith.addi %parallel_loop3A_448, %parallel_loop3A_405 : vector<16xi32>
          tpu.vector_store_idx %arg7[%parallel_loop3A_401], %parallel_loop3A_405 masked %parallel_loop3A_404 {add = true} : memref<4096xi32, #tpu.memory_space<vmem>>[vector<16xi32>], vector<16xi32>, vector<16xi1>
          %parallel_loop3A_450 = arith.constant 2048 : i32
          %parallel_loop3A_451 = arith.muli %parallel_loop3A_260, %parallel_loop3A_450 : i32
          %parallel_loop3A_452 = vector.broadcast %parallel_loop3A_451 : i32 to vector<16xi32>
          %parallel_loop3A_453 = arith.addi %parallel_loop3A_449, %parallel_loop3A_452 : vector<16xi32>
          tpu.vector_store_idx %arg5[%parallel_loop3A_453], %parallel_loop3A_392 : memref<8192xf32, #tpu.memory_space<vmem>>[vector<16xi32>], vector<16xf32>,
        } {sc.loop_unroll_factor = 4 : i64, sc.parallel_access}
        %scan3A_259 = arith.constant 0 : i32
        scf.yield %scan3A_259 : i32
      }
      %scan3A_176 = arith.constant 16 : i32
      %scan3A_177 = arith.constant -1 : i32
      %scan3A_178 = arith.constant -1 : i32
      %scan3A_179 = arith.constant -1 : i32
      %scan3A_180 = arith.constant -1 : i32
      %scan3A_181 = arith.constant 0 : i32
      %scan3A_182 = arith.constant 16 : i32
      %scan3A_183 = arith.addi %scan3A_181, %scan3A_182 : i32
      %scan3A_184 = arith.constant 2 : i32
      %scan3A_185:4 = scf.for %scan3A_252 = %scan3A_181 to %scan3A_183 step %scan3A_184 iter_args(%scan3A_253 = %scan3A_177, %scan3A_254 = %scan3A_178, %scan3A_255 = %scan3A_179, %scan3A_256 = %scan3A_180) -> (i32, i32, i32, i32)  : i32 {
        %mul3A_257 = arith.constant 16 : i32
        %mul3A_258 = arith.muli %scan3A_252, %mul3A_257 : i32
        %add3A_259 = arith.constant 512 : i32
        %add3A_260 = arith.addi %add3A_259, %mul3A_258 : i32
        %get3A_261 = arith.index_cast %add3A_260 : i32 to index
        %get3A_262 = tpu.vector_load %arg7[%get3A_261] {strides = array<i32>} : memref<4096xi32, #tpu.memory_space<vmem>>, vector<16xi32>,
        %broadcast_in_dim3A_263 = arith.constant true
        %broadcast_in_dim3A_264 = vector.broadcast %broadcast_in_dim3A_263 : i1 to vector<16xi1>
        %masked_cumsum3A = tpu.scan <sum>, %get3A_262 masked %broadcast_in_dim3A_264 : vector<16xi32>, vector<16xi1> -> vector<16xi32>
        %sub3A = arith.subi %masked_cumsum3A, %get3A_262 : vector<16xi32>
        %add3A_265 = vector.broadcast %scan3A_253 : i32 to vector<16xi32>
        %add3A_266 = arith.addi %sub3A, %add3A_265 : vector<16xi32>
        %swap3A_267 = arith.index_cast %add3A_260 : i32 to index
        %swap3A_268 = tpu.vector_load %arg7[%swap3A_267] {strides = array<i32>} : memref<4096xi32, #tpu.memory_space<vmem>>, vector<16xi32>,
        tpu.vector_store %arg7[%swap3A_267], %add3A_266 {strides = array<i32>} : memref<4096xi32, #tpu.memory_space<vmem>>, vector<16xi32>,
        %reduce_sum3A_269 = arith.constant true
        %reduce_sum3A_270 = vector.broadcast %reduce_sum3A_269 : i1 to vector<16xi1>
        %reduce_sum3A_271 = tpu.scan <sum>, %get3A_262 masked %reduce_sum3A_270 : vector<16xi32>, vector<16xi1> -> vector<16xi32>
        %reduce_sum3A_272 = vector.extract %reduce_sum3A_271[15] : i32 from vector<16xi32>
        %add3A_273 = arith.addi %scan3A_253, %reduce_sum3A_272 : i32
        %mul3A_274 = arith.constant 16 : i32
        %mul3A_275 = arith.muli %scan3A_252, %mul3A_274 : i32
        %add3A_276 = arith.constant 1536 : i32
        %add3A_277 = arith.addi %add3A_276, %mul3A_275 : i32
        %get3A_278 = arith.index_cast %add3A_277 : i32 to index
        %get3A_279 = tpu.vector_load %arg7[%get3A_278] {strides = array<i32>} : memref<4096xi32, #tpu.memory_space<vmem>>, vector<16xi32>,
        %broadcast_in_dim3A_280 = arith.constant true
        %broadcast_in_dim3A_281 = vector.broadcast %broadcast_in_dim3A_280 : i1 to vector<16xi1>
        %masked_cumsum3A_282 = tpu.scan <sum>, %get3A_279 masked %broadcast_in_dim3A_281 : vector<16xi32>, vector<16xi1> -> vector<16xi32>
        %sub3A_283 = arith.subi %masked_cumsum3A_282, %get3A_279 : vector<16xi32>
        %add3A_284 = vector.broadcast %scan3A_254 : i32 to vector<16xi32>
        %add3A_285 = arith.addi %sub3A_283, %add3A_284 : vector<16xi32>
        %swap3A_286 = arith.index_cast %add3A_277 : i32 to index
        %swap3A_287 = tpu.vector_load %arg7[%swap3A_286] {strides = array<i32>} : memref<4096xi32, #tpu.memory_space<vmem>>, vector<16xi32>,
        tpu.vector_store %arg7[%swap3A_286], %add3A_285 {strides = array<i32>} : memref<4096xi32, #tpu.memory_space<vmem>>, vector<16xi32>,
        %reduce_sum3A_288 = arith.constant true
        %reduce_sum3A_289 = vector.broadcast %reduce_sum3A_288 : i1 to vector<16xi1>
        %reduce_sum3A_290 = tpu.scan <sum>, %get3A_279 masked %reduce_sum3A_289 : vector<16xi32>, vector<16xi1> -> vector<16xi32>
        %reduce_sum3A_291 = vector.extract %reduce_sum3A_290[15] : i32 from vector<16xi32>
        %add3A_292 = arith.addi %scan3A_254, %reduce_sum3A_291 : i32
        %mul3A_293 = arith.constant 16 : i32
        %mul3A_294 = arith.muli %scan3A_252, %mul3A_293 : i32
        %add3A_295 = arith.constant 2560 : i32
        %add3A_296 = arith.addi %add3A_295, %mul3A_294 : i32
        %get3A_297 = arith.index_cast %add3A_296 : i32 to index
        %get3A_298 = tpu.vector_load %arg7[%get3A_297] {strides = array<i32>} : memref<4096xi32, #tpu.memory_space<vmem>>, vector<16xi32>,
        %broadcast_in_dim3A_299 = arith.constant true
        %broadcast_in_dim3A_300 = vector.broadcast %broadcast_in_dim3A_299 : i1 to vector<16xi1>
        %masked_cumsum3A_301 = tpu.scan <sum>, %get3A_298 masked %broadcast_in_dim3A_300 : vector<16xi32>, vector<16xi1> -> vector<16xi32>
        %sub3A_302 = arith.subi %masked_cumsum3A_301, %get3A_298 : vector<16xi32>
        %add3A_303 = vector.broadcast %scan3A_255 : i32 to vector<16xi32>
        %add3A_304 = arith.addi %sub3A_302, %add3A_303 : vector<16xi32>
        %swap3A_305 = arith.index_cast %add3A_296 : i32 to index
        %swap3A_306 = tpu.vector_load %arg7[%swap3A_305] {strides = array<i32>} : memref<4096xi32, #tpu.memory_space<vmem>>, vector<16xi32>,
        tpu.vector_store %arg7[%swap3A_305], %add3A_304 {strides = array<i32>} : memref<4096xi32, #tpu.memory_space<vmem>>, vector<16xi32>,
        %reduce_sum3A_307 = arith.constant true
        %reduce_sum3A_308 = vector.broadcast %reduce_sum3A_307 : i1 to vector<16xi1>
        %reduce_sum3A_309 = tpu.scan <sum>, %get3A_298 masked %reduce_sum3A_308 : vector<16xi32>, vector<16xi1> -> vector<16xi32>
        %reduce_sum3A_310 = vector.extract %reduce_sum3A_309[15] : i32 from vector<16xi32>
        %add3A_311 = arith.addi %scan3A_255, %reduce_sum3A_310 : i32
        %mul3A_312 = arith.constant 16 : i32
        %mul3A_313 = arith.muli %scan3A_252, %mul3A_312 : i32
        %add3A_314 = arith.constant 3584 : i32
        %add3A_315 = arith.addi %add3A_314, %mul3A_313 : i32
        %get3A_316 = arith.index_cast %add3A_315 : i32 to index
        %get3A_317 = tpu.vector_load %arg7[%get3A_316] {strides = array<i32>} : memref<4096xi32, #tpu.memory_space<vmem>>, vector<16xi32>,
        %broadcast_in_dim3A_318 = arith.constant true
        %broadcast_in_dim3A_319 = vector.broadcast %broadcast_in_dim3A_318 : i1 to vector<16xi1>
        %masked_cumsum3A_320 = tpu.scan <sum>, %get3A_317 masked %broadcast_in_dim3A_319 : vector<16xi32>, vector<16xi1> -> vector<16xi32>
        %sub3A_321 = arith.subi %masked_cumsum3A_320, %get3A_317 : vector<16xi32>
        %add3A_322 = vector.broadcast %scan3A_256 : i32 to vector<16xi32>
        %add3A_323 = arith.addi %sub3A_321, %add3A_322 : vector<16xi32>
        %swap3A_324 = arith.index_cast %add3A_315 : i32 to index
        %swap3A_325 = tpu.vector_load %arg7[%swap3A_324] {strides = array<i32>} : memref<4096xi32, #tpu.memory_space<vmem>>, vector<16xi32>,
        tpu.vector_store %arg7[%swap3A_324], %add3A_323 {strides = array<i32>} : memref<4096xi32, #tpu.memory_space<vmem>>, vector<16xi32>,
        %reduce_sum3A_326 = arith.constant true
        %reduce_sum3A_327 = vector.broadcast %reduce_sum3A_326 : i1 to vector<16xi1>
        %reduce_sum3A_328 = tpu.scan <sum>, %get3A_317 masked %reduce_sum3A_327 : vector<16xi32>, vector<16xi1> -> vector<16xi32>
        %reduce_sum3A_329 = vector.extract %reduce_sum3A_328[15] : i32 from vector<16xi32>
        %add3A_330 = arith.addi %scan3A_256, %reduce_sum3A_329 : i32
        %scan3A_331 = arith.constant 1 : i32
        %scan3A_332 = arith.addi %scan3A_252, %scan3A_331 : i32
        %mul3A_333 = arith.constant 16 : i32
        %mul3A_334 = arith.muli %scan3A_332, %mul3A_333 : i32
        %add3A_335 = arith.constant 512 : i32
        %add3A_336 = arith.addi %add3A_335, %mul3A_334 : i32
        %get3A_337 = arith.index_cast %add3A_336 : i32 to index
        %get3A_338 = tpu.vector_load %arg7[%get3A_337] {strides = array<i32>} : memref<4096xi32, #tpu.memory_space<vmem>>, vector<16xi32>,
        %broadcast_in_dim3A_339 = arith.constant true
        %broadcast_in_dim3A_340 = vector.broadcast %broadcast_in_dim3A_339 : i1 to vector<16xi1>
        %masked_cumsum3A_341 = tpu.scan <sum>, %get3A_338 masked %broadcast_in_dim3A_340 : vector<16xi32>, vector<16xi1> -> vector<16xi32>
        %sub3A_342 = arith.subi %masked_cumsum3A_341, %get3A_338 : vector<16xi32>
        %add3A_343 = vector.broadcast %add3A_273 : i32 to vector<16xi32>
        %add3A_344 = arith.addi %sub3A_342, %add3A_343 : vector<16xi32>
        %swap3A_345 = arith.index_cast %add3A_336 : i32 to index
        %swap3A_346 = tpu.vector_load %arg7[%swap3A_345] {strides = array<i32>} : memref<4096xi32, #tpu.memory_space<vmem>>, vector<16xi32>,
        tpu.vector_store %arg7[%swap3A_345], %add3A_344 {strides = array<i32>} : memref<4096xi32, #tpu.memory_space<vmem>>, vector<16xi32>,
        %reduce_sum3A_347 = arith.constant true
        %reduce_sum3A_348 = vector.broadcast %reduce_sum3A_347 : i1 to vector<16xi1>
        %reduce_sum3A_349 = tpu.scan <sum>, %get3A_338 masked %reduce_sum3A_348 : vector<16xi32>, vector<16xi1> -> vector<16xi32>
        %reduce_sum3A_350 = vector.extract %reduce_sum3A_349[15] : i32 from vector<16xi32>
        %add3A_351 = arith.addi %add3A_273, %reduce_sum3A_350 : i32
        %mul3A_352 = arith.constant 16 : i32
        %mul3A_353 = arith.muli %scan3A_332, %mul3A_352 : i32
        %add3A_354 = arith.constant 1536 : i32
        %add3A_355 = arith.addi %add3A_354, %mul3A_353 : i32
        %get3A_356 = arith.index_cast %add3A_355 : i32 to index
        %get3A_357 = tpu.vector_load %arg7[%get3A_356] {strides = array<i32>} : memref<4096xi32, #tpu.memory_space<vmem>>, vector<16xi32>,
        %broadcast_in_dim3A_358 = arith.constant true
        %broadcast_in_dim3A_359 = vector.broadcast %broadcast_in_dim3A_358 : i1 to vector<16xi1>
        %masked_cumsum3A_360 = tpu.scan <sum>, %get3A_357 masked %broadcast_in_dim3A_359 : vector<16xi32>, vector<16xi1> -> vector<16xi32>
        %sub3A_361 = arith.subi %masked_cumsum3A_360, %get3A_357 : vector<16xi32>
        %add3A_362 = vector.broadcast %add3A_292 : i32 to vector<16xi32>
        %add3A_363 = arith.addi %sub3A_361, %add3A_362 : vector<16xi32>
        %swap3A_364 = arith.index_cast %add3A_355 : i32 to index
        %swap3A_365 = tpu.vector_load %arg7[%swap3A_364] {strides = array<i32>} : memref<4096xi32, #tpu.memory_space<vmem>>, vector<16xi32>,
        tpu.vector_store %arg7[%swap3A_364], %add3A_363 {strides = array<i32>} : memref<4096xi32, #tpu.memory_space<vmem>>, vector<16xi32>,
        %reduce_sum3A_366 = arith.constant true
        %reduce_sum3A_367 = vector.broadcast %reduce_sum3A_366 : i1 to vector<16xi1>
        %reduce_sum3A_368 = tpu.scan <sum>, %get3A_357 masked %reduce_sum3A_367 : vector<16xi32>, vector<16xi1> -> vector<16xi32>
        %reduce_sum3A_369 = vector.extract %reduce_sum3A_368[15] : i32 from vector<16xi32>
        %add3A_370 = arith.addi %add3A_292, %reduce_sum3A_369 : i32
        %mul3A_371 = arith.constant 16 : i32
        %mul3A_372 = arith.muli %scan3A_332, %mul3A_371 : i32
        %add3A_373 = arith.constant 2560 : i32
        %add3A_374 = arith.addi %add3A_373, %mul3A_372 : i32
        %get3A_375 = arith.index_cast %add3A_374 : i32 to index
        %get3A_376 = tpu.vector_load %arg7[%get3A_375] {strides = array<i32>} : memref<4096xi32, #tpu.memory_space<vmem>>, vector<16xi32>,
        %broadcast_in_dim3A_377 = arith.constant true
        %broadcast_in_dim3A_378 = vector.broadcast %broadcast_in_dim3A_377 : i1 to vector<16xi1>
        %masked_cumsum3A_379 = tpu.scan <sum>, %get3A_376 masked %broadcast_in_dim3A_378 : vector<16xi32>, vector<16xi1> -> vector<16xi32>
        %sub3A_380 = arith.subi %masked_cumsum3A_379, %get3A_376 : vector<16xi32>
        %add3A_381 = vector.broadcast %add3A_311 : i32 to vector<16xi32>
        %add3A_382 = arith.addi %sub3A_380, %add3A_381 : vector<16xi32>
        %swap3A_383 = arith.index_cast %add3A_374 : i32 to index
        %swap3A_384 = tpu.vector_load %arg7[%swap3A_383] {strides = array<i32>} : memref<4096xi32, #tpu.memory_space<vmem>>, vector<16xi32>,
        tpu.vector_store %arg7[%swap3A_383], %add3A_382 {strides = array<i32>} : memref<4096xi32, #tpu.memory_space<vmem>>, vector<16xi32>,
        %reduce_sum3A_385 = arith.constant true
        %reduce_sum3A_386 = vector.broadcast %reduce_sum3A_385 : i1 to vector<16xi1>
        %reduce_sum3A_387 = tpu.scan <sum>, %get3A_376 masked %reduce_sum3A_386 : vector<16xi32>, vector<16xi1> -> vector<16xi32>
        %reduce_sum3A_388 = vector.extract %reduce_sum3A_387[15] : i32 from vector<16xi32>
        %add3A_389 = arith.addi %add3A_311, %reduce_sum3A_388 : i32
        %mul3A_390 = arith.constant 16 : i32
        %mul3A_391 = arith.muli %scan3A_332, %mul3A_390 : i32
        %add3A_392 = arith.constant 3584 : i32
        %add3A_393 = arith.addi %add3A_392, %mul3A_391 : i32
        %get3A_394 = arith.index_cast %add3A_393 : i32 to index
        %get3A_395 = tpu.vector_load %arg7[%get3A_394] {strides = array<i32>} : memref<4096xi32, #tpu.memory_space<vmem>>, vector<16xi32>,
        %broadcast_in_dim3A_396 = arith.constant true
        %broadcast_in_dim3A_397 = vector.broadcast %broadcast_in_dim3A_396 : i1 to vector<16xi1>
        %masked_cumsum3A_398 = tpu.scan <sum>, %get3A_395 masked %broadcast_in_dim3A_397 : vector<16xi32>, vector<16xi1> -> vector<16xi32>
        %sub3A_399 = arith.subi %masked_cumsum3A_398, %get3A_395 : vector<16xi32>
        %add3A_400 = vector.broadcast %add3A_330 : i32 to vector<16xi32>
        %add3A_401 = arith.addi %sub3A_399, %add3A_400 : vector<16xi32>
        %swap3A_402 = arith.index_cast %add3A_393 : i32 to index
        %swap3A_403 = tpu.vector_load %arg7[%swap3A_402] {strides = array<i32>} : memref<4096xi32, #tpu.memory_space<vmem>>, vector<16xi32>,
        tpu.vector_store %arg7[%swap3A_402], %add3A_401 {strides = array<i32>} : memref<4096xi32, #tpu.memory_space<vmem>>, vector<16xi32>,
        %reduce_sum3A_404 = arith.constant true
        %reduce_sum3A_405 = vector.broadcast %reduce_sum3A_404 : i1 to vector<16xi1>
        %reduce_sum3A_406 = tpu.scan <sum>, %get3A_395 masked %reduce_sum3A_405 : vector<16xi32>, vector<16xi1> -> vector<16xi32>
        %reduce_sum3A_407 = vector.extract %reduce_sum3A_406[15] : i32 from vector<16xi32>
        %add3A_408 = arith.addi %add3A_330, %reduce_sum3A_407 : i32
        scf.yield %add3A_351, %add3A_370, %add3A_389, %add3A_408 : i32, i32, i32, i32
      }
      %scan3A_186 = arith.constant 16 : i32
      %scan3A_187 = arith.constant 0 : i32
      %scan3A_188 = arith.constant 0 : i32
      %scan3A_189 = arith.constant 16 : i32
      %scan3A_190 = arith.addi %scan3A_188, %scan3A_189 : i32
      %scan3A_191 = arith.constant 1 : i32
      %scan3A_192 = scf.for %scan3A_252 = %scan3A_188 to %scan3A_190 step %scan3A_191 iter_args(%scan3A_253 = %scan3A_187) -> (i32)  : i32 {
        %mul3A_254 = arith.constant 128 : i32
        %mul3A_255 = arith.muli %scan3A_252, %mul3A_254 : i32
        %parallel_loop3A_256 = arith.constant 0 : i32
        %parallel_loop3A_257 = arith.constant 4 : i32
        %parallel_loop3A_258 = arith.constant 1 : i32
        scf.for %parallel_loop3A_260 = %parallel_loop3A_256 to %parallel_loop3A_257 step %parallel_loop3A_258  : i32 {
          %parallel_loop3A_261 = arith.constant 4 : i32
          %parallel_loop3A_262 = arith.muli %parallel_loop3A_260, %parallel_loop3A_261 : i32
          %parallel_loop3A_263 = arith.constant 2 : i32
          %parallel_loop3A_264 = arith.addi %parallel_loop3A_262, %parallel_loop3A_263 : i32
          %parallel_loop3A_265 = arith.constant 256 : i32
          %parallel_loop3A_266 = arith.muli %parallel_loop3A_264, %parallel_loop3A_265 : i32
          %parallel_loop3A_267 = arith.constant 2048 : i32
          %parallel_loop3A_268 = arith.muli %parallel_loop3A_260, %parallel_loop3A_267 : i32
          %parallel_loop3A_269 = arith.addi %parallel_loop3A_268, %mul3A_255 : i32
          %parallel_loop3A_270 = arith.constant 0 : i32
          %parallel_loop3A_271 = arith.addi %parallel_loop3A_269, %parallel_loop3A_270 : i32
          %parallel_loop3A_272 = arith.index_cast %parallel_loop3A_271 : i32 to index
          %parallel_loop3A_273 = tpu.vector_load %arg5[%parallel_loop3A_272] {strides = array<i32>} : memref<8192xf32, #tpu.memory_space<vmem>>, vector<16xf32>,
          %parallel_loop3A_274 = vector.bitcast %parallel_loop3A_273 : vector<16xf32> to vector<16xi32>
          %parallel_loop3A_275 = arith.constant 16 : i32
          %parallel_loop3A_276 = vector.broadcast %parallel_loop3A_275 : i32 to vector<16xi32>
          %parallel_loop3A_277 = arith.shrui %parallel_loop3A_274, %parallel_loop3A_276 : vector<16xi32>
          %parallel_loop3A_278 = arith.constant 255 : i32
          %parallel_loop3A_279 = vector.broadcast %parallel_loop3A_278 : i32 to vector<16xi32>
          %parallel_loop3A_280 = arith.andi %parallel_loop3A_277, %parallel_loop3A_279 : vector<16xi32>
          %parallel_loop3A_281 = vector.broadcast %parallel_loop3A_266 : i32 to vector<16xi32>
          %parallel_loop3A_282 = arith.addi %parallel_loop3A_280, %parallel_loop3A_281 : vector<16xi32>
          %parallel_loop3A_283 = arith.constant true
          %parallel_loop3A_284 = vector.broadcast %parallel_loop3A_283 : i1 to vector<16xi1>
          %parallel_loop3A_285, %parallel_loop3A_286 = tpu.scan_count mask(%parallel_loop3A_284 : vector<16xi1>) value(%parallel_loop3A_282 : vector<16xi32>) : vector<16xi1>, vector<16xi32>
          %parallel_loop3A_287 = arith.constant 16 : i32
          %parallel_loop3A_288 = arith.addi %parallel_loop3A_269, %parallel_loop3A_287 : i32
          %parallel_loop3A_289 = arith.index_cast %parallel_loop3A_288 : i32 to index
          %parallel_loop3A_290 = tpu.vector_load %arg5[%parallel_loop3A_289] {strides = array<i32>} : memref<8192xf32, #tpu.memory_space<vmem>>, vector<16xf32>,
          %parallel_loop3A_291 = vector.bitcast %parallel_loop3A_290 : vector<16xf32> to vector<16xi32>
          %parallel_loop3A_292 = arith.constant 16 : i32
          %parallel_loop3A_293 = vector.broadcast %parallel_loop3A_292 : i32 to vector<16xi32>
          %parallel_loop3A_294 = arith.shrui %parallel_loop3A_291, %parallel_loop3A_293 : vector<16xi32>
          %parallel_loop3A_295 = arith.constant 255 : i32
          %parallel_loop3A_296 = vector.broadcast %parallel_loop3A_295 : i32 to vector<16xi32>
          %parallel_loop3A_297 = arith.andi %parallel_loop3A_294, %parallel_loop3A_296 : vector<16xi32>
          %parallel_loop3A_298 = vector.broadcast %parallel_loop3A_266 : i32 to vector<16xi32>
          %parallel_loop3A_299 = arith.addi %parallel_loop3A_297, %parallel_loop3A_298 : vector<16xi32>
          %parallel_loop3A_300 = arith.constant true
          %parallel_loop3A_301 = vector.broadcast %parallel_loop3A_300 : i1 to vector<16xi1>
          %parallel_loop3A_302, %parallel_loop3A_303 = tpu.scan_count mask(%parallel_loop3A_301 : vector<16xi1>) value(%parallel_loop3A_299 : vector<16xi32>) : vector<16xi1>, vector<16xi32>
          %parallel_loop3A_304 = arith.constant 32 : i32
          %parallel_loop3A_305 = arith.addi %parallel_loop3A_269, %parallel_loop3A_304 : i32
          %parallel_loop3A_306 = arith.index_cast %parallel_loop3A_305 : i32 to index
          %parallel_loop3A_307 = tpu.vector_load %arg5[%parallel_loop3A_306] {strides = array<i32>} : memref<8192xf32, #tpu.memory_space<vmem>>, vector<16xf32>,
          %parallel_loop3A_308 = vector.bitcast %parallel_loop3A_307 : vector<16xf32> to vector<16xi32>
          %parallel_loop3A_309 = arith.constant 16 : i32
          %parallel_loop3A_310 = vector.broadcast %parallel_loop3A_309 : i32 to vector<16xi32>
          %parallel_loop3A_311 = arith.shrui %parallel_loop3A_308, %parallel_loop3A_310 : vector<16xi32>
          %parallel_loop3A_312 = arith.constant 255 : i32
          %parallel_loop3A_313 = vector.broadcast %parallel_loop3A_312 : i32 to vector<16xi32>
          %parallel_loop3A_314 = arith.andi %parallel_loop3A_311, %parallel_loop3A_313 : vector<16xi32>
          %parallel_loop3A_315 = vector.broadcast %parallel_loop3A_266 : i32 to vector<16xi32>
          %parallel_loop3A_316 = arith.addi %parallel_loop3A_314, %parallel_loop3A_315 : vector<16xi32>
          %parallel_loop3A_317 = arith.constant true
          %parallel_loop3A_318 = vector.broadcast %parallel_loop3A_317 : i1 to vector<16xi1>
          %parallel_loop3A_319, %parallel_loop3A_320 = tpu.scan_count mask(%parallel_loop3A_318 : vector<16xi1>) value(%parallel_loop3A_316 : vector<16xi32>) : vector<16xi1>, vector<16xi32>
          %parallel_loop3A_321 = arith.constant 48 : i32
          %parallel_loop3A_322 = arith.addi %parallel_loop3A_269, %parallel_loop3A_321 : i32
          %parallel_loop3A_323 = arith.index_cast %parallel_loop3A_322 : i32 to index
          %parallel_loop3A_324 = tpu.vector_load %arg5[%parallel_loop3A_323] {strides = array<i32>} : memref<8192xf32, #tpu.memory_space<vmem>>, vector<16xf32>,
          %parallel_loop3A_325 = vector.bitcast %parallel_loop3A_324 : vector<16xf32> to vector<16xi32>
          %parallel_loop3A_326 = arith.constant 16 : i32
          %parallel_loop3A_327 = vector.broadcast %parallel_loop3A_326 : i32 to vector<16xi32>
          %parallel_loop3A_328 = arith.shrui %parallel_loop3A_325, %parallel_loop3A_327 : vector<16xi32>
          %parallel_loop3A_329 = arith.constant 255 : i32
          %parallel_loop3A_330 = vector.broadcast %parallel_loop3A_329 : i32 to vector<16xi32>
          %parallel_loop3A_331 = arith.andi %parallel_loop3A_328, %parallel_loop3A_330 : vector<16xi32>
          %parallel_loop3A_332 = vector.broadcast %parallel_loop3A_266 : i32 to vector<16xi32>
          %parallel_loop3A_333 = arith.addi %parallel_loop3A_331, %parallel_loop3A_332 : vector<16xi32>
          %parallel_loop3A_334 = arith.constant true
          %parallel_loop3A_335 = vector.broadcast %parallel_loop3A_334 : i1 to vector<16xi1>
          %parallel_loop3A_336, %parallel_loop3A_337 = tpu.scan_count mask(%parallel_loop3A_335 : vector<16xi1>) value(%parallel_loop3A_333 : vector<16xi32>) : vector<16xi1>, vector<16xi32>
          %parallel_loop3A_338 = arith.constant 64 : i32
          %parallel_loop3A_339 = arith.addi %parallel_loop3A_269, %parallel_loop3A_338 : i32
          %parallel_loop3A_340 = arith.index_cast %parallel_loop3A_339 : i32 to index
          %parallel_loop3A_341 = tpu.vector_load %arg5[%parallel_loop3A_340] {strides = array<i32>} : memref<8192xf32, #tpu.memory_space<vmem>>, vector<16xf32>,
          %parallel_loop3A_342 = vector.bitcast %parallel_loop3A_341 : vector<16xf32> to vector<16xi32>
          %parallel_loop3A_343 = arith.constant 16 : i32
          %parallel_loop3A_344 = vector.broadcast %parallel_loop3A_343 : i32 to vector<16xi32>
          %parallel_loop3A_345 = arith.shrui %parallel_loop3A_342, %parallel_loop3A_344 : vector<16xi32>
          %parallel_loop3A_346 = arith.constant 255 : i32
          %parallel_loop3A_347 = vector.broadcast %parallel_loop3A_346 : i32 to vector<16xi32>
          %parallel_loop3A_348 = arith.andi %parallel_loop3A_345, %parallel_loop3A_347 : vector<16xi32>
          %parallel_loop3A_349 = vector.broadcast %parallel_loop3A_266 : i32 to vector<16xi32>
          %parallel_loop3A_350 = arith.addi %parallel_loop3A_348, %parallel_loop3A_349 : vector<16xi32>
          %parallel_loop3A_351 = arith.constant true
          %parallel_loop3A_352 = vector.broadcast %parallel_loop3A_351 : i1 to vector<16xi1>
          %parallel_loop3A_353, %parallel_loop3A_354 = tpu.scan_count mask(%parallel_loop3A_352 : vector<16xi1>) value(%parallel_loop3A_350 : vector<16xi32>) : vector<16xi1>, vector<16xi32>
          %parallel_loop3A_355 = arith.constant 80 : i32
          %parallel_loop3A_356 = arith.addi %parallel_loop3A_269, %parallel_loop3A_355 : i32
          %parallel_loop3A_357 = arith.index_cast %parallel_loop3A_356 : i32 to index
          %parallel_loop3A_358 = tpu.vector_load %arg5[%parallel_loop3A_357] {strides = array<i32>} : memref<8192xf32, #tpu.memory_space<vmem>>, vector<16xf32>,
          %parallel_loop3A_359 = vector.bitcast %parallel_loop3A_358 : vector<16xf32> to vector<16xi32>
          %parallel_loop3A_360 = arith.constant 16 : i32
          %parallel_loop3A_361 = vector.broadcast %parallel_loop3A_360 : i32 to vector<16xi32>
          %parallel_loop3A_362 = arith.shrui %parallel_loop3A_359, %parallel_loop3A_361 : vector<16xi32>
          %parallel_loop3A_363 = arith.constant 255 : i32
          %parallel_loop3A_364 = vector.broadcast %parallel_loop3A_363 : i32 to vector<16xi32>
          %parallel_loop3A_365 = arith.andi %parallel_loop3A_362, %parallel_loop3A_364 : vector<16xi32>
          %parallel_loop3A_366 = vector.broadcast %parallel_loop3A_266 : i32 to vector<16xi32>
          %parallel_loop3A_367 = arith.addi %parallel_loop3A_365, %parallel_loop3A_366 : vector<16xi32>
          %parallel_loop3A_368 = arith.constant true
          %parallel_loop3A_369 = vector.broadcast %parallel_loop3A_368 : i1 to vector<16xi1>
          %parallel_loop3A_370, %parallel_loop3A_371 = tpu.scan_count mask(%parallel_loop3A_369 : vector<16xi1>) value(%parallel_loop3A_367 : vector<16xi32>) : vector<16xi1>, vector<16xi32>
          %parallel_loop3A_372 = arith.constant 96 : i32
          %parallel_loop3A_373 = arith.addi %parallel_loop3A_269, %parallel_loop3A_372 : i32
          %parallel_loop3A_374 = arith.index_cast %parallel_loop3A_373 : i32 to index
          %parallel_loop3A_375 = tpu.vector_load %arg5[%parallel_loop3A_374] {strides = array<i32>} : memref<8192xf32, #tpu.memory_space<vmem>>, vector<16xf32>,
          %parallel_loop3A_376 = vector.bitcast %parallel_loop3A_375 : vector<16xf32> to vector<16xi32>
          %parallel_loop3A_377 = arith.constant 16 : i32
          %parallel_loop3A_378 = vector.broadcast %parallel_loop3A_377 : i32 to vector<16xi32>
          %parallel_loop3A_379 = arith.shrui %parallel_loop3A_376, %parallel_loop3A_378 : vector<16xi32>
          %parallel_loop3A_380 = arith.constant 255 : i32
          %parallel_loop3A_381 = vector.broadcast %parallel_loop3A_380 : i32 to vector<16xi32>
          %parallel_loop3A_382 = arith.andi %parallel_loop3A_379, %parallel_loop3A_381 : vector<16xi32>
          %parallel_loop3A_383 = vector.broadcast %parallel_loop3A_266 : i32 to vector<16xi32>
          %parallel_loop3A_384 = arith.addi %parallel_loop3A_382, %parallel_loop3A_383 : vector<16xi32>
          %parallel_loop3A_385 = arith.constant true
          %parallel_loop3A_386 = vector.broadcast %parallel_loop3A_385 : i1 to vector<16xi1>
          %parallel_loop3A_387, %parallel_loop3A_388 = tpu.scan_count mask(%parallel_loop3A_386 : vector<16xi1>) value(%parallel_loop3A_384 : vector<16xi32>) : vector<16xi1>, vector<16xi32>
          %parallel_loop3A_389 = arith.constant 112 : i32
          %parallel_loop3A_390 = arith.addi %parallel_loop3A_269, %parallel_loop3A_389 : i32
          %parallel_loop3A_391 = arith.index_cast %parallel_loop3A_390 : i32 to index
          %parallel_loop3A_392 = tpu.vector_load %arg5[%parallel_loop3A_391] {strides = array<i32>} : memref<8192xf32, #tpu.memory_space<vmem>>, vector<16xf32>,
          %parallel_loop3A_393 = vector.bitcast %parallel_loop3A_392 : vector<16xf32> to vector<16xi32>
          %parallel_loop3A_394 = arith.constant 16 : i32
          %parallel_loop3A_395 = vector.broadcast %parallel_loop3A_394 : i32 to vector<16xi32>
          %parallel_loop3A_396 = arith.shrui %parallel_loop3A_393, %parallel_loop3A_395 : vector<16xi32>
          %parallel_loop3A_397 = arith.constant 255 : i32
          %parallel_loop3A_398 = vector.broadcast %parallel_loop3A_397 : i32 to vector<16xi32>
          %parallel_loop3A_399 = arith.andi %parallel_loop3A_396, %parallel_loop3A_398 : vector<16xi32>
          %parallel_loop3A_400 = vector.broadcast %parallel_loop3A_266 : i32 to vector<16xi32>
          %parallel_loop3A_401 = arith.addi %parallel_loop3A_399, %parallel_loop3A_400 : vector<16xi32>
          %parallel_loop3A_402 = arith.constant true
          %parallel_loop3A_403 = vector.broadcast %parallel_loop3A_402 : i1 to vector<16xi1>
          %parallel_loop3A_404, %parallel_loop3A_405 = tpu.scan_count mask(%parallel_loop3A_403 : vector<16xi1>) value(%parallel_loop3A_401 : vector<16xi32>) : vector<16xi1>, vector<16xi32>
          %parallel_loop3A_406 = tpu.vector_load_idx %arg7[%parallel_loop3A_282] : memref<4096xi32, #tpu.memory_space<vmem>>[vector<16xi32>], vector<16xi32>,
          %parallel_loop3A_407 = arith.addi %parallel_loop3A_406, %parallel_loop3A_286 : vector<16xi32>
          tpu.vector_store_idx %arg7[%parallel_loop3A_282], %parallel_loop3A_286 masked %parallel_loop3A_285 {add = true} : memref<4096xi32, #tpu.memory_space<vmem>>[vector<16xi32>], vector<16xi32>, vector<16xi1>
          %parallel_loop3A_408 = arith.constant 2048 : i32
          %parallel_loop3A_409 = arith.muli %parallel_loop3A_260, %parallel_loop3A_408 : i32
          %parallel_loop3A_410 = vector.broadcast %parallel_loop3A_409 : i32 to vector<16xi32>
          %parallel_loop3A_411 = arith.addi %parallel_loop3A_407, %parallel_loop3A_410 : vector<16xi32>
          tpu.vector_store_idx %arg6[%parallel_loop3A_411], %parallel_loop3A_273 : memref<8192xf32, #tpu.memory_space<vmem>>[vector<16xi32>], vector<16xf32>,
          %parallel_loop3A_412 = tpu.vector_load_idx %arg7[%parallel_loop3A_299] : memref<4096xi32, #tpu.memory_space<vmem>>[vector<16xi32>], vector<16xi32>,
          %parallel_loop3A_413 = arith.addi %parallel_loop3A_412, %parallel_loop3A_303 : vector<16xi32>
          tpu.vector_store_idx %arg7[%parallel_loop3A_299], %parallel_loop3A_303 masked %parallel_loop3A_302 {add = true} : memref<4096xi32, #tpu.memory_space<vmem>>[vector<16xi32>], vector<16xi32>, vector<16xi1>
          %parallel_loop3A_414 = arith.constant 2048 : i32
          %parallel_loop3A_415 = arith.muli %parallel_loop3A_260, %parallel_loop3A_414 : i32
          %parallel_loop3A_416 = vector.broadcast %parallel_loop3A_415 : i32 to vector<16xi32>
          %parallel_loop3A_417 = arith.addi %parallel_loop3A_413, %parallel_loop3A_416 : vector<16xi32>
          tpu.vector_store_idx %arg6[%parallel_loop3A_417], %parallel_loop3A_290 : memref<8192xf32, #tpu.memory_space<vmem>>[vector<16xi32>], vector<16xf32>,
          %parallel_loop3A_418 = tpu.vector_load_idx %arg7[%parallel_loop3A_316] : memref<4096xi32, #tpu.memory_space<vmem>>[vector<16xi32>], vector<16xi32>,
          %parallel_loop3A_419 = arith.addi %parallel_loop3A_418, %parallel_loop3A_320 : vector<16xi32>
          tpu.vector_store_idx %arg7[%parallel_loop3A_316], %parallel_loop3A_320 masked %parallel_loop3A_319 {add = true} : memref<4096xi32, #tpu.memory_space<vmem>>[vector<16xi32>], vector<16xi32>, vector<16xi1>
          %parallel_loop3A_420 = arith.constant 2048 : i32
          %parallel_loop3A_421 = arith.muli %parallel_loop3A_260, %parallel_loop3A_420 : i32
          %parallel_loop3A_422 = vector.broadcast %parallel_loop3A_421 : i32 to vector<16xi32>
          %parallel_loop3A_423 = arith.addi %parallel_loop3A_419, %parallel_loop3A_422 : vector<16xi32>
          tpu.vector_store_idx %arg6[%parallel_loop3A_423], %parallel_loop3A_307 : memref<8192xf32, #tpu.memory_space<vmem>>[vector<16xi32>], vector<16xf32>,
          %parallel_loop3A_424 = tpu.vector_load_idx %arg7[%parallel_loop3A_333] : memref<4096xi32, #tpu.memory_space<vmem>>[vector<16xi32>], vector<16xi32>,
          %parallel_loop3A_425 = arith.addi %parallel_loop3A_424, %parallel_loop3A_337 : vector<16xi32>
          tpu.vector_store_idx %arg7[%parallel_loop3A_333], %parallel_loop3A_337 masked %parallel_loop3A_336 {add = true} : memref<4096xi32, #tpu.memory_space<vmem>>[vector<16xi32>], vector<16xi32>, vector<16xi1>
          %parallel_loop3A_426 = arith.constant 2048 : i32
          %parallel_loop3A_427 = arith.muli %parallel_loop3A_260, %parallel_loop3A_426 : i32
          %parallel_loop3A_428 = vector.broadcast %parallel_loop3A_427 : i32 to vector<16xi32>
          %parallel_loop3A_429 = arith.addi %parallel_loop3A_425, %parallel_loop3A_428 : vector<16xi32>
          tpu.vector_store_idx %arg6[%parallel_loop3A_429], %parallel_loop3A_324 : memref<8192xf32, #tpu.memory_space<vmem>>[vector<16xi32>], vector<16xf32>,
          %parallel_loop3A_430 = tpu.vector_load_idx %arg7[%parallel_loop3A_350] : memref<4096xi32, #tpu.memory_space<vmem>>[vector<16xi32>], vector<16xi32>,
          %parallel_loop3A_431 = arith.addi %parallel_loop3A_430, %parallel_loop3A_354 : vector<16xi32>
          tpu.vector_store_idx %arg7[%parallel_loop3A_350], %parallel_loop3A_354 masked %parallel_loop3A_353 {add = true} : memref<4096xi32, #tpu.memory_space<vmem>>[vector<16xi32>], vector<16xi32>, vector<16xi1>
          %parallel_loop3A_432 = arith.constant 2048 : i32
          %parallel_loop3A_433 = arith.muli %parallel_loop3A_260, %parallel_loop3A_432 : i32
          %parallel_loop3A_434 = vector.broadcast %parallel_loop3A_433 : i32 to vector<16xi32>
          %parallel_loop3A_435 = arith.addi %parallel_loop3A_431, %parallel_loop3A_434 : vector<16xi32>
          tpu.vector_store_idx %arg6[%parallel_loop3A_435], %parallel_loop3A_341 : memref<8192xf32, #tpu.memory_space<vmem>>[vector<16xi32>], vector<16xf32>,
          %parallel_loop3A_436 = tpu.vector_load_idx %arg7[%parallel_loop3A_367] : memref<4096xi32, #tpu.memory_space<vmem>>[vector<16xi32>], vector<16xi32>,
          %parallel_loop3A_437 = arith.addi %parallel_loop3A_436, %parallel_loop3A_371 : vector<16xi32>
          tpu.vector_store_idx %arg7[%parallel_loop3A_367], %parallel_loop3A_371 masked %parallel_loop3A_370 {add = true} : memref<4096xi32, #tpu.memory_space<vmem>>[vector<16xi32>], vector<16xi32>, vector<16xi1>
          %parallel_loop3A_438 = arith.constant 2048 : i32
          %parallel_loop3A_439 = arith.muli %parallel_loop3A_260, %parallel_loop3A_438 : i32
          %parallel_loop3A_440 = vector.broadcast %parallel_loop3A_439 : i32 to vector<16xi32>
          %parallel_loop3A_441 = arith.addi %parallel_loop3A_437, %parallel_loop3A_440 : vector<16xi32>
          tpu.vector_store_idx %arg6[%parallel_loop3A_441], %parallel_loop3A_358 : memref<8192xf32, #tpu.memory_space<vmem>>[vector<16xi32>], vector<16xf32>,
          %parallel_loop3A_442 = tpu.vector_load_idx %arg7[%parallel_loop3A_384] : memref<4096xi32, #tpu.memory_space<vmem>>[vector<16xi32>], vector<16xi32>,
          %parallel_loop3A_443 = arith.addi %parallel_loop3A_442, %parallel_loop3A_388 : vector<16xi32>
          tpu.vector_store_idx %arg7[%parallel_loop3A_384], %parallel_loop3A_388 masked %parallel_loop3A_387 {add = true} : memref<4096xi32, #tpu.memory_space<vmem>>[vector<16xi32>], vector<16xi32>, vector<16xi1>
          %parallel_loop3A_444 = arith.constant 2048 : i32
          %parallel_loop3A_445 = arith.muli %parallel_loop3A_260, %parallel_loop3A_444 : i32
          %parallel_loop3A_446 = vector.broadcast %parallel_loop3A_445 : i32 to vector<16xi32>
          %parallel_loop3A_447 = arith.addi %parallel_loop3A_443, %parallel_loop3A_446 : vector<16xi32>
          tpu.vector_store_idx %arg6[%parallel_loop3A_447], %parallel_loop3A_375 : memref<8192xf32, #tpu.memory_space<vmem>>[vector<16xi32>], vector<16xf32>,
          %parallel_loop3A_448 = tpu.vector_load_idx %arg7[%parallel_loop3A_401] : memref<4096xi32, #tpu.memory_space<vmem>>[vector<16xi32>], vector<16xi32>,
          %parallel_loop3A_449 = arith.addi %parallel_loop3A_448, %parallel_loop3A_405 : vector<16xi32>
          tpu.vector_store_idx %arg7[%parallel_loop3A_401], %parallel_loop3A_405 masked %parallel_loop3A_404 {add = true} : memref<4096xi32, #tpu.memory_space<vmem>>[vector<16xi32>], vector<16xi32>, vector<16xi1>
          %parallel_loop3A_450 = arith.constant 2048 : i32
          %parallel_loop3A_451 = arith.muli %parallel_loop3A_260, %parallel_loop3A_450 : i32
          %parallel_loop3A_452 = vector.broadcast %parallel_loop3A_451 : i32 to vector<16xi32>
          %parallel_loop3A_453 = arith.addi %parallel_loop3A_449, %parallel_loop3A_452 : vector<16xi32>
          tpu.vector_store_idx %arg6[%parallel_loop3A_453], %parallel_loop3A_392 : memref<8192xf32, #tpu.memory_space<vmem>>[vector<16xi32>], vector<16xf32>,
        } {sc.loop_unroll_factor = 4 : i64, sc.parallel_access}
        %scan3A_259 = arith.constant 0 : i32
        scf.yield %scan3A_259 : i32
      }
      %scan3A_193 = arith.constant 16 : i32
      %scan3A_194 = arith.constant -1 : i32
      %scan3A_195 = arith.constant -1 : i32
      %scan3A_196 = arith.constant -1 : i32
      %scan3A_197 = arith.constant -1 : i32
      %scan3A_198 = arith.constant 0 : i32
      %scan3A_199 = arith.constant 16 : i32
      %scan3A_200 = arith.addi %scan3A_198, %scan3A_199 : i32
      %scan3A_201 = arith.constant 2 : i32
      %scan3A_202:4 = scf.for %scan3A_252 = %scan3A_198 to %scan3A_200 step %scan3A_201 iter_args(%scan3A_253 = %scan3A_194, %scan3A_254 = %scan3A_195, %scan3A_255 = %scan3A_196, %scan3A_256 = %scan3A_197) -> (i32, i32, i32, i32)  : i32 {
        %mul3A_257 = arith.constant 16 : i32
        %mul3A_258 = arith.muli %scan3A_252, %mul3A_257 : i32
        %add3A_259 = arith.constant 768 : i32
        %add3A_260 = arith.addi %add3A_259, %mul3A_258 : i32
        %get3A_261 = arith.index_cast %add3A_260 : i32 to index
        %get3A_262 = tpu.vector_load %arg7[%get3A_261] {strides = array<i32>} : memref<4096xi32, #tpu.memory_space<vmem>>, vector<16xi32>,
        %broadcast_in_dim3A_263 = arith.constant true
        %broadcast_in_dim3A_264 = vector.broadcast %broadcast_in_dim3A_263 : i1 to vector<16xi1>
        %masked_cumsum3A = tpu.scan <sum>, %get3A_262 masked %broadcast_in_dim3A_264 : vector<16xi32>, vector<16xi1> -> vector<16xi32>
        %sub3A = arith.subi %masked_cumsum3A, %get3A_262 : vector<16xi32>
        %add3A_265 = vector.broadcast %scan3A_253 : i32 to vector<16xi32>
        %add3A_266 = arith.addi %sub3A, %add3A_265 : vector<16xi32>
        %swap3A_267 = arith.index_cast %add3A_260 : i32 to index
        %swap3A_268 = tpu.vector_load %arg7[%swap3A_267] {strides = array<i32>} : memref<4096xi32, #tpu.memory_space<vmem>>, vector<16xi32>,
        tpu.vector_store %arg7[%swap3A_267], %add3A_266 {strides = array<i32>} : memref<4096xi32, #tpu.memory_space<vmem>>, vector<16xi32>,
        %reduce_sum3A_269 = arith.constant true
        %reduce_sum3A_270 = vector.broadcast %reduce_sum3A_269 : i1 to vector<16xi1>
        %reduce_sum3A_271 = tpu.scan <sum>, %get3A_262 masked %reduce_sum3A_270 : vector<16xi32>, vector<16xi1> -> vector<16xi32>
        %reduce_sum3A_272 = vector.extract %reduce_sum3A_271[15] : i32 from vector<16xi32>
        %add3A_273 = arith.addi %scan3A_253, %reduce_sum3A_272 : i32
        %mul3A_274 = arith.constant 16 : i32
        %mul3A_275 = arith.muli %scan3A_252, %mul3A_274 : i32
        %add3A_276 = arith.constant 1792 : i32
        %add3A_277 = arith.addi %add3A_276, %mul3A_275 : i32
        %get3A_278 = arith.index_cast %add3A_277 : i32 to index
        %get3A_279 = tpu.vector_load %arg7[%get3A_278] {strides = array<i32>} : memref<4096xi32, #tpu.memory_space<vmem>>, vector<16xi32>,
        %broadcast_in_dim3A_280 = arith.constant true
        %broadcast_in_dim3A_281 = vector.broadcast %broadcast_in_dim3A_280 : i1 to vector<16xi1>
        %masked_cumsum3A_282 = tpu.scan <sum>, %get3A_279 masked %broadcast_in_dim3A_281 : vector<16xi32>, vector<16xi1> -> vector<16xi32>
        %sub3A_283 = arith.subi %masked_cumsum3A_282, %get3A_279 : vector<16xi32>
        %add3A_284 = vector.broadcast %scan3A_254 : i32 to vector<16xi32>
        %add3A_285 = arith.addi %sub3A_283, %add3A_284 : vector<16xi32>
        %swap3A_286 = arith.index_cast %add3A_277 : i32 to index
        %swap3A_287 = tpu.vector_load %arg7[%swap3A_286] {strides = array<i32>} : memref<4096xi32, #tpu.memory_space<vmem>>, vector<16xi32>,
        tpu.vector_store %arg7[%swap3A_286], %add3A_285 {strides = array<i32>} : memref<4096xi32, #tpu.memory_space<vmem>>, vector<16xi32>,
        %reduce_sum3A_288 = arith.constant true
        %reduce_sum3A_289 = vector.broadcast %reduce_sum3A_288 : i1 to vector<16xi1>
        %reduce_sum3A_290 = tpu.scan <sum>, %get3A_279 masked %reduce_sum3A_289 : vector<16xi32>, vector<16xi1> -> vector<16xi32>
        %reduce_sum3A_291 = vector.extract %reduce_sum3A_290[15] : i32 from vector<16xi32>
        %add3A_292 = arith.addi %scan3A_254, %reduce_sum3A_291 : i32
        %mul3A_293 = arith.constant 16 : i32
        %mul3A_294 = arith.muli %scan3A_252, %mul3A_293 : i32
        %add3A_295 = arith.constant 2816 : i32
        %add3A_296 = arith.addi %add3A_295, %mul3A_294 : i32
        %get3A_297 = arith.index_cast %add3A_296 : i32 to index
        %get3A_298 = tpu.vector_load %arg7[%get3A_297] {strides = array<i32>} : memref<4096xi32, #tpu.memory_space<vmem>>, vector<16xi32>,
        %broadcast_in_dim3A_299 = arith.constant true
        %broadcast_in_dim3A_300 = vector.broadcast %broadcast_in_dim3A_299 : i1 to vector<16xi1>
        %masked_cumsum3A_301 = tpu.scan <sum>, %get3A_298 masked %broadcast_in_dim3A_300 : vector<16xi32>, vector<16xi1> -> vector<16xi32>
        %sub3A_302 = arith.subi %masked_cumsum3A_301, %get3A_298 : vector<16xi32>
        %add3A_303 = vector.broadcast %scan3A_255 : i32 to vector<16xi32>
        %add3A_304 = arith.addi %sub3A_302, %add3A_303 : vector<16xi32>
        %swap3A_305 = arith.index_cast %add3A_296 : i32 to index
        %swap3A_306 = tpu.vector_load %arg7[%swap3A_305] {strides = array<i32>} : memref<4096xi32, #tpu.memory_space<vmem>>, vector<16xi32>,
        tpu.vector_store %arg7[%swap3A_305], %add3A_304 {strides = array<i32>} : memref<4096xi32, #tpu.memory_space<vmem>>, vector<16xi32>,
        %reduce_sum3A_307 = arith.constant true
        %reduce_sum3A_308 = vector.broadcast %reduce_sum3A_307 : i1 to vector<16xi1>
        %reduce_sum3A_309 = tpu.scan <sum>, %get3A_298 masked %reduce_sum3A_308 : vector<16xi32>, vector<16xi1> -> vector<16xi32>
        %reduce_sum3A_310 = vector.extract %reduce_sum3A_309[15] : i32 from vector<16xi32>
        %add3A_311 = arith.addi %scan3A_255, %reduce_sum3A_310 : i32
        %mul3A_312 = arith.constant 16 : i32
        %mul3A_313 = arith.muli %scan3A_252, %mul3A_312 : i32
        %add3A_314 = arith.constant 3840 : i32
        %add3A_315 = arith.addi %add3A_314, %mul3A_313 : i32
        %get3A_316 = arith.index_cast %add3A_315 : i32 to index
        %get3A_317 = tpu.vector_load %arg7[%get3A_316] {strides = array<i32>} : memref<4096xi32, #tpu.memory_space<vmem>>, vector<16xi32>,
        %broadcast_in_dim3A_318 = arith.constant true
        %broadcast_in_dim3A_319 = vector.broadcast %broadcast_in_dim3A_318 : i1 to vector<16xi1>
        %masked_cumsum3A_320 = tpu.scan <sum>, %get3A_317 masked %broadcast_in_dim3A_319 : vector<16xi32>, vector<16xi1> -> vector<16xi32>
        %sub3A_321 = arith.subi %masked_cumsum3A_320, %get3A_317 : vector<16xi32>
        %add3A_322 = vector.broadcast %scan3A_256 : i32 to vector<16xi32>
        %add3A_323 = arith.addi %sub3A_321, %add3A_322 : vector<16xi32>
        %swap3A_324 = arith.index_cast %add3A_315 : i32 to index
        %swap3A_325 = tpu.vector_load %arg7[%swap3A_324] {strides = array<i32>} : memref<4096xi32, #tpu.memory_space<vmem>>, vector<16xi32>,
        tpu.vector_store %arg7[%swap3A_324], %add3A_323 {strides = array<i32>} : memref<4096xi32, #tpu.memory_space<vmem>>, vector<16xi32>,
        %reduce_sum3A_326 = arith.constant true
        %reduce_sum3A_327 = vector.broadcast %reduce_sum3A_326 : i1 to vector<16xi1>
        %reduce_sum3A_328 = tpu.scan <sum>, %get3A_317 masked %reduce_sum3A_327 : vector<16xi32>, vector<16xi1> -> vector<16xi32>
        %reduce_sum3A_329 = vector.extract %reduce_sum3A_328[15] : i32 from vector<16xi32>
        %add3A_330 = arith.addi %scan3A_256, %reduce_sum3A_329 : i32
        %scan3A_331 = arith.constant 1 : i32
        %scan3A_332 = arith.addi %scan3A_252, %scan3A_331 : i32
        %mul3A_333 = arith.constant 16 : i32
        %mul3A_334 = arith.muli %scan3A_332, %mul3A_333 : i32
        %add3A_335 = arith.constant 768 : i32
        %add3A_336 = arith.addi %add3A_335, %mul3A_334 : i32
        %get3A_337 = arith.index_cast %add3A_336 : i32 to index
        %get3A_338 = tpu.vector_load %arg7[%get3A_337] {strides = array<i32>} : memref<4096xi32, #tpu.memory_space<vmem>>, vector<16xi32>,
        %broadcast_in_dim3A_339 = arith.constant true
        %broadcast_in_dim3A_340 = vector.broadcast %broadcast_in_dim3A_339 : i1 to vector<16xi1>
        %masked_cumsum3A_341 = tpu.scan <sum>, %get3A_338 masked %broadcast_in_dim3A_340 : vector<16xi32>, vector<16xi1> -> vector<16xi32>
        %sub3A_342 = arith.subi %masked_cumsum3A_341, %get3A_338 : vector<16xi32>
        %add3A_343 = vector.broadcast %add3A_273 : i32 to vector<16xi32>
        %add3A_344 = arith.addi %sub3A_342, %add3A_343 : vector<16xi32>
        %swap3A_345 = arith.index_cast %add3A_336 : i32 to index
        %swap3A_346 = tpu.vector_load %arg7[%swap3A_345] {strides = array<i32>} : memref<4096xi32, #tpu.memory_space<vmem>>, vector<16xi32>,
        tpu.vector_store %arg7[%swap3A_345], %add3A_344 {strides = array<i32>} : memref<4096xi32, #tpu.memory_space<vmem>>, vector<16xi32>,
        %reduce_sum3A_347 = arith.constant true
        %reduce_sum3A_348 = vector.broadcast %reduce_sum3A_347 : i1 to vector<16xi1>
        %reduce_sum3A_349 = tpu.scan <sum>, %get3A_338 masked %reduce_sum3A_348 : vector<16xi32>, vector<16xi1> -> vector<16xi32>
        %reduce_sum3A_350 = vector.extract %reduce_sum3A_349[15] : i32 from vector<16xi32>
        %add3A_351 = arith.addi %add3A_273, %reduce_sum3A_350 : i32
        %mul3A_352 = arith.constant 16 : i32
        %mul3A_353 = arith.muli %scan3A_332, %mul3A_352 : i32
        %add3A_354 = arith.constant 1792 : i32
        %add3A_355 = arith.addi %add3A_354, %mul3A_353 : i32
        %get3A_356 = arith.index_cast %add3A_355 : i32 to index
        %get3A_357 = tpu.vector_load %arg7[%get3A_356] {strides = array<i32>} : memref<4096xi32, #tpu.memory_space<vmem>>, vector<16xi32>,
        %broadcast_in_dim3A_358 = arith.constant true
        %broadcast_in_dim3A_359 = vector.broadcast %broadcast_in_dim3A_358 : i1 to vector<16xi1>
        %masked_cumsum3A_360 = tpu.scan <sum>, %get3A_357 masked %broadcast_in_dim3A_359 : vector<16xi32>, vector<16xi1> -> vector<16xi32>
        %sub3A_361 = arith.subi %masked_cumsum3A_360, %get3A_357 : vector<16xi32>
        %add3A_362 = vector.broadcast %add3A_292 : i32 to vector<16xi32>
        %add3A_363 = arith.addi %sub3A_361, %add3A_362 : vector<16xi32>
        %swap3A_364 = arith.index_cast %add3A_355 : i32 to index
        %swap3A_365 = tpu.vector_load %arg7[%swap3A_364] {strides = array<i32>} : memref<4096xi32, #tpu.memory_space<vmem>>, vector<16xi32>,
        tpu.vector_store %arg7[%swap3A_364], %add3A_363 {strides = array<i32>} : memref<4096xi32, #tpu.memory_space<vmem>>, vector<16xi32>,
        %reduce_sum3A_366 = arith.constant true
        %reduce_sum3A_367 = vector.broadcast %reduce_sum3A_366 : i1 to vector<16xi1>
        %reduce_sum3A_368 = tpu.scan <sum>, %get3A_357 masked %reduce_sum3A_367 : vector<16xi32>, vector<16xi1> -> vector<16xi32>
        %reduce_sum3A_369 = vector.extract %reduce_sum3A_368[15] : i32 from vector<16xi32>
        %add3A_370 = arith.addi %add3A_292, %reduce_sum3A_369 : i32
        %mul3A_371 = arith.constant 16 : i32
        %mul3A_372 = arith.muli %scan3A_332, %mul3A_371 : i32
        %add3A_373 = arith.constant 2816 : i32
        %add3A_374 = arith.addi %add3A_373, %mul3A_372 : i32
        %get3A_375 = arith.index_cast %add3A_374 : i32 to index
        %get3A_376 = tpu.vector_load %arg7[%get3A_375] {strides = array<i32>} : memref<4096xi32, #tpu.memory_space<vmem>>, vector<16xi32>,
        %broadcast_in_dim3A_377 = arith.constant true
        %broadcast_in_dim3A_378 = vector.broadcast %broadcast_in_dim3A_377 : i1 to vector<16xi1>
        %masked_cumsum3A_379 = tpu.scan <sum>, %get3A_376 masked %broadcast_in_dim3A_378 : vector<16xi32>, vector<16xi1> -> vector<16xi32>
        %sub3A_380 = arith.subi %masked_cumsum3A_379, %get3A_376 : vector<16xi32>
        %add3A_381 = vector.broadcast %add3A_311 : i32 to vector<16xi32>
        %add3A_382 = arith.addi %sub3A_380, %add3A_381 : vector<16xi32>
        %swap3A_383 = arith.index_cast %add3A_374 : i32 to index
        %swap3A_384 = tpu.vector_load %arg7[%swap3A_383] {strides = array<i32>} : memref<4096xi32, #tpu.memory_space<vmem>>, vector<16xi32>,
        tpu.vector_store %arg7[%swap3A_383], %add3A_382 {strides = array<i32>} : memref<4096xi32, #tpu.memory_space<vmem>>, vector<16xi32>,
        %reduce_sum3A_385 = arith.constant true
        %reduce_sum3A_386 = vector.broadcast %reduce_sum3A_385 : i1 to vector<16xi1>
        %reduce_sum3A_387 = tpu.scan <sum>, %get3A_376 masked %reduce_sum3A_386 : vector<16xi32>, vector<16xi1> -> vector<16xi32>
        %reduce_sum3A_388 = vector.extract %reduce_sum3A_387[15] : i32 from vector<16xi32>
        %add3A_389 = arith.addi %add3A_311, %reduce_sum3A_388 : i32
        %mul3A_390 = arith.constant 16 : i32
        %mul3A_391 = arith.muli %scan3A_332, %mul3A_390 : i32
        %add3A_392 = arith.constant 3840 : i32
        %add3A_393 = arith.addi %add3A_392, %mul3A_391 : i32
        %get3A_394 = arith.index_cast %add3A_393 : i32 to index
        %get3A_395 = tpu.vector_load %arg7[%get3A_394] {strides = array<i32>} : memref<4096xi32, #tpu.memory_space<vmem>>, vector<16xi32>,
        %broadcast_in_dim3A_396 = arith.constant true
        %broadcast_in_dim3A_397 = vector.broadcast %broadcast_in_dim3A_396 : i1 to vector<16xi1>
        %masked_cumsum3A_398 = tpu.scan <sum>, %get3A_395 masked %broadcast_in_dim3A_397 : vector<16xi32>, vector<16xi1> -> vector<16xi32>
        %sub3A_399 = arith.subi %masked_cumsum3A_398, %get3A_395 : vector<16xi32>
        %add3A_400 = vector.broadcast %add3A_330 : i32 to vector<16xi32>
        %add3A_401 = arith.addi %sub3A_399, %add3A_400 : vector<16xi32>
        %swap3A_402 = arith.index_cast %add3A_393 : i32 to index
        %swap3A_403 = tpu.vector_load %arg7[%swap3A_402] {strides = array<i32>} : memref<4096xi32, #tpu.memory_space<vmem>>, vector<16xi32>,
        tpu.vector_store %arg7[%swap3A_402], %add3A_401 {strides = array<i32>} : memref<4096xi32, #tpu.memory_space<vmem>>, vector<16xi32>,
        %reduce_sum3A_404 = arith.constant true
        %reduce_sum3A_405 = vector.broadcast %reduce_sum3A_404 : i1 to vector<16xi1>
        %reduce_sum3A_406 = tpu.scan <sum>, %get3A_395 masked %reduce_sum3A_405 : vector<16xi32>, vector<16xi1> -> vector<16xi32>
        %reduce_sum3A_407 = vector.extract %reduce_sum3A_406[15] : i32 from vector<16xi32>
        %add3A_408 = arith.addi %add3A_330, %reduce_sum3A_407 : i32
        scf.yield %add3A_351, %add3A_370, %add3A_389, %add3A_408 : i32, i32, i32, i32
      }
      %scan3A_203 = arith.constant 16 : i32
      %scan3A_204 = arith.constant 0 : i32
      %scan3A_205 = arith.constant 0 : i32
      %scan3A_206 = arith.constant 16 : i32
      %scan3A_207 = arith.addi %scan3A_205, %scan3A_206 : i32
      %scan3A_208 = arith.constant 1 : i32
      %scan3A_209 = scf.for %scan3A_252 = %scan3A_205 to %scan3A_207 step %scan3A_208 iter_args(%scan3A_253 = %scan3A_204) -> (i32)  : i32 {
        %mul3A_254 = arith.constant 128 : i32
        %mul3A_255 = arith.muli %scan3A_252, %mul3A_254 : i32
        %parallel_loop3A_256 = arith.constant 0 : i32
        %parallel_loop3A_257 = arith.constant 4 : i32
        %parallel_loop3A_258 = arith.constant 1 : i32
        scf.for %parallel_loop3A_260 = %parallel_loop3A_256 to %parallel_loop3A_257 step %parallel_loop3A_258  : i32 {
          %parallel_loop3A_261 = arith.constant 4 : i32
          %parallel_loop3A_262 = arith.muli %parallel_loop3A_260, %parallel_loop3A_261 : i32
          %parallel_loop3A_263 = arith.constant 3 : i32
          %parallel_loop3A_264 = arith.addi %parallel_loop3A_262, %parallel_loop3A_263 : i32
          %parallel_loop3A_265 = arith.constant 256 : i32
          %parallel_loop3A_266 = arith.muli %parallel_loop3A_264, %parallel_loop3A_265 : i32
          %parallel_loop3A_267 = arith.constant 2048 : i32
          %parallel_loop3A_268 = arith.muli %parallel_loop3A_260, %parallel_loop3A_267 : i32
          %parallel_loop3A_269 = arith.addi %parallel_loop3A_268, %mul3A_255 : i32
          %parallel_loop3A_270 = arith.constant 0 : i32
          %parallel_loop3A_271 = arith.addi %parallel_loop3A_269, %parallel_loop3A_270 : i32
          %parallel_loop3A_272 = arith.index_cast %parallel_loop3A_271 : i32 to index
          %parallel_loop3A_273 = tpu.vector_load %arg6[%parallel_loop3A_272] {strides = array<i32>} : memref<8192xf32, #tpu.memory_space<vmem>>, vector<16xf32>,
          %parallel_loop3A_274 = vector.bitcast %parallel_loop3A_273 : vector<16xf32> to vector<16xi32>
          %parallel_loop3A_275 = arith.constant 24 : i32
          %parallel_loop3A_276 = vector.broadcast %parallel_loop3A_275 : i32 to vector<16xi32>
          %parallel_loop3A_277 = arith.shrui %parallel_loop3A_274, %parallel_loop3A_276 : vector<16xi32>
          %parallel_loop3A_278 = arith.constant 255 : i32
          %parallel_loop3A_279 = vector.broadcast %parallel_loop3A_278 : i32 to vector<16xi32>
          %parallel_loop3A_280 = arith.andi %parallel_loop3A_277, %parallel_loop3A_279 : vector<16xi32>
          %parallel_loop3A_281 = vector.broadcast %parallel_loop3A_266 : i32 to vector<16xi32>
          %parallel_loop3A_282 = arith.addi %parallel_loop3A_280, %parallel_loop3A_281 : vector<16xi32>
          %parallel_loop3A_283 = arith.constant true
          %parallel_loop3A_284 = vector.broadcast %parallel_loop3A_283 : i1 to vector<16xi1>
          %parallel_loop3A_285, %parallel_loop3A_286 = tpu.scan_count mask(%parallel_loop3A_284 : vector<16xi1>) value(%parallel_loop3A_282 : vector<16xi32>) : vector<16xi1>, vector<16xi32>
          %parallel_loop3A_287 = arith.constant 16 : i32
          %parallel_loop3A_288 = arith.addi %parallel_loop3A_269, %parallel_loop3A_287 : i32
          %parallel_loop3A_289 = arith.index_cast %parallel_loop3A_288 : i32 to index
          %parallel_loop3A_290 = tpu.vector_load %arg6[%parallel_loop3A_289] {strides = array<i32>} : memref<8192xf32, #tpu.memory_space<vmem>>, vector<16xf32>,
          %parallel_loop3A_291 = vector.bitcast %parallel_loop3A_290 : vector<16xf32> to vector<16xi32>
          %parallel_loop3A_292 = arith.constant 24 : i32
          %parallel_loop3A_293 = vector.broadcast %parallel_loop3A_292 : i32 to vector<16xi32>
          %parallel_loop3A_294 = arith.shrui %parallel_loop3A_291, %parallel_loop3A_293 : vector<16xi32>
          %parallel_loop3A_295 = arith.constant 255 : i32
          %parallel_loop3A_296 = vector.broadcast %parallel_loop3A_295 : i32 to vector<16xi32>
          %parallel_loop3A_297 = arith.andi %parallel_loop3A_294, %parallel_loop3A_296 : vector<16xi32>
          %parallel_loop3A_298 = vector.broadcast %parallel_loop3A_266 : i32 to vector<16xi32>
          %parallel_loop3A_299 = arith.addi %parallel_loop3A_297, %parallel_loop3A_298 : vector<16xi32>
          %parallel_loop3A_300 = arith.constant true
          %parallel_loop3A_301 = vector.broadcast %parallel_loop3A_300 : i1 to vector<16xi1>
          %parallel_loop3A_302, %parallel_loop3A_303 = tpu.scan_count mask(%parallel_loop3A_301 : vector<16xi1>) value(%parallel_loop3A_299 : vector<16xi32>) : vector<16xi1>, vector<16xi32>
          %parallel_loop3A_304 = arith.constant 32 : i32
          %parallel_loop3A_305 = arith.addi %parallel_loop3A_269, %parallel_loop3A_304 : i32
          %parallel_loop3A_306 = arith.index_cast %parallel_loop3A_305 : i32 to index
          %parallel_loop3A_307 = tpu.vector_load %arg6[%parallel_loop3A_306] {strides = array<i32>} : memref<8192xf32, #tpu.memory_space<vmem>>, vector<16xf32>,
          %parallel_loop3A_308 = vector.bitcast %parallel_loop3A_307 : vector<16xf32> to vector<16xi32>
          %parallel_loop3A_309 = arith.constant 24 : i32
          %parallel_loop3A_310 = vector.broadcast %parallel_loop3A_309 : i32 to vector<16xi32>
          %parallel_loop3A_311 = arith.shrui %parallel_loop3A_308, %parallel_loop3A_310 : vector<16xi32>
          %parallel_loop3A_312 = arith.constant 255 : i32
          %parallel_loop3A_313 = vector.broadcast %parallel_loop3A_312 : i32 to vector<16xi32>
          %parallel_loop3A_314 = arith.andi %parallel_loop3A_311, %parallel_loop3A_313 : vector<16xi32>
          %parallel_loop3A_315 = vector.broadcast %parallel_loop3A_266 : i32 to vector<16xi32>
          %parallel_loop3A_316 = arith.addi %parallel_loop3A_314, %parallel_loop3A_315 : vector<16xi32>
          %parallel_loop3A_317 = arith.constant true
          %parallel_loop3A_318 = vector.broadcast %parallel_loop3A_317 : i1 to vector<16xi1>
          %parallel_loop3A_319, %parallel_loop3A_320 = tpu.scan_count mask(%parallel_loop3A_318 : vector<16xi1>) value(%parallel_loop3A_316 : vector<16xi32>) : vector<16xi1>, vector<16xi32>
          %parallel_loop3A_321 = arith.constant 48 : i32
          %parallel_loop3A_322 = arith.addi %parallel_loop3A_269, %parallel_loop3A_321 : i32
          %parallel_loop3A_323 = arith.index_cast %parallel_loop3A_322 : i32 to index
          %parallel_loop3A_324 = tpu.vector_load %arg6[%parallel_loop3A_323] {strides = array<i32>} : memref<8192xf32, #tpu.memory_space<vmem>>, vector<16xf32>,
          %parallel_loop3A_325 = vector.bitcast %parallel_loop3A_324 : vector<16xf32> to vector<16xi32>
          %parallel_loop3A_326 = arith.constant 24 : i32
          %parallel_loop3A_327 = vector.broadcast %parallel_loop3A_326 : i32 to vector<16xi32>
          %parallel_loop3A_328 = arith.shrui %parallel_loop3A_325, %parallel_loop3A_327 : vector<16xi32>
          %parallel_loop3A_329 = arith.constant 255 : i32
          %parallel_loop3A_330 = vector.broadcast %parallel_loop3A_329 : i32 to vector<16xi32>
          %parallel_loop3A_331 = arith.andi %parallel_loop3A_328, %parallel_loop3A_330 : vector<16xi32>
          %parallel_loop3A_332 = vector.broadcast %parallel_loop3A_266 : i32 to vector<16xi32>
          %parallel_loop3A_333 = arith.addi %parallel_loop3A_331, %parallel_loop3A_332 : vector<16xi32>
          %parallel_loop3A_334 = arith.constant true
          %parallel_loop3A_335 = vector.broadcast %parallel_loop3A_334 : i1 to vector<16xi1>
          %parallel_loop3A_336, %parallel_loop3A_337 = tpu.scan_count mask(%parallel_loop3A_335 : vector<16xi1>) value(%parallel_loop3A_333 : vector<16xi32>) : vector<16xi1>, vector<16xi32>
          %parallel_loop3A_338 = arith.constant 64 : i32
          %parallel_loop3A_339 = arith.addi %parallel_loop3A_269, %parallel_loop3A_338 : i32
          %parallel_loop3A_340 = arith.index_cast %parallel_loop3A_339 : i32 to index
          %parallel_loop3A_341 = tpu.vector_load %arg6[%parallel_loop3A_340] {strides = array<i32>} : memref<8192xf32, #tpu.memory_space<vmem>>, vector<16xf32>,
          %parallel_loop3A_342 = vector.bitcast %parallel_loop3A_341 : vector<16xf32> to vector<16xi32>
          %parallel_loop3A_343 = arith.constant 24 : i32
          %parallel_loop3A_344 = vector.broadcast %parallel_loop3A_343 : i32 to vector<16xi32>
          %parallel_loop3A_345 = arith.shrui %parallel_loop3A_342, %parallel_loop3A_344 : vector<16xi32>
          %parallel_loop3A_346 = arith.constant 255 : i32
          %parallel_loop3A_347 = vector.broadcast %parallel_loop3A_346 : i32 to vector<16xi32>
          %parallel_loop3A_348 = arith.andi %parallel_loop3A_345, %parallel_loop3A_347 : vector<16xi32>
          %parallel_loop3A_349 = vector.broadcast %parallel_loop3A_266 : i32 to vector<16xi32>
          %parallel_loop3A_350 = arith.addi %parallel_loop3A_348, %parallel_loop3A_349 : vector<16xi32>
          %parallel_loop3A_351 = arith.constant true
          %parallel_loop3A_352 = vector.broadcast %parallel_loop3A_351 : i1 to vector<16xi1>
          %parallel_loop3A_353, %parallel_loop3A_354 = tpu.scan_count mask(%parallel_loop3A_352 : vector<16xi1>) value(%parallel_loop3A_350 : vector<16xi32>) : vector<16xi1>, vector<16xi32>
          %parallel_loop3A_355 = arith.constant 80 : i32
          %parallel_loop3A_356 = arith.addi %parallel_loop3A_269, %parallel_loop3A_355 : i32
          %parallel_loop3A_357 = arith.index_cast %parallel_loop3A_356 : i32 to index
          %parallel_loop3A_358 = tpu.vector_load %arg6[%parallel_loop3A_357] {strides = array<i32>} : memref<8192xf32, #tpu.memory_space<vmem>>, vector<16xf32>,
          %parallel_loop3A_359 = vector.bitcast %parallel_loop3A_358 : vector<16xf32> to vector<16xi32>
          %parallel_loop3A_360 = arith.constant 24 : i32
          %parallel_loop3A_361 = vector.broadcast %parallel_loop3A_360 : i32 to vector<16xi32>
          %parallel_loop3A_362 = arith.shrui %parallel_loop3A_359, %parallel_loop3A_361 : vector<16xi32>
          %parallel_loop3A_363 = arith.constant 255 : i32
          %parallel_loop3A_364 = vector.broadcast %parallel_loop3A_363 : i32 to vector<16xi32>
          %parallel_loop3A_365 = arith.andi %parallel_loop3A_362, %parallel_loop3A_364 : vector<16xi32>
          %parallel_loop3A_366 = vector.broadcast %parallel_loop3A_266 : i32 to vector<16xi32>
          %parallel_loop3A_367 = arith.addi %parallel_loop3A_365, %parallel_loop3A_366 : vector<16xi32>
          %parallel_loop3A_368 = arith.constant true
          %parallel_loop3A_369 = vector.broadcast %parallel_loop3A_368 : i1 to vector<16xi1>
          %parallel_loop3A_370, %parallel_loop3A_371 = tpu.scan_count mask(%parallel_loop3A_369 : vector<16xi1>) value(%parallel_loop3A_367 : vector<16xi32>) : vector<16xi1>, vector<16xi32>
          %parallel_loop3A_372 = arith.constant 96 : i32
          %parallel_loop3A_373 = arith.addi %parallel_loop3A_269, %parallel_loop3A_372 : i32
          %parallel_loop3A_374 = arith.index_cast %parallel_loop3A_373 : i32 to index
          %parallel_loop3A_375 = tpu.vector_load %arg6[%parallel_loop3A_374] {strides = array<i32>} : memref<8192xf32, #tpu.memory_space<vmem>>, vector<16xf32>,
          %parallel_loop3A_376 = vector.bitcast %parallel_loop3A_375 : vector<16xf32> to vector<16xi32>
          %parallel_loop3A_377 = arith.constant 24 : i32
          %parallel_loop3A_378 = vector.broadcast %parallel_loop3A_377 : i32 to vector<16xi32>
          %parallel_loop3A_379 = arith.shrui %parallel_loop3A_376, %parallel_loop3A_378 : vector<16xi32>
          %parallel_loop3A_380 = arith.constant 255 : i32
          %parallel_loop3A_381 = vector.broadcast %parallel_loop3A_380 : i32 to vector<16xi32>
          %parallel_loop3A_382 = arith.andi %parallel_loop3A_379, %parallel_loop3A_381 : vector<16xi32>
          %parallel_loop3A_383 = vector.broadcast %parallel_loop3A_266 : i32 to vector<16xi32>
          %parallel_loop3A_384 = arith.addi %parallel_loop3A_382, %parallel_loop3A_383 : vector<16xi32>
          %parallel_loop3A_385 = arith.constant true
          %parallel_loop3A_386 = vector.broadcast %parallel_loop3A_385 : i1 to vector<16xi1>
          %parallel_loop3A_387, %parallel_loop3A_388 = tpu.scan_count mask(%parallel_loop3A_386 : vector<16xi1>) value(%parallel_loop3A_384 : vector<16xi32>) : vector<16xi1>, vector<16xi32>
          %parallel_loop3A_389 = arith.constant 112 : i32
          %parallel_loop3A_390 = arith.addi %parallel_loop3A_269, %parallel_loop3A_389 : i32
          %parallel_loop3A_391 = arith.index_cast %parallel_loop3A_390 : i32 to index
          %parallel_loop3A_392 = tpu.vector_load %arg6[%parallel_loop3A_391] {strides = array<i32>} : memref<8192xf32, #tpu.memory_space<vmem>>, vector<16xf32>,
          %parallel_loop3A_393 = vector.bitcast %parallel_loop3A_392 : vector<16xf32> to vector<16xi32>
          %parallel_loop3A_394 = arith.constant 24 : i32
          %parallel_loop3A_395 = vector.broadcast %parallel_loop3A_394 : i32 to vector<16xi32>
          %parallel_loop3A_396 = arith.shrui %parallel_loop3A_393, %parallel_loop3A_395 : vector<16xi32>
          %parallel_loop3A_397 = arith.constant 255 : i32
          %parallel_loop3A_398 = vector.broadcast %parallel_loop3A_397 : i32 to vector<16xi32>
          %parallel_loop3A_399 = arith.andi %parallel_loop3A_396, %parallel_loop3A_398 : vector<16xi32>
          %parallel_loop3A_400 = vector.broadcast %parallel_loop3A_266 : i32 to vector<16xi32>
          %parallel_loop3A_401 = arith.addi %parallel_loop3A_399, %parallel_loop3A_400 : vector<16xi32>
          %parallel_loop3A_402 = arith.constant true
          %parallel_loop3A_403 = vector.broadcast %parallel_loop3A_402 : i1 to vector<16xi1>
          %parallel_loop3A_404, %parallel_loop3A_405 = tpu.scan_count mask(%parallel_loop3A_403 : vector<16xi1>) value(%parallel_loop3A_401 : vector<16xi32>) : vector<16xi1>, vector<16xi32>
          %parallel_loop3A_406 = tpu.vector_load_idx %arg7[%parallel_loop3A_282] : memref<4096xi32, #tpu.memory_space<vmem>>[vector<16xi32>], vector<16xi32>,
          %parallel_loop3A_407 = arith.addi %parallel_loop3A_406, %parallel_loop3A_286 : vector<16xi32>
          tpu.vector_store_idx %arg7[%parallel_loop3A_282], %parallel_loop3A_286 masked %parallel_loop3A_285 {add = true} : memref<4096xi32, #tpu.memory_space<vmem>>[vector<16xi32>], vector<16xi32>, vector<16xi1>
          %parallel_loop3A_408 = vector.broadcast %mul3A_74 : i32 to vector<16xi32>
          %parallel_loop3A_409 = arith.addi %parallel_loop3A_407, %parallel_loop3A_408 : vector<16xi32>
          %parallel_loop3A_410 = tpu.vector_load_idx %arg9[%parallel_loop3A_409] : memref<4096xf32, #tpu.memory_space<vmem>>[vector<16xi32>], vector<16xf32>,
          %parallel_loop3A_411 = arith.constant 31 : i32
          %parallel_loop3A_412 = vector.broadcast %parallel_loop3A_411 : i32 to vector<16xi32>
          %parallel_loop3A_413 = arith.shrsi %parallel_loop3A_274, %parallel_loop3A_412 : vector<16xi32>
          %parallel_loop3A_414 = arith.constant dense<-1> : vector<16xi32>
          %parallel_loop3A_415 = arith.xori %parallel_loop3A_413, %parallel_loop3A_414 : vector<16xi32>
          %parallel_loop3A_416 = arith.constant -2147483648 : i32
          %parallel_loop3A_417 = vector.broadcast %parallel_loop3A_416 : i32 to vector<16xi32>
          %parallel_loop3A_418 = arith.ori %parallel_loop3A_415, %parallel_loop3A_417 : vector<16xi32>
          %parallel_loop3A_419 = arith.xori %parallel_loop3A_274, %parallel_loop3A_418 : vector<16xi32>
          %parallel_loop3A_420 = vector.bitcast %parallel_loop3A_419 : vector<16xi32> to vector<16xf32>
          %parallel_loop3A_421 = arith.mulf %parallel_loop3A_420, %parallel_loop3A_410 : vector<16xf32>
          %parallel_loop3A_422 = tpu.vector_load_idx %arg7[%parallel_loop3A_299] : memref<4096xi32, #tpu.memory_space<vmem>>[vector<16xi32>], vector<16xi32>,
          %parallel_loop3A_423 = arith.addi %parallel_loop3A_422, %parallel_loop3A_303 : vector<16xi32>
          tpu.vector_store_idx %arg7[%parallel_loop3A_299], %parallel_loop3A_303 masked %parallel_loop3A_302 {add = true} : memref<4096xi32, #tpu.memory_space<vmem>>[vector<16xi32>], vector<16xi32>, vector<16xi1>
          %parallel_loop3A_424 = vector.broadcast %mul3A_74 : i32 to vector<16xi32>
          %parallel_loop3A_425 = arith.addi %parallel_loop3A_423, %parallel_loop3A_424 : vector<16xi32>
          %parallel_loop3A_426 = tpu.vector_load_idx %arg9[%parallel_loop3A_425] : memref<4096xf32, #tpu.memory_space<vmem>>[vector<16xi32>], vector<16xf32>,
          %parallel_loop3A_427 = arith.constant 31 : i32
          %parallel_loop3A_428 = vector.broadcast %parallel_loop3A_427 : i32 to vector<16xi32>
          %parallel_loop3A_429 = arith.shrsi %parallel_loop3A_291, %parallel_loop3A_428 : vector<16xi32>
          %parallel_loop3A_430 = arith.constant dense<-1> : vector<16xi32>
          %parallel_loop3A_431 = arith.xori %parallel_loop3A_429, %parallel_loop3A_430 : vector<16xi32>
          %parallel_loop3A_432 = arith.constant -2147483648 : i32
          %parallel_loop3A_433 = vector.broadcast %parallel_loop3A_432 : i32 to vector<16xi32>
          %parallel_loop3A_434 = arith.ori %parallel_loop3A_431, %parallel_loop3A_433 : vector<16xi32>
          %parallel_loop3A_435 = arith.xori %parallel_loop3A_291, %parallel_loop3A_434 : vector<16xi32>
          %parallel_loop3A_436 = vector.bitcast %parallel_loop3A_435 : vector<16xi32> to vector<16xf32>
          %parallel_loop3A_437 = arith.mulf %parallel_loop3A_436, %parallel_loop3A_426 : vector<16xf32>
          %parallel_loop3A_438 = arith.addf %parallel_loop3A_421, %parallel_loop3A_437 : vector<16xf32>
          %parallel_loop3A_439 = tpu.vector_load_idx %arg7[%parallel_loop3A_316] : memref<4096xi32, #tpu.memory_space<vmem>>[vector<16xi32>], vector<16xi32>,
          %parallel_loop3A_440 = arith.addi %parallel_loop3A_439, %parallel_loop3A_320 : vector<16xi32>
          tpu.vector_store_idx %arg7[%parallel_loop3A_316], %parallel_loop3A_320 masked %parallel_loop3A_319 {add = true} : memref<4096xi32, #tpu.memory_space<vmem>>[vector<16xi32>], vector<16xi32>, vector<16xi1>
          %parallel_loop3A_441 = vector.broadcast %mul3A_74 : i32 to vector<16xi32>
          %parallel_loop3A_442 = arith.addi %parallel_loop3A_440, %parallel_loop3A_441 : vector<16xi32>
          %parallel_loop3A_443 = tpu.vector_load_idx %arg9[%parallel_loop3A_442] : memref<4096xf32, #tpu.memory_space<vmem>>[vector<16xi32>], vector<16xf32>,
          %parallel_loop3A_444 = arith.constant 31 : i32
          %parallel_loop3A_445 = vector.broadcast %parallel_loop3A_444 : i32 to vector<16xi32>
          %parallel_loop3A_446 = arith.shrsi %parallel_loop3A_308, %parallel_loop3A_445 : vector<16xi32>
          %parallel_loop3A_447 = arith.constant dense<-1> : vector<16xi32>
          %parallel_loop3A_448 = arith.xori %parallel_loop3A_446, %parallel_loop3A_447 : vector<16xi32>
          %parallel_loop3A_449 = arith.constant -2147483648 : i32
          %parallel_loop3A_450 = vector.broadcast %parallel_loop3A_449 : i32 to vector<16xi32>
          %parallel_loop3A_451 = arith.ori %parallel_loop3A_448, %parallel_loop3A_450 : vector<16xi32>
          %parallel_loop3A_452 = arith.xori %parallel_loop3A_308, %parallel_loop3A_451 : vector<16xi32>
          %parallel_loop3A_453 = vector.bitcast %parallel_loop3A_452 : vector<16xi32> to vector<16xf32>
          %parallel_loop3A_454 = arith.mulf %parallel_loop3A_453, %parallel_loop3A_443 : vector<16xf32>
          %parallel_loop3A_455 = arith.addf %parallel_loop3A_438, %parallel_loop3A_454 : vector<16xf32>
          %parallel_loop3A_456 = tpu.vector_load_idx %arg7[%parallel_loop3A_333] : memref<4096xi32, #tpu.memory_space<vmem>>[vector<16xi32>], vector<16xi32>,
          %parallel_loop3A_457 = arith.addi %parallel_loop3A_456, %parallel_loop3A_337 : vector<16xi32>
          tpu.vector_store_idx %arg7[%parallel_loop3A_333], %parallel_loop3A_337 masked %parallel_loop3A_336 {add = true} : memref<4096xi32, #tpu.memory_space<vmem>>[vector<16xi32>], vector<16xi32>, vector<16xi1>
          %parallel_loop3A_458 = vector.broadcast %mul3A_74 : i32 to vector<16xi32>
          %parallel_loop3A_459 = arith.addi %parallel_loop3A_457, %parallel_loop3A_458 : vector<16xi32>
          %parallel_loop3A_460 = tpu.vector_load_idx %arg9[%parallel_loop3A_459] : memref<4096xf32, #tpu.memory_space<vmem>>[vector<16xi32>], vector<16xf32>,
          %parallel_loop3A_461 = arith.constant 31 : i32
          %parallel_loop3A_462 = vector.broadcast %parallel_loop3A_461 : i32 to vector<16xi32>
          %parallel_loop3A_463 = arith.shrsi %parallel_loop3A_325, %parallel_loop3A_462 : vector<16xi32>
          %parallel_loop3A_464 = arith.constant dense<-1> : vector<16xi32>
          %parallel_loop3A_465 = arith.xori %parallel_loop3A_463, %parallel_loop3A_464 : vector<16xi32>
          %parallel_loop3A_466 = arith.constant -2147483648 : i32
          %parallel_loop3A_467 = vector.broadcast %parallel_loop3A_466 : i32 to vector<16xi32>
          %parallel_loop3A_468 = arith.ori %parallel_loop3A_465, %parallel_loop3A_467 : vector<16xi32>
          %parallel_loop3A_469 = arith.xori %parallel_loop3A_325, %parallel_loop3A_468 : vector<16xi32>
          %parallel_loop3A_470 = vector.bitcast %parallel_loop3A_469 : vector<16xi32> to vector<16xf32>
          %parallel_loop3A_471 = arith.mulf %parallel_loop3A_470, %parallel_loop3A_460 : vector<16xf32>
          %parallel_loop3A_472 = arith.addf %parallel_loop3A_455, %parallel_loop3A_471 : vector<16xf32>
          %parallel_loop3A_473 = tpu.vector_load_idx %arg7[%parallel_loop3A_350] : memref<4096xi32, #tpu.memory_space<vmem>>[vector<16xi32>], vector<16xi32>,
          %parallel_loop3A_474 = arith.addi %parallel_loop3A_473, %parallel_loop3A_354 : vector<16xi32>
          tpu.vector_store_idx %arg7[%parallel_loop3A_350], %parallel_loop3A_354 masked %parallel_loop3A_353 {add = true} : memref<4096xi32, #tpu.memory_space<vmem>>[vector<16xi32>], vector<16xi32>, vector<16xi1>
          %parallel_loop3A_475 = vector.broadcast %mul3A_74 : i32 to vector<16xi32>
          %parallel_loop3A_476 = arith.addi %parallel_loop3A_474, %parallel_loop3A_475 : vector<16xi32>
          %parallel_loop3A_477 = tpu.vector_load_idx %arg9[%parallel_loop3A_476] : memref<4096xf32, #tpu.memory_space<vmem>>[vector<16xi32>], vector<16xf32>,
          %parallel_loop3A_478 = arith.constant 31 : i32
          %parallel_loop3A_479 = vector.broadcast %parallel_loop3A_478 : i32 to vector<16xi32>
          %parallel_loop3A_480 = arith.shrsi %parallel_loop3A_342, %parallel_loop3A_479 : vector<16xi32>
          %parallel_loop3A_481 = arith.constant dense<-1> : vector<16xi32>
          %parallel_loop3A_482 = arith.xori %parallel_loop3A_480, %parallel_loop3A_481 : vector<16xi32>
          %parallel_loop3A_483 = arith.constant -2147483648 : i32
          %parallel_loop3A_484 = vector.broadcast %parallel_loop3A_483 : i32 to vector<16xi32>
          %parallel_loop3A_485 = arith.ori %parallel_loop3A_482, %parallel_loop3A_484 : vector<16xi32>
          %parallel_loop3A_486 = arith.xori %parallel_loop3A_342, %parallel_loop3A_485 : vector<16xi32>
          %parallel_loop3A_487 = vector.bitcast %parallel_loop3A_486 : vector<16xi32> to vector<16xf32>
          %parallel_loop3A_488 = arith.mulf %parallel_loop3A_487, %parallel_loop3A_477 : vector<16xf32>
          %parallel_loop3A_489 = arith.addf %parallel_loop3A_472, %parallel_loop3A_488 : vector<16xf32>
          %parallel_loop3A_490 = tpu.vector_load_idx %arg7[%parallel_loop3A_367] : memref<4096xi32, #tpu.memory_space<vmem>>[vector<16xi32>], vector<16xi32>,
          %parallel_loop3A_491 = arith.addi %parallel_loop3A_490, %parallel_loop3A_371 : vector<16xi32>
          tpu.vector_store_idx %arg7[%parallel_loop3A_367], %parallel_loop3A_371 masked %parallel_loop3A_370 {add = true} : memref<4096xi32, #tpu.memory_space<vmem>>[vector<16xi32>], vector<16xi32>, vector<16xi1>
          %parallel_loop3A_492 = vector.broadcast %mul3A_74 : i32 to vector<16xi32>
          %parallel_loop3A_493 = arith.addi %parallel_loop3A_491, %parallel_loop3A_492 : vector<16xi32>
          %parallel_loop3A_494 = tpu.vector_load_idx %arg9[%parallel_loop3A_493] : memref<4096xf32, #tpu.memory_space<vmem>>[vector<16xi32>], vector<16xf32>,
          %parallel_loop3A_495 = arith.constant 31 : i32
          %parallel_loop3A_496 = vector.broadcast %parallel_loop3A_495 : i32 to vector<16xi32>
          %parallel_loop3A_497 = arith.shrsi %parallel_loop3A_359, %parallel_loop3A_496 : vector<16xi32>
          %parallel_loop3A_498 = arith.constant dense<-1> : vector<16xi32>
          %parallel_loop3A_499 = arith.xori %parallel_loop3A_497, %parallel_loop3A_498 : vector<16xi32>
          %parallel_loop3A_500 = arith.constant -2147483648 : i32
          %parallel_loop3A_501 = vector.broadcast %parallel_loop3A_500 : i32 to vector<16xi32>
          %parallel_loop3A_502 = arith.ori %parallel_loop3A_499, %parallel_loop3A_501 : vector<16xi32>
          %parallel_loop3A_503 = arith.xori %parallel_loop3A_359, %parallel_loop3A_502 : vector<16xi32>
          %parallel_loop3A_504 = vector.bitcast %parallel_loop3A_503 : vector<16xi32> to vector<16xf32>
          %parallel_loop3A_505 = arith.mulf %parallel_loop3A_504, %parallel_loop3A_494 : vector<16xf32>
          %parallel_loop3A_506 = arith.addf %parallel_loop3A_489, %parallel_loop3A_505 : vector<16xf32>
          %parallel_loop3A_507 = tpu.vector_load_idx %arg7[%parallel_loop3A_384] : memref<4096xi32, #tpu.memory_space<vmem>>[vector<16xi32>], vector<16xi32>,
          %parallel_loop3A_508 = arith.addi %parallel_loop3A_507, %parallel_loop3A_388 : vector<16xi32>
          tpu.vector_store_idx %arg7[%parallel_loop3A_384], %parallel_loop3A_388 masked %parallel_loop3A_387 {add = true} : memref<4096xi32, #tpu.memory_space<vmem>>[vector<16xi32>], vector<16xi32>, vector<16xi1>
          %parallel_loop3A_509 = vector.broadcast %mul3A_74 : i32 to vector<16xi32>
          %parallel_loop3A_510 = arith.addi %parallel_loop3A_508, %parallel_loop3A_509 : vector<16xi32>
          %parallel_loop3A_511 = tpu.vector_load_idx %arg9[%parallel_loop3A_510] : memref<4096xf32, #tpu.memory_space<vmem>>[vector<16xi32>], vector<16xf32>,
          %parallel_loop3A_512 = arith.constant 31 : i32
          %parallel_loop3A_513 = vector.broadcast %parallel_loop3A_512 : i32 to vector<16xi32>
          %parallel_loop3A_514 = arith.shrsi %parallel_loop3A_376, %parallel_loop3A_513 : vector<16xi32>
          %parallel_loop3A_515 = arith.constant dense<-1> : vector<16xi32>
          %parallel_loop3A_516 = arith.xori %parallel_loop3A_514, %parallel_loop3A_515 : vector<16xi32>
          %parallel_loop3A_517 = arith.constant -2147483648 : i32
          %parallel_loop3A_518 = vector.broadcast %parallel_loop3A_517 : i32 to vector<16xi32>
          %parallel_loop3A_519 = arith.ori %parallel_loop3A_516, %parallel_loop3A_518 : vector<16xi32>
          %parallel_loop3A_520 = arith.xori %parallel_loop3A_376, %parallel_loop3A_519 : vector<16xi32>
          %parallel_loop3A_521 = vector.bitcast %parallel_loop3A_520 : vector<16xi32> to vector<16xf32>
          %parallel_loop3A_522 = arith.mulf %parallel_loop3A_521, %parallel_loop3A_511 : vector<16xf32>
          %parallel_loop3A_523 = arith.addf %parallel_loop3A_506, %parallel_loop3A_522 : vector<16xf32>
          %parallel_loop3A_524 = tpu.vector_load_idx %arg7[%parallel_loop3A_401] : memref<4096xi32, #tpu.memory_space<vmem>>[vector<16xi32>], vector<16xi32>,
          %parallel_loop3A_525 = arith.addi %parallel_loop3A_524, %parallel_loop3A_405 : vector<16xi32>
          tpu.vector_store_idx %arg7[%parallel_loop3A_401], %parallel_loop3A_405 masked %parallel_loop3A_404 {add = true} : memref<4096xi32, #tpu.memory_space<vmem>>[vector<16xi32>], vector<16xi32>, vector<16xi1>
          %parallel_loop3A_526 = vector.broadcast %mul3A_74 : i32 to vector<16xi32>
          %parallel_loop3A_527 = arith.addi %parallel_loop3A_525, %parallel_loop3A_526 : vector<16xi32>
          %parallel_loop3A_528 = tpu.vector_load_idx %arg9[%parallel_loop3A_527] : memref<4096xf32, #tpu.memory_space<vmem>>[vector<16xi32>], vector<16xf32>,
          %parallel_loop3A_529 = arith.constant 31 : i32
          %parallel_loop3A_530 = vector.broadcast %parallel_loop3A_529 : i32 to vector<16xi32>
          %parallel_loop3A_531 = arith.shrsi %parallel_loop3A_393, %parallel_loop3A_530 : vector<16xi32>
          %parallel_loop3A_532 = arith.constant dense<-1> : vector<16xi32>
          %parallel_loop3A_533 = arith.xori %parallel_loop3A_531, %parallel_loop3A_532 : vector<16xi32>
          %parallel_loop3A_534 = arith.constant -2147483648 : i32
          %parallel_loop3A_535 = vector.broadcast %parallel_loop3A_534 : i32 to vector<16xi32>
          %parallel_loop3A_536 = arith.ori %parallel_loop3A_533, %parallel_loop3A_535 : vector<16xi32>
          %parallel_loop3A_537 = arith.xori %parallel_loop3A_393, %parallel_loop3A_536 : vector<16xi32>
          %parallel_loop3A_538 = vector.bitcast %parallel_loop3A_537 : vector<16xi32> to vector<16xf32>
          %parallel_loop3A_539 = arith.mulf %parallel_loop3A_538, %parallel_loop3A_528 : vector<16xf32>
          %parallel_loop3A_540 = arith.addf %parallel_loop3A_523, %parallel_loop3A_539 : vector<16xf32>
          %parallel_loop3A_541 = arith.constant 16 : i32
          %parallel_loop3A_542 = arith.muli %parallel_loop3A_260, %parallel_loop3A_541 : i32
          %parallel_loop3A_543 = arith.index_cast %parallel_loop3A_542 : i32 to index
          %parallel_loop3A_544 = tpu.vector_load %arg10[%parallel_loop3A_543] {strides = array<i32>} : memref<64xf32, #tpu.memory_space<vmem>>, vector<16xf32>,
          tpu.vector_store %arg10[%parallel_loop3A_543], %parallel_loop3A_540 {add = true, strides = array<i32>} : memref<64xf32, #tpu.memory_space<vmem>>, vector<16xf32>,
        } {sc.loop_unroll_factor = 4 : i64, sc.parallel_access}
        %scan3A_259 = arith.constant 0 : i32
        scf.yield %scan3A_259 : i32
      }
      %scan3A_210 = arith.constant 16 : i32
      %iota3A = tpu.iota {dimensions = array<i32: 0>} : vector<16xi32>
      %eq3A = arith.constant 0 : i32
      %eq3A_211 = vector.broadcast %eq3A : i32 to vector<16xi32>
      %eq3A_212 = arith.cmpi eq, %iota3A, %eq3A_211 : vector<16xi32>
      %get3A = arith.constant 0 : index
      %get3A_213 = tpu.vector_load %arg10[%get3A] {strides = array<i32>} : memref<64xf32, #tpu.memory_space<vmem>>, vector<16xf32>,
      %reduce_sum3A = arith.constant true
      %reduce_sum3A_214 = vector.broadcast %reduce_sum3A : i1 to vector<16xi1>
      %reduce_sum3A_215 = tpu.scan <sum>, %get3A_213 masked %reduce_sum3A_214 : vector<16xf32>, vector<16xi1> -> vector<16xf32>
      %reduce_sum3A_216 = vector.extract %reduce_sum3A_215[15] : f32 from vector<16xf32>
      %add3A_217 = arith.constant 0 : i32
      %add3A_218 = arith.addi %add3A_217, %scan3A_65 : i32
      %broadcast_in_dim3A_219 = vector.broadcast %add3A_218 : i32 to vector<16xi32>
      %broadcast_in_dim3A_220 = vector.broadcast %reduce_sum3A_216 : f32 to vector<16xf32>
      tpu.vector_store_idx %arg11[%broadcast_in_dim3A_219], %broadcast_in_dim3A_220 masked %eq3A_212 : memref<128xf32, #tpu.memory_space<vmem>>[vector<16xi32>], vector<16xf32>, vector<16xi1>
      %get3A_221 = arith.constant 16 : index
      %get3A_222 = tpu.vector_load %arg10[%get3A_221] {strides = array<i32>} : memref<64xf32, #tpu.memory_space<vmem>>, vector<16xf32>,
      %reduce_sum3A_223 = arith.constant true
      %reduce_sum3A_224 = vector.broadcast %reduce_sum3A_223 : i1 to vector<16xi1>
      %reduce_sum3A_225 = tpu.scan <sum>, %get3A_222 masked %reduce_sum3A_224 : vector<16xf32>, vector<16xi1> -> vector<16xf32>
      %reduce_sum3A_226 = vector.extract %reduce_sum3A_225[15] : f32 from vector<16xf32>
      %add3A_227 = arith.constant 32 : i32
      %add3A_228 = arith.addi %add3A_227, %scan3A_65 : i32
      %broadcast_in_dim3A_229 = vector.broadcast %add3A_228 : i32 to vector<16xi32>
      %broadcast_in_dim3A_230 = vector.broadcast %reduce_sum3A_226 : f32 to vector<16xf32>
      tpu.vector_store_idx %arg11[%broadcast_in_dim3A_229], %broadcast_in_dim3A_230 masked %eq3A_212 : memref<128xf32, #tpu.memory_space<vmem>>[vector<16xi32>], vector<16xf32>, vector<16xi1>
      %get3A_231 = arith.constant 32 : index
      %get3A_232 = tpu.vector_load %arg10[%get3A_231] {strides = array<i32>} : memref<64xf32, #tpu.memory_space<vmem>>, vector<16xf32>,
      %reduce_sum3A_233 = arith.constant true
      %reduce_sum3A_234 = vector.broadcast %reduce_sum3A_233 : i1 to vector<16xi1>
      %reduce_sum3A_235 = tpu.scan <sum>, %get3A_232 masked %reduce_sum3A_234 : vector<16xf32>, vector<16xi1> -> vector<16xf32>
      %reduce_sum3A_236 = vector.extract %reduce_sum3A_235[15] : f32 from vector<16xf32>
      %add3A_237 = arith.constant 64 : i32
      %add3A_238 = arith.addi %add3A_237, %scan3A_65 : i32
      %broadcast_in_dim3A_239 = vector.broadcast %add3A_238 : i32 to vector<16xi32>
      %broadcast_in_dim3A_240 = vector.broadcast %reduce_sum3A_236 : f32 to vector<16xf32>
      tpu.vector_store_idx %arg11[%broadcast_in_dim3A_239], %broadcast_in_dim3A_240 masked %eq3A_212 : memref<128xf32, #tpu.memory_space<vmem>>[vector<16xi32>], vector<16xf32>, vector<16xi1>
      %get3A_241 = arith.constant 48 : index
      %get3A_242 = tpu.vector_load %arg10[%get3A_241] {strides = array<i32>} : memref<64xf32, #tpu.memory_space<vmem>>, vector<16xf32>,
      %reduce_sum3A_243 = arith.constant true
      %reduce_sum3A_244 = vector.broadcast %reduce_sum3A_243 : i1 to vector<16xi1>
      %reduce_sum3A_245 = tpu.scan <sum>, %get3A_242 masked %reduce_sum3A_244 : vector<16xf32>, vector<16xi1> -> vector<16xf32>
      %reduce_sum3A_246 = vector.extract %reduce_sum3A_245[15] : f32 from vector<16xf32>
      %add3A_247 = arith.constant 96 : i32
      %add3A_248 = arith.addi %add3A_247, %scan3A_65 : i32
      %broadcast_in_dim3A_249 = vector.broadcast %add3A_248 : i32 to vector<16xi32>
      %broadcast_in_dim3A_250 = vector.broadcast %reduce_sum3A_246 : f32 to vector<16xf32>
      tpu.vector_store_idx %arg11[%broadcast_in_dim3A_249], %broadcast_in_dim3A_250 masked %eq3A_212 : memref<128xf32, #tpu.memory_space<vmem>>[vector<16xi32>], vector<16xf32>, vector<16xi1>
      %scan3A_251 = arith.constant 0 : i32
      scf.yield %scan3A_251 : i32
    }
    %scan3A_61 = arith.constant 32 : i32
    %run_scoped3A = arith.constant 0 : i32
    "tpu.region"() ({
      %run_scoped3A_65 = tpu.sem_alloc : memref<!tpu.dma_semaphore, #tpu.memory_space<semaphore_mem>>
      %dma_start3A_66 = arith.constant 0 : i32
      %dma_start3A_67 = tpu.memref_slice %arg11[%dma_start3A_66] : memref<128xf32, #tpu.memory_space<vmem>> -> memref<32xf32, #tpu.memory_space<vmem>>
      %dma_start3A_68 = tpu.memref_slice %arg4[%run_scoped3A, %mul3A_2] : memref<4x1024xf32, #tpu.memory_space<hbm>> -> memref<1x32xf32, #tpu.memory_space<hbm>>
      %dma_start3A_69 = tpu.memref_squeeze %dma_start3A_68 : memref<1x32xf32, #tpu.memory_space<hbm>> -> memref<32xf32, #tpu.memory_space<hbm>>
      %dma_start3A_70 = tpu.memref_slice %arg4[%run_scoped3A, %mul3A_2] : memref<4x1024xf32, #tpu.memory_space<hbm>> -> memref<1x32xf32, #tpu.memory_space<hbm>>
      %dma_start3A_71 = tpu.memref_squeeze %dma_start3A_70 : memref<1x32xf32, #tpu.memory_space<hbm>> -> memref<32xf32, #tpu.memory_space<hbm>>
      %dma_start3A_72 = arith.constant 0 : i32
      %dma_start3A_73 = tpu.memref_slice %arg11[%dma_start3A_72] : memref<128xf32, #tpu.memory_space<vmem>> -> memref<32xf32, #tpu.memory_space<vmem>>
      tpu.enqueue_dma source(%dma_start3A_73 : memref<32xf32, #tpu.memory_space<vmem>>) target(%dma_start3A_71 : memref<32xf32, #tpu.memory_space<hbm>>) target_semaphore(%run_scoped3A_65 : memref<!tpu.dma_semaphore, #tpu.memory_space<semaphore_mem>>)
      %dma_wait3A = arith.constant 0 : i32
      %dma_wait3A_74 = tpu.memref_slice %arg11[%dma_wait3A] : memref<128xf32, #tpu.memory_space<vmem>> -> memref<32xf32, #tpu.memory_space<vmem>>
      %dma_wait3A_75 = tpu.memref_slice %arg4[%run_scoped3A, %mul3A_2] : memref<4x1024xf32, #tpu.memory_space<hbm>> -> memref<1x32xf32, #tpu.memory_space<hbm>>
      %dma_wait3A_76 = tpu.memref_squeeze %dma_wait3A_75 : memref<1x32xf32, #tpu.memory_space<hbm>> -> memref<32xf32, #tpu.memory_space<hbm>>
      %dma_wait3A_77 = tpu.memref_slice %arg4[%run_scoped3A, %mul3A_2] : memref<4x1024xf32, #tpu.memory_space<hbm>> -> memref<1x32xf32, #tpu.memory_space<hbm>>
      %dma_wait3A_78 = tpu.memref_squeeze %dma_wait3A_77 : memref<1x32xf32, #tpu.memory_space<hbm>> -> memref<32xf32, #tpu.memory_space<hbm>>
      %dma_wait3A_79 = arith.constant 0 : i32
      %dma_wait3A_80 = tpu.memref_slice %arg11[%dma_wait3A_79] : memref<128xf32, #tpu.memory_space<vmem>> -> memref<32xf32, #tpu.memory_space<vmem>>
      tpu.wait_dma2 semaphore(%run_scoped3A_65 : memref<!tpu.dma_semaphore, #tpu.memory_space<semaphore_mem>>) src(%dma_wait3A_80 : memref<32xf32, #tpu.memory_space<vmem>>) dst(%dma_wait3A_78 : memref<32xf32, #tpu.memory_space<hbm>>)
      tpu.yield
    }) : () -> ()
    %run_scoped3A_62 = arith.constant 1 : i32
    "tpu.region"() ({
      %run_scoped3A_65 = tpu.sem_alloc : memref<!tpu.dma_semaphore, #tpu.memory_space<semaphore_mem>>
      %dma_start3A_66 = arith.constant 32 : i32
      %dma_start3A_67 = tpu.memref_slice %arg11[%dma_start3A_66] : memref<128xf32, #tpu.memory_space<vmem>> -> memref<32xf32, #tpu.memory_space<vmem>>
      %dma_start3A_68 = tpu.memref_slice %arg4[%run_scoped3A_62, %mul3A_2] : memref<4x1024xf32, #tpu.memory_space<hbm>> -> memref<1x32xf32, #tpu.memory_space<hbm>>
      %dma_start3A_69 = tpu.memref_squeeze %dma_start3A_68 : memref<1x32xf32, #tpu.memory_space<hbm>> -> memref<32xf32, #tpu.memory_space<hbm>>
      %dma_start3A_70 = tpu.memref_slice %arg4[%run_scoped3A_62, %mul3A_2] : memref<4x1024xf32, #tpu.memory_space<hbm>> -> memref<1x32xf32, #tpu.memory_space<hbm>>
      %dma_start3A_71 = tpu.memref_squeeze %dma_start3A_70 : memref<1x32xf32, #tpu.memory_space<hbm>> -> memref<32xf32, #tpu.memory_space<hbm>>
      %dma_start3A_72 = arith.constant 32 : i32
      %dma_start3A_73 = tpu.memref_slice %arg11[%dma_start3A_72] : memref<128xf32, #tpu.memory_space<vmem>> -> memref<32xf32, #tpu.memory_space<vmem>>
      tpu.enqueue_dma source(%dma_start3A_73 : memref<32xf32, #tpu.memory_space<vmem>>) target(%dma_start3A_71 : memref<32xf32, #tpu.memory_space<hbm>>) target_semaphore(%run_scoped3A_65 : memref<!tpu.dma_semaphore, #tpu.memory_space<semaphore_mem>>)
      %dma_wait3A = arith.constant 32 : i32
      %dma_wait3A_74 = tpu.memref_slice %arg11[%dma_wait3A] : memref<128xf32, #tpu.memory_space<vmem>> -> memref<32xf32, #tpu.memory_space<vmem>>
      %dma_wait3A_75 = tpu.memref_slice %arg4[%run_scoped3A_62, %mul3A_2] : memref<4x1024xf32, #tpu.memory_space<hbm>> -> memref<1x32xf32, #tpu.memory_space<hbm>>
      %dma_wait3A_76 = tpu.memref_squeeze %dma_wait3A_75 : memref<1x32xf32, #tpu.memory_space<hbm>> -> memref<32xf32, #tpu.memory_space<hbm>>
      %dma_wait3A_77 = tpu.memref_slice %arg4[%run_scoped3A_62, %mul3A_2] : memref<4x1024xf32, #tpu.memory_space<hbm>> -> memref<1x32xf32, #tpu.memory_space<hbm>>
      %dma_wait3A_78 = tpu.memref_squeeze %dma_wait3A_77 : memref<1x32xf32, #tpu.memory_space<hbm>> -> memref<32xf32, #tpu.memory_space<hbm>>
      %dma_wait3A_79 = arith.constant 32 : i32
      %dma_wait3A_80 = tpu.memref_slice %arg11[%dma_wait3A_79] : memref<128xf32, #tpu.memory_space<vmem>> -> memref<32xf32, #tpu.memory_space<vmem>>
      tpu.wait_dma2 semaphore(%run_scoped3A_65 : memref<!tpu.dma_semaphore, #tpu.memory_space<semaphore_mem>>) src(%dma_wait3A_80 : memref<32xf32, #tpu.memory_space<vmem>>) dst(%dma_wait3A_78 : memref<32xf32, #tpu.memory_space<hbm>>)
      tpu.yield
    }) : () -> ()
    %run_scoped3A_63 = arith.constant 2 : i32
    "tpu.region"() ({
      %run_scoped3A_65 = tpu.sem_alloc : memref<!tpu.dma_semaphore, #tpu.memory_space<semaphore_mem>>
      %dma_start3A_66 = arith.constant 64 : i32
      %dma_start3A_67 = tpu.memref_slice %arg11[%dma_start3A_66] : memref<128xf32, #tpu.memory_space<vmem>> -> memref<32xf32, #tpu.memory_space<vmem>>
      %dma_start3A_68 = tpu.memref_slice %arg4[%run_scoped3A_63, %mul3A_2] : memref<4x1024xf32, #tpu.memory_space<hbm>> -> memref<1x32xf32, #tpu.memory_space<hbm>>
      %dma_start3A_69 = tpu.memref_squeeze %dma_start3A_68 : memref<1x32xf32, #tpu.memory_space<hbm>> -> memref<32xf32, #tpu.memory_space<hbm>>
      %dma_start3A_70 = tpu.memref_slice %arg4[%run_scoped3A_63, %mul3A_2] : memref<4x1024xf32, #tpu.memory_space<hbm>> -> memref<1x32xf32, #tpu.memory_space<hbm>>
      %dma_start3A_71 = tpu.memref_squeeze %dma_start3A_70 : memref<1x32xf32, #tpu.memory_space<hbm>> -> memref<32xf32, #tpu.memory_space<hbm>>
      %dma_start3A_72 = arith.constant 64 : i32
      %dma_start3A_73 = tpu.memref_slice %arg11[%dma_start3A_72] : memref<128xf32, #tpu.memory_space<vmem>> -> memref<32xf32, #tpu.memory_space<vmem>>
      tpu.enqueue_dma source(%dma_start3A_73 : memref<32xf32, #tpu.memory_space<vmem>>) target(%dma_start3A_71 : memref<32xf32, #tpu.memory_space<hbm>>) target_semaphore(%run_scoped3A_65 : memref<!tpu.dma_semaphore, #tpu.memory_space<semaphore_mem>>)
      %dma_wait3A = arith.constant 64 : i32
      %dma_wait3A_74 = tpu.memref_slice %arg11[%dma_wait3A] : memref<128xf32, #tpu.memory_space<vmem>> -> memref<32xf32, #tpu.memory_space<vmem>>
      %dma_wait3A_75 = tpu.memref_slice %arg4[%run_scoped3A_63, %mul3A_2] : memref<4x1024xf32, #tpu.memory_space<hbm>> -> memref<1x32xf32, #tpu.memory_space<hbm>>
      %dma_wait3A_76 = tpu.memref_squeeze %dma_wait3A_75 : memref<1x32xf32, #tpu.memory_space<hbm>> -> memref<32xf32, #tpu.memory_space<hbm>>
      %dma_wait3A_77 = tpu.memref_slice %arg4[%run_scoped3A_63, %mul3A_2] : memref<4x1024xf32, #tpu.memory_space<hbm>> -> memref<1x32xf32, #tpu.memory_space<hbm>>
      %dma_wait3A_78 = tpu.memref_squeeze %dma_wait3A_77 : memref<1x32xf32, #tpu.memory_space<hbm>> -> memref<32xf32, #tpu.memory_space<hbm>>
      %dma_wait3A_79 = arith.constant 64 : i32
      %dma_wait3A_80 = tpu.memref_slice %arg11[%dma_wait3A_79] : memref<128xf32, #tpu.memory_space<vmem>> -> memref<32xf32, #tpu.memory_space<vmem>>
      tpu.wait_dma2 semaphore(%run_scoped3A_65 : memref<!tpu.dma_semaphore, #tpu.memory_space<semaphore_mem>>) src(%dma_wait3A_80 : memref<32xf32, #tpu.memory_space<vmem>>) dst(%dma_wait3A_78 : memref<32xf32, #tpu.memory_space<hbm>>)
      tpu.yield
    }) : () -> ()
    %run_scoped3A_64 = arith.constant 3 : i32
    "tpu.region"() ({
      %run_scoped3A_65 = tpu.sem_alloc : memref<!tpu.dma_semaphore, #tpu.memory_space<semaphore_mem>>
      %dma_start3A_66 = arith.constant 96 : i32
      %dma_start3A_67 = tpu.memref_slice %arg11[%dma_start3A_66] : memref<128xf32, #tpu.memory_space<vmem>> -> memref<32xf32, #tpu.memory_space<vmem>>
      %dma_start3A_68 = tpu.memref_slice %arg4[%run_scoped3A_64, %mul3A_2] : memref<4x1024xf32, #tpu.memory_space<hbm>> -> memref<1x32xf32, #tpu.memory_space<hbm>>
      %dma_start3A_69 = tpu.memref_squeeze %dma_start3A_68 : memref<1x32xf32, #tpu.memory_space<hbm>> -> memref<32xf32, #tpu.memory_space<hbm>>
      %dma_start3A_70 = tpu.memref_slice %arg4[%run_scoped3A_64, %mul3A_2] : memref<4x1024xf32, #tpu.memory_space<hbm>> -> memref<1x32xf32, #tpu.memory_space<hbm>>
      %dma_start3A_71 = tpu.memref_squeeze %dma_start3A_70 : memref<1x32xf32, #tpu.memory_space<hbm>> -> memref<32xf32, #tpu.memory_space<hbm>>
      %dma_start3A_72 = arith.constant 96 : i32
      %dma_start3A_73 = tpu.memref_slice %arg11[%dma_start3A_72] : memref<128xf32, #tpu.memory_space<vmem>> -> memref<32xf32, #tpu.memory_space<vmem>>
      tpu.enqueue_dma source(%dma_start3A_73 : memref<32xf32, #tpu.memory_space<vmem>>) target(%dma_start3A_71 : memref<32xf32, #tpu.memory_space<hbm>>) target_semaphore(%run_scoped3A_65 : memref<!tpu.dma_semaphore, #tpu.memory_space<semaphore_mem>>)
      %dma_wait3A = arith.constant 96 : i32
      %dma_wait3A_74 = tpu.memref_slice %arg11[%dma_wait3A] : memref<128xf32, #tpu.memory_space<vmem>> -> memref<32xf32, #tpu.memory_space<vmem>>
      %dma_wait3A_75 = tpu.memref_slice %arg4[%run_scoped3A_64, %mul3A_2] : memref<4x1024xf32, #tpu.memory_space<hbm>> -> memref<1x32xf32, #tpu.memory_space<hbm>>
      %dma_wait3A_76 = tpu.memref_squeeze %dma_wait3A_75 : memref<1x32xf32, #tpu.memory_space<hbm>> -> memref<32xf32, #tpu.memory_space<hbm>>
      %dma_wait3A_77 = tpu.memref_slice %arg4[%run_scoped3A_64, %mul3A_2] : memref<4x1024xf32, #tpu.memory_space<hbm>> -> memref<1x32xf32, #tpu.memory_space<hbm>>
      %dma_wait3A_78 = tpu.memref_squeeze %dma_wait3A_77 : memref<1x32xf32, #tpu.memory_space<hbm>> -> memref<32xf32, #tpu.memory_space<hbm>>
      %dma_wait3A_79 = arith.constant 96 : i32
      %dma_wait3A_80 = tpu.memref_slice %arg11[%dma_wait3A_79] : memref<128xf32, #tpu.memory_space<vmem>> -> memref<32xf32, #tpu.memory_space<vmem>>
      tpu.wait_dma2 semaphore(%run_scoped3A_65 : memref<!tpu.dma_semaphore, #tpu.memory_space<semaphore_mem>>) src(%dma_wait3A_80 : memref<32xf32, #tpu.memory_space<vmem>>) dst(%dma_wait3A_78 : memref<32xf32, #tpu.memory_space<hbm>>)
      tpu.yield
    }) : () -> ()
    return
  }
}

</mosaic_0001>

<sc_bundles>
// kernel: kernel.3.cloned.1.call-start
scs
__scs_entry_jumppad:
0x0: {  	(pc) =	sbr.rel $0x88, $3  }
0x1: {  	(tag) =	ssettag $0x0;
	lr =	simm.s32 $0x1  }
0x2: {  	[smem:$0x3F9F] =	sst lr;
	_ =	strace $0xD0000000  }
0x3: {  	_ = 	snop  }
0x4: {  	_ = 	snop  }
0x5: {  	_ = 	snop  }
0x6: {  	_ = 	snop  }
0x7: {  	_ = 	snop  }
__scs_overlays_trampoline_lowered:
0x8: {  	[smem:$0x3FAE] =	sst s0  }
0x9: {  	[smem:$0x3FAF] =	sst s1  }
0xa: {  	[smem:$0x3FB0] =	sst s2  }
0xb: {  	[smem:$0x3FB1] =	sst s3  }
0xc: {  	[smem:$0x3FB2] =	sst s4  }
0xd: {  	[smem:$0x3FB3] =	sst s5  }
0xe: {  	[smem:$0x3FB4] =	sst s6  }
0xf: {  	[smem:$0x3FB5] =	sst s7  }
0x10: {  	[smem:$0x3FB6] =	sst s8  }
0x11: {  	[smem:$0x3FB7] =	sst s9;
	s0 =	simm.s32 @!p0 $0x0  }
0x12: {  	s1 =	sld [smem:$0x3F9D];
	s0 =	simm.s32 @p0 $0x1  }
0x13: {  	[smem:$0x3FB8] =	sst s0;
	s0 =	simm.s32 @!p1 $0x0  }
0x14: {  	s2 =	sld [smem:$0x3F9C];
	s0 =	simm.s32 @p1 $0x1  }
0x15: {  	[smem:$0x3FB9] =	sst s0;
	s0 =	simm.s32 @!p2 $0x0  }
0x16: {  	s3 =	sld [smem:$0x3FDB];
	s0 =	simm.s32 @p2 $0x1  }
0x17: {  	s4 =	simm.s32 $0x1BF5;
	[smem:$0x3FBB] =	sst s0  }
0x18: {  	s0 =	sld [smem:$0x3F9E];
	_ =	swait.ge [sflag:s4], $0x0  }
0x19: {  	s7 =	sld [smem:$0x3F9F]  }
0x1a: {  	s8 =	sadd.s32 $0xFFFFE003, lr  }
0x1b: {  	s9 =	sadd.s32 $0xFFFFFEF7, lr;
	s5 =	simm.s32 $0xFFFFFFFF;
	p2 =	slt.u32 s8, $0xFFFFF086  }
0x1c: {  	p1 =	slt.u32 s9, $0xF7A;
	s5 =	simm.s32 @!p2 $0x0  }
0x1d: {  	s5 =	simm.s32 @p1 $0x1;
	p0 =	seq.s32 s7, s2  }
0x1e: {  	s7 =	smul.u32 @!p0 $0xF7A, s2;
	p2 =	seq.s32 @!p0 s5, $0x0  }
0x1f: {  	s9 =	smul.u32 $0xF7A, s1;
	s8 =	simm.s32 @!p0 $0x1BF5;
	p2 =	por !p2, p0  }
0x20: {  	[sflag:s8] =	ssyncset.s32 @!p0 $0xFFFFF086;
	s6 =	sadd.s32 @!p0 s3, s7;
	s7 =	simm.s32 @!p0 $0x108  }
0x21: {  	s3 =	sadd.s32 s3, s9;
	s6 =	sadd.s32 @!p0 $0x88, s6;
	s7 =	simm.s32 @p2 $0x1082  }
0x22: {  	[simem:s7], [sflag:s8] =	dma.local @!p0 [hbm:s6], $0xF7A  }
0x23: {  	s9 =	sor.u32 $0xD0000000, s2;
	s6 =	simm.s32 $0x108;
	_ =	swait.ge @!p0 [sflag:s8], $0x0  }
0x24: {  	s3 =	sadd.s32 $0x88, s3;
	s6 =	simm.s32 @!p1 $0x1082;
	[sflag:s4] =	ssyncset.s32 $0xFFFFF086  }
0x25: {  	[simem:s6], [sflag:s4] =	dma.local [hbm:s3], $0xF7A  }
0x26: {  	[smem:$0x3F9F] =	sst s1;
	(tag) =	ssettag s2;
	_ =	strace s9  }
0x27: {  	s1 =	sld [smem:$0x3FAF]  }
0x28: {  	s2 =	sld [smem:$0x3FB0]  }
0x29: {  	s4 =	sld [smem:$0x3FB2]  }
0x2a: {  	p0 =	seq.s32 s5, $0x0;
	s5 =	sld [smem:$0x3FB3]  }
0x2b: {  	s6 =	sld [smem:$0x3FB4]  }
0x2c: {  	s7 =	sld [smem:$0x3FB5]  }
0x2d: {  	s3 =	simm.s32 $0x108;
	s8 =	sld [smem:$0x3FB6]  }
0x2e: {  	s3 =	simm.s32 @!p0 $0x1082;
	s9 =	sld [smem:$0x3FB7]  }
0x2f: {  	lr =	sadd.s32 s0, s3;
	s0 =	sld [smem:$0x3FAE]  }
0x30: {  	s3 =	sld [smem:$0x3FB1]  }
0x31: {  	[smem:$0x3FBA] =	sst s10  }
0x32: {  	s10 =	sld [smem:$0x3FB8];
	_ =	sdelay $0x3  }
0x33: {  	p0 =	seq.s32 s10, $0x1;
	s10 =	sld [smem:$0x3FBA];
	_ =	sdelay $0x3  }
0x34: {  	[smem:$0x3FBA] =	sst s10  }
0x35: {  	s10 =	sld [smem:$0x3FB9];
	_ =	sdelay $0x3  }
0x36: {  	p1 =	seq.s32 s10, $0x1;
	s10 =	sld [smem:$0x3FBA];
	_ =	sdelay $0x3  }
0x37: {  	[smem:$0x3FBA] =	sst s10  }
0x38: {  	s10 =	sld [smem:$0x3FBB]  }
0x39: {  	_ = 	snop;
	(pc) =	sbr.ind lr, $3  }
0x3a: {  	_ = 	snop  }
0x3b: {  	_ = 	snop  }
0x3c: {  	p2 =	seq.s32 s10, $0x1;
	s10 =	sld [smem:$0x3FBA]  }
0x3d: {  	_ =	shalt  }
0x3e: {  	_ =	shalt  }
0x3f: {  	_ =	shalt  }
0x40: {  	_ =	shalt  }
0x41: {  	_ =	shalt  }
0x42: {  	_ =	shalt  }
0x43: {  	_ =	shalt  }
0x44: {  	_ =	shalt  }
0x45: {  	_ =	shalt  }
0x46: {  	_ =	shalt  }
0x47: {  	_ =	shalt  }
0x48: {  	_ =	shalt  }
0x49: {  	_ =	shalt  }
0x4a: {  	_ =	shalt  }
0x4b: {  	_ =	shalt  }
0x4c: {  	_ =	shalt  }
0x4d: {  	_ =	shalt  }
0x4e: {  	_ =	shalt  }
0x4f: {  	_ =	shalt  }
0x50: {  	_ =	shalt  }
0x51: {  	_ =	shalt  }
0x52: {  	_ =	shalt  }
0x53: {  	_ =	shalt  }
0x54: {  	_ =	shalt  }
0x55: {  	_ =	shalt  }
0x56: {  	_ =	shalt  }
0x57: {  	_ =	shalt  }
0x58: {  	_ =	shalt  }
0x59: {  	_ =	shalt  }
0x5a: {  	_ =	shalt  }
0x5b: {  	_ =	shalt  }
0x5c: {  	_ =	shalt  }
0x5d: {  	_ =	shalt  }
0x5e: {  	_ =	shalt  }
0x5f: {  	_ =	shalt  }
0x60: {  	_ =	shalt  }
0x61: {  	_ =	shalt  }
0x62: {  	_ =	shalt  }
0x63: {  	_ =	shalt  }
0x64: {  	_ =	shalt  }
0x65: {  	_ =	shalt  }
0x66: {  	_ =	shalt  }
0x67: {  	_ =	shalt  }
0x68: {  	_ =	shalt  }
0x69: {  	_ =	shalt  }
0x6a: {  	_ =	shalt  }
0x6b: {  	_ =	shalt  }
0x6c: {  	_ =	shalt  }
0x6d: {  	_ =	shalt  }
0x6e: {  	_ =	shalt  }
0x6f: {  	_ =	shalt  }
0x70: {  	_ =	shalt  }
0x71: {  	_ =	shalt  }
0x72: {  	_ =	shalt  }
0x73: {  	_ =	shalt  }
0x74: {  	_ =	shalt  }
0x75: {  	_ =	shalt  }
0x76: {  	_ =	shalt  }
0x77: {  	_ =	shalt  }
0x78: {  	_ =	shalt  }
0x79: {  	_ =	shalt  }
0x7a: {  	_ =	shalt  }
0x7b: {  	_ =	shalt  }
0x7c: {  	_ =	shalt  }
0x7d: {  	_ =	shalt  }
0x7e: {  	_ =	shalt  }
0x7f: {  	_ =	shalt  }
0x80: {  	_ =	shalt  }
0x81: {  	_ =	shalt  }
0x82: {  	_ =	shalt  }
0x83: {  	_ =	shalt  }
0x84: {  	_ =	shalt  }
0x85: {  	_ =	shalt  }
0x86: {  	_ =	shalt  }
0x87: {  	_ =	shalt  }
.Lfunc_end0:
.L_simem_size_0:
called_computation_lowered:
.L_overlay_start_0:
0x88: {  	s2 =	sld [smem:$0x3FD9]  }
0x89: {  	s3 =	sld [smem:$0x3FFE];
	_ =	sdelay $0x1  }
0x8a: {  	s1 =	srdreg.scid  }
0x8b: {  	s0 =	sand.u32 $0x1, s1  }
0x8c: {  	s17 =	sshll.u32 s0, $0xA;
	s2 =	sadd.s32 s3, s2  }
0x8d: {  	s2 =	sadd.s32 s2, s17  }
0x8e: {  	[smem:$0x3FC6] =	sst s2  }
0x8f: {  	_ = 	snop  }
0x90: {  	s2 =	sld [smem:$0x3FC9]  }
0x91: {  	s18 =	sld [smem:$0x3FD0];
	(tm) =	ssettm $0x1  }
0x92: {  	s4 =	sld [smem:$0x3FFB];
	_ =	sdelay $0x3  }
0x93: {  	_ =	strace s4  }
0x94: {  	s4 =	sld [smem:$0x3FFC];
	_ =	sdelay $0x3  }
0x95: {  	_ =	strace s4  }
0x96: {  	s4 =	sld [smem:$0x3FFD];
	_ =	sdelay $0x3  }
0x97: {  	_ =	strace s4  }
0x98: {  	_ =	strace $0x8FFFFFFF  }
0x99: {  	s19 =	sld [smem:$0x3FDB];
	_ =	sdelay $0x1  }
0x9a: {  	s5 =	simm.s32 $_scs_section_size  }
0x9b: {  	s6 =	simm.s32 $_size__tile_overlayer_lowered;
	s7 =	simm.s32 $_tile_overlayer_lowered  }
0x9c: {  	s22 =	simm.s32 $0x1BFF;
	s21 =	sshll.u32 s7, $0x1;
	s4 =	sadd.s32 s5, s19  }
0x9d: {  	s8 =	simm.s32 $0x0;
	s20 =	sshll.u32 s6, $0x1;
	s6 =	sadd.s32 s21, s4  }
0x9e: {  	[timem:s8], [sflag:s22] =	dma.local [hbm:s6], s20  }
0x9f: {  	_ =	swait.ge [sflag:s22], s20  }
0xa0: {  	s5 =	ssub.s32 $0x0, s20;
	[sflag:s22] =	ssyncset.done $0x0  }
0xa1: {  	[sflag:s22] =	ssyncadd.s32 s5;
	_ =	sdelay $0x1  }
0xa2: {  	s23 =	simm.s32 $0x1B8B  }
0xa3: {  	_ =	swait.ge [sflag:s23], $0x1  }
0xa4: {  	[sflag:s23] =	ssyncset.done $0x0  }
0xa5: {  	s25 =	simm.s32 $0x1B8E;
	s24 =	sld [smem:$0x3FFE];
	[sflag:s23] =	ssyncadd.s32 $0xFFFFFFFF  }
0xa6: {  	s26 =	simm.s32 $execute0_lowered;
	[smem:$0x3FD2] =	sst s25  }
0xa7: {  	s6 =	sshll.u32 s26, $0x1;
	_ =	strace $0x80000046;
	[dreg:$0x1] =	wrdreg $0xFFFFFFFF  }
0xa8: {  	s28 =	simm.s32 $_size_execute0_lowered;
	s4 =	sadd.s32 s4, s6;
	[dreg:$0x0] =	wrdreg $0x0  }
0xa9: {  	s6 =	sshll.u32 s28, $0x1;
	[dreg:$0x2] =	wrdreg s4  }
0xaa: {  	[dreg:$0x3] =	wrdreg s6  }
0xab: {  	[dreg:$0x4] =	wrdreg $0xC0  }
0xac: {  	_ =	task [dreg:s8], $0x5FFFF  }
0xad: {  	[dreg:$0x1] =	wrdreg $0xFFFFFFFF  }
0xae: {  	[dreg:$0x0] =	wrdreg $0x60  }
0xaf: {  	[dreg:$0x2] =	wrdreg s2  }
0xb0: {  	[dreg:$0x3] =	wrdreg s24  }
0xb1: {  	[dreg:$0x4] =	wrdreg s18  }
0xb2: {  	[dreg:$0x5] =	wrdreg $0x9  }
0xb3: {  	_ =	task.clear_ibuf [dreg:s8], $0x6FFFF;
	_ =	strace $0x90000046  }
0xb4: {  	s29 =	simm.s32 $0x9;
	_ =	strace $0x80000048  }
0xb5: {  	_ =	swait.ge [sflag:s29], $0x1  }
0xb6: {  	[sflag:s29] =	ssyncadd.s32 $0xFFFFFFFF  }
0xb7: {  	_ =	strace $0x90000048  }
0xb8: {  	_ =	sfence  }
0xb9: {  	s30 =	sld [smem:$0x0];
	_ =	sdelay $0x2  }
0xba: {  	s31 =	sshll.u32 s1, $0xD;
	s1 =	sshrl.u32 s1, $0x2  }
0xbb: {  	s3 =	sand.u32 $0x4000, s31;
	s1 =	sadd.s32 s1, s30  }
0xbc: {  	s0 =	sor.u32 s3, s0;
	s1 =	sshll.u32 s1, $0x11  }
0xbd: {  	s0 =	sor.u32 s1, s0  }
0xbe: {  	s0 =	sadd.s32 $0x8F2B, s0  }
0xbf: {  	[sflag:s0] =	ssyncadd.remote.s32 $0x1  }
0xc0: {  	_ =	sfence.sel $0xFFFF  }
0xc1: {  	[dreg:$0x0] =	wrdreg $0xFFFFFFFF;
	(pc) =	sbr.abs _section_cstart, $3  }
0xc2: {  	[dreg:$0x1] =	wrdreg $0xFFFFFFFF  }
0xc3: {  	_ =	task.clear_ibuf [dreg:s8], $0x2FFFF;
	_ =	strace $0x9FFFFFFF  }
0xc4: {  	(tm) =	ssettm $0x7FFFFFFF  }
0xc5: {  	_ =	shalt  }
tec
execute0_lowered:
.L_overlay_start_1:
0x0: {  	(tag) =	ssettag $0x1  }
0x1: {  	s5 =	rddreg [dreg:$0x0]  }
0x2: {  	s0 =	rddreg [dreg:$0x1]  }
0x3: {  	s1 =	rddreg [dreg:$0x2];
	s2 =	srdreg.scid  }
0x4: {  	s4 =	simm.s32 $0x0;
	s3 =	stileid.u32;
	s2 =	sand.u32 $0x1, s2  }
0x5: {  	[smem:$0x7FF] =	sst s4;
	s3 =	sshll.u32 s3, $0x6;
	s6 =	sadd.s32 $0x400, s0  }
0x6: {  	s24 =	sshll.u32 s2, $0x5;
	_ =	strace $0x80000047;
	s2 =	ssub.s32 $0x2, s2  }
0x7: {  	[dreg:$0x8] =	wrdreg s6;
	s4 =	sor.u32 s24, s3;
	s25 =	sshrl.u32 s2, $0x1  }
0x8: {  	s3 =	sshll.u32 s4, $0x8;
	s0 =	ssub.s32 s2, s25;
	s26 =	sshll.u32 s4, $0x2  }
0x9: {  	[dreg:$0x7] =	wrdreg s4;
	s4 =	sand.u32 $0x60, s4;
	s7 =	sadd.s32 s5, s3  }
0xa: {  	s28 =	sand.u32 $0xE00, s26;
	s3 =	sadd.s32 s6, s3;
	[dreg:$0x9] =	wrdreg s7  }
0xb: {  	s2 =	sor.u32 s4, s26;
	s0 =	smax.u32 s0, $0x1;
	[dreg:$0xd] =	wrdreg s3  }
0xc: {  	s5 =	sadd.s32 $0x40000, s7;
	s8 =	sadd.s32 $0x80000, s7;
	[dreg:$0x12] =	wrdreg s0  }
0xd: {  	s29 =	sadd.s32 $0xC0000, s7;
	[dreg:$0xa] =	wrdreg s5;
	s5 =	sor.u32 s4, s28  }
0xe: {  	s2 =	sshrl.u32 s2, $0x3;
	[dreg:$0xb] =	wrdreg s8;
	s30 =	sshrl.u32 s5, $0x3  }
0xf: {  	[dreg:$0xc] =	wrdreg s29;
	s2 =	sor.u32 $0x30, s2;
	s31 =	sadd.s32 s1, s30  }
0x10: {  	s1 =	sadd.s32 s1, s2;
	[dreg:$0xe] =	wrdreg s31  }
0x11: {  	s24 =	simm.s32 $0x4000;
	s4 =	sadd.s32 $0x10, s31;
	[dreg:$0x11] =	wrdreg s1  }
0x12: {  	s25 =	simm.s32 $0x2000;
	s3 =	sadd.s32 $0x20, s31;
	[dreg:$0xf] =	wrdreg s4  }
0x13: {  	v1 =	vimm.s32 $0x0;
	v2 =	vimm.s32 $0x1;
	s1 =	simm.s32 $0x0;
	[dreg:$0x10] =	wrdreg s3;
	s4 =	simm.s32 $0x9000  }
.LBB2_1:
0x14: {  	[dreg:$0x13] =	wrdreg s1  }
0x15: {  	s0 =	rddreg [dreg:$0x9]  }
0x16: {  	s21 =	simm.s32 $0x80;
	s2 =	simm.s32 $0x400;
	s3 =	simm.s32 $0x5000  }
0x17: {  	[tilespmem:s3], [sflag:$0x1] =	stream.strided.gather [hbm4b:s0+s21], $0x800, s2, s21, $0x38;
	[tilespmem:$0xA100] =	vst v63  }
0x18: {  	s22 =	rddreg [dreg:$0xa];
	s23 =	simm.s32 $0x5800  }
0x19: {  	[tilespmem:s23], [sflag:$0x1] =	stream.strided.gather [hbm4b:s22+s21], $0x800, s2, s21, $0x38;
	[tilespmem:$0xA100] =	vst v63  }
0x1a: {  	s26 =	rddreg [dreg:$0xb];
	s28 =	simm.s32 $0x6000  }
0x1b: {  	[tilespmem:s28], [sflag:$0x1] =	stream.strided.gather [hbm4b:s26+s21], $0x800, s2, s21, $0x38;
	[tilespmem:$0xA100] =	vst v63  }
0x1c: {  	s29 =	rddreg [dreg:$0xc];
	s30 =	simm.s32 $0x6800  }
0x1d: {  	[tilespmem:s30], [sflag:$0x1] =	stream.strided.gather [hbm4b:s29+s21], $0x800, s2, s21, $0x38;
	[tilespmem:$0xA100] =	vst v63  }
0x1e: {  	s31 =	rddreg [dreg:$0xd];
	s9 =	simm.s32 $0x0  }
0x1f: {  	[tilespmem:s4], [sflag:$0x1] =	stream.strided.gather [hbm4b:s31+s21], $0x800, s2, s21, $0x38;
	[tilespmem:$0xA100] =	vst v63  }
.LBB2_2:
0x20: {  	s3 =	simm.s32 $0x1  }
0x21: {  	_ =	swait.ge [sflag:s3], $0x800  }
0x22: {  	[sflag:s3] =	ssyncset.done $0x0  }
0x23: {  	[sflag:s3] =	ssyncadd.s32 $0xFFFFF800  }
0x24: {  	_ =	swait.ge [sflag:s3], $0x800  }
0x25: {  	[sflag:s3] =	ssyncset.done $0x0  }
0x26: {  	[sflag:s3] =	ssyncadd.s32 $0xFFFFF800  }
0x27: {  	_ =	swait.ge [sflag:s3], $0x800  }
0x28: {  	[sflag:s3] =	ssyncset.done $0x0  }
0x29: {  	[sflag:s3] =	ssyncadd.s32 $0xFFFFF800  }
0x2a: {  	_ =	swait.ge [sflag:s3], $0x800  }
0x2b: {  	p0 =	seq.s32 s9, $0x1F;
	[sflag:s3] =	ssyncset.done $0x0;
	s0 =	rddreg [dreg:$0x7]  }
0x2c: {  	s2 =	sadd.s32 $0x1, s9;
	[sflag:s3] =	ssyncadd.s32 $0xFFFFF800;
	s0 =	sor.u32 @!p0 s0, s9  }
0x2d: {  	s6 =	simm.s32 @!p0 $0x80;
	_ =	swait.ge [sflag:s3], $0x800;
	s0 =	sadd.s32 @!p0 $0x1, s0  }
0x2e: {  	[dreg:$0x15] =	wrdreg s2;
	s1 =	sshll.u32 @!p0 s0, $0xB;
	s0 =	sshll.u32 @!p0 s0, $0x7  }
0x2f: {  	[sflag:s3] =	ssyncset.done $0x0;
	s1 =	sand.u32 @!p0 $0x7FFFC000, s1;
	s0 =	sand.u32 @!p0 $0x380, s0  }
0x30: {  	s2 =	sand.u32 @!p0 $0x1, s2;
	[sflag:s3] =	ssyncadd.s32 $0xFFFFF800;
	s0 =	sor.u32 @!p0 s0, s1  }
0x31: {  	s1 =	sshll.u32 @!p0 s2, $0xD;
	s8 =	rddreg [dreg:$0x0];
	s4 =	sshrl.u32 @!p0 s0, $0x3  }
0x32: {  	s7 =	simm.s32 @!p0 $0x400;
	s3 =	sor.u32 @!p0 $0x5000, s1;
	s5 =	sadd.s32 @!p0 s8, s4  }
0x33: {  	[tilespmem:s3], [sflag:$0x1] =	stream.strided.gather @!p0 [hbm4b:s5+s6], $0x800, s7, s6, $0x38;
	[tilespmem:$0xA100] =	vst v63  }
0x34: {  	s3 =	sadd.s32 @!p0 $0x200000, s0  }
0x35: {  	s3 =	sshrl.u32 @!p0 s3, $0x3  }
0x36: {  	s5 =	sor.u32 @!p0 $0x5800, s1;
	s3 =	sadd.s32 @!p0 s8, s3  }
0x37: {  	[tilespmem:s5], [sflag:$0x1] =	stream.strided.gather @!p0 [hbm4b:s3+s6], $0x800, s7, s6, $0x38;
	[tilespmem:$0xA100] =	vst v63  }
0x38: {  	s3 =	sadd.s32 @!p0 $0x400000, s0  }
0x39: {  	s0 =	sadd.s32 @!p0 $0x600000, s0;
	s3 =	sshrl.u32 @!p0 s3, $0x3  }
0x3a: {  	s5 =	sadd.s32 @!p0 $0x6000, s1;
	s0 =	sshrl.u32 @!p0 s0, $0x3;
	s3 =	sadd.s32 @!p0 s8, s3  }
0x3b: {  	[tilespmem:s5], [sflag:$0x1] =	stream.strided.gather @!p0 [hbm4b:s3+s6], $0x800, s7, s6, $0x38;
	[tilespmem:$0xA100] =	vst v63  }
0x3c: {  	s1 =	sadd.s32 @!p0 $0x6800, s1;
	s0 =	sadd.s32 @!p0 s8, s0  }
0x3d: {  	[tilespmem:s1], [sflag:$0x1] =	stream.strided.gather @!p0 [hbm4b:s0+s6], $0x800, s7, s6, $0x38;
	[tilespmem:$0xA100] =	vst v63  }
0x3e: {  	s0 =	sshll.u32 @!p0 s2, $0xB;
	s1 =	rddreg [dreg:$0x8]  }
0x3f: {  	s0 =	sor.u32 @!p0 $0x9000, s0;
	s1 =	sadd.s32 @!p0 s1, s4  }
0x40: {  	v0 =	vimm.f32 $0.0e+00;
	[tilespmem:s0], [sflag:$0x1] =	stream.strided.gather @!p0 [hbm4b:s1+s6], $0x800, s7, s6, $0x38;
	[tilespmem:$0xA100] =	vst v63  }
0x41: {  	[tilespmem:$0xA000] =	vst v0  }
0x42: {  	s0 =	sand.u32 $0x1, s9;
	[tilespmem:$0xA010] =	vst v0  }
0x43: {  	[tilespmem:$0xA020] =	vst v0;
	s31 =	sshll.u32 s0, $0xB  }
0x44: {  	s1 =	simm.s32 $0x4020;
	[tilespmem:$0xA030] =	vst v0;
	[dreg:$0x16] =	wrdreg s31  }
0x45: {  	[tilespmem:s1+$0xFFFFFFE0] =	vst v1  }
0x46: {  	[tilespmem:s1+$0x10] =	vst v1  }
0x47: {  	s2 =	simm.s32 $0x0;
	[tilespmem:s1+$0x0] =	vst v1  }
.LBB2_3:
0x48: {  	s2 =	sadd.s32 $0x4, s2  }
0x49: {  	[tilespmem:s1+$0xFFFFFFF0] =	vst v1;
	s1 =	sadd.s32 $0x40, s1;
	p0 =	slt.u32 s2, $0xFC  }
.Ltmp0:
0x4a: {  	[tilespmem:s1+$0xFFFFFFE0] =	vst v1;
	(pc) =	sbr.rel @p0 .LBB2_3-.Ltmp0, $3  }
0x4b: {  	_ =	sdelay $0x1  }
0x4c: {  	[tilespmem:s1+$0x10] =	vst v1  }
0x4d: {  	[tilespmem:s1+$0x0] =	vst v1  }
0x4e: {  	[tilespmem:s1+$0xFFFFFFF0] =	vst v1;
	s0 =	sshll.u32 s0, $0xD  }
0x4f: {  	s13 =	simm.s32 $0x0;
	[dreg:$0x14] =	wrdreg s9;
	s10 =	sor.u32 $0x5000, s0  }
0x50: {  	s11 =	sor.u32 $0x5800, s0;
	s14 =	sadd.s32 $0x6000, s0;
	[dreg:$0x5] =	wrdreg s10  }
0x51: {  	s0 =	sadd.s32 $0x6800, s0;
	s2 =	sand.u32 $0x780, s13;
	s8 =	rddreg [dreg:$0x5]  }
0x52: {  	s4 =	sand.u32 $0x60, s13;
	[dreg:$0x6] =	wrdreg s11;
	s15 =	sadd.s32 s2, s8  }
0x53: {  	[dreg:$0x4] =	wrdreg s0;
	s3 =	sadd.s32 s4, s15  }
0x54: {  	v0 =	vld [tilespmem:s3+$0x0];
	_ =	sdelay $0x2  }
0x55: {  	s12 =	simm.s32 $0x10  }
0x56: {  	s5 =	sand.u32 $0x70, s12  }
0x57: {  	s0 =	sadd.s32 s5, s15;
	v3 =	vshra.s32 v0, $0x1F  }
0x58: {  	v1 =	vld [tilespmem:s0+$0x0];
	v3 =	vor.u32 $0x80000000, v3  }
0x59: {  	v0 =	vxor.u32 v0, v3  }
0x5a: {  	v3 =	vshrl.u32 v0, $0x8  }
0x5b: {  	v4 =	vshrl.u32 v0, $0x10;
	v5 =	vand.u32 $0xFF, v0;
	v3 =	vand.u32 $0xFF, v3  }
0x5c: {  	v4 =	vand.u32 $0xFF, v4;
	v3 =	vor.u32 $0x100, v3  }
0x5d: {  	v6 =	vshra.s32 v1, $0x1F;
	v4 =	vor.u32 $0x200, v4  }
0x5e: {  	s19 =	simm.s32 $0x0;
	v6 =	vor.u32 $0x80000000, v6;
	v7 =	vshrl.u32 v0, $0x18  }
0x5f: {  	s7 =	simm.s32 $0x4000;
	v1 =	vxor.u32 v1, v6;
	[tilespmem:s19+$0x0] =	vst v0;
	v6 =	vor.u32 $0x300, v7  }
0x60: {  	v8 =	vand.u32 $0xFF, v1;
	v7 =	vshrl.u32 v1, $0x8;
	[tilespmem:v5+s7+$0x0] =	vst.idx.add.s32.msk $0xffff, v2  }
0x61: {  	v0 =	vshrl.u32 v1, $0x10;
	v7 =	vand.u32 $0xFF, v7;
	[tilespmem:v3+s7+$0x0] =	vst.idx.add.s32.msk $0xffff, v2  }
0x62: {  	v0 =	vand.u32 $0xFF, v0;
	v5 =	vor.u32 $0x100, v7;
	s12 =	rddreg [dreg:$0x6];
	[tilespmem:v4+s7+$0x0] =	vst.idx.add.s32.msk $0xffff, v2  }
0x63: {  	v0 =	vor.u32 $0x200, v0;
	v3 =	vshrl.u32 v1, $0x18;
	[tilespmem:s19+$0x10] =	vst v1  }
0x64: {  	v3 =	vor.u32 $0x300, v3;
	s16 =	sadd.s32 s2, s12;
	[tilespmem:v6+s7+$0x0] =	vst.idx.add.s32.msk $0xffff, v2  }
0x65: {  	[tilespmem:v8+s7+$0x0] =	vst.idx.add.s32.msk $0xffff, v2;
	s17 =	sadd.s32 s4, s16  }
0x66: {  	v1 =	vld [tilespmem:s17+$0x0]  }
0x67: {  	[tilespmem:v5+s7+$0x0] =	vst.idx.add.s32.msk $0xffff, v2  }
0x68: {  	[tilespmem:v0+s7+$0x0] =	vst.idx.add.s32.msk $0xffff, v2  }
0x69: {  	s0 =	sadd.s32 s5, s16;
	[tilespmem:v3+s7+$0x0] =	vst.idx.add.s32.msk $0xffff, v2  }
0x6a: {  	v0 =	vld [tilespmem:s0+$0x0]  }
0x6b: {  	v3 =	vshra.s32 v1, $0x1F  }
0x6c: {  	s18 =	simm.s32 $0x20;
	v3 =	vor.u32 $0x80000000, v3  }
0x6d: {  	s15 =	sand.u32 $0x780, s18;
	v1 =	vxor.u32 v1, v3  }
0x6e: {  	s10 =	sand.u32 $0x60, s18;
	s20 =	sadd.s32 s15, s8;
	v3 =	vand.u32 $0xFF, v1;
	v4 =	vshrl.u32 v1, $0x8;
	v5 =	vshrl.u32 v1, $0x10  }
0x6f: {  	s21 =	sadd.s32 s10, s20;
	v6 =	vshra.s32 v0, $0x1F;
	v3 =	vor.u32 $0x400, v3;
	v4 =	vand.u32 $0xFF, v4  }
0x70: {  	s22 =	simm.s32 $0x30;
	v7 =	vld [tilespmem:s21+$0x0];
	v5 =	vand.u32 $0xFF, v5;
	v6 =	vor.u32 $0x80000000, v6;
	v4 =	vor.u32 $0x500, v4  }
0x71: {  	s6 =	sand.u32 $0x70, s22;
	s0 =	sor.u32 s4, s2;
	v8 =	vshrl.u32 v1, $0x18;
	v5 =	vor.u32 $0x600, v5;
	v0 =	vxor.u32 v0, v6  }
0x72: {  	s23 =	sadd.s32 s6, s20;
	[tilespmem:s0+$0x800] =	vst v1;
	v8 =	vor.u32 $0x700, v8;
	v1 =	vand.u32 $0xFF, v0  }
0x73: {  	v6 =	vld [tilespmem:s23+$0x0];
	v9 =	vshrl.u32 v0, $0x8;
	[tilespmem:s19+$0x810] =	vst v0;
	v1 =	vor.u32 $0x400, v1  }
0x74: {  	v10 =	vshrl.u32 v0, $0x10;
	v9 =	vand.u32 $0xFF, v9;
	[tilespmem:v3+s7+$0x0] =	vst.idx.add.s32.msk $0xffff, v2  }
0x75: {  	v3 =	vand.u32 $0xFF, v10;
	v10 =	vshra.s32 v7, $0x1F;
	[tilespmem:v4+s7+$0x0] =	vst.idx.add.s32.msk $0xffff, v2;
	v4 =	vor.u32 $0x500, v9  }
0x76: {  	v9 =	vshrl.u32 v0, $0x18;
	v3 =	vor.u32 $0x600, v3;
	[tilespmem:v5+s7+$0x0] =	vst.idx.add.s32.msk $0xffff, v2;
	v5 =	vor.u32 $0x80000000, v10  }
0x77: {  	s26 =	sadd.s32 s2, s14;
	v9 =	vor.u32 $0x700, v9;
	[tilespmem:v8+s7+$0x0] =	vst.idx.add.s32.msk $0xffff, v2;
	v5 =	vxor.u32 v7, v5  }
0x78: {  	s28 =	sadd.s32 s4, s26;
	[tilespmem:v1+s7+$0x0] =	vst.idx.add.s32.msk $0xffff, v2;
	v0 =	vshrl.u32 v5, $0x8  }
0x79: {  	v7 =	vld [tilespmem:s28+$0x0];
	v8 =	vshrl.u32 v5, $0x10;
	v1 =	vand.u32 $0xFF, v5;
	v0 =	vand.u32 $0xFF, v0  }
0x7a: {  	v10 =	vshra.s32 v6, $0x1F;
	[tilespmem:v4+s7+$0x0] =	vst.idx.add.s32.msk $0xffff, v2;
	v0 =	vor.u32 $0x100, v0;
	v4 =	vand.u32 $0xFF, v8  }
0x7b: {  	v8 =	vor.u32 $0x80000000, v10;
	[tilespmem:v3+s7+$0x0] =	vst.idx.add.s32.msk $0xffff, v2;
	v3 =	vor.u32 $0x200, v4;
	v4 =	vshrl.u32 v5, $0x18  }
0x7c: {  	s11 =	simm.s32 $0x20;
	s1 =	sadd.s32 s5, s26;
	v6 =	vxor.u32 v6, v8;
	[tilespmem:v9+s7+$0x0] =	vst.idx.add.s32.msk $0xffff, v2;
	v4 =	vor.u32 $0x300, v4  }
0x7d: {  	[tilespmem:s11+$0x0] =	vst v5;
	v8 =	vshrl.u32 v6, $0x8;
	v9 =	vld [tilespmem:s1+$0x0]  }
0x7e: {  	v5 =	vshrl.u32 v6, $0x10;
	v10 =	vand.u32 $0xFF, v6;
	v8 =	vand.u32 $0xFF, v8;
	[tilespmem:v1+s7+$0x0] =	vst.idx.add.s32.msk $0xffff, v2  }
0x7f: {  	v1 =	vand.u32 $0xFF, v5;
	v5 =	vor.u32 $0x100, v8;
	[tilespmem:v0+s7+$0x0] =	vst.idx.add.s32.msk $0xffff, v2  }
0x80: {  	s29 =	sadd.s32 s15, s12;
	v1 =	vor.u32 $0x200, v1;
	v0 =	vshrl.u32 v6, $0x18;
	[tilespmem:v3+s7+$0x0] =	vst.idx.add.s32.msk $0xffff, v2  }
0x81: {  	s30 =	sadd.s32 s10, s29;
	v0 =	vor.u32 $0x300, v0;
	[tilespmem:v4+s7+$0x0] =	vst.idx.add.s32.msk $0xffff, v2  }
0x82: {  	[tilespmem:s11+$0x10] =	vst v6;
	v3 =	vshra.s32 v9, $0x1F;
	v4 =	vld [tilespmem:s30+$0x0]  }
0x83: {  	[tilespmem:v10+s7+$0x0] =	vst.idx.add.s32.msk $0xffff, v2;
	v3 =	vor.u32 $0x80000000, v3  }
0x84: {  	[tilespmem:v5+s7+$0x0] =	vst.idx.add.s32.msk $0xffff, v2;
	v3 =	vxor.u32 v9, v3  }
0x85: {  	[tilespmem:v1+s7+$0x0] =	vst.idx.add.s32.msk $0xffff, v2;
	v5 =	vand.u32 $0xFF, v3;
	v6 =	vshrl.u32 v3, $0x8  }
0x86: {  	s1 =	sadd.s32 s6, s29;
	[tilespmem:v0+s7+$0x0] =	vst.idx.add.s32.msk $0xffff, v2;
	v1 =	vand.u32 $0xFF, v6;
	v5 =	vor.u32 $0x800, v5  }
0x87: {  	v0 =	vshrl.u32 v3, $0x10;
	v6 =	vld [tilespmem:s1+$0x0];
	v1 =	vor.u32 $0x900, v1;
	v8 =	vshra.s32 v4, $0x1F  }
0x88: {  	v9 =	vshra.s32 v7, $0x1F;
	v0 =	vand.u32 $0xFF, v0;
	v8 =	vor.u32 $0x80000000, v8  }
0x89: {  	v9 =	vor.u32 $0x80000000, v9;
	v0 =	vor.u32 $0xA00, v0;
	v4 =	vxor.u32 v4, v8  }
0x8a: {  	[tilespmem:s19+$0x1010] =	vst v3;
	v7 =	vxor.u32 v7, v9;
	v8 =	vand.u32 $0xFF, v4;
	v9 =	vshrl.u32 v4, $0x8  }
0x8b: {  	s9 =	simm.s32 $0x40;
	s16 =	simm.s32 $0x50;
	[tilespmem:v5+s7+$0x0] =	vst.idx.add.s32.msk $0xffff, v2;
	v5 =	vshrl.u32 v4, $0x10;
	v8 =	vor.u32 $0x400, v8;
	v9 =	vand.u32 $0xFF, v9  }
0x8c: {  	s17 =	sand.u32 $0x780, s9;
	s20 =	sand.u32 $0x70, s16;
	s16 =	sor.u32 s10, s15;
	[tilespmem:v1+s7+$0x0] =	vst.idx.add.s32.msk $0xffff, v2;
	v1 =	vshra.s32 v6, $0x1F;
	v5 =	vand.u32 $0xFF, v5;
	v9 =	vor.u32 $0x500, v9  }
0x8d: {  	s13 =	sadd.s32 s17, s8;
	[tilespmem:s16+$0x800] =	vst v4;
	v5 =	vor.u32 $0x600, v5;
	v1 =	vor.u32 $0x80000000, v1  }
0x8e: {  	s1 =	sadd.s32 s20, s13;
	v10 =	vshrl.u32 v4, $0x18;
	[tilespmem:v0+s7+$0x0] =	vst.idx.add.s32.msk $0xffff, v2;
	v0 =	vxor.u32 v6, v1  }
0x8f: {  	v10 =	vor.u32 $0x700, v10;
	v1 =	vld [tilespmem:s1+$0x0];
	v4 =	vand.u32 $0xFF, v0;
	v6 =	vshrl.u32 v0, $0x8;
	[tilespmem:s11+$0x810] =	vst v0  }
0x90: {  	v12 =	vshrl.u32 v0, $0x10;
	v6 =	vand.u32 $0xFF, v6;
	[tilespmem:v8+s7+$0x0] =	vst.idx.add.s32.msk $0xffff, v2;
	v4 =	vor.u32 $0x400, v4  }
0x91: {  	s3 =	sand.u32 $0x60, s9;
	v8 =	vand.u32 $0xFF, v12;
	[tilespmem:v9+s7+$0x0] =	vst.idx.add.s32.msk $0xffff, v2;
	v6 =	vor.u32 $0x500, v6  }
0x92: {  	s18 =	sadd.s32 s3, s13;
	v9 =	vshrl.u32 v0, $0x18;
	v0 =	vand.u32 $0xFF, v7;
	[tilespmem:v5+s7+$0x0] =	vst.idx.add.s32.msk $0xffff, v2;
	v5 =	vor.u32 $0x600, v8  }
0x93: {  	v11 =	vld [tilespmem:s18+$0x0];
	[tilespmem:s0+$0x1000] =	vst v7;
	v0 =	vor.u32 $0x800, v0  }
0x94: {  	v8 =	vor.u32 $0x700, v9;
	v9 =	vshrl.u32 v7, $0x8;
	[tilespmem:v10+s7+$0x0] =	vst.idx.add.s32.msk $0xffff, v2  }
0x95: {  	v9 =	vand.u32 $0xFF, v9;
	[tilespmem:v4+s7+$0x0] =	vst.idx.add.s32.msk $0xffff, v2  }
0x96: {  	v9 =	vor.u32 $0x900, v9;
	[tilespmem:v6+s7+$0x0] =	vst.idx.add.s32.msk $0xffff, v2  }
0x97: {  	v12 =	vshra.s32 v1, $0x1F;
	[tilespmem:v5+s7+$0x0] =	vst.idx.add.s32.msk $0xffff, v2  }
0x98: {  	v3 =	vshrl.u32 v3, $0x18;
	v4 =	vshra.s32 v11, $0x1F;
	v6 =	vor.u32 $0x80000000, v12;
	[tilespmem:v0+s7+$0x0] =	vst.idx.add.s32.msk $0xffff, v2  }
0x99: {  	v3 =	vor.u32 $0xB00, v3;
	s1 =	simm.s32 $0x40;
	v4 =	vor.u32 $0x80000000, v4;
	v1 =	vxor.u32 v1, v6;
	[tilespmem:v8+s7+$0x0] =	vst.idx.add.s32.msk $0xffff, v2  }
0x9a: {  	s21 =	sadd.s32 s15, s14;
	v4 =	vxor.u32 v11, v4;
	[tilespmem:s1+$0x10] =	vst v1  }
0x9b: {  	s22 =	sadd.s32 s10, s21;
	v5 =	vshrl.u32 v4, $0x8;
	v6 =	vand.u32 $0xFF, v1;
	v12 =	vshrl.u32 v1, $0x8;
	[tilespmem:v9+s7+$0x0] =	vst.idx.add.s32.msk $0xffff, v2  }
0x9c: {  	s23 =	sadd.s32 s6, s21;
	v10 =	vld [tilespmem:s22+$0x0];
	v11 =	vand.u32 $0xFF, v4;
	v5 =	vand.u32 $0xFF, v5;
	v12 =	vand.u32 $0xFF, v12;
	s26 =	rddreg [dreg:$0x4]  }
0x9d: {  	v8 =	vld [tilespmem:s23+$0x0];
	v9 =	vshrl.u32 v7, $0x10;
	v0 =	vor.u32 $0x100, v5;
	v5 =	vshrl.u32 v1, $0x10;
	s2 =	sadd.s32 s2, s26  }
0x9e: {  	v12 =	vor.u32 $0x100, v12;
	[tilespmem:v3+s7+$0x0] =	vst.idx.add.s32.msk $0xffff, v2;
	v3 =	vshrl.u32 v7, $0x18;
	v7 =	vand.u32 $0xFF, v9;
	s5 =	sadd.s32 s5, s2  }
0x9f: {  	[tilespmem:s1+$0x0] =	vst v4;
	v5 =	vand.u32 $0xFF, v5;
	v7 =	vor.u32 $0xA00, v7;
	v9 =	vld [tilespmem:s5+$0x0]  }
0xa0: {  	v13 =	vshrl.u32 v4, $0x10;
	v1 =	vshrl.u32 v1, $0x18;
	v5 =	vor.u32 $0x200, v5;
	[tilespmem:v6+s7+$0x0] =	vst.idx.add.s32.msk $0xffff, v2  }
0xa1: {  	v3 =	vor.u32 $0xB00, v3;
	v6 =	vand.u32 $0xFF, v13;
	v13 =	vshra.s32 v10, $0x1F;
	[tilespmem:v11+s7+$0x0] =	vst.idx.add.s32.msk $0xffff, v2  }
0xa2: {  	v4 =	vshrl.u32 v4, $0x18;
	v11 =	vor.u32 $0x200, v6;
	v6 =	vor.u32 $0x80000000, v13;
	[tilespmem:v0+s7+$0x0] =	vst.idx.add.s32.msk $0xffff, v2  }
0xa3: {  	v0 =	vor.u32 $0x300, v4;
	v6 =	vxor.u32 v10, v6;
	v10 =	vshra.s32 v8, $0x1F;
	[tilespmem:v12+s7+$0x0] =	vst.idx.add.s32.msk $0xffff, v2  }
0xa4: {  	v12 =	vor.u32 $0x300, v1;
	v4 =	vshrl.u32 v6, $0x18;
	v1 =	vor.u32 $0x80000000, v10;
	[tilespmem:v7+s7+$0x0] =	vst.idx.add.s32.msk $0xffff, v2  }
0xa5: {  	v10 =	vshrl.u32 v6, $0x10;
	[tilespmem:v5+s7+$0x0] =	vst.idx.add.s32.msk $0xffff, v2;
	v5 =	vshrl.u32 v6, $0x8;
	v1 =	vxor.u32 v8, v1  }
0xa6: {  	s2 =	sadd.s32 s4, s2;
	[tilespmem:v3+s7+$0x0] =	vst.idx.add.s32.msk $0xffff, v2;
	v7 =	vand.u32 $0xFF, v5;
	v5 =	vand.u32 $0xFF, v10;
	v8 =	vand.u32 $0xFF, v1  }
0xa7: {  	[tilespmem:s16+$0x1000] =	vst v6;
	v3 =	vshrl.u32 v1, $0x8;
	v10 =	vshrl.u32 v1, $0x10;
	v13 =	vshra.s32 v9, $0x1F;
	v14 =	vld [tilespmem:s2+$0x0]  }
0xa8: {  	v3 =	vand.u32 $0xFF, v3;
	v13 =	vor.u32 $0x80000000, v13;
	[tilespmem:v11+s7+$0x0] =	vst.idx.add.s32.msk $0xffff, v2;
	v15 =	vor.u32 $0x800, v8  }
0xa9: {  	s28 =	sadd.s32 s17, s12;
	v16 =	vand.u32 $0xFF, v10;
	v9 =	vxor.u32 v9, v13;
	[tilespmem:v0+s7+$0x0] =	vst.idx.add.s32.msk $0xffff, v2;
	v3 =	vor.u32 $0x900, v3  }
0xaa: {  	s29 =	sadd.s32 s3, s28;
	v8 =	vshrl.u32 v1, $0x18;
	[tilespmem:v12+s7+$0x0] =	vst.idx.add.s32.msk $0xffff, v2;
	v0 =	vshrl.u32 v9, $0x8;
	v10 =	vshrl.u32 v9, $0x10  }
0xab: {  	[tilespmem:s11+$0x1010] =	vst v1;
	s2 =	sadd.s32 s20, s28;
	v1 =	vld [tilespmem:s29+$0x0];
	v11 =	vand.u32 $0xFF, v9;
	v17 =	vshrl.u32 v9, $0x18;
	v13 =	vand.u32 $0xFF, v0  }
0xac: {  	s9 =	simm.s32 $0x2;
	s21 =	simm.s32 $0x70;
	s30 =	sadd.s32 s17, s14;
	[tilespmem:s19+$0x1810] =	vst v9;
	v10 =	vand.u32 $0xFF, v10;
	v12 =	vor.u32 $0xC00, v11;
	v0 =	vld [tilespmem:s2+$0x0];
	v9 =	vshra.s32 v14, $0x1F  }
0xad: {  	s31 =	sadd.s32 s3, s30;
	s18 =	sadd.s32 s20, s30;
	s23 =	simm.s32 $0x4;
	v13 =	vor.u32 $0xD00, v13;
	v11 =	vor.u32 $0xE00, v10;
	[tilespmem:v15+s7+$0x0] =	vst.idx.add.s32.msk $0xffff, v2;
	v9 =	vor.u32 $0x80000000, v9  }
0xae: {  	s4 =	simm.s32 $0x4000;
	s5 =	simm.s32 $0x40;
	s2 =	simm.s32 $0x4000;
	v10 =	vor.u32 $0xF00, v17;
	[tilespmem:v3+s7+$0x0] =	vst.idx.add.s32.msk $0xffff, v2;
	v3 =	vor.u32 $0xA00, v16;
	v9 =	vxor.u32 v14, v9  }
.LBB2_5:
0xaf: {  	_ =	sdelay $0x2  }
0xb0: {  	s8 =	sadd.s32 $0xFFFFFFF0, s21;
	[tilespmem:v12+s2+$0x0] =	vst.idx.add.s32.msk $0xffff, v2  }
0xb1: {  	v15 =	vand.u32 $0xFF, v9;
	s12 =	rddreg [dreg:$0x5];
	s22 =	sand.u32 $0x780, s8;
	[tilespmem:v13+s2+$0x0] =	vst.idx.add.s32.msk $0xffff, v2  }
0xb2: {  	v16 =	vshrl.u32 v9, $0x8;
	v54 =	vshrl.u32 v9, $0x10;
	s29 =	sand.u32 $0x60, s8;
	s8 =	sadd.s32 s22, s12;
	[tilespmem:v11+s2+$0x0] =	vst.idx.add.s32.msk $0xffff, v2;
	v14 =	vshra.s32 v1, $0x1F  }
0xb3: {  	s30 =	sand.u32 $0x70, s21;
	s13 =	sadd.s32 s29, s8;
	[tilespmem:v10+s2+$0x0] =	vst.idx.add.s32.msk $0xffff, v2;
	v12 =	vor.u32 $0x80000000, v14;
	v14 =	vor.u32 $0xC00, v15;
	v15 =	vand.u32 $0xFF, v16  }
0xb4: {  	s8 =	sadd.s32 s30, s8;
	v10 =	vld [tilespmem:s13+$0x0];
	v1 =	vxor.u32 v1, v12;
	v12 =	vshra.s32 v0, $0x1F;
	v13 =	vor.u32 $0xD00, v15  }
0xb5: {  	v19 =	vld [tilespmem:s8+$0x0];
	[tilespmem:s0+$0x1800] =	vst v9;
	v16 =	vand.u32 $0xFF, v54;
	v12 =	vor.u32 $0x80000000, v12  }
0xb6: {  	v18 =	vshrl.u32 v9, $0x18;
	[tilespmem:v3+s4+$0x0] =	vst.idx.add.s32.msk $0xffff, v2;
	v9 =	vor.u32 $0xE00, v16;
	v0 =	vxor.u32 v0, v12  }
0xb7: {  	v55 =	vor.u32 $0xF00, v18;
	v11 =	vand.u32 $0xFF, v1;
	v56 =	vshrl.u32 v1, $0x8;
	[tilespmem:s5+$0x810] =	vst v0  }
0xb8: {  	v17 =	vshrl.u32 v1, $0x10;
	v11 =	vor.u32 $0x400, v11;
	[tilespmem:v14+s2+$0x0] =	vst.idx.add.s32.msk $0xffff, v2;
	v14 =	vand.u32 $0xFF, v56  }
0xb9: {  	s0 =	smov.u32 s16;
	s16 =	sor.u32 s3, s17;
	v17 =	vand.u32 $0xFF, v17;
	[tilespmem:v13+s2+$0x0] =	vst.idx.add.s32.msk $0xffff, v2;
	v13 =	vor.u32 $0x500, v14  }
0xba: {  	v15 =	vshrl.u32 v1, $0x18;
	v17 =	vor.u32 $0x600, v17;
	[tilespmem:s16+$0x800] =	vst v1  }
0xbb: {  	v14 =	vor.u32 $0x700, v15;
	v1 =	vand.u32 $0xFF, v0;
	[tilespmem:v9+s2+$0x0] =	vst.idx.add.s32.msk $0xffff, v2  }
0xbc: {  	v3 =	vshrl.u32 v0, $0x8;
	v1 =	vor.u32 $0x400, v1;
	[tilespmem:v55+s2+$0x0] =	vst.idx.add.s32.msk $0xffff, v2;
	s2 =	smov.u32 s4;
	s4 =	smov.u32 s7  }
0xbd: {  	v12 =	vshrl.u32 v0, $0x18;
	v3 =	vand.u32 $0xFF, v3;
	[tilespmem:v11+s4+$0x0] =	vst.idx.add.s32.msk $0xffff, v2  }
0xbe: {  	v3 =	vor.u32 $0x500, v3;
	v9 =	vshrl.u32 v0, $0x10;
	v0 =	vand.u32 $0xFF, v6;
	[tilespmem:v13+s4+$0x0] =	vst.idx.add.s32.msk $0xffff, v2  }
0xbf: {  	v9 =	vand.u32 $0xFF, v9;
	v0 =	vor.u32 $0x800, v0;
	[tilespmem:v17+s4+$0x0] =	vst.idx.add.s32.msk $0xffff, v2  }
0xc0: {  	v11 =	vshra.s32 v10, $0x1F;
	v9 =	vor.u32 $0x600, v9;
	v13 =	vshra.s32 v19, $0x1F;
	[tilespmem:v14+s4+$0x0] =	vst.idx.add.s32.msk $0xffff, v2  }
0xc1: {  	v7 =	vor.u32 $0x900, v7;
	v11 =	vor.u32 $0x80000000, v11;
	v13 =	vor.u32 $0x80000000, v13;
	[tilespmem:v1+s4+$0x0] =	vst.idx.add.s32.msk $0xffff, v2  }
0xc2: {  	v12 =	vor.u32 $0x700, v12;
	v10 =	vxor.u32 v10, v11;
	v11 =	vxor.u32 v19, v13;
	v13 =	vld [tilespmem:s31+$0x0]  }
0xc3: {  	[tilespmem:v3+s4+$0x0] =	vst.idx.add.s32.msk $0xffff, v2  }
0xc4: {  	v6 =	vshrl.u32 v10, $0x8;
	[tilespmem:v0+s2+$0x0] =	vst.idx.add.s32.msk $0xffff, v2  }
0xc5: {  	v8 =	vor.u32 $0xB00, v8;
	s12 =	rddreg [dreg:$0x6];
	v6 =	vand.u32 $0xFF, v6;
	[tilespmem:v9+s4+$0x0] =	vst.idx.add.s32.msk $0xffff, v2  }
0xc6: {  	s28 =	sadd.s32 s22, s12;
	s12 =	sadd.s32 s22, s14;
	v14 =	vshrl.u32 v10, $0x10;
	v3 =	vor.u32 $0x100, v6;
	[tilespmem:v7+s2+$0x0] =	vst.idx.add.s32.msk $0xffff, v2  }
0xc7: {  	s1 =	sadd.s32 $0x20, s1;
	s13 =	sadd.s32 s29, s12;
	v6 =	vshrl.u32 v11, $0x8;
	v9 =	vand.u32 $0xFF, v14;
	v14 =	vand.u32 $0xFF, v11;
	[tilespmem:v12+s4+$0x0] =	vst.idx.add.s32.msk $0xffff, v2  }
0xc8: {  	v1 =	vand.u32 $0xFF, v10;
	s31 =	smov.u32 s13;
	s13 =	rddreg [dreg:$0x4];
	v58 =	vand.u32 $0xFF, v6;
	[tilespmem:s1+$0x10] =	vst v11  }
0xc9: {  	v57 =	vshrl.u32 v11, $0x10;
	s8 =	sadd.s32 s15, s13;
	v6 =	vshrl.u32 v10, $0x18;
	[tilespmem:s1+$0x0] =	vst v10;
	v10 =	vor.u32 $0x100, v58;
	v12 =	vld [tilespmem:s18+$0x0]  }
0xca: {  	v15 =	vshrl.u32 v11, $0x18;
	v0 =	vand.u32 $0xFF, v57;
	s6 =	sadd.s32 s6, s8;
	[tilespmem:v8+s2+$0x0] =	vst.idx.add.s32.msk $0xffff, v2;
	v11 =	vshra.s32 v13, $0x1F  }
0xcb: {  	v0 =	vor.u32 $0x200, v0;
	v59 =	vor.u32 $0x300, v6;
	v61 =	vld [tilespmem:s6+$0x0];
	v6 =	vor.u32 $0x80000000, v11  }
0xcc: {  	[tilespmem:v14+s7+$0x0] =	vst.idx.add.s32.msk $0xffff, v2;
	v6 =	vxor.u32 v13, v6  }
0xcd: {  	v11 =	vor.u32 $0xA00, v5;
	[tilespmem:s16+$0x1000] =	vst v6  }
0xce: {  	v14 =	vor.u32 $0xB00, v4;
	[tilespmem:v10+s7+$0x0] =	vst.idx.add.s32.msk $0xffff, v2  }
0xcf: {  	[tilespmem:v1+s7+$0x0] =	vst.idx.add.s32.msk $0xffff, v2  }
0xd0: {  	v9 =	vor.u32 $0x200, v9;
	[tilespmem:v0+s7+$0x0] =	vst.idx.add.s32.msk $0xffff, v2  }
0xd1: {  	v8 =	vshra.s32 v12, $0x1F;
	[tilespmem:v3+s7+$0x0] =	vst.idx.add.s32.msk $0xffff, v2  }
0xd2: {  	v13 =	vor.u32 $0x300, v15;
	v15 =	vshrl.u32 v6, $0x18;
	v8 =	vor.u32 $0x80000000, v8;
	[tilespmem:v11+s2+$0x0] =	vst.idx.add.s32.msk $0xffff, v2  }
0xd3: {  	s15 =	smov.u32 s17;
	s17 =	smov.u32 s22;
	s22 =	sadd.s32 s10, s8;
	v5 =	vshrl.u32 v6, $0x8;
	v0 =	vshra.s32 v61, $0x1F;
	v1 =	vxor.u32 v12, v8;
	[tilespmem:v14+s2+$0x0] =	vst.idx.add.s32.msk $0xffff, v2  }
0xd4: {  	v60 =	vshrl.u32 v6, $0x10;
	v7 =	vand.u32 $0xFF, v5;
	v0 =	vor.u32 $0x80000000, v0;
	[tilespmem:s5+$0x1010] =	vst v1;
	v14 =	vld [tilespmem:s22+$0x0]  }
0xd5: {  	v3 =	vand.u32 $0xFF, v1;
	v8 =	vshrl.u32 v1, $0x8;
	v0 =	vxor.u32 v61, v0;
	[tilespmem:v9+s7+$0x0] =	vst.idx.add.s32.msk $0xffff, v2  }
0xd6: {  	s23 =	sadd.s32 $0x2, s23;
	v12 =	vshrl.u32 v1, $0x10;
	v10 =	vand.u32 $0xFF, v8;
	v3 =	vor.u32 $0x800, v3;
	[tilespmem:s11+$0x1810] =	vst v0  }
0xd7: {  	p0 =	slt.u32 s23, $0x7E;
	v5 =	vand.u32 $0xFF, v60;
	v4 =	vmovc v15;
	v15 =	vand.u32 $0xFF, v12;
	[tilespmem:v59+s7+$0x0] =	vst.idx.add.s32.msk $0xffff, v2;
	v63 =	vor.u32 $0x900, v10  }
.Ltmp1:
0xd8: {  	s26 =	sadd.s32 s29, s28;
	v8 =	vshrl.u32 v1, $0x18;
	v1 =	vshrl.u32 v0, $0x8;
	v12 =	vshrl.u32 v0, $0x10;
	[tilespmem:v13+s7+$0x0] =	vst.idx.add.s32.msk $0xffff, v2;
	(pc) =	sbr.rel @p0 .LBB2_5-.Ltmp1, $4  }
0xd9: {  	s28 =	sadd.s32 s30, s28;
	v11 =	vand.u32 $0xFF, v0;
	v9 =	vand.u32 $0xFF, v1;
	v62 =	vand.u32 $0xFF, v12;
	v1 =	vld [tilespmem:s26+$0x0]  }
0xda: {  	s21 =	sadd.s32 $0x20, s21;
	s12 =	sadd.s32 s30, s12;
	s10 =	smov.u32 s3;
	v10 =	vshrl.u32 v0, $0x18;
	v13 =	vor.u32 $0xD00, v9;
	v0 =	vld [tilespmem:s28+$0x0];
	v9 =	vshra.s32 v14, $0x1F  }
0xdb: {  	s3 =	smov.u32 s29;
	s18 =	smov.u32 s12;
	s6 =	smov.u32 s20;
	v12 =	vor.u32 $0xC00, v11;
	v11 =	vor.u32 $0xE00, v62;
	[tilespmem:v3+s4+$0x0] =	vst.idx.add.s32.msk $0xffff, v2;
	v9 =	vor.u32 $0x80000000, v9  }
0xdc: {  	s20 =	smov.u32 s30;
	s11 =	smov.u32 s5;
	s5 =	smov.u32 s1;
	v10 =	vor.u32 $0xF00, v10;
	v3 =	vor.u32 $0xA00, v15;
	[tilespmem:v63+s4+$0x0] =	vst.idx.add.s32.msk $0xffff, v2;
	v9 =	vxor.u32 v14, v9  }
0xdd: {  	_ =	sdelay $0x3  }
0xde: {  	[tilespmem:v12+s2+$0x0] =	vst.idx.add.s32.msk $0xffff, v2  }
0xdf: {  	v14 =	vand.u32 $0xFF, v9;
	v15 =	vshrl.u32 v9, $0x8;
	v54 =	vshrl.u32 v9, $0x10;
	[tilespmem:s0+$0x1800] =	vst v9  }
0xe0: {  	[tilespmem:v3+s4+$0x0] =	vst.idx.add.s32.msk $0xffff, v2;
	v51 =	vor.u32 $0xC00, v14;
	v52 =	vand.u32 $0xFF, v15;
	v55 =	vshra.s32 v0, $0x1F  }
0xe1: {  	[tilespmem:v13+s2+$0x0] =	vst.idx.add.s32.msk $0xffff, v2;
	v56 =	vand.u32 $0xFF, v54;
	v53 =	vor.u32 $0xD00, v52;
	v58 =	vor.u32 $0x80000000, v55  }
0xe2: {  	v57 =	vshrl.u32 v9, $0x18;
	[tilespmem:v11+s2+$0x0] =	vst.idx.add.s32.msk $0xffff, v2;
	v11 =	vor.u32 $0xE00, v56;
	v0 =	vxor.u32 v0, v58  }
0xe3: {  	v59 =	vor.u32 $0xF00, v57;
	[tilespmem:v10+s2+$0x0] =	vst.idx.add.s32.msk $0xffff, v2;
	v60 =	vand.u32 $0xFF, v0;
	v61 =	vshrl.u32 v0, $0x8  }
0xe4: {  	v62 =	vshrl.u32 v0, $0x10;
	[tilespmem:s5+$0x810] =	vst v0;
	v12 =	vand.u32 $0xFF, v61;
	v10 =	vor.u32 $0x400, v60  }
0xe5: {  	[tilespmem:v51+s2+$0x0] =	vst.idx.add.s32.msk $0xffff, v2;
	v3 =	vand.u32 $0xFF, v62;
	v12 =	vor.u32 $0x500, v12  }
0xe6: {  	v63 =	vshrl.u32 v0, $0x18;
	[tilespmem:v53+s2+$0x0] =	vst.idx.add.s32.msk $0xffff, v2;
	v3 =	vor.u32 $0x600, v3  }
0xe7: {  	v16 =	vor.u32 $0x700, v63;
	[tilespmem:v11+s2+$0x0] =	vst.idx.add.s32.msk $0xffff, v2  }
0xe8: {  	v15 =	vshra.s32 v1, $0x1F;
	[tilespmem:v59+s2+$0x0] =	vst.idx.add.s32.msk $0xffff, v2  }
0xe9: {  	v11 =	vor.u32 $0x80000000, v15;
	[tilespmem:v10+s7+$0x0] =	vst.idx.add.s32.msk $0xffff, v2  }
0xea: {  	v0 =	vxor.u32 v1, v11;
	v1 =	vor.u32 $0xB00, v8;
	[tilespmem:v12+s7+$0x0] =	vst.idx.add.s32.msk $0xffff, v2  }
0xeb: {  	v17 =	vand.u32 $0xFF, v0;
	v18 =	vshrl.u32 v0, $0x8;
	[tilespmem:v3+s7+$0x0] =	vst.idx.add.s32.msk $0xffff, v2  }
0xec: {  	v11 =	vshrl.u32 v0, $0x10;
	v8 =	vor.u32 $0x400, v17;
	v10 =	vand.u32 $0xFF, v18;
	[tilespmem:v16+s7+$0x0] =	vst.idx.add.s32.msk $0xffff, v2  }
0xed: {  	v10 =	vor.u32 $0x500, v10;
	v3 =	vand.u32 $0xFF, v11;
	s8 =	rddreg [dreg:$0x4]  }
0xee: {  	v19 =	vshrl.u32 v0, $0x18;
	v3 =	vor.u32 $0x600, v3;
	v20 =	vld [tilespmem:s18+$0x0];
	s1 =	sadd.s32 s15, s8  }
0xef: {  	v9 =	vor.u32 $0x700, v19;
	[tilespmem:v1+s4+$0x0] =	vst.idx.add.s32.msk $0xffff, v2;
	s15 =	sor.u32 s3, s17;
	s18 =	sadd.s32 s6, s1  }
0xf0: {  	[tilespmem:s15+$0x800] =	vst v0;
	v0 =	vand.u32 $0xFF, v6;
	v1 =	vld [tilespmem:s18+$0x0]  }
0xf1: {  	[tilespmem:v8+s7+$0x0] =	vst.idx.add.s32.msk $0xffff, v2;
	v0 =	vor.u32 $0x800, v0  }
0xf2: {  	v21 =	vor.u32 $0x900, v7;
	[tilespmem:v10+s7+$0x0] =	vst.idx.add.s32.msk $0xffff, v2  }
0xf3: {  	[tilespmem:v3+s7+$0x0] =	vst.idx.add.s32.msk $0xffff, v2;
	v3 =	vor.u32 $0xA00, v5;
	v22 =	vshra.s32 v20, $0x1F  }
0xf4: {  	[tilespmem:v9+s7+$0x0] =	vst.idx.add.s32.msk $0xffff, v2;
	v5 =	vor.u32 $0x80000000, v22  }
0xf5: {  	v4 =	vor.u32 $0xB00, v4;
	v23 =	vld [tilespmem:s31+$0x0];
	v5 =	vxor.u32 v20, v5;
	v24 =	vshra.s32 v1, $0x1F  }
0xf6: {  	[tilespmem:v0+s4+$0x0] =	vst.idx.add.s32.msk $0xffff, v2;
	v0 =	vand.u32 $0xFF, v5;
	v25 =	vshrl.u32 v5, $0x8;
	v8 =	vor.u32 $0x80000000, v24  }
0xf7: {  	[tilespmem:v21+s4+$0x0] =	vst.idx.add.s32.msk $0xffff, v2;
	v26 =	vand.u32 $0xFF, v25;
	v0 =	vor.u32 $0x800, v0;
	v1 =	vxor.u32 v1, v8  }
0xf8: {  	v27 =	vshrl.u32 v5, $0x10;
	[tilespmem:v3+s4+$0x0] =	vst.idx.add.s32.msk $0xffff, v2;
	v6 =	vor.u32 $0x900, v26;
	v3 =	vand.u32 $0xFF, v1  }
0xf9: {  	[tilespmem:s5+$0x1010] =	vst v5;
	v9 =	vand.u32 $0xFF, v27;
	v8 =	vshrl.u32 v1, $0x8;
	v3 =	vor.u32 $0xC00, v3  }
0xfa: {  	s1 =	sadd.s32 s10, s1;
	v9 =	vor.u32 $0xA00, v9;
	[tilespmem:v4+s4+$0x0] =	vst.idx.add.s32.msk $0xffff, v2;
	v28 =	vand.u32 $0xFF, v8;
	v29 =	vshra.s32 v23, $0x1F  }
0xfb: {  	v5 =	vshrl.u32 v5, $0x18;
	[tilespmem:s11+$0x1810] =	vst v1;
	v30 =	vld [tilespmem:s1+$0x0];
	v4 =	vor.u32 $0xD00, v28;
	v8 =	vor.u32 $0x80000000, v29  }
0xfc: {  	v7 =	vxor.u32 v23, v8;
	[tilespmem:v0+s7+$0x0] =	vst.idx.add.s32.msk $0xffff, v2;
	v0 =	vor.u32 $0xB00, v5  }
0xfd: {  	v31 =	vshrl.u32 v7, $0x8;
	[tilespmem:v6+s7+$0x0] =	vst.idx.add.s32.msk $0xffff, v2;
	v32 =	vand.u32 $0xFF, v7  }
0xfe: {  	v8 =	vshrl.u32 v7, $0x10;
	v5 =	vand.u32 $0xFF, v31;
	[tilespmem:v3+s4+$0x0] =	vst.idx.add.s32.msk $0xffff, v2;
	v3 =	vor.u32 $0x800, v32  }
0xff: {  	v33 =	vand.u32 $0xFF, v8;
	[tilespmem:v9+s7+$0x0] =	vst.idx.add.s32.msk $0xffff, v2;
	v34 =	vor.u32 $0x900, v5  }
0x100: {  	s21 =	sadd.s32 s17, s8;
	v35 =	vshrl.u32 v7, $0x18;
	v6 =	vor.u32 $0xA00, v33;
	[tilespmem:v4+s4+$0x0] =	vst.idx.add.s32.msk $0xffff, v2  }
0x101: {  	s22 =	sadd.s32 s20, s21;
	v36 =	vshrl.u32 v1, $0x10;
	[tilespmem:v0+s7+$0x0] =	vst.idx.add.s32.msk $0xffff, v2;
	v0 =	vor.u32 $0xB00, v35  }
0x102: {  	v37 =	vand.u32 $0xFF, v36;
	[tilespmem:s15+$0x1000] =	vst v7;
	v38 =	vshra.s32 v30, $0x1F;
	v39 =	vld [tilespmem:s22+$0x0]  }
0x103: {  	v1 =	vshrl.u32 v1, $0x18;
	v5 =	vor.u32 $0xE00, v37;
	v7 =	vor.u32 $0x80000000, v38;
	[tilespmem:v3+s7+$0x0] =	vst.idx.add.s32.msk $0xffff, v2  }
0x104: {  	v1 =	vor.u32 $0xF00, v1;
	v3 =	vxor.u32 v30, v7;
	[tilespmem:v34+s7+$0x0] =	vst.idx.add.s32.msk $0xffff, v2  }
0x105: {  	v40 =	vand.u32 $0xFF, v3;
	v7 =	vshrl.u32 v3, $0x8;
	[tilespmem:v6+s7+$0x0] =	vst.idx.add.s32.msk $0xffff, v2  }
0x106: {  	s1 =	sadd.s32 s3, s21;
	v4 =	vor.u32 $0xC00, v40;
	v41 =	vand.u32 $0xFF, v7;
	[tilespmem:v0+s7+$0x0] =	vst.idx.add.s32.msk $0xffff, v2  }
0x107: {  	v42 =	vshrl.u32 v3, $0x10;
	v0 =	vor.u32 $0xD00, v41;
	v44 =	vshra.s32 v39, $0x1F;
	v45 =	vld [tilespmem:s1+$0x0]  }
0x108: {  	[tilespmem:v5+s4+$0x0] =	vst.idx.add.s32.msk $0xffff, v2;
	v43 =	vand.u32 $0xFF, v42;
	v7 =	vor.u32 $0x80000000, v44  }
0x109: {  	v46 =	vshrl.u32 v3, $0x18;
	[tilespmem:v1+s4+$0x0] =	vst.idx.add.s32.msk $0xffff, v2;
	v6 =	vor.u32 $0xE00, v43;
	v47 =	vxor.u32 v39, v7  }
0x10a: {  	[tilespmem:s16+$0x1800] =	vst v3;
	v1 =	vor.u32 $0xF00, v46;
	v3 =	vand.u32 $0xFF, v47;
	v7 =	vshrl.u32 v47, $0x8  }
0x10b: {  	v48 =	vshrl.u32 v47, $0x10;
	[tilespmem:v4+s4+$0x0] =	vst.idx.add.s32.msk $0xffff, v2;
	v7 =	vand.u32 $0xFF, v7;
	v3 =	vor.u32 $0xC00, v3  }
0x10c: {  	[tilespmem:v0+s4+$0x0] =	vst.idx.add.s32.msk $0xffff, v2;
	v0 =	vand.u32 $0xFF, v48;
	v49 =	vor.u32 $0xD00, v7;
	v50 =	vshra.s32 v45, $0x1F  }
0x10d: {  	[tilespmem:s5+$0x1810] =	vst v47;
	v0 =	vor.u32 $0xE00, v0;
	v7 =	vor.u32 $0x80000000, v50  }
0x10e: {  	v51 =	vshrl.u32 v47, $0x18;
	[tilespmem:v6+s4+$0x0] =	vst.idx.add.s32.msk $0xffff, v2;
	v52 =	vxor.u32 v45, v7  }
0x10f: {  	[tilespmem:v1+s4+$0x0] =	vst.idx.add.s32.msk $0xffff, v2;
	v1 =	vor.u32 $0xF00, v51;
	v53 =	vand.u32 $0xFF, v52;
	v7 =	vshrl.u32 v52, $0x8  }
0x110: {  	[tilespmem:v3+s7+$0x0] =	vst.idx.add.s32.msk $0xffff, v2;
	v55 =	vshrl.u32 v52, $0x10;
	v3 =	vor.u32 $0xC00, v53;
	v54 =	vand.u32 $0xFF, v7  }
0x111: {  	[tilespmem:v49+s7+$0x0] =	vst.idx.add.s32.msk $0xffff, v2;
	v57 =	vand.u32 $0xFF, v55;
	v56 =	vor.u32 $0xD00, v54  }
0x112: {  	[tilespmem:v0+s7+$0x0] =	vst.idx.add.s32.msk $0xffff, v2;
	v0 =	vshrl.u32 v52, $0x18;
	v5 =	vor.u32 $0xE00, v57  }
0x113: {  	[tilespmem:s15+$0x1800] =	vst v52;
	v0 =	vor.u32 $0xF00, v0  }
0x114: {  	[tilespmem:v1+s7+$0x0] =	vst.idx.add.s32.msk $0xffff, v2  }
0x115: {  	[tilespmem:v3+s7+$0x0] =	vst.idx.add.s32.msk $0xffff, v2  }
0x116: {  	[tilespmem:v56+s7+$0x0] =	vst.idx.add.s32.msk $0xffff, v2  }
0x117: {  	[tilespmem:v5+s7+$0x0] =	vst.idx.add.s32.msk $0xffff, v2  }
0x118: {  	[tilespmem:v0+s7+$0x0] =	vst.idx.add.s32.msk $0xffff, v2  }
0x119: {  	v0 =	vld [tilespmem:s7+$0x0];
	_ =	sdelay $0x4  }
0x11a: {  	(xrf0) =	vadd.scan.msk.s32 $0xffff, v0;
	_ =	sdelay $0x4  }
0x11b: {  	s23 =	simm.s32 $0xFFFFFFFF  }
0x11c: {  	v0 =	vsub.s32 s23, v0;
	v1, _, _ =	vpop (xrf0)  }
0x11d: {  	v0 =	vadd.s32 v1, v0  }
0x11e: {  	s26 =	sand.u32 $0xE0, s19;
	[tilespmem:s7+$0x0] =	vst v0  }
0x11f: {  	v0 =	vld [tilespmem:s26+$0x4C00];
	_ =	sdelay $0x2  }
0x120: {  	v3 =	vld [tilespmem:s26+$0x4400]  }
0x121: {  	v4 =	vld [tilespmem:s26+$0x4800]  }
0x122: {  	(xrf0) =	vadd.scan.msk.s32 $0xffff, v0;
	_ =	sdelay $0x2  }
0x123: {  	(xrf0) =	vadd.scan.msk.s32 $0xffff, v3  }
0x124: {  	(xrf0) =	vadd.scan.msk.s32 $0xffff, v4;
	_ =	sdelay $0x1  }
0x125: {  	(v2sf) =	vpush v1, $0xF;
	v0 =	vsub.s32 s23, v0;
	v1, _, _ =	vpop (xrf0)  }
0x126: {  	v0 =	vadd.s32 v1, v0;
	_ =	sdelay $0x1  }
0x127: {  	v3 =	vsub.s32 s23, v3;
	v58, _, _ =	vpop (xrf0)  }
0x128: {  	v4 =	vsub.s32 s23, v4;
	(v2sf) =	vpush v1, $0xF;
	v3 =	vadd.s32 v58, v3;
	[tilespmem:s26+$0x4C00] =	vst v0;
	v0, _, _ =	vpop (xrf0)  }
0x129: {  	[tilespmem:s26+$0x4400] =	vst v3;
	v1 =	vadd.s32 v0, v4  }
0x12a: {  	(v2sf) =	vpush v58, $0xF;
	[tilespmem:s26+$0x4800] =	vst v1  }
0x12b: {  	(v2sf) =	vpush v0, $0xF;
	v0 =	vld [tilespmem:s7+$0x10]  }
0x12c: {  	v1 =	vld [tilespmem:s7+$0xC10]  }
0x12d: {  	v3 =	vld [tilespmem:s7+$0x810]  }
0x12e: {  	v59 =	vld [tilespmem:s7+$0x410];
	_ =	sdelay $0x1  }
0x12f: {  	(xrf0) =	vadd.scan.msk.s32 $0xffff, v0  }
0x130: {  	(xrf0) =	vadd.scan.msk.s32 $0xffff, v1  }
0x131: {  	(xrf0) =	vadd.scan.msk.s32 $0xffff, v3  }
0x132: {  	(xrf0) =	vadd.scan.msk.s32 $0xffff, v59;
	_ =	sdelay $0x2  }
0x133: {  	s28 =	spop (v2sf);
	v60, _, _ =	vpop (xrf0)  }
0x134: {  	s29 =	spop (v2sf);
	v61, _, _ =	vpop (xrf0);
	(v2sf) =	vpush v60, $0xF  }
0x135: {  	v62, _, _ =	vpop (xrf0);
	(v2sf) =	vpush v61, $0xF  }
0x136: {  	s3 =	sadd.s32 $0xFFFFFFFF, s28;
	s30 =	spop (v2sf);
	v63, _, _ =	vpop (xrf0);
	(v2sf) =	vpush v62, $0xF  }
0x137: {  	v0 =	vsub.s32 s3, v0;
	s31 =	spop (v2sf);
	(v2sf) =	vpush v63, $0xF  }
0x138: {  	v0 =	vadd.s32 v60, v0  }
0x139: {  	s0 =	simm.s32 $0x4020;
	[tilespmem:s7+$0x10] =	vst v0  }
0x13a: {  	s2 =	sadd.s32 $0xFFFFFFFF, s29;
	v0 =	vld [tilespmem:s0+$0x0]  }
0x13b: {  	s1 =	sadd.s32 $0xFFFFFFFF, s30;
	v1 =	vsub.s32 s2, v1  }
0x13c: {  	v4 =	vsub.s32 s1, v59;
	v1 =	vadd.s32 v61, v1;
	s4 =	sadd.s32 $0xFFFFFFFF, s31  }
0x13d: {  	[tilespmem:s7+$0xC10] =	vst v1;
	v4 =	vadd.s32 v63, v4;
	v3 =	vsub.s32 s4, v3  }
0x13e: {  	[tilespmem:s7+$0x410] =	vst v4;
	v1 =	vadd.s32 v62, v3  }
0x13f: {  	[tilespmem:s7+$0x810] =	vst v1;
	(xrf0) =	vadd.scan.msk.s32 $0xffff, v0  }
.LBB2_7:
0x140: {  	_ =	sdelay $0x1  }
0x141: {  	s9 =	sadd.s32 $0x2, s9;
	s19 =	sadd.s32 $0x20, s19;
	s7 =	simm.s32 $0xFFFFE000  }
0x142: {  	p0 =	slt.u32 s9, $0xE;
	s5 =	spop (v2sf)  }
0x143: {  	s3 =	sadd.s32 s3, s5;
	s5 =	spop (v2sf)  }
0x144: {  	v0 =	vsub.s32 s3, v0;
	v1, _, _ =	vpop (xrf0);
	s2 =	sadd.s32 s2, s5;
	s5 =	spop (v2sf)  }
0x145: {  	v0 =	vadd.s32 v1, v0;
	(v2sf) =	vpush v1, $0xF;
	s4 =	sadd.s32 s4, s5;
	s5 =	spop (v2sf)  }
0x146: {  	s6 =	sand.u32 $0xE0, s19;
	[tilespmem:s0+$0x0] =	vst v0;
	s1 =	sadd.s32 s1, s5  }
0x147: {  	v0 =	vld [tilespmem:s6+$0x4C00]  }
0x148: {  	v1 =	vld [tilespmem:s6+$0x4400]  }
0x149: {  	v3 =	vld [tilespmem:s6+$0x4800];
	_ =	sdelay $0x2  }
0x14a: {  	(xrf0) =	vadd.scan.msk.s32 $0xffff, v0  }
0x14b: {  	(xrf0) =	vadd.scan.msk.s32 $0xffff, v1  }
0x14c: {  	(xrf0) =	vadd.scan.msk.s32 $0xffff, v3;
	_ =	sdelay $0x3  }
0x14d: {  	v6 =	vsub.s32 s2, v0;
	v4, _, _ =	vpop (xrf0)  }
0x14e: {  	v1 =	vsub.s32 s1, v1;
	v2 =	vadd.s32 v4, v6;
	v5, _, _ =	vpop (xrf0);
	(v2sf) =	vpush v4, $0xF  }
0x14f: {  	v3 =	vsub.s32 s4, v3;
	v1 =	vadd.s32 v5, v1;
	[tilespmem:s6+$0x4C00] =	vst v2;
	s5 =	spop (v2sf);
	(v2sf) =	vpush v5, $0xF;
	v0, _, _ =	vpop (xrf0)  }
0x150: {  	[tilespmem:s6+$0x4400] =	vst v1;
	v1 =	vadd.s32 v0, v3;
	(v2sf) =	vpush v0, $0xF  }
0x151: {  	[tilespmem:s6+$0x4800] =	vst v1  }
0x152: {  	v0 =	vld [tilespmem:s0+$0x10]  }
0x153: {  	v1 =	vld [tilespmem:s0+$0xC10]  }
0x154: {  	v3 =	vld [tilespmem:s0+$0x810]  }
0x155: {  	v4 =	vld [tilespmem:s0+$0x410];
	_ =	sdelay $0x1  }
0x156: {  	(xrf0) =	vadd.scan.msk.s32 $0xffff, v0  }
0x157: {  	(xrf0) =	vadd.scan.msk.s32 $0xffff, v1  }
0x158: {  	(xrf0) =	vadd.scan.msk.s32 $0xffff, v3  }
0x159: {  	(xrf0) =	vadd.scan.msk.s32 $0xffff, v4;
	_ =	sdelay $0x1  }
0x15a: {  	s3 =	sadd.s32 s3, s5  }
0x15b: {  	v0 =	vsub.s32 s3, v0;
	s5 =	spop (v2sf);
	v5, _, _ =	vpop (xrf0)  }
0x15c: {  	s2 =	sadd.s32 s2, s5;
	v0 =	vadd.s32 v5, v0;
	s5 =	spop (v2sf);
	(v2sf) =	vpush v5, $0xF;
	v5, _, _ =	vpop (xrf0)  }
0x15d: {  	s1 =	sadd.s32 s1, s5;
	[tilespmem:s0+$0x10] =	vst v0;
	v0 =	vsub.s32 s2, v1;
	s5 =	spop (v2sf);
	v1, _, _ =	vpop (xrf0);
	(v2sf) =	vpush v5, $0xF  }
0x15e: {  	s4 =	sadd.s32 s4, s5;
	v4 =	vsub.s32 s1, v4;
	v0 =	vadd.s32 v5, v0;
	v5, _, _ =	vpop (xrf0);
	(v2sf) =	vpush v1, $0xF  }
0x15f: {  	v4 =	vadd.s32 v5, v4;
	v3 =	vsub.s32 s4, v3;
	[tilespmem:s0+$0xC10] =	vst v0;
	(v2sf) =	vpush v5, $0xF  }
0x160: {  	[tilespmem:s0+$0x410] =	vst v4;
	v0 =	vadd.s32 v1, v3  }
0x161: {  	[tilespmem:s0+$0x810] =	vst v0;
	s0 =	sadd.s32 $0x20, s0  }
0x162: {  	v0 =	vld [tilespmem:s0+$0x0]  }
.Ltmp2:
0x163: {  	(pc) =	sbr.rel @p0 .LBB2_7-.Ltmp2, $2  }
0x164: {  	_ =	sdelay $0x2  }
0x165: {  	(xrf0) =	vadd.scan.msk.s32 $0xffff, v0  }
0x166: {  	_ =	sdelay $0x2  }
0x167: {  	s5 =	spop (v2sf)  }
0x168: {  	s3 =	sadd.s32 s3, s5  }
0x169: {  	v0 =	vsub.s32 s3, v0;
	v1, _, _ =	vpop (xrf0)  }
0x16a: {  	s18 =	sadd.s32 $0x20, s19;
	v0 =	vadd.s32 v1, v0  }
0x16b: {  	s5 =	sand.u32 $0xE0, s18;
	[tilespmem:s0+$0x0] =	vst v0  }
0x16c: {  	v0 =	vld [tilespmem:s5+$0x4C00]  }
0x16d: {  	v3 =	vld [tilespmem:s5+$0x4400]  }
0x16e: {  	v4 =	vld [tilespmem:s5+$0x4800];
	_ =	sdelay $0x2  }
0x16f: {  	(xrf0) =	vadd.scan.msk.s32 $0xffff, v0  }
0x170: {  	(xrf0) =	vadd.scan.msk.s32 $0xffff, v3  }
0x171: {  	(xrf0) =	vadd.scan.msk.s32 $0xffff, v4  }
0x172: {  	s6 =	spop (v2sf)  }
0x173: {  	s8 =	spop (v2sf)  }
0x174: {  	s2 =	sadd.s32 s2, s6;
	s19 =	spop (v2sf)  }
0x175: {  	s1 =	sadd.s32 s1, s19;
	v0 =	vsub.s32 s2, v0;
	v5, _, _ =	vpop (xrf0)  }
0x176: {  	s4 =	sadd.s32 s4, s8;
	v3 =	vsub.s32 s1, v3;
	v0 =	vadd.s32 v5, v0;
	v6, _, _ =	vpop (xrf0)  }
0x177: {  	v4 =	vsub.s32 s4, v4;
	v3 =	vadd.s32 v6, v3;
	[tilespmem:s5+$0x4C00] =	vst v0;
	v52, _, _ =	vpop (xrf0)  }
0x178: {  	[tilespmem:s5+$0x4400] =	vst v3;
	v53 =	vadd.s32 v52, v4  }
0x179: {  	[tilespmem:s5+$0x4800] =	vst v53  }
0x17a: {  	v3 =	vld [tilespmem:s0+$0x10]  }
0x17b: {  	v54 =	vld [tilespmem:s0+$0xC10]  }
0x17c: {  	v7 =	vld [tilespmem:s0+$0x810]  }
0x17d: {  	v8 =	vld [tilespmem:s0+$0x410];
	_ =	sdelay $0x1  }
0x17e: {  	(xrf0) =	vadd.scan.msk.s32 $0xffff, v3  }
0x17f: {  	(xrf0) =	vadd.scan.msk.s32 $0xffff, v54  }
0x180: {  	(xrf0) =	vadd.scan.msk.s32 $0xffff, v7  }
0x181: {  	(v2sf) =	vpush v1, $0xF;
	(xrf0) =	vadd.scan.msk.s32 $0xffff, v8  }
0x182: {  	(v2sf) =	vpush v5, $0xF  }
0x183: {  	(v2sf) =	vpush v6, $0xF  }
0x184: {  	(v2sf) =	vpush v52, $0xF;
	v55, _, _ =	vpop (xrf0)  }
0x185: {  	(v2sf) =	vpush v55, $0xF;
	v56, _, _ =	vpop (xrf0)  }
0x186: {  	v57, _, _ =	vpop (xrf0);
	(v2sf) =	vpush v56, $0xF  }
0x187: {  	v58, _, _ =	vpop (xrf0);
	(v2sf) =	vpush v57, $0xF  }
0x188: {  	(v2sf) =	vpush v58, $0xF;
	_ =	sdelay $0x7  }
0x189: {  	s20 =	spop (v2sf)  }
0x18a: {  	s3 =	sadd.s32 s3, s20;
	s21 =	spop (v2sf)  }
0x18b: {  	v3 =	vsub.s32 s3, v3;
	s22 =	spop (v2sf);
	s2 =	sadd.s32 s2, s21  }
0x18c: {  	v0 =	vadd.s32 v55, v3;
	s23 =	spop (v2sf);
	s1 =	sadd.s32 s1, s22;
	v59 =	vsub.s32 s2, v54  }
0x18d: {  	[tilespmem:s0+$0x10] =	vst v0;
	v60 =	vadd.s32 v56, v59;
	s26 =	sadd.s32 s4, s23;
	v61 =	vsub.s32 s1, v8;
	s28 =	spop (v2sf)  }
0x18e: {  	v1 =	vadd.s32 v58, v61;
	v62 =	vsub.s32 s26, v7;
	[tilespmem:s0+$0xC10] =	vst v60;
	s29 =	spop (v2sf)  }
0x18f: {  	[tilespmem:s0+$0x410] =	vst v1;
	v63 =	vadd.s32 v57, v62;
	s30 =	spop (v2sf)  }
0x190: {  	[tilespmem:s0+$0x810] =	vst v63;
	s31 =	spop (v2sf)  }
.LBB2_9:
0x191: {  	s0 =	sshra.s32 s7, $0x2  }
0x192: {  	v12 =	vld [tilespmem:s0+$0x800]  }
0x193: {  	v45 =	vld [tilespmem:s0+$0x810]  }
0x194: {  	v34 =	vld [tilespmem:s0+$0x820]  }
0x195: {  	v4 =	vld [tilespmem:s0+$0x830]  }
0x196: {  	v3 =	vld [tilespmem:s0+$0x840]  }
0x197: {  	v2 =	vld [tilespmem:s0+$0x850];
	v33 =	vand.u32 $0xFF, v12  }
0x198: {  	v1 =	vld [tilespmem:s0+$0x860];
	v49 =	vand.u32 $0xFF, v45;
	(xrf1) =	vunique.msk.u32 $0xffff, v33  }
0x199: {  	v0 =	vld [tilespmem:s0+$0x870];
	v41 =	vand.u32 $0xFF, v34;
	(xrf1) =	vunique.msk.u32 $0xffff, v49  }
0x19a: {  	v31 =	vld [tilespmem:s0+$0x1000];
	v30 =	vand.u32 $0xFF, v4;
	(xrf1) =	vunique.msk.u32 $0xffff, v41  }
0x19b: {  	v46 =	vld [tilespmem:s0+$0x1010];
	v21 =	vand.u32 $0xFF, v3;
	(xrf1) =	vunique.msk.u32 $0xffff, v30  }
0x19c: {  	v40 =	vld [tilespmem:s0+$0x1020];
	(xrf1) =	vunique.msk.u32 $0xffff, v21  }
0x19d: {  	v28 =	vld [tilespmem:s0+$0x1030];
	v18 =	vand.u32 $0xFF, v2  }
0x19e: {  	v19 =	vld [tilespmem:s0+$0x1040];
	[tilespmem:$0x1FF80] =	vst v1;
	v1 =	vand.u32 $0xFF, v1;
	(xrf1) =	vunique.msk.u32 $0xffff, v18  }
0x19f: {  	v24 =	vld [tilespmem:s0+$0x1050];
	(xrf1) =	vunique.msk.u32 $0xffff, v1  }
0x1a0: {  	v29 =	vld [tilespmem:s0+$0x1070];
	[tilespmem:$0x1FFE0] =	vst v0;
	v0 =	vand.u32 $0xFF, v0  }
0x1a1: {  	v52 =	vimm.s32 $0x0;
	v42 =	vld [tilespmem:s0+$0x1800];
	(xrf1) =	vunique.msk.u32 $0xffff, v0  }
0x1a2: {  	v59 =	vimm.s32 $0x0;
	v61 =	vimm.s32 $0x0;
	v53 =	vld [tilespmem:s0+$0x1810];
	v23 =	vand.u32 $0xFF, v31  }
0x1a3: {  	v63 =	vimm.s32 $0x0;
	[tilespmem:$0x1FF20] =	vst v2;
	v26 =	vand.u32 $0xFF, v46;
	v2 =	vld [tilespmem:s0+$0x1060];
	v11 =	vor.u32 $0x400, v23  }
0x1a4: {  	v13 =	vld [tilespmem:s0+$0x1820];
	[tilespmem:$0x1FEE0] =	vst v3;
	v27 =	vand.u32 $0xFF, v40;
	v37 =	vor.u32 $0x400, v26;
	(xrf1) =	vunique.msk.u32 $0xffff, v11  }
0x1a5: {  	[tilespmem:$0x1FF60] =	vst v29;
	v35 =	vand.u32 $0xFF, v28;
	v57 =	vor.u32 $0x400, v27;
	(xrf1) =	vunique.msk.u32 $0xffff, v37  }
0x1a6: {  	v36 =	vand.u32 $0xFF, v19;
	v38 =	vand.u32 $0xFF, v24;
	v51 =	vor.u32 $0x400, v35;
	(xrf1) =	vunique.msk.u32 $0xffff, v57;
	_, v50, vm1 =	vpop (xrf1)  }
0x1a7: {  	v47 =	vand.u32 $0xFF, v29;
	v48 =	vand.u32 $0xFF, v42;
	v29 =	vld [tilespmem:s0+$0x1840];
	v43 =	vor.u32 $0x400, v36;
	(xrf1) =	vunique.msk.u32 $0xffff, v51;
	_, v58, vm6 =	vpop (xrf1)  }
0x1a8: {  	v55 =	vand.u32 $0xFF, v53;
	v32 =	vor.u32 $0x400, v38;
	v23 =	vld [tilespmem:s0+$0x1860];
	v39 =	vand.u32 $0xFF, v2;
	(xrf1) =	vunique.msk.u32 $0xffff, v43;
	_, v54, vm13 =	vpop (xrf1)  }
0x1a9: {  	v15 =	vand.u32 $0xFF, v13;
	[tilespmem:$0x1FF30] =	vst v1;
	v26 =	vld [tilespmem:s0+$0x1870];
	v44 =	vor.u32 $0x400, v39;
	(xrf1) =	vunique.msk.u32 $0xffff, v32;
	_, v16, vm10 =	vpop (xrf1)  }
0x1aa: {  	[tilespmem:$0x1FFA0] =	vst v0;
	v22 =	vor.u32 $0x800, v48;
	v39 =	vld [tilespmem:s0+$0x1830];
	v0 =	vor.u32 $0x400, v47;
	(xrf1) =	vunique.msk.u32 $0xffff, v44;
	_, v36, vm0 =	vpop (xrf1)  }
0x1ab: {  	v27 =	vand.u32 $0x7F, v31;
	[tilespmem:$0x1FF50] =	vst v0;
	(xrf1) =	vunique.msk.u32 $0xffff, v0;
	v0 =	vsel vm0, $0xFFFFFFFF, v52  }
0x1ac: {  	v20 =	vld [tilespmem:s0+$0x1850];
	v25 =	vand.u32 $0x480, v11;
	v38 =	vand.u32 $0xFF, v29;
	(xrf1) =	vunique.msk.u32 $0xffff, v22;
	_, v56, vm0 =	vpop (xrf1);
	[tilespmem:$0x1FED0] =	vst v0  }
0x1ad: {  	v48 =	vor.u32 $0x800, v38;
	v3 =	vand.u32 $0xFF, v23;
	[tilespmem:$0x1FEF0] =	vst v56;
	v0 =	vsel vm0, $0xFFFFFFFF, v59;
	_, v60, vm0 =	vpop (xrf1)  }
0x1ae: {  	v9 =	vand.u32 $0xFF, v26;
	v52 =	vor.u32 $0x800, v55;
	[tilespmem:$0x1FF10] =	vst v0;
	v0 =	vsel vm0, $0xFFFFFFFF, v61  }
0x1af: {  	v35 =	vand.u32 $0xFF, v39;
	(xrf1) =	vunique.msk.u32 $0xffff, v52;
	v59 =	vor.u32 $0x800, v15;
	v61 =	vld [tilespmem:s0+$0x2000];
	_, v62, vm0 =	vpop (xrf1);
	[tilespmem:$0x1FF70] =	vst v0  }
0x1b0: {  	(xrf1) =	vunique.msk.u32 $0xffff, v59;
	[tilespmem:$0x1FFB0] =	vst v62;
	v0 =	vsel vm0, $0xFFFFFFFF, v63;
	v62 =	vor.u32 $0x800, v35  }
0x1b1: {  	v56 =	vor.u32 v27, v25;
	[tilespmem:$0x1FFD0] =	vst v0;
	(xrf1) =	vunique.msk.u32 $0xffff, v62;
	v0 =	vand.u32 $0xFF, v20  }
0x1b2: {  	[tilespmem:$0x1FF00] =	vst v44;
	v1 =	vand.u32 $0x7F, v42;
	_, v63, vm5 =	vpop (xrf1);
	(xrf1) =	vunique.msk.u32 $0xffff, v48;
	v44 =	vor.u32 $0x800, v0  }
0x1b3: {  	v6 =	vld.idx.msk [tilespmem:v33+s24+$0x0], $0xffff;
	v22 =	vand.u32 $0x880, v22;
	[tilespmem:$0x1FF40] =	vst v60;
	v35 =	vor.u32 $0x800, v3;
	_, v60, vm2 =	vpop (xrf1);
	(xrf1) =	vunique.msk.u32 $0xffff, v44  }
0x1b4: {  	v7 =	vor.u32 v1, v22;
	v25 =	vor.u32 $0x800, v9;
	_, v10, vm4 =	vpop (xrf1);
	(xrf1) =	vunique.msk.u32 $0xffff, v35;
	v11 =	vand.u32 $0xFF, v61  }
0x1b5: {  	_, v55, vm14 =	vpop (xrf1);
	(xrf1) =	vunique.msk.u32 $0xffff, v25;
	v14 =	vor.u32 $0xC00, v11  }
0x1b6: {  	v15 =	vld.idx.msk [tilespmem:v56+s24+$0x0], $0xffff;
	_, v47, vm11 =	vpop (xrf1);
	(xrf1) =	vunique.msk.u32 $0xffff, v14  }
0x1b7: {  	_, v38, vm8 =	vpop (xrf1)  }
0x1b8: {  	v17 =	vimm.s32 $0x0;
	v8 =	vimm.s32 $0x0;
	v0 =	vadd.s32 v50, v6;
	_, v27, vm15 =	vpop (xrf1)  }
0x1b9: {  	v5 =	vld.idx.msk [tilespmem:v7+s24+$0x0], $0xffff;
	v11 =	vand.u32 $0x7F, v61;
	v9 =	vand.u32 $0xC80, v14;
	v1 =	vsel vm15, $0xFFFFFFFF, v17;
	_, v22, vm0 =	vpop (xrf1)  }
0x1ba: {  	[tilespmem:$0x1FF90] =	vst v1;
	v1 =	vsel vm0, $0xFFFFFFFF, v8;
	_, v3, vm7 =	vpop (xrf1);
	v8 =	vor.u32 v11, v9  }
0x1bb: {  	[tilespmem:$0x1FEC0] =	vst v4;
	v4 =	vadd.s32 v63, v15;
	v9 =	vld [tilespmem:s0+$0x2010]  }
0x1bc: {  	[tilespmem:v33+s24+$0x0] =	vst.idx.add.s32.msk vm1, v50;
	v14 =	vand.u32 $0x480, v37;
	v4 =	vadd.s32 $0x800, v4  }
0x1bd: {  	[tilespmem:v56+s24+$0x0] =	vst.idx.add.s32.msk vm5, v63;
	v17 =	vand.u32 $0x880, v52;
	v15 =	vand.u32 $0x7F, v46;
	_, v52, vm1 =	vpop (xrf1)  }
0x1be: {  	[tilespmem:v0+s25+$0x0] =	vst.idx.msk $0xffff, v12;
	v5 =	vadd.s32 v3, v5;
	_, v37, vm3 =	vpop (xrf1)  }
0x1bf: {  	[tilespmem:$0x1FFC0] =	vst v22;
	v22 =	vand.u32 $0x7F, v53;
	v6 =	vor.u32 v15, v14;
	v5 =	vadd.s32 $0x1000, v5;
	v50 =	vld.idx.msk [tilespmem:v8+s24+$0x0], $0xffff;
	_, v11, vm15 =	vpop (xrf1)  }
0x1c0: {  	v33 =	vand.u32 $0xFF, v9;
	[tilespmem:v7+s24+$0x0] =	vst.idx.add.s32.msk vm7, v3;
	_, v14, vm12 =	vpop (xrf1)  }
0x1c1: {  	v63 =	vor.u32 v22, v17;
	[tilespmem:v4+s25+$0x0] =	vst.idx.msk $0xffff, v31;
	v56 =	vor.u32 $0xC00, v33;
	v31 =	vld.idx.msk [tilespmem:v49+s24+$0x0], $0xffff;
	_, v15, vm9 =	vpop (xrf1)  }
0x1c2: {  	v7 =	vld [tilespmem:s0+$0x2030];
	(xrf1) =	vunique.msk.u32 $0xffff, v56;
	_, v17, vm7 =	vpop (xrf1)  }
0x1c3: {  	v33 =	vld [tilespmem:s0+$0x2070];
	_, v22, vm5 =	vpop (xrf1)  }
0x1c4: {  	[tilespmem:v5+s25+$0x0] =	vst.idx.msk $0xffff, v42;
	v3 =	vld.idx.msk [tilespmem:v6+s24+$0x0], $0xffff;
	_, v42, vm0 =	vpop (xrf1)  }
0x1c5: {  	v5 =	vld [tilespmem:s0+$0x2020];
	v12 =	vadd.s32 v42, v50  }
0x1c6: {  	[tilespmem:$0x1FFF0] =	vst v1;
	v1 =	vand.u32 $0x7F, v9;
	v4 =	vld.idx.msk [tilespmem:v63+s24+$0x0], $0xffff;
	v50 =	vand.u32 $0xC80, v56;
	v0 =	vadd.s32 $0x1800, v12  }
0x1c7: {  	v56 =	vld [tilespmem:s0+$0x2040];
	v1 =	vor.u32 v1, v50  }
0x1c8: {  	v50 =	vld [tilespmem:s0+$0x2050]  }
0x1c9: {  	v12 =	vld [tilespmem:s0+$0x2060]  }
0x1ca: {  	v3 =	vadd.s32 v60, v3;
	[tilespmem:v8+s24+$0x0] =	vst.idx.add.s32.msk vm0, v42;
	v8 =	vadd.s32 v58, v31  }
0x1cb: {  	v42 =	vand.u32 $0x480, v57;
	v57 =	vand.u32 $0x7F, v40;
	[tilespmem:v0+s25+$0x0] =	vst.idx.msk $0xffff, v61;
	v0 =	vadd.s32 $0x800, v3  }
0x1cc: {  	v4 =	vadd.s32 v52, v4;
	v3 =	vor.u32 v57, v42;
	v61 =	vand.u32 $0xFF, v5;
	v42 =	vld.idx.msk [tilespmem:v1+s24+$0x0], $0xffff  }
0x1cd: {  	[tilespmem:v49+s24+$0x0] =	vst.idx.add.s32.msk vm6, v58;
	v4 =	vadd.s32 $0x1000, v4;
	v31 =	vor.u32 $0xC00, v61  }
0x1ce: {  	[tilespmem:v6+s24+$0x0] =	vst.idx.add.s32.msk vm2, v60;
	(xrf1) =	vunique.msk.u32 $0xffff, v31  }
0x1cf: {  	v49 =	vand.u32 $0x880, v59;
	v57 =	vand.u32 $0x7F, v13;
	[tilespmem:v8+s25+$0x0] =	vst.idx.msk $0xffff, v45  }
0x1d0: {  	_, v59, vm6 =	vpop (xrf1);
	[tilespmem:v0+s25+$0x0] =	vst.idx.msk $0xffff, v46;
	v0 =	vor.u32 v57, v49;
	v58 =	vld.idx.msk [tilespmem:v41+s24+$0x0], $0xffff  }
0x1d1: {  	[tilespmem:v63+s24+$0x0] =	vst.idx.add.s32.msk vm1, v52;
	v42 =	vadd.s32 v59, v42  }
0x1d2: {  	[tilespmem:v4+s25+$0x0] =	vst.idx.msk $0xffff, v53;
	v61 =	vand.u32 $0x7F, v5;
	v31 =	vand.u32 $0xC80, v31;
	v60 =	vld.idx.msk [tilespmem:v3+s24+$0x0], $0xffff;
	v42 =	vadd.s32 $0x1800, v42  }
0x1d3: {  	v31 =	vor.u32 v61, v31;
	[tilespmem:v41+s24+$0x0] =	vst.idx.add.s32.msk vm13, v54  }
0x1d4: {  	[tilespmem:v3+s24+$0x0] =	vst.idx.add.s32.msk vm4, v10  }
0x1d5: {  	v4 =	vld.idx.msk [tilespmem:v0+s24+$0x0], $0xffff;
	v46 =	vadd.s32 v54, v58  }
0x1d6: {  	[tilespmem:v1+s24+$0x0] =	vst.idx.add.s32.msk vm6, v59  }
0x1d7: {  	v51 =	vand.u32 $0x480, v51;
	v49 =	vadd.s32 v10, v60;
	[tilespmem:v42+s25+$0x0] =	vst.idx.msk $0xffff, v9  }
0x1d8: {  	v52 =	vand.u32 $0x7F, v28;
	v53 =	vand.u32 $0xFF, v7;
	v6 =	vadd.s32 $0x800, v49;
	v42 =	vld.idx.msk [tilespmem:v31+s24+$0x0], $0xffff  }
0x1d9: {  	v8 =	vor.u32 v52, v51;
	[tilespmem:v0+s24+$0x0] =	vst.idx.add.s32.msk vm3, v37;
	v9 =	vor.u32 $0xC00, v53  }
0x1da: {  	(xrf1) =	vunique.msk.u32 $0xffff, v9;
	v54 =	vadd.s32 v37, v4;
	[tilespmem:v46+s25+$0x0] =	vst.idx.msk $0xffff, v34  }
0x1db: {  	v59 =	vand.u32 $0x7F, v39;
	v58 =	vand.u32 $0x880, v62;
	v57 =	vadd.s32 $0x1000, v54;
	v60 =	vld.idx.msk [tilespmem:v30+s24+$0x0], $0xffff  }
0x1dc: {  	v3 =	vor.u32 v59, v58;
	_, v61, vm13 =	vpop (xrf1);
	[tilespmem:v30+s24+$0x0] =	vst.idx.add.s32.msk vm10, v16  }
0x1dd: {  	[tilespmem:v6+s25+$0x0] =	vst.idx.msk $0xffff, v40;
	v62 =	vadd.s32 v61, v42  }
0x1de: {  	v63 =	vand.u32 $0x7F, v7;
	v9 =	vand.u32 $0xC80, v9;
	v6 =	vld.idx.msk [tilespmem:v8+s24+$0x0], $0xffff;
	v34 =	vadd.s32 $0x1800, v62  }
0x1df: {  	v42 =	vor.u32 v63, v9;
	[tilespmem:v8+s24+$0x0] =	vst.idx.add.s32.msk vm14, v55  }
0x1e0: {  	[tilespmem:v57+s25+$0x0] =	vst.idx.msk $0xffff, v13  }
0x1e1: {  	v46 =	vld.idx.msk [tilespmem:v3+s24+$0x0], $0xffff  }
0x1e2: {  	[tilespmem:v31+s24+$0x0] =	vst.idx.add.s32.msk vm13, v61  }
0x1e3: {  	v51 =	vand.u32 $0x480, v43;
	v43 =	vld [tilespmem:$0x1FED0];
	v53 =	vand.u32 $0xFF, v56;
	[tilespmem:v34+s25+$0x0] =	vst.idx.msk $0xffff, v5  }
0x1e4: {  	v41 =	vand.u32 $0xFF, v50;
	v49 =	vadd.s32 v55, v6;
	v6 =	vor.u32 $0xC00, v53;
	v54 =	vld.idx.msk [tilespmem:v42+s24+$0x0], $0xffff  }
0x1e5: {  	v52 =	vand.u32 $0x7F, v19;
	v8 =	vor.u32 $0xC00, v41;
	v41 =	vld [tilespmem:$0x1FF60];
	v4 =	vadd.s32 $0x800, v49;
	(xrf1) =	vunique.msk.u32 $0xffff, v6  }
0x1e6: {  	v57 =	vld [tilespmem:$0x1FEC0];
	v5 =	vor.u32 v52, v51  }
0x1e7: {  	v45 =	vadd.s32 v16, v60;
	v16 =	vld [tilespmem:$0x1FF20];
	v58 =	vadd.s32 v11, v46  }
0x1e8: {  	v59 =	vand.u32 $0x880, v48;
	v60 =	vand.u32 $0x7F, v29;
	[tilespmem:v3+s24+$0x0] =	vst.idx.add.s32.msk vm15, v11;
	_, v62, vm14 =	vpop (xrf1);
	v1 =	vadd.s32 $0x1000, v58  }
0x1e9: {  	v61 =	vor.u32 v60, v59;
	vm15 =	vnez.u8 v43;
	v59 =	vld [tilespmem:$0x1FF00];
	v10 =	vadd.s32 v62, v54  }
0x1ea: {  	v43 =	vld [tilespmem:$0x1FF70];
	v6 =	vand.u32 $0xC80, v6;
	[tilespmem:v4+s25+$0x0] =	vst.idx.msk $0xffff, v28;
	v28 =	vand.u32 $0x7F, v56;
	v10 =	vadd.s32 $0x1800, v10  }
0x1eb: {  	v63 =	vld.idx.msk [tilespmem:v5+s24+$0x0], $0xffff;
	v30 =	vor.u32 v28, v6  }
0x1ec: {  	v55 =	vld [tilespmem:$0x1FEF0];
	[tilespmem:v45+s25+$0x0] =	vst.idx.msk $0xffff, v57  }
0x1ed: {  	v13 =	vld.idx.msk [tilespmem:v21+s24+$0x0], $0xffff;
	[tilespmem:v1+s25+$0x0] =	vst.idx.msk $0xffff, v39  }
0x1ee: {  	[tilespmem:v42+s24+$0x0] =	vst.idx.add.s32.msk vm14, v62  }
0x1ef: {  	(xrf1) =	vunique.msk.u32 $0xffff, v8;
	v34 =	vld.idx.msk [tilespmem:v61+s24+$0x0], $0xffff;
	[tilespmem:v10+s25+$0x0] =	vst.idx.msk $0xffff, v7  }
0x1f0: {  	v37 =	vadd.s32 v47, v63;
	v42 =	vld.idx.msk [tilespmem:v30+s24+$0x0], $0xffff  }
0x1f1: {  	v40 =	vand.u32 $0x7F, v24;
	v45 =	vld [tilespmem:$0x1FEE0];
	v39 =	vand.u32 $0x480, v32;
	v0 =	vadd.s32 $0x800, v37  }
0x1f2: {  	[tilespmem:v21+s24+$0x0] =	vst.idx.add.s32.msk vm15, v36;
	v7 =	vor.u32 v40, v39  }
0x1f3: {  	[tilespmem:v5+s24+$0x0] =	vst.idx.add.s32.msk vm11, v47;
	v31 =	vadd.s32 v36, v13;
	_, v51, vm4 =	vpop (xrf1)  }
0x1f4: {  	v48 =	vand.u32 $0x7F, v20;
	v53 =	vand.u32 $0x7F, v50;
	v28 =	vld [tilespmem:$0x1FF30];
	v46 =	vadd.s32 v14, v34  }
0x1f5: {  	[tilespmem:v61+s24+$0x0] =	vst.idx.add.s32.msk vm12, v14;
	v47 =	vand.u32 $0x880, v44;
	v1 =	vadd.s32 $0x1000, v46;
	v9 =	vadd.s32 v51, v42  }
0x1f6: {  	v8 =	vand.u32 $0xC80, v8;
	v49 =	vor.u32 v48, v47;
	v14 =	vld [tilespmem:$0x1FF10];
	[tilespmem:v0+s25+$0x0] =	vst.idx.msk $0xffff, v19;
	v9 =	vadd.s32 $0x1800, v9  }
0x1f7: {  	v54 =	vor.u32 v53, v8;
	v52 =	vld.idx.msk [tilespmem:v7+s24+$0x0], $0xffff  }
0x1f8: {  	v6 =	vand.u32 $0x480, v59;
	v59 =	vld [tilespmem:$0x1FFC0];
	[tilespmem:v31+s25+$0x0] =	vst.idx.msk $0xffff, v45  }
0x1f9: {  	v61 =	vand.u32 $0xFF, v12;
	[tilespmem:v30+s24+$0x0] =	vst.idx.add.s32.msk vm4, v51  }
0x1fa: {  	v63 =	vor.u32 $0xC00, v61;
	v10 =	vld.idx.msk [tilespmem:v18+s24+$0x0], $0xffff;
	[tilespmem:v1+s25+$0x0] =	vst.idx.msk $0xffff, v29  }
0x1fb: {  	(xrf1) =	vunique.msk.u32 $0xffff, v63;
	vm6 =	vnez.u8 v14;
	v1 =	vld.idx.msk [tilespmem:v49+s24+$0x0], $0xffff;
	[tilespmem:v9+s25+$0x0] =	vst.idx.msk $0xffff, v56  }
0x1fc: {  	v60 =	vand.u32 $0x7F, v2;
	v58 =	vadd.s32 v38, v52;
	v62 =	vld.idx.msk [tilespmem:v54+s24+$0x0], $0xffff  }
0x1fd: {  	v6 =	vor.u32 v60, v6;
	v60 =	vld [tilespmem:$0x1FFD0];
	_, v21, vm10 =	vpop (xrf1);
	v5 =	vadd.s32 $0x800, v58  }
0x1fe: {  	v48 =	vld [tilespmem:$0x1FF90]  }
0x1ff: {  	v32 =	vand.u32 $0x7F, v12;
	[tilespmem:v7+s24+$0x0] =	vst.idx.add.s32.msk vm8, v38  }
0x200: {  	v19 =	vand.u32 $0x7F, v23;
	v57 =	vadd.s32 v55, v10;
	[tilespmem:v49+s24+$0x0] =	vst.idx.add.s32.msk vm9, v15;
	v1 =	vadd.s32 v15, v1  }
0x201: {  	[tilespmem:v18+s24+$0x0] =	vst.idx.add.s32.msk vm6, v55;
	v18 =	vand.u32 $0x880, v35;
	v1 =	vadd.s32 $0x1000, v1;
	v30 =	vadd.s32 v21, v62  }
0x202: {  	v8 =	vand.u32 $0xC80, v63;
	v40 =	vld [tilespmem:$0x1FF50];
	v3 =	vor.u32 v19, v18;
	[tilespmem:v5+s25+$0x0] =	vst.idx.msk $0xffff, v24;
	v5 =	vadd.s32 $0x1800, v30  }
0x203: {  	v34 =	vor.u32 v32, v8;
	[tilespmem:v54+s24+$0x0] =	vst.idx.add.s32.msk vm10, v21  }
0x204: {  	v35 =	vld [tilespmem:$0x1FF40]  }
0x205: {  	v39 =	vand.u32 $0xFF, v33;
	[tilespmem:v57+s25+$0x0] =	vst.idx.msk $0xffff, v16;
	v31 =	vld.idx.msk [tilespmem:v6+s24+$0x0], $0xffff  }
0x206: {  	vm12 =	vnez.u8 v48;
	v7 =	vor.u32 $0xC00, v39;
	v29 =	vld.idx.msk [tilespmem:v28+s24+$0x0], $0xffff;
	[tilespmem:v1+s25+$0x0] =	vst.idx.msk $0xffff, v20  }
0x207: {  	vm11 =	vnez.u8 v43;
	(xrf1) =	vunique.msk.u32 $0xffff, v7;
	v1 =	vld.idx.msk [tilespmem:v3+s24+$0x0], $0xffff;
	[tilespmem:v5+s25+$0x0] =	vst.idx.msk $0xffff, v50  }
0x208: {  	v8 =	vld.idx.msk [tilespmem:v34+s24+$0x0], $0xffff  }
0x209: {  	v63 =	vld [tilespmem:$0x1FFF0];
	_, v13, vm0 =	vpop (xrf1)  }
0x20a: {  	v42 =	vand.u32 $0x7F, v41;
	v9 =	vand.u32 $0x480, v40;
	v37 =	vadd.s32 v27, v31;
	v50 =	vld [tilespmem:$0x1FFA0]  }
0x20b: {  	v44 =	vand.u32 $0x880, v25;
	v46 =	vld [tilespmem:$0x1FF80];
	v9 =	vor.u32 v42, v9;
	v38 =	vadd.s32 $0x800, v37  }
0x20c: {  	v45 =	vand.u32 $0x7F, v26;
	[tilespmem:v6+s24+$0x0] =	vst.idx.add.s32.msk vm12, v27;
	v36 =	vadd.s32 v35, v29;
	v1 =	vadd.s32 v17, v1  }
0x20d: {  	v47 =	vor.u32 v45, v44;
	[tilespmem:v28+s24+$0x0] =	vst.idx.add.s32.msk vm11, v35;
	v1 =	vadd.s32 $0x1000, v1;
	v49 =	vadd.s32 v13, v8  }
0x20e: {  	v53 =	vand.u32 $0xC80, v7;
	v54 =	vand.u32 $0x7F, v33;
	[tilespmem:v3+s24+$0x0] =	vst.idx.add.s32.msk vm7, v17;
	v52 =	vadd.s32 $0x1800, v49  }
0x20f: {  	v55 =	vor.u32 v54, v53;
	[tilespmem:v34+s24+$0x0] =	vst.idx.add.s32.msk vm0, v13  }
0x210: {  	v57 =	vld [tilespmem:$0x1FFB0];
	[tilespmem:v38+s25+$0x0] =	vst.idx.msk $0xffff, v2  }
0x211: {  	[tilespmem:v36+s25+$0x0] =	vst.idx.msk $0xffff, v46;
	v56 =	vld.idx.msk [tilespmem:v9+s24+$0x0], $0xffff  }
0x212: {  	vm15 =	vnez.u8 v63;
	v51 =	vld.idx.msk [tilespmem:v50+s24+$0x0], $0xffff;
	[tilespmem:v1+s25+$0x0] =	vst.idx.msk $0xffff, v23  }
0x213: {  	vm13 =	vnez.u8 v60;
	v1 =	vld.idx.msk [tilespmem:v47+s24+$0x0], $0xffff;
	[tilespmem:v52+s25+$0x0] =	vst.idx.msk $0xffff, v12  }
0x214: {  	v5 =	vld.idx.msk [tilespmem:v55+s24+$0x0], $0xffff  }
0x215: {  	_, v7, vm14 =	vpop (xrf1)  }
0x216: {  	v6 =	vadd.s32 v59, v56  }
0x217: {  	v61 =	vld [tilespmem:$0x1FFE0];
	v6 =	vadd.s32 $0x800, v6  }
0x218: {  	[tilespmem:v9+s24+$0x0] =	vst.idx.add.s32.msk vm15, v59;
	v58 =	vadd.s32 v57, v51;
	v1 =	vadd.s32 v22, v1  }
0x219: {  	[tilespmem:v50+s24+$0x0] =	vst.idx.add.s32.msk vm13, v57;
	v1 =	vadd.s32 $0x1000, v1;
	v62 =	vadd.s32 v7, v5  }
0x21a: {  	p0 =	sne.s32 s7, $0xFFFFFE00;
	[tilespmem:v47+s24+$0x0] =	vst.idx.add.s32.msk vm5, v22;
	v0 =	vadd.s32 $0x1800, v62  }
.Ltmp3:
0x21b: {  	[tilespmem:v55+s24+$0x0] =	vst.idx.add.s32.msk vm14, v7;
	(pc) =	sbr.rel @p0 .LBB2_9-.Ltmp3, $4  }
0x21c: {  	[tilespmem:v6+s25+$0x0] =	vst.idx.msk $0xffff, v41  }
0x21d: {  	[tilespmem:v58+s25+$0x0] =	vst.idx.msk $0xffff, v61  }
0x21e: {  	[tilespmem:v1+s25+$0x0] =	vst.idx.msk $0xffff, v26  }
0x21f: {  	s7 =	sadd.s32 $0x200, s7;
	[tilespmem:v0+s25+$0x0] =	vst.idx.msk $0xffff, v33  }
0x220: {  	s0 =	simm.s32 $0x0  }
0x221: {  	s1 =	sand.u32 $0xE0, s0  }
0x222: {  	v0 =	vld [tilespmem:s1+$0x4500]  }
0x223: {  	v1 =	vld [tilespmem:s1+$0x4100]  }
0x224: {  	v3 =	vld [tilespmem:s1+$0x4D00]  }
0x225: {  	v4 =	vld [tilespmem:s1+$0x4900];
	_ =	sdelay $0x1  }
0x226: {  	(xrf0) =	vadd.scan.msk.s32 $0xffff, v0  }
0x227: {  	(xrf0) =	vadd.scan.msk.s32 $0xffff, v1  }
0x228: {  	(xrf0) =	vadd.scan.msk.s32 $0xffff, v3  }
0x229: {  	(xrf0) =	vadd.scan.msk.s32 $0xffff, v4;
	_ =	sdelay $0x1  }
0x22a: {  	s26 =	simm.s32 $0xFFFFFFFF  }
0x22b: {  	v0 =	vsub.s32 s26, v0;
	v5, _, _ =	vpop (xrf0)  }
0x22c: {  	v1 =	vsub.s32 s26, v1;
	v6, _, _ =	vpop (xrf0);
	(v2sf) =	vpush v5, $0xF;
	v0 =	vadd.s32 v5, v0  }
0x22d: {  	v53 =	vsub.s32 s26, v3;
	(v2sf) =	vpush v6, $0xF;
	v52, _, _ =	vpop (xrf0);
	v1 =	vadd.s32 v6, v1;
	[tilespmem:s1+$0x4500] =	vst v0  }
0x22e: {  	v55 =	vsub.s32 s26, v4;
	v54, _, _ =	vpop (xrf0);
	(v2sf) =	vpush v52, $0xF;
	[tilespmem:s1+$0x4100] =	vst v1;
	v0 =	vadd.s32 v52, v53  }
0x22f: {  	(v2sf) =	vpush v54, $0xF;
	v1 =	vadd.s32 v54, v55;
	[tilespmem:s1+$0x4D00] =	vst v0  }
0x230: {  	s0 =	simm.s32 $0x4910;
	[tilespmem:s1+$0x4900] =	vst v1  }
0x231: {  	v0 =	vld [tilespmem:s0+$0xFFFFFC00]  }
0x232: {  	v1 =	vld [tilespmem:s0+$0xFFFFF800]  }
0x233: {  	v56 =	vld [tilespmem:s0+$0x400]  }
0x234: {  	v57 =	vld [tilespmem:s0+$0x0];
	_ =	sdelay $0x1  }
0x235: {  	(xrf0) =	vadd.scan.msk.s32 $0xffff, v0  }
0x236: {  	(xrf0) =	vadd.scan.msk.s32 $0xffff, v1  }
0x237: {  	(xrf0) =	vadd.scan.msk.s32 $0xffff, v56  }
0x238: {  	(xrf0) =	vadd.scan.msk.s32 $0xffff, v57;
	_ =	sdelay $0x1  }
0x239: {  	s28 =	spop (v2sf)  }
0x23a: {  	s7 =	sadd.s32 $0xFFFFFFFF, s28;
	s29 =	spop (v2sf);
	v58, _, _ =	vpop (xrf0)  }
0x23b: {  	s6 =	sadd.s32 $0xFFFFFFFF, s29;
	v0 =	vsub.s32 s7, v0;
	s30 =	spop (v2sf);
	v59, _, _ =	vpop (xrf0);
	(v2sf) =	vpush v58, $0xF  }
0x23c: {  	s5 =	sadd.s32 $0xFFFFFFFF, s30;
	v1 =	vsub.s32 s6, v1;
	v0 =	vadd.s32 v58, v0;
	s31 =	spop (v2sf);
	v60, _, _ =	vpop (xrf0);
	(v2sf) =	vpush v59, $0xF  }
0x23d: {  	s4 =	sadd.s32 $0xFFFFFFFF, s31;
	v1 =	vadd.s32 v59, v1;
	[tilespmem:s0+$0xFFFFFC00] =	vst v0;
	v61 =	vsub.s32 s5, v56;
	v62, _, _ =	vpop (xrf0);
	(v2sf) =	vpush v60, $0xF  }
0x23e: {  	[tilespmem:s0+$0xFFFFF800] =	vst v1;
	v63 =	vsub.s32 s4, v57;
	v0 =	vadd.s32 v60, v61;
	(v2sf) =	vpush v62, $0xF  }
0x23f: {  	s2 =	simm.s32 $0x20;
	v1 =	vadd.s32 v62, v63;
	[tilespmem:s0+$0x400] =	vst v0  }
0x240: {  	s3 =	simm.s32 $0x2;
	s1 =	sand.u32 $0xE0, s2;
	[tilespmem:s0+$0x0] =	vst v1  }
.LBB2_11:
0x241: {  	s3 =	sadd.s32 $0x2, s3;
	v0 =	vld [tilespmem:s1+$0x4500];
	s0 =	sadd.s32 $0x20, s0  }
0x242: {  	p0 =	slt.u32 s3, $0xE;
	v1 =	vld [tilespmem:s1+$0x4100]  }
0x243: {  	v3 =	vld [tilespmem:s1+$0x4D00]  }
0x244: {  	v4 =	vld [tilespmem:s1+$0x4900];
	_ =	sdelay $0x1  }
0x245: {  	(xrf0) =	vadd.scan.msk.s32 $0xffff, v0  }
0x246: {  	(xrf0) =	vadd.scan.msk.s32 $0xffff, v1  }
0x247: {  	(xrf0) =	vadd.scan.msk.s32 $0xffff, v3  }
0x248: {  	(xrf0) =	vadd.scan.msk.s32 $0xffff, v4  }
0x249: {  	s8 =	spop (v2sf)  }
0x24a: {  	s7 =	sadd.s32 s7, s8;
	s8 =	spop (v2sf)  }
0x24b: {  	v0 =	vsub.s32 s7, v0;
	v5, _, _ =	vpop (xrf0);
	s6 =	sadd.s32 s6, s8;
	s8 =	spop (v2sf)  }
0x24c: {  	v1 =	vsub.s32 s6, v1;
	v0 =	vadd.s32 v5, v0;
	v6, _, _ =	vpop (xrf0);
	(v2sf) =	vpush v5, $0xF;
	s5 =	sadd.s32 s5, s8;
	s8 =	spop (v2sf)  }
0x24d: {  	v1 =	vadd.s32 v6, v1;
	[tilespmem:s1+$0x4500] =	vst v0;
	v0 =	vsub.s32 s5, v3;
	(v2sf) =	vpush v6, $0xF;
	v3, _, _ =	vpop (xrf0);
	s4 =	sadd.s32 s4, s8  }
0x24e: {  	[tilespmem:s1+$0x4100] =	vst v1;
	v1 =	vsub.s32 s4, v4;
	v0 =	vadd.s32 v3, v0;
	v4, _, _ =	vpop (xrf0);
	(v2sf) =	vpush v3, $0xF  }
0x24f: {  	v1 =	vadd.s32 v4, v1;
	[tilespmem:s1+$0x4D00] =	vst v0;
	(v2sf) =	vpush v4, $0xF  }
0x250: {  	[tilespmem:s1+$0x4900] =	vst v1  }
0x251: {  	v0 =	vld [tilespmem:s0+$0xFFFFFC00]  }
0x252: {  	v1 =	vld [tilespmem:s0+$0xFFFFF800]  }
0x253: {  	v3 =	vld [tilespmem:s0+$0x400]  }
0x254: {  	v4 =	vld [tilespmem:s0+$0x0];
	_ =	sdelay $0x1  }
0x255: {  	(xrf0) =	vadd.scan.msk.s32 $0xffff, v0  }
0x256: {  	(xrf0) =	vadd.scan.msk.s32 $0xffff, v1  }
0x257: {  	(xrf0) =	vadd.scan.msk.s32 $0xffff, v3  }
0x258: {  	(xrf0) =	vadd.scan.msk.s32 $0xffff, v4  }
0x259: {  	s2 =	sadd.s32 $0x20, s2  }
0x25a: {  	s1 =	sand.u32 $0xE0, s2;
	s8 =	spop (v2sf)  }
0x25b: {  	s7 =	sadd.s32 s7, s8;
	s8 =	spop (v2sf);
	v5, _, _ =	vpop (xrf0)  }
0x25c: {  	s6 =	sadd.s32 s6, s8;
	v0 =	vsub.s32 s7, v0;
	s8 =	spop (v2sf);
	v6, _, _ =	vpop (xrf0);
	(v2sf) =	vpush v5, $0xF  }
.Ltmp4:
0x25d: {  	s5 =	sadd.s32 s5, s8;
	v1 =	vsub.s32 s6, v1;
	v0 =	vadd.s32 v5, v0;
	s8 =	spop (v2sf);
	(v2sf) =	vpush v6, $0xF;
	v5, _, _ =	vpop (xrf0);
	(pc) =	sbr.rel @p0 .LBB2_11-.Ltmp4, $4  }
0x25e: {  	s4 =	sadd.s32 s4, s8;
	v1 =	vadd.s32 v6, v1;
	[tilespmem:s0+$0xFFFFFC00] =	vst v0;
	v0 =	vsub.s32 s5, v3;
	v3, _, _ =	vpop (xrf0);
	(v2sf) =	vpush v5, $0xF  }
0x25f: {  	[tilespmem:s0+$0xFFFFF800] =	vst v1;
	v1 =	vsub.s32 s4, v4;
	v0 =	vadd.s32 v5, v0;
	(v2sf) =	vpush v3, $0xF  }
0x260: {  	v1 =	vadd.s32 v3, v1;
	[tilespmem:s0+$0x400] =	vst v0  }
0x261: {  	[tilespmem:s0+$0x0] =	vst v1  }
0x262: {  	v0 =	vld [tilespmem:s1+$0x4500]  }
0x263: {  	v1 =	vld [tilespmem:s1+$0x4100]  }
0x264: {  	v3 =	vld [tilespmem:s1+$0x4D00]  }
0x265: {  	v4 =	vld [tilespmem:s1+$0x4900];
	_ =	sdelay $0x1  }
0x266: {  	(xrf0) =	vadd.scan.msk.s32 $0xffff, v0  }
0x267: {  	(xrf0) =	vadd.scan.msk.s32 $0xffff, v1  }
0x268: {  	(xrf0) =	vadd.scan.msk.s32 $0xffff, v3  }
0x269: {  	(xrf0) =	vadd.scan.msk.s32 $0xffff, v4  }
0x26a: {  	s2 =	spop (v2sf)  }
0x26b: {  	s2 =	sadd.s32 s7, s2;
	s3 =	spop (v2sf)  }
0x26c: {  	v0 =	vsub.s32 s2, v0;
	v5, _, _ =	vpop (xrf0);
	s3 =	sadd.s32 s6, s3;
	s19 =	spop (v2sf)  }
0x26d: {  	v1 =	vsub.s32 s3, v1;
	v0 =	vadd.s32 v5, v0;
	v6, _, _ =	vpop (xrf0);
	s5 =	sadd.s32 s5, s19;
	s20 =	spop (v2sf)  }
0x26e: {  	v1 =	vadd.s32 v6, v1;
	[tilespmem:s1+$0x4500] =	vst v0;
	v54 =	vsub.s32 s5, v3;
	v55, _, _ =	vpop (xrf0);
	s4 =	sadd.s32 s4, s20  }
0x26f: {  	[tilespmem:s1+$0x4100] =	vst v1;
	v56 =	vsub.s32 s4, v4;
	v0 =	vadd.s32 v55, v54;
	v57, _, _ =	vpop (xrf0)  }
0x270: {  	v1 =	vadd.s32 v57, v56;
	[tilespmem:s1+$0x4D00] =	vst v0  }
0x271: {  	s0 =	sadd.s32 $0x20, s0;
	[tilespmem:s1+$0x4900] =	vst v1  }
0x272: {  	v0 =	vld [tilespmem:s0+$0xFFFFFC00]  }
0x273: {  	v1 =	vld [tilespmem:s0+$0xFFFFF800]  }
0x274: {  	v7 =	vld [tilespmem:s0+$0x400]  }
0x275: {  	v8 =	vld [tilespmem:s0+$0x0];
	_ =	sdelay $0x1  }
0x276: {  	(xrf0) =	vadd.scan.msk.s32 $0xffff, v0  }
0x277: {  	(xrf0) =	vadd.scan.msk.s32 $0xffff, v1  }
0x278: {  	(xrf0) =	vadd.scan.msk.s32 $0xffff, v7  }
0x279: {  	(v2sf) =	vpush v5, $0xF;
	(xrf0) =	vadd.scan.msk.s32 $0xffff, v8  }
0x27a: {  	(v2sf) =	vpush v6, $0xF  }
0x27b: {  	(v2sf) =	vpush v55, $0xF  }
0x27c: {  	(v2sf) =	vpush v57, $0xF;
	v58, _, _ =	vpop (xrf0)  }
0x27d: {  	v59, _, _ =	vpop (xrf0);
	(v2sf) =	vpush v58, $0xF  }
0x27e: {  	(v2sf) =	vpush v59, $0xF;
	v60, _, _ =	vpop (xrf0)  }
0x27f: {  	v61, _, _ =	vpop (xrf0);
	(v2sf) =	vpush v60, $0xF  }
0x280: {  	(v2sf) =	vpush v61, $0xF;
	_ =	sdelay $0x7  }
0x281: {  	s21 =	spop (v2sf)  }
0x282: {  	s22 =	spop (v2sf);
	s1 =	sadd.s32 s2, s21  }
0x283: {  	s23 =	spop (v2sf);
	s3 =	sadd.s32 s3, s22;
	v0 =	vsub.s32 s1, v0  }
0x284: {  	v0 =	vadd.s32 v58, v0;
	s26 =	spop (v2sf);
	s2 =	sadd.s32 s5, s23;
	v1 =	vsub.s32 s3, v1  }
0x285: {  	v1 =	vadd.s32 v59, v1;
	s1 =	sadd.s32 s4, s26;
	[tilespmem:s0+$0xFFFFFC00] =	vst v0;
	v62 =	vsub.s32 s2, v7;
	s28 =	spop (v2sf)  }
0x286: {  	[tilespmem:s0+$0xFFFFF800] =	vst v1;
	v63 =	vsub.s32 s1, v8;
	v0 =	vadd.s32 v60, v62;
	s29 =	spop (v2sf)  }
0x287: {  	v1 =	vadd.s32 v61, v63;
	[tilespmem:s0+$0x400] =	vst v0;
	s30 =	spop (v2sf)  }
0x288: {  	[tilespmem:s0+$0x0] =	vst v1;
	s0 =	simm.s32 $0xFFFFE000;
	s31 =	spop (v2sf)  }
.LBB2_13:
0x289: {  	s2 =	sshra.s32 s0, $0x2  }
0x28a: {  	v19 =	vld [tilespmem:s2+$0x2800]  }
0x28b: {  	v49 =	vld [tilespmem:s2+$0x2810]  }
0x28c: {  	v34 =	vld [tilespmem:s2+$0x2820]  }
0x28d: {  	v7 =	vld [tilespmem:s2+$0x2830]  }
0x28e: {  	v6 =	vld [tilespmem:s2+$0x2840]  }
0x28f: {  	v4 =	vld [tilespmem:s2+$0x2850]  }
0x290: {  	v0 =	vld [tilespmem:s2+$0x2860]  }
0x291: {  	v2 =	vld [tilespmem:s2+$0x2870]  }
0x292: {  	v40 =	vld [tilespmem:s2+$0x3000]  }
0x293: {  	v26 =	vld [tilespmem:s2+$0x3010]  }
0x294: {  	v11 =	vld [tilespmem:s2+$0x3030];
	[tilespmem:$0x1FCD0] =	vst v7  }
0x295: {  	v63 =	vld [tilespmem:s2+$0x3040];
	[tilespmem:$0x1FD10] =	vst v6  }
0x296: {  	v9 =	vld [tilespmem:s2+$0x3050];
	[tilespmem:$0x1FD70] =	vst v4  }
0x297: {  	v14 =	vld [tilespmem:s2+$0x3060];
	[tilespmem:$0x1FE10] =	vst v0  }
0x298: {  	v27 =	vld [tilespmem:s2+$0x3070];
	[tilespmem:$0x1FE80] =	vst v2  }
0x299: {  	v22 =	vld [tilespmem:s2+$0x3850];
	[tilespmem:$0x1FCE0] =	vst v11  }
0x29a: {  	v18 =	vld [tilespmem:s2+$0x3800];
	[tilespmem:$0x1FD20] =	vst v63  }
0x29b: {  	v20 =	vld [tilespmem:s2+$0x3810];
	v1 =	vshrl.u32 v19, $0x8;
	v59 =	vshrl.u32 v49, $0x8;
	v45 =	vshrl.u32 v34, $0x8;
	[tilespmem:$0x1FD80] =	vst v9  }
0x29c: {  	v46 =	vshrl.u32 v7, $0x8;
	v48 =	vshrl.u32 v6, $0x8;
	v57 =	vshrl.u32 v4, $0x8;
	[tilespmem:$0x1FE30] =	vst v14  }
0x29d: {  	v58 =	vshrl.u32 v0, $0x8;
	v60 =	vshrl.u32 v2, $0x8;
	v13 =	vshrl.u32 v40, $0x8;
	[tilespmem:$0x1FEA0] =	vst v27  }
0x29e: {  	v29 =	vshrl.u32 v26, $0x8;
	v23 =	vshrl.u32 v11, $0x8;
	v32 =	vshrl.u32 v63, $0x8;
	[tilespmem:$0x1FD90] =	vst v22  }
0x29f: {  	v41 =	vshrl.u32 v14, $0x8;
	v0 =	vshrl.u32 v27, $0x8;
	v47 =	vshrl.u32 v18, $0x8;
	[tilespmem:$0x1FCC0] =	vst v48  }
0x2a0: {  	v54 =	vshrl.u32 v20, $0x8;
	v3 =	vand.u32 $0xFF, v1;
	v5 =	vand.u32 $0xFF, v59;
	[tilespmem:$0x1FD00] =	vst v57  }
0x2a1: {  	v42 =	vld [tilespmem:s2+$0x3020];
	v50 =	vand.u32 $0xFF, v45;
	v51 =	vand.u32 $0xFF, v46;
	[tilespmem:$0x1FD40] =	vst v58;
	v3 =	vor.u32 $0x100, v3  }
0x2a2: {  	v7 =	vand.u32 $0xFF, v48;
	[tilespmem:$0x1FDB0] =	vst v60;
	v15 =	vor.u32 $0x100, v5;
	(xrf1) =	vunique.msk.u32 $0xffff, v3  }
0x2a3: {  	v61 =	vand.u32 $0xFF, v58;
	v62 =	vand.u32 $0xFF, v60;
	v55 =	vor.u32 $0x100, v50;
	(xrf1) =	vunique.msk.u32 $0xffff, v15  }
0x2a4: {  	v1 =	vand.u32 $0x7F, v1;
	v24 =	vand.u32 $0xFF, v13;
	v50 =	vor.u32 $0x100, v51;
	(xrf1) =	vunique.msk.u32 $0xffff, v55  }
0x2a5: {  	v25 =	vand.u32 $0xFF, v29;
	v35 =	vor.u32 $0x100, v7;
	v5 =	vand.u32 $0xFF, v57;
	(xrf1) =	vunique.msk.u32 $0xffff, v50  }
0x2a6: {  	v48 =	vshrl.u32 v42, $0x8;
	v38 =	vand.u32 $0xFF, v23;
	v12 =	vor.u32 $0x100, v5;
	(xrf1) =	vunique.msk.u32 $0xffff, v35  }
0x2a7: {  	v39 =	vand.u32 $0xFF, v32;
	[tilespmem:$0x1FD60] =	vst v41;
	v10 =	vor.u32 $0x100, v61;
	(xrf1) =	vunique.msk.u32 $0xffff, v12  }
0x2a8: {  	[tilespmem:$0x1FDD0] =	vst v0;
	v44 =	vand.u32 $0xFF, v41;
	v8 =	vor.u32 $0x100, v62;
	(xrf1) =	vunique.msk.u32 $0xffff, v10  }
0x2a9: {  	v16 =	vand.u32 $0xFF, v0;
	v6 =	vand.u32 $0xFF, v47;
	v28 =	vor.u32 $0x500, v24;
	(xrf1) =	vunique.msk.u32 $0xffff, v8  }
0x2aa: {  	v33 =	vld [tilespmem:s2+$0x3840];
	v52 =	vor.u32 $0x500, v25;
	v36 =	vand.u32 $0xFF, v48;
	v3 =	vand.u32 $0x180, v3;
	(xrf1) =	vunique.msk.u32 $0xffff, v28  }
0x2ab: {  	v56 =	vor.u32 $0x500, v36;
	v37 =	vor.u32 v1, v3;
	v1 =	vor.u32 $0x500, v44;
	v44 =	vld [tilespmem:s2+$0x3830];
	(xrf1) =	vunique.msk.u32 $0xffff, v52  }
0x2ac: {  	v21 =	vand.u32 $0xFF, v54;
	v63 =	vor.u32 $0x500, v38;
	v36 =	vshrl.u32 v9, $0x8;
	(xrf1) =	vunique.msk.u32 $0xffff, v56  }
0x2ad: {  	v30 =	vand.u32 $0x7F, v47;
	v51 =	vor.u32 $0x500, v39;
	v43 =	vand.u32 $0xFF, v36;
	(xrf1) =	vunique.msk.u32 $0xffff, v63  }
0x2ae: {  	v24 =	vld [tilespmem:s2+$0x3820];
	v0 =	vor.u32 $0x500, v16;
	v7 =	vand.u32 $0x7F, v13;
	v41 =	vor.u32 $0x500, v43;
	(xrf1) =	vunique.msk.u32 $0xffff, v51  }
0x2af: {  	v11 =	vor.u32 $0x900, v21;
	v62 =	vshrl.u32 v33, $0x8;
	[tilespmem:$0x1FDC0] =	vst v0;
	(xrf1) =	vunique.msk.u32 $0xffff, v41  }
0x2b0: {  	v14 =	vld [tilespmem:s2+$0x4000];
	v39 =	vand.u32 $0xFF, v62;
	v3 =	vand.u32 $0x580, v28;
	v53 =	vshrl.u32 v44, $0x8;
	_, v60, vm2 =	vpop (xrf1);
	(xrf1) =	vunique.msk.u32 $0xffff, v1  }
0x2b1: {  	[tilespmem:$0x1FCF0] =	vst v12;
	v12 =	vor.u32 v7, v3;
	v7 =	vld.idx.msk [tilespmem:v37+s24+$0x0], $0xffff;
	v38 =	vand.u32 $0xFF, v53;
	_, v61, vm0 =	vpop (xrf1);
	(xrf1) =	vunique.msk.u32 $0xffff, v0  }
0x2b2: {  	v21 =	vor.u32 $0x900, v39;
	v15 =	vand.u32 $0x180, v15;
	[tilespmem:$0x1FD50] =	vst v1;
	v28 =	vor.u32 $0x900, v6;
	v1 =	vld [tilespmem:s2+$0x3860];
	_, v58, vm14 =	vpop (xrf1)  }
0x2b3: {  	v17 =	vshrl.u32 v24, $0x8;
	v3 =	vand.u32 $0x980, v28;
	v0 =	vld [tilespmem:s2+$0x3870];
	(xrf1) =	vunique.msk.u32 $0xffff, v28;
	v28 =	vshrl.u32 v22, $0x8;
	_, v47, vm11 =	vpop (xrf1)  }
0x2b4: {  	[tilespmem:$0x1FD30] =	vst v10;
	v43 =	vimm.s32 $0x0;
	v31 =	vand.u32 $0xFF, v17;
	v6 =	vand.u32 $0xFF, v28;
	_, v27, vm7 =	vpop (xrf1)  }
0x2b5: {  	[tilespmem:$0x1FDA0] =	vst v8;
	v4 =	vshrl.u32 v14, $0x8;
	v16 =	vor.u32 $0x900, v31;
	v57 =	vor.u32 $0x900, v38;
	_, v38, vm4 =	vpop (xrf1)  }
0x2b6: {  	v10 =	vimm.s32 $0x0;
	v8 =	vand.u32 $0x7F, v59;
	v13 =	vor.u32 v30, v3;
	(xrf1) =	vunique.msk.u32 $0xffff, v11;
	_, v2, vm1 =	vpop (xrf1)  }
0x2b7: {  	v7 =	vadd.s32 v60, v7;
	(xrf1) =	vunique.msk.u32 $0xffff, v16;
	v25 =	vor.u32 $0x900, v6;
	[tilespmem:$0x1FE40] =	vst v1;
	_, v9, vm10 =	vpop (xrf1)  }
0x2b8: {  	(xrf1) =	vunique.msk.u32 $0xffff, v57;
	v39 =	vshrl.u32 v1, $0x8;
	[tilespmem:$0x1FEB0] =	vst v0;
	v3 =	vsel vm1, $0xFFFFFFFF, v43;
	_, v6, vm1 =	vpop (xrf1)  }
0x2b9: {  	v5 =	vld.idx.msk [tilespmem:v12+s24+$0x0], $0xffff;
	(xrf1) =	vunique.msk.u32 $0xffff, v21;
	v31 =	vand.u32 $0xFF, v39;
	v0 =	vshrl.u32 v0, $0x8;
	[tilespmem:$0x1FE50] =	vst v9;
	_, v9, vm5 =	vpop (xrf1)  }
0x2ba: {  	(xrf1) =	vunique.msk.u32 $0xffff, v25;
	v43 =	vor.u32 $0x900, v31;
	v22 =	vand.u32 $0xFF, v0;
	v1 =	vsel vm10, $0xFFFFFFFF, v10;
	_, v10, vm3 =	vpop (xrf1)  }
0x2bb: {  	v31 =	vand.u32 $0xFF, v4;
	[tilespmem:$0x1FDE0] =	vst v3;
	(xrf1) =	vunique.msk.u32 $0xffff, v43;
	v30 =	vor.u32 $0x900, v22;
	_, v59, vm13 =	vpop (xrf1)  }
0x2bc: {  	v3 =	vor.u32 v8, v15;
	[tilespmem:$0x1FE70] =	vst v1;
	(xrf1) =	vunique.msk.u32 $0xffff, v30;
	v1 =	vor.u32 $0xD00, v31;
	_, v15, vm10 =	vpop (xrf1)  }
0x2bd: {  	v22 =	vand.u32 $0x7F, v29;
	(xrf1) =	vunique.msk.u32 $0xffff, v1;
	_, v29, vm8 =	vpop (xrf1)  }
0x2be: {  	s1 =	simm.s32 $0x0;
	[tilespmem:v37+s24+$0x0] =	vst.idx.add.s32.msk vm2, v60;
	v5 =	vadd.s32 v6, v5;
	_, v37, vm2 =	vpop (xrf1)  }
0x2bf: {  	[tilespmem:v7+s1+$0x0] =	vst.idx.msk $0xffff, v19;
	v19 =	vimm.s32 $0x0;
	v8 =	vadd.s32 $0x800, v5;
	v5 =	vld.idx.msk [tilespmem:v13+s24+$0x0], $0xffff;
	v1 =	vand.u32 $0xD80, v1;
	_, v60, vm12 =	vpop (xrf1)  }
0x2c0: {  	v52 =	vand.u32 $0x580, v52;
	[tilespmem:$0x1FE00] =	vst v0;
	v7 =	vsel vm12, $0xFFFFFFFF, v19;
	v19 =	vld [tilespmem:s2+$0x4010]  }
0x2c1: {  	v0 =	vor.u32 v22, v52;
	[tilespmem:v12+s24+$0x0] =	vst.idx.add.s32.msk vm1, v6  }
0x2c2: {  	v4 =	vand.u32 $0x7F, v4;
	[tilespmem:$0x1FDF0] =	vst v30;
	v22 =	vimm.s32 $0x0;
	v6 =	vld.idx.msk [tilespmem:v3+s24+$0x0], $0xffff  }
0x2c3: {  	v4 =	vor.u32 v4, v1;
	[tilespmem:v3+s24+$0x0] =	vst.idx.add.s32.msk vm0, v61;
	v22 =	vsel vm2, $0xFFFFFFFF, v22;
	_, v1, vm6 =	vpop (xrf1)  }
0x2c4: {  	[tilespmem:$0x1FE20] =	vst v22;
	v22 =	vand.u32 $0x980, v11;
	_, v11, vm1 =	vpop (xrf1)  }
0x2c5: {  	v30 =	vand.u32 $0x7F, v54;
	[tilespmem:v8+s1+$0x0] =	vst.idx.msk $0xffff, v40;
	_, v8, vm2 =	vpop (xrf1);
	v54 =	vshrl.u32 v19, $0x8  }
0x2c6: {  	v12 =	vld.idx.msk [tilespmem:v0+s24+$0x0], $0xffff;
	_, v40, vm15 =	vpop (xrf1);
	v31 =	vand.u32 $0xFF, v54  }
0x2c7: {  	[tilespmem:v0+s24+$0x0] =	vst.idx.add.s32.msk vm5, v9;
	v5 =	vadd.s32 v1, v5;
	_, v52, vm12 =	vpop (xrf1)  }
0x2c8: {  	[tilespmem:$0x1FE90] =	vst v7;
	v7 =	vld.idx.msk [tilespmem:v4+s24+$0x0], $0xffff;
	v3 =	vadd.s32 $0x1000, v5;
	v5 =	vor.u32 v30, v22;
	_, v22, vm9 =	vpop (xrf1)  }
0x2c9: {  	[tilespmem:v13+s24+$0x0] =	vst.idx.add.s32.msk vm6, v1;
	_, v30, vm6 =	vpop (xrf1);
	v13 =	vor.u32 $0xD00, v31  }
0x2ca: {  	v45 =	vand.u32 $0x7F, v45;
	v6 =	vadd.s32 v61, v6;
	v61 =	vand.u32 $0x180, v55;
	v55 =	vld [tilespmem:s2+$0x4060];
	(xrf1) =	vunique.msk.u32 $0xffff, v13;
	_, v31, vm5 =	vpop (xrf1)  }
0x2cb: {  	v61 =	vor.u32 v45, v61;
	v45 =	vld [tilespmem:s2+$0x4070];
	_, v1, vm0 =	vpop (xrf1)  }
0x2cc: {  	[tilespmem:$0x1FE60] =	vst v60;
	v0 =	vand.u32 $0x7F, v54;
	v54 =	vld [tilespmem:s2+$0x4040]  }
0x2cd: {  	[tilespmem:v3+s1+$0x0] =	vst.idx.msk $0xffff, v18;
	v3 =	vld [tilespmem:s2+$0x4020];
	v60 =	vadd.s32 v1, v7  }
0x2ce: {  	v18 =	vld.idx.msk [tilespmem:v5+s24+$0x0], $0xffff;
	v13 =	vand.u32 $0xD80, v13;
	v60 =	vadd.s32 $0x1800, v60  }
0x2cf: {  	v0 =	vor.u32 v0, v13;
	v13 =	vld [tilespmem:s2+$0x4050]  }
0x2d0: {  	v9 =	vadd.s32 v9, v12;
	v7 =	vld [tilespmem:s2+$0x4030]  }
0x2d1: {  	[tilespmem:v4+s24+$0x0] =	vst.idx.add.s32.msk vm0, v1;
	v1 =	vadd.s32 $0x800, v9;
	_ =	sdelay $0x1  }
0x2d2: {  	v17 =	vand.u32 $0x7F, v17;
	v56 =	vand.u32 $0x580, v56;
	v12 =	vand.u32 $0x7F, v48;
	[tilespmem:v60+s1+$0x0] =	vst.idx.msk $0xffff, v14  }
0x2d3: {  	v4 =	vor.u32 v12, v56;
	v9 =	vshrl.u32 v3, $0x8;
	v56 =	vadd.s32 v11, v18;
	v14 =	vld.idx.msk [tilespmem:v0+s24+$0x0], $0xffff  }
0x2d4: {  	v16 =	vand.u32 $0x980, v16;
	[tilespmem:v6+s1+$0x0] =	vst.idx.msk $0xffff, v49;
	v48 =	vand.u32 $0xFF, v9;
	v6 =	vadd.s32 $0x1000, v56  }
0x2d5: {  	v12 =	vor.u32 $0xD00, v48;
	[tilespmem:v1+s1+$0x0] =	vst.idx.msk $0xffff, v26;
	v1 =	vor.u32 v17, v16;
	v16 =	vld.idx.msk [tilespmem:v61+s24+$0x0], $0xffff  }
0x2d6: {  	(xrf1) =	vunique.msk.u32 $0xffff, v12  }
0x2d7: {  	[tilespmem:v5+s24+$0x0] =	vst.idx.add.s32.msk vm1, v11;
	_, v26, vm0 =	vpop (xrf1)  }
0x2d8: {  	v49 =	vand.u32 $0x180, v50;
	[tilespmem:v61+s24+$0x0] =	vst.idx.add.s32.msk vm14, v58;
	v14 =	vadd.s32 v26, v14  }
0x2d9: {  	v9 =	vand.u32 $0x7F, v9;
	v48 =	vand.u32 $0xD80, v12;
	v60 =	vld.idx.msk [tilespmem:v4+s24+$0x0], $0xffff;
	[tilespmem:v6+s1+$0x0] =	vst.idx.msk $0xffff, v20;
	v5 =	vadd.s32 $0x1800, v14  }
0x2da: {  	v50 =	vand.u32 $0x7F, v46;
	v6 =	vor.u32 v9, v48;
	[tilespmem:v4+s24+$0x0] =	vst.idx.add.s32.msk vm3, v10;
	v58 =	vadd.s32 v58, v16  }
0x2db: {  	v9 =	vor.u32 v50, v49;
	v56 =	vld.idx.msk [tilespmem:v1+s24+$0x0], $0xffff  }
0x2dc: {  	v46 =	vshrl.u32 v7, $0x8;
	[tilespmem:v1+s24+$0x0] =	vst.idx.add.s32.msk vm2, v8  }
0x2dd: {  	v20 =	vand.u32 $0x580, v63;
	v48 =	vand.u32 $0xFF, v46;
	[tilespmem:v0+s24+$0x0] =	vst.idx.add.s32.msk vm0, v26;
	v26 =	vand.u32 $0x7F, v23  }
0x2de: {  	v60 =	vadd.s32 v10, v60;
	[tilespmem:v5+s1+$0x0] =	vst.idx.msk $0xffff, v19;
	v5 =	vor.u32 v26, v20;
	v26 =	vand.u32 $0x7F, v46;
	v46 =	vld [tilespmem:$0x1FCC0]  }
0x2df: {  	v61 =	vadd.s32 $0x800, v60;
	v49 =	vld.idx.msk [tilespmem:v6+s24+$0x0], $0xffff;
	[tilespmem:v58+s1+$0x0] =	vst.idx.msk $0xffff, v34  }
0x2e0: {  	v14 =	vld.idx.msk [tilespmem:v9+s24+$0x0], $0xffff  }
0x2e1: {  	v60 =	vand.u32 $0x7F, v53;
	v50 =	vadd.s32 v8, v56;
	v58 =	vand.u32 $0x980, v57;
	[tilespmem:v9+s24+$0x0] =	vst.idx.add.s32.msk vm11, v47  }
0x2e2: {  	v53 =	vshrl.u32 v54, $0x8;
	v4 =	vadd.s32 $0x1000, v50;
	v0 =	vor.u32 v60, v58;
	v58 =	vld [tilespmem:$0x1FCD0]  }
0x2e3: {  	v1 =	vand.u32 $0x7F, v53;
	v56 =	vor.u32 $0xD00, v48;
	v60 =	vld [tilespmem:$0x1FCE0]  }
0x2e4: {  	(xrf1) =	vunique.msk.u32 $0xffff, v56;
	v23 =	vand.u32 $0xD80, v56;
	v56 =	vand.u32 $0xFF, v53;
	v53 =	vld [tilespmem:$0x1FD40];
	[tilespmem:v61+s1+$0x0] =	vst.idx.msk $0xffff, v42;
	_, v63, vm14 =	vpop (xrf1)  }
0x2e5: {  	v61 =	vld.idx.msk [tilespmem:v5+s24+$0x0], $0xffff  }
0x2e6: {  	[tilespmem:v5+s24+$0x0] =	vst.idx.add.s32.msk vm13, v59;
	v17 =	vadd.s32 v63, v49  }
0x2e7: {  	v20 =	vadd.s32 $0x1800, v17;
	[tilespmem:v4+s1+$0x0] =	vst.idx.msk $0xffff, v24;
	v4 =	vor.u32 v26, v23;
	v23 =	vld [tilespmem:$0x1FD00]  }
0x2e8: {  	v48 =	vld.idx.msk [tilespmem:v0+s24+$0x0], $0xffff  }
0x2e9: {  	v42 =	vand.u32 $0x180, v35;
	v10 =	vand.u32 $0x7F, v46;
	v34 =	vadd.s32 v47, v14;
	[tilespmem:v0+s24+$0x0] =	vst.idx.add.s32.msk vm15, v40  }
0x2ea: {  	v9 =	vor.u32 v10, v42;
	[tilespmem:v6+s24+$0x0] =	vst.idx.add.s32.msk vm14, v63  }
0x2eb: {  	v47 =	vadd.s32 v59, v61;
	v63 =	vand.u32 $0x980, v21;
	v21 =	vld [tilespmem:$0x1FCF0]  }
0x2ec: {  	v49 =	vadd.s32 $0x800, v47;
	v47 =	vld [tilespmem:$0x1FD20];
	[tilespmem:v20+s1+$0x0] =	vst.idx.msk $0xffff, v3  }
0x2ed: {  	v57 =	vld.idx.msk [tilespmem:v4+s24+$0x0], $0xffff  }
0x2ee: {  	v50 =	vand.u32 $0x580, v51;
	v51 =	vand.u32 $0x7F, v32;
	[tilespmem:v34+s1+$0x0] =	vst.idx.msk $0xffff, v58;
	v34 =	vand.u32 $0x580, v41;
	v41 =	vld [tilespmem:$0x1FD10]  }
0x2ef: {  	v10 =	vor.u32 v51, v50;
	v61 =	vld.idx.msk [tilespmem:v9+s24+$0x0], $0xffff  }
0x2f0: {  	v35 =	vand.u32 $0x7F, v36;
	v36 =	vshrl.u32 v13, $0x8;
	v59 =	vadd.s32 v40, v48;
	[tilespmem:v9+s24+$0x0] =	vst.idx.add.s32.msk vm7, v27  }
0x2f1: {  	v40 =	vand.u32 $0xFF, v36;
	v5 =	vadd.s32 $0x1000, v59;
	v59 =	vld [tilespmem:$0x1FD50]  }
0x2f2: {  	v3 =	vor.u32 $0xD00, v56;
	v6 =	vor.u32 $0xD00, v40;
	v40 =	vld [tilespmem:$0x1FE00]  }
0x2f3: {  	v16 =	vand.u32 $0x7F, v62;
	(xrf1) =	vunique.msk.u32 $0xffff, v3;
	[tilespmem:v49+s1+$0x0] =	vst.idx.msk $0xffff, v60;
	v60 =	vld [tilespmem:$0x1FD60]  }
0x2f4: {  	v8 =	vor.u32 v16, v63;
	v17 =	vld.idx.msk [tilespmem:v10+s24+$0x0], $0xffff  }
0x2f5: {  	v3 =	vand.u32 $0xD80, v3;
	_, v18, vm14 =	vpop (xrf1);
	[tilespmem:v10+s24+$0x0] =	vst.idx.add.s32.msk vm10, v15  }
0x2f6: {  	v58 =	vshrl.u32 v55, $0x8;
	v12 =	vadd.s32 v18, v57;
	v20 =	vadd.s32 v27, v61;
	v27 =	vld [tilespmem:$0x1FDB0]  }
0x2f7: {  	v12 =	vadd.s32 $0x1800, v12;
	v61 =	vand.u32 $0xFF, v58;
	[tilespmem:v5+s1+$0x0] =	vst.idx.msk $0xffff, v44;
	v44 =	vand.u32 $0x980, v25;
	v25 =	vld [tilespmem:$0x1FD90]  }
0x2f8: {  	v19 =	vor.u32 v1, v3;
	v63 =	vor.u32 $0xD00, v61;
	v61 =	vld [tilespmem:$0x1FE90]  }
0x2f9: {  	v26 =	vld.idx.msk [tilespmem:v8+s24+$0x0], $0xffff  }
0x2fa: {  	[tilespmem:v8+s24+$0x0] =	vst.idx.add.s32.msk vm12, v52  }
0x2fb: {  	v3 =	vand.u32 $0x180, v21;
	v5 =	vand.u32 $0x7F, v23;
	[tilespmem:v4+s24+$0x0] =	vst.idx.add.s32.msk vm14, v18  }
0x2fc: {  	(xrf1) =	vunique.msk.u32 $0xffff, v6;
	v3 =	vor.u32 v5, v3;
	v5 =	vor.u32 v35, v34;
	v34 =	vld [tilespmem:$0x1FDC0];
	[tilespmem:v12+s1+$0x0] =	vst.idx.msk $0xffff, v7  }
0x2fd: {  	v11 =	vld.idx.msk [tilespmem:v19+s24+$0x0], $0xffff  }
0x2fe: {  	v46 =	vand.u32 $0x7F, v28;
	v35 =	vld [tilespmem:$0x1FDD0];
	v24 =	vadd.s32 v15, v17  }
0x2ff: {  	v9 =	vor.u32 v46, v44;
	v44 =	vld [tilespmem:$0x1FE20];
	v32 =	vadd.s32 $0x800, v24;
	v42 =	vadd.s32 v52, v26  }
0x300: {  	v8 =	vand.u32 $0x7F, v58;
	v58 =	vld [tilespmem:$0x1FE70];
	v1 =	vadd.s32 $0x1000, v42  }
0x301: {  	v15 =	vld [tilespmem:$0x1FD70];
	_, v49, vm7 =	vpop (xrf1)  }
0x302: {  	v17 =	vand.u32 $0x980, v43;
	v43 =	vld [tilespmem:$0x1FE10];
	[tilespmem:v20+s1+$0x0] =	vst.idx.msk $0xffff, v41;
	v11 =	vadd.s32 v49, v11  }
0x303: {  	v6 =	vand.u32 $0xD80, v6;
	v7 =	vand.u32 $0x7F, v36;
	v48 =	vld.idx.msk [tilespmem:v3+s24+$0x0], $0xffff;
	v11 =	vadd.s32 $0x1800, v11  }
0x304: {  	v6 =	vor.u32 v7, v6;
	v52 =	vld [tilespmem:$0x1FD30];
	[tilespmem:v32+s1+$0x0] =	vst.idx.msk $0xffff, v47  }
0x305: {  	v12 =	vld.idx.msk [tilespmem:v5+s24+$0x0], $0xffff;
	[tilespmem:v1+s1+$0x0] =	vst.idx.msk $0xffff, v33  }
0x306: {  	v51 =	vld.idx.msk [tilespmem:v9+s24+$0x0], $0xffff  }
0x307: {  	[tilespmem:v19+s24+$0x0] =	vst.idx.add.s32.msk vm7, v49  }
0x308: {  	v18 =	vand.u32 $0x7F, v39;
	v39 =	vld [tilespmem:$0x1FDF0];
	(xrf1) =	vunique.msk.u32 $0xffff, v63;
	[tilespmem:v11+s1+$0x0] =	vst.idx.msk $0xffff, v54  }
0x309: {  	v62 =	vld.idx.msk [tilespmem:v6+s24+$0x0], $0xffff  }
0x30a: {  	v20 =	vld [tilespmem:$0x1FD80];
	v7 =	vand.u32 $0x7F, v53;
	v50 =	vadd.s32 v38, v48;
	v0 =	vand.u32 $0x180, v52;
	_, v19, vm10 =	vpop (xrf1)  }
0x30b: {  	v10 =	vand.u32 $0x580, v59;
	v36 =	vld [tilespmem:$0x1FDE0];
	v0 =	vor.u32 v7, v0;
	v56 =	vadd.s32 v29, v12  }
0x30c: {  	[tilespmem:v3+s24+$0x0] =	vst.idx.add.s32.msk vm4, v38;
	v57 =	vadd.s32 $0x800, v56;
	v11 =	vand.u32 $0x7F, v60;
	v12 =	vadd.s32 v22, v51  }
0x30d: {  	[tilespmem:v5+s24+$0x0] =	vst.idx.add.s32.msk vm8, v29;
	v10 =	vor.u32 v11, v10;
	v16 =	vadd.s32 $0x1000, v12  }
0x30e: {  	v3 =	vor.u32 v18, v17;
	[tilespmem:v9+s24+$0x0] =	vst.idx.add.s32.msk vm9, v22;
	v23 =	vadd.s32 v19, v62  }
0x30f: {  	v26 =	vld [tilespmem:$0x1FDA0];
	[tilespmem:v50+s1+$0x0] =	vst.idx.msk $0xffff, v15;
	v11 =	vand.u32 $0xD80, v63;
	v7 =	vadd.s32 $0x1800, v23  }
0x310: {  	v8 =	vor.u32 v8, v11;
	[tilespmem:v6+s24+$0x0] =	vst.idx.add.s32.msk vm10, v19  }
0x311: {  	v21 =	vld.idx.msk [tilespmem:v0+s24+$0x0], $0xffff;
	[tilespmem:v57+s1+$0x0] =	vst.idx.msk $0xffff, v20  }
0x312: {  	vm11 =	vnez.u8 v36;
	v24 =	vld.idx.msk [tilespmem:v10+s24+$0x0], $0xffff;
	[tilespmem:v16+s1+$0x0] =	vst.idx.msk $0xffff, v25  }
0x313: {  	vm13 =	vnez.u8 v44;
	v1 =	vld.idx.msk [tilespmem:v3+s24+$0x0], $0xffff  }
0x314: {  	v53 =	vld [tilespmem:$0x1FE40];
	v29 =	vshrl.u32 v45, $0x8;
	[tilespmem:v7+s1+$0x0] =	vst.idx.msk $0xffff, v13  }
0x315: {  	v4 =	vand.u32 $0x7F, v27;
	v41 =	vand.u32 $0x7F, v40;
	v32 =	vand.u32 $0xFF, v29;
	v33 =	vld.idx.msk [tilespmem:v8+s24+$0x0], $0xffff  }
0x316: {  	v48 =	vld [tilespmem:$0x1FE30];
	v9 =	vand.u32 $0x180, v26;
	_, v42, vm12 =	vpop (xrf1);
	v5 =	vadd.s32 v2, v21;
	v7 =	vor.u32 $0xD00, v32  }
0x317: {  	v4 =	vor.u32 v4, v9;
	v54 =	vld [tilespmem:$0x1FE50];
	v12 =	vand.u32 $0x580, v34;
	v28 =	vadd.s32 v37, v24;
	(xrf1) =	vunique.msk.u32 $0xffff, v7  }
0x318: {  	[tilespmem:v0+s24+$0x0] =	vst.idx.add.s32.msk vm11, v2;
	v6 =	vadd.s32 $0x800, v28;
	v13 =	vand.u32 $0x7F, v35;
	v1 =	vadd.s32 v30, v1  }
0x319: {  	[tilespmem:v10+s24+$0x0] =	vst.idx.add.s32.msk vm13, v37;
	v12 =	vor.u32 v13, v12;
	v38 =	vadd.s32 $0x1000, v1;
	v1 =	vand.u32 $0x980, v39  }
0x31a: {  	[tilespmem:v3+s24+$0x0] =	vst.idx.add.s32.msk vm6, v30;
	v1 =	vor.u32 v41, v1;
	v46 =	vadd.s32 v42, v33  }
0x31b: {  	v50 =	vand.u32 $0x7F, v29;
	v57 =	vld [tilespmem:$0x1FE60];
	[tilespmem:v5+s1+$0x0] =	vst.idx.msk $0xffff, v43;
	v49 =	vand.u32 $0xD80, v7;
	v5 =	vadd.s32 $0x1800, v46  }
0x31c: {  	[tilespmem:v8+s24+$0x0] =	vst.idx.add.s32.msk vm12, v42;
	v51 =	vor.u32 v50, v49  }
0x31d: {  	v47 =	vld.idx.msk [tilespmem:v4+s24+$0x0], $0xffff;
	[tilespmem:v6+s1+$0x0] =	vst.idx.msk $0xffff, v48  }
0x31e: {  	v52 =	vld.idx.msk [tilespmem:v12+s24+$0x0], $0xffff;
	[tilespmem:v38+s1+$0x0] =	vst.idx.msk $0xffff, v53  }
0x31f: {  	vm14 =	vnez.u8 v58;
	v0 =	vld.idx.msk [tilespmem:v1+s24+$0x0], $0xffff  }
0x320: {  	vm15 =	vnez.u8 v61;
	[tilespmem:v5+s1+$0x0] =	vst.idx.msk $0xffff, v55  }
0x321: {  	v56 =	vld.idx.msk [tilespmem:v51+s24+$0x0], $0xffff  }
0x322: {  	v59 =	vld [tilespmem:$0x1FE80]  }
0x323: {  	v63 =	vld [tilespmem:$0x1FEB0];
	v6 =	vadd.s32 v57, v52;
	v55 =	vadd.s32 v54, v47  }
0x324: {  	v62 =	vld [tilespmem:$0x1FEA0];
	v6 =	vadd.s32 $0x800, v6;
	v0 =	vadd.s32 v31, v0  }
0x325: {  	[tilespmem:v4+s24+$0x0] =	vst.idx.add.s32.msk vm14, v54;
	v0 =	vadd.s32 $0x1000, v0;
	_, v4, vm0 =	vpop (xrf1)  }
0x326: {  	[tilespmem:v12+s24+$0x0] =	vst.idx.add.s32.msk vm15, v57;
	v60 =	vadd.s32 v4, v56  }
0x327: {  	p0 =	sne.s32 s0, $0xFFFFFE00;
	[tilespmem:v1+s24+$0x0] =	vst.idx.add.s32.msk vm5, v31;
	v5 =	vadd.s32 $0x1800, v60  }
.Ltmp5:
0x328: {  	[tilespmem:v55+s1+$0x0] =	vst.idx.msk $0xffff, v59;
	(pc) =	sbr.rel @p0 .LBB2_13-.Ltmp5, $4  }
0x329: {  	[tilespmem:v6+s1+$0x0] =	vst.idx.msk $0xffff, v62  }
0x32a: {  	[tilespmem:v0+s1+$0x0] =	vst.idx.msk $0xffff, v63  }
0x32b: {  	[tilespmem:v51+s24+$0x0] =	vst.idx.add.s32.msk vm0, v4  }
0x32c: {  	s0 =	sadd.s32 $0x200, s0;
	[tilespmem:v5+s1+$0x0] =	vst.idx.msk $0xffff, v45  }
0x32d: {  	s1 =	sand.u32 $0xE0, s1  }
0x32e: {  	v0 =	vld [tilespmem:s1+$0x4600]  }
0x32f: {  	v1 =	vld [tilespmem:s1+$0x4200]  }
0x330: {  	v3 =	vld [tilespmem:s1+$0x4E00]  }
0x331: {  	v4 =	vld [tilespmem:s1+$0x4A00];
	_ =	sdelay $0x1  }
0x332: {  	(xrf0) =	vadd.scan.msk.s32 $0xffff, v0  }
0x333: {  	(xrf0) =	vadd.scan.msk.s32 $0xffff, v1  }
0x334: {  	(xrf0) =	vadd.scan.msk.s32 $0xffff, v3  }
0x335: {  	(xrf0) =	vadd.scan.msk.s32 $0xffff, v4;
	_ =	sdelay $0x1  }
0x336: {  	s0 =	simm.s32 $0xFFFFFFFF  }
0x337: {  	v0 =	vsub.s32 s0, v0;
	v5, _, _ =	vpop (xrf0)  }
0x338: {  	v1 =	vsub.s32 s0, v1;
	v6, _, _ =	vpop (xrf0);
	(v2sf) =	vpush v5, $0xF;
	v0 =	vadd.s32 v5, v0  }
0x339: {  	v53 =	vsub.s32 s0, v3;
	(v2sf) =	vpush v6, $0xF;
	v52, _, _ =	vpop (xrf0);
	v1 =	vadd.s32 v6, v1;
	[tilespmem:s1+$0x4600] =	vst v0  }
0x33a: {  	v55 =	vsub.s32 s0, v4;
	v54, _, _ =	vpop (xrf0);
	(v2sf) =	vpush v52, $0xF;
	[tilespmem:s1+$0x4200] =	vst v1;
	v0 =	vadd.s32 v52, v53  }
0x33b: {  	(v2sf) =	vpush v54, $0xF;
	v1 =	vadd.s32 v54, v55;
	[tilespmem:s1+$0x4E00] =	vst v0  }
0x33c: {  	s0 =	simm.s32 $0x4A10;
	[tilespmem:s1+$0x4A00] =	vst v1  }
0x33d: {  	v0 =	vld [tilespmem:s0+$0xFFFFFC00]  }
0x33e: {  	v1 =	vld [tilespmem:s0+$0xFFFFF800]  }
0x33f: {  	v56 =	vld [tilespmem:s0+$0x400]  }
0x340: {  	v57 =	vld [tilespmem:s0+$0x0];
	_ =	sdelay $0x1  }
0x341: {  	(xrf0) =	vadd.scan.msk.s32 $0xffff, v0  }
0x342: {  	(xrf0) =	vadd.scan.msk.s32 $0xffff, v1  }
0x343: {  	(xrf0) =	vadd.scan.msk.s32 $0xffff, v56  }
0x344: {  	(xrf0) =	vadd.scan.msk.s32 $0xffff, v57;
	_ =	sdelay $0x1  }
0x345: {  	s28 =	spop (v2sf)  }
0x346: {  	s7 =	sadd.s32 $0xFFFFFFFF, s28;
	s29 =	spop (v2sf);
	v58, _, _ =	vpop (xrf0)  }
0x347: {  	s6 =	sadd.s32 $0xFFFFFFFF, s29;
	v0 =	vsub.s32 s7, v0;
	s30 =	spop (v2sf);
	v59, _, _ =	vpop (xrf0);
	(v2sf) =	vpush v58, $0xF  }
0x348: {  	s5 =	sadd.s32 $0xFFFFFFFF, s30;
	v1 =	vsub.s32 s6, v1;
	v0 =	vadd.s32 v58, v0;
	s31 =	spop (v2sf);
	v60, _, _ =	vpop (xrf0);
	(v2sf) =	vpush v59, $0xF  }
0x349: {  	s4 =	sadd.s32 $0xFFFFFFFF, s31;
	v1 =	vadd.s32 v59, v1;
	[tilespmem:s0+$0xFFFFFC00] =	vst v0;
	v61 =	vsub.s32 s5, v56;
	v62, _, _ =	vpop (xrf0);
	(v2sf) =	vpush v60, $0xF  }
0x34a: {  	[tilespmem:s0+$0xFFFFF800] =	vst v1;
	v63 =	vsub.s32 s4, v57;
	v0 =	vadd.s32 v60, v61;
	(v2sf) =	vpush v62, $0xF  }
0x34b: {  	s2 =	simm.s32 $0x20;
	v1 =	vadd.s32 v62, v63;
	[tilespmem:s0+$0x400] =	vst v0  }
0x34c: {  	s3 =	simm.s32 $0x2;
	s1 =	sand.u32 $0xE0, s2;
	[tilespmem:s0+$0x0] =	vst v1  }
.LBB2_15:
0x34d: {  	s3 =	sadd.s32 $0x2, s3;
	v0 =	vld [tilespmem:s1+$0x4600];
	s0 =	sadd.s32 $0x20, s0  }
0x34e: {  	p0 =	slt.u32 s3, $0xE;
	v1 =	vld [tilespmem:s1+$0x4200]  }
0x34f: {  	v3 =	vld [tilespmem:s1+$0x4E00]  }
0x350: {  	v4 =	vld [tilespmem:s1+$0x4A00];
	_ =	sdelay $0x1  }
0x351: {  	(xrf0) =	vadd.scan.msk.s32 $0xffff, v0  }
0x352: {  	(xrf0) =	vadd.scan.msk.s32 $0xffff, v1  }
0x353: {  	(xrf0) =	vadd.scan.msk.s32 $0xffff, v3  }
0x354: {  	(xrf0) =	vadd.scan.msk.s32 $0xffff, v4  }
0x355: {  	s8 =	spop (v2sf)  }
0x356: {  	s7 =	sadd.s32 s7, s8;
	s8 =	spop (v2sf)  }
0x357: {  	v0 =	vsub.s32 s7, v0;
	v5, _, _ =	vpop (xrf0);
	s6 =	sadd.s32 s6, s8;
	s8 =	spop (v2sf)  }
0x358: {  	v1 =	vsub.s32 s6, v1;
	v0 =	vadd.s32 v5, v0;
	v6, _, _ =	vpop (xrf0);
	(v2sf) =	vpush v5, $0xF;
	s5 =	sadd.s32 s5, s8;
	s8 =	spop (v2sf)  }
0x359: {  	v1 =	vadd.s32 v6, v1;
	[tilespmem:s1+$0x4600] =	vst v0;
	v0 =	vsub.s32 s5, v3;
	(v2sf) =	vpush v6, $0xF;
	v3, _, _ =	vpop (xrf0);
	s4 =	sadd.s32 s4, s8  }
0x35a: {  	[tilespmem:s1+$0x4200] =	vst v1;
	v1 =	vsub.s32 s4, v4;
	v0 =	vadd.s32 v3, v0;
	v4, _, _ =	vpop (xrf0);
	(v2sf) =	vpush v3, $0xF  }
0x35b: {  	v1 =	vadd.s32 v4, v1;
	[tilespmem:s1+$0x4E00] =	vst v0;
	(v2sf) =	vpush v4, $0xF  }
0x35c: {  	[tilespmem:s1+$0x4A00] =	vst v1  }
0x35d: {  	v0 =	vld [tilespmem:s0+$0xFFFFFC00]  }
0x35e: {  	v1 =	vld [tilespmem:s0+$0xFFFFF800]  }
0x35f: {  	v3 =	vld [tilespmem:s0+$0x400]  }
0x360: {  	v4 =	vld [tilespmem:s0+$0x0];
	_ =	sdelay $0x1  }
0x361: {  	(xrf0) =	vadd.scan.msk.s32 $0xffff, v0  }
0x362: {  	(xrf0) =	vadd.scan.msk.s32 $0xffff, v1  }
0x363: {  	(xrf0) =	vadd.scan.msk.s32 $0xffff, v3  }
0x364: {  	(xrf0) =	vadd.scan.msk.s32 $0xffff, v4  }
0x365: {  	s2 =	sadd.s32 $0x20, s2  }
0x366: {  	s1 =	sand.u32 $0xE0, s2;
	s8 =	spop (v2sf)  }
0x367: {  	s7 =	sadd.s32 s7, s8;
	s8 =	spop (v2sf);
	v5, _, _ =	vpop (xrf0)  }
0x368: {  	s6 =	sadd.s32 s6, s8;
	v0 =	vsub.s32 s7, v0;
	s8 =	spop (v2sf);
	v6, _, _ =	vpop (xrf0);
	(v2sf) =	vpush v5, $0xF  }
.Ltmp6:
0x369: {  	s5 =	sadd.s32 s5, s8;
	v1 =	vsub.s32 s6, v1;
	v0 =	vadd.s32 v5, v0;
	s8 =	spop (v2sf);
	(v2sf) =	vpush v6, $0xF;
	v5, _, _ =	vpop (xrf0);
	(pc) =	sbr.rel @p0 .LBB2_15-.Ltmp6, $4  }
0x36a: {  	s4 =	sadd.s32 s4, s8;
	v1 =	vadd.s32 v6, v1;
	[tilespmem:s0+$0xFFFFFC00] =	vst v0;
	v0 =	vsub.s32 s5, v3;
	v3, _, _ =	vpop (xrf0);
	(v2sf) =	vpush v5, $0xF  }
0x36b: {  	[tilespmem:s0+$0xFFFFF800] =	vst v1;
	v1 =	vsub.s32 s4, v4;
	v0 =	vadd.s32 v5, v0;
	(v2sf) =	vpush v3, $0xF  }
0x36c: {  	v1 =	vadd.s32 v3, v1;
	[tilespmem:s0+$0x400] =	vst v0  }
0x36d: {  	[tilespmem:s0+$0x0] =	vst v1  }
0x36e: {  	v0 =	vld [tilespmem:s1+$0x4600]  }
0x36f: {  	v1 =	vld [tilespmem:s1+$0x4200]  }
0x370: {  	v3 =	vld [tilespmem:s1+$0x4E00]  }
0x371: {  	v4 =	vld [tilespmem:s1+$0x4A00];
	_ =	sdelay $0x1  }
0x372: {  	(xrf0) =	vadd.scan.msk.s32 $0xffff, v0  }
0x373: {  	(xrf0) =	vadd.scan.msk.s32 $0xffff, v1  }
0x374: {  	(xrf0) =	vadd.scan.msk.s32 $0xffff, v3  }
0x375: {  	(xrf0) =	vadd.scan.msk.s32 $0xffff, v4;
	_ =	sdelay $0x1  }
0x376: {  	s2 =	spop (v2sf)  }
0x377: {  	s2 =	sadd.s32 s7, s2;
	s3 =	spop (v2sf);
	v5, _, _ =	vpop (xrf0)  }
0x378: {  	v0 =	vsub.s32 s2, v0;
	s3 =	sadd.s32 s6, s3;
	s18 =	spop (v2sf);
	v6, _, _ =	vpop (xrf0);
	(v2sf) =	vpush v5, $0xF  }
0x379: {  	v1 =	vsub.s32 s3, v1;
	v0 =	vadd.s32 v5, v0;
	s5 =	sadd.s32 s5, s18;
	s19 =	spop (v2sf);
	(v2sf) =	vpush v6, $0xF;
	v5, _, _ =	vpop (xrf0)  }
0x37a: {  	v1 =	vadd.s32 v6, v1;
	[tilespmem:s1+$0x4600] =	vst v0;
	v0 =	vsub.s32 s5, v3;
	s4 =	sadd.s32 s4, s19;
	v3, _, _ =	vpop (xrf0);
	(v2sf) =	vpush v5, $0xF  }
0x37b: {  	[tilespmem:s1+$0x4200] =	vst v1;
	v1 =	vsub.s32 s4, v4;
	v0 =	vadd.s32 v5, v0;
	(v2sf) =	vpush v3, $0xF  }
0x37c: {  	v1 =	vadd.s32 v3, v1;
	[tilespmem:s1+$0x4E00] =	vst v0  }
0x37d: {  	s0 =	sadd.s32 $0x20, s0;
	[tilespmem:s1+$0x4A00] =	vst v1  }
0x37e: {  	v0 =	vld [tilespmem:s0+$0xFFFFFC00]  }
0x37f: {  	v1 =	vld [tilespmem:s0+$0xFFFFF800]  }
0x380: {  	v3 =	vld [tilespmem:s0+$0x400]  }
0x381: {  	v4 =	vld [tilespmem:s0+$0x0];
	_ =	sdelay $0x1  }
0x382: {  	(xrf0) =	vadd.scan.msk.s32 $0xffff, v0  }
0x383: {  	(xrf0) =	vadd.scan.msk.s32 $0xffff, v1  }
0x384: {  	(xrf0) =	vadd.scan.msk.s32 $0xffff, v3  }
0x385: {  	(xrf0) =	vadd.scan.msk.s32 $0xffff, v4  }
0x386: {  	s20 =	spop (v2sf)  }
0x387: {  	s1 =	sadd.s32 s2, s20;
	s21 =	spop (v2sf)  }
0x388: {  	v12, _, _ =	vpop (xrf0);
	s2 =	sadd.s32 s3, s21;
	v0 =	vsub.s32 s1, v0;
	s22 =	spop (v2sf)  }
0x389: {  	v13, _, _ =	vpop (xrf0);
	s1 =	sadd.s32 s5, s22;
	v1 =	vsub.s32 s2, v1;
	v0 =	vadd.s32 v12, v0;
	s23 =	spop (v2sf)  }
0x38a: {  	v14, _, _ =	vpop (xrf0);
	s2 =	sadd.s32 s4, s23;
	v1 =	vadd.s32 v13, v1;
	[tilespmem:s0+$0xFFFFFC00] =	vst v0;
	v0 =	vsub.s32 s1, v3  }
0x38b: {  	v15, _, _ =	vpop (xrf0);
	[tilespmem:s0+$0xFFFFF800] =	vst v1;
	v1 =	vsub.s32 s2, v4;
	v0 =	vadd.s32 v14, v0  }
0x38c: {  	v1 =	vadd.s32 v15, v1;
	[tilespmem:s0+$0x400] =	vst v0  }
0x38d: {  	s26 =	simm.s32 $0xFFFFF800;
	[tilespmem:s0+$0x0] =	vst v1  }
0x38e: {  	v7 =	vld [tilespmem:s26+$0x1000]  }
0x38f: {  	v29 =	vld [tilespmem:s26+$0x1010]  }
0x390: {  	v8 =	vld [tilespmem:s26+$0x1800]  }
0x391: {  	v17 =	vld [tilespmem:s26+$0x1870]  }
0x392: {  	v10 =	vld [tilespmem:s26+$0x1860]  }
0x393: {  	v1 =	vld [tilespmem:s26+$0x2010];
	v0 =	vshrl.u32 v7, $0x10  }
0x394: {  	v5 =	vld [tilespmem:s26+$0x860];
	v3 =	vand.u32 $0xFF, v0  }
0x395: {  	v11 =	vld [tilespmem:s26+$0x850];
	v6 =	vshrl.u32 v8, $0x10;
	v3 =	vor.u32 $0x600, v3  }
0x396: {  	v32 =	vld [tilespmem:s26+$0x800];
	v9 =	vand.u32 $0xFF, v6;
	(xrf1) =	vunique.msk.u32 $0xffff, v3  }
0x397: {  	v34 =	vld [tilespmem:s26+$0x2000];
	v9 =	vor.u32 $0xA00, v9  }
0x398: {  	v31 =	vld [tilespmem:s26+$0x1810];
	(xrf1) =	vunique.msk.u32 $0xffff, v9  }
0x399: {  	v4 =	vld [tilespmem:s26+$0x1850]  }
0x39a: {  	v20 =	vld [tilespmem:s26+$0x1840];
	v0 =	vand.u32 $0x7F, v0;
	v3 =	vand.u32 $0x680, v3  }
0x39b: {  	v23 =	vld [tilespmem:s26+$0x1830];
	v2 =	vor.u32 v0, v3  }
0x39c: {  	v6 =	vand.u32 $0x7F, v6;
	v3 =	vand.u32 $0xA80, v9;
	v0 =	vld [tilespmem:s26+$0x810]  }
0x39d: {  	v60 =	vld [tilespmem:s26+$0x1070];
	v9 =	vor.u32 v6, v3;
	v3 =	vshrl.u32 v34, $0x10  }
0x39e: {  	v21 =	vld [tilespmem:s26+$0x1040];
	v16 =	vand.u32 $0xFF, v3  }
0x39f: {  	v62 =	vld [tilespmem:s26+$0x2070];
	v25 =	vshrl.u32 v29, $0x10;
	v33 =	vshrl.u32 v32, $0x10;
	v18 =	vor.u32 $0xE00, v16  }
0x3a0: {  	v19 =	vand.u32 $0xFF, v25;
	v30 =	vand.u32 $0xFF, v33;
	(xrf1) =	vunique.msk.u32 $0xffff, v18;
	v24 =	vld.idx.msk [tilespmem:v2+s24+$0x0], $0xffff  }
0x3a1: {  	v52 =	vand.u32 $0x7F, v33;
	v33 =	vld [tilespmem:s26+$0x1820];
	v28 =	vor.u32 $0x600, v19;
	v35 =	vshrl.u32 v0, $0x10  }
0x3a2: {  	v40 =	vshrl.u32 v31, $0x10;
	v25 =	vand.u32 $0x7F, v25;
	(xrf1) =	vunique.msk.u32 $0xffff, v28;
	v27 =	vld.idx.msk [tilespmem:v9+s24+$0x0], $0xffff;
	v26 =	vand.u32 $0xFF, v35  }
0x3a3: {  	v19 =	vld [tilespmem:s26+$0x1050];
	v3 =	vand.u32 $0x7F, v3;
	v18 =	vand.u32 $0xE80, v18;
	v36 =	vor.u32 $0x200, v26  }
0x3a4: {  	v39 =	vor.u32 $0x200, v30;
	v30 =	vld [tilespmem:s26+$0x1020];
	v41 =	vand.u32 $0x680, v28;
	v37 =	vor.u32 v3, v18;
	_, v38, vm0 =	vpop (xrf1);
	(xrf1) =	vunique.msk.u32 $0xffff, v36  }
0x3a5: {  	v41 =	vor.u32 v25, v41;
	v25 =	vld [tilespmem:s26+$0x2030];
	v3 =	vand.u32 $0xFF, v40;
	v24 =	vadd.s32 v38, v24;
	(xrf1) =	vunique.msk.u32 $0xffff, v39  }
0x3a6: {  	v28 =	vld [tilespmem:s26+$0x820];
	v42 =	vor.u32 $0xA00, v3;
	_, v43, vm1 =	vpop (xrf1);
	v24 =	vadd.s32 $0x800, v24  }
0x3a7: {  	v16 =	vld [tilespmem:s26+$0x1060];
	v51 =	vadd.s32 v43, v27;
	(xrf1) =	vunique.msk.u32 $0xffff, v42  }
0x3a8: {  	v26 =	vld [tilespmem:s26+$0x1030];
	v45 =	vadd.s32 $0x1000, v51  }
0x3a9: {  	v53 =	vld.idx.msk [tilespmem:v37+s24+$0x0], $0xffff;
	v39 =	vand.u32 $0x280, v39  }
0x3aa: {  	v54 =	vand.u32 $0x7F, v40;
	v39 =	vor.u32 v52, v39;
	[tilespmem:v2+s24+$0x0] =	vst.idx.add.s32.msk vm0, v38;
	v2 =	vshrl.u32 v1, $0x10  }
0x3ab: {  	v6 =	vld [tilespmem:s26+$0x2060];
	v44 =	vand.u32 $0xA80, v42;
	v40 =	vshrl.u32 v28, $0x10;
	v55 =	vand.u32 $0xFF, v2;
	[tilespmem:v24+s25+$0x0] =	vst.idx.msk $0xffff, v7  }
0x3ac: {  	v56 =	vand.u32 $0xFF, v40;
	[tilespmem:v9+s24+$0x0] =	vst.idx.add.s32.msk vm1, v43;
	v9 =	vshrl.u32 v30, $0x10;
	v7 =	vor.u32 $0xE00, v55  }
0x3ad: {  	v43 =	vld.idx.msk [tilespmem:v41+s24+$0x0], $0xffff;
	v57 =	vand.u32 $0xFF, v9;
	[tilespmem:v45+s25+$0x0] =	vst.idx.msk $0xffff, v8;
	v45 =	vor.u32 $0x200, v56;
	(xrf1) =	vunique.msk.u32 $0xffff, v7  }
0x3ae: {  	v18 =	vld [tilespmem:s26+$0x2050];
	v38 =	vor.u32 v54, v44;
	_, v58, vm1 =	vpop (xrf1);
	v22 =	vor.u32 $0x600, v57;
	(xrf1) =	vunique.msk.u32 $0xffff, v45  }
0x3af: {  	v59 =	vld.idx.msk [tilespmem:v39+s24+$0x0], $0xffff;
	v8 =	vadd.s32 v58, v53;
	(xrf1) =	vunique.msk.u32 $0xffff, v22  }
0x3b0: {  	v3 =	vld [tilespmem:s26+$0x2020];
	_, v50, vm2 =	vpop (xrf1);
	v48 =	vadd.s32 $0x1800, v8  }
0x3b1: {  	v47 =	vshrl.u32 v33, $0x10;
	v27 =	vld [tilespmem:s26+$0x830];
	v7 =	vand.u32 $0xE80, v7;
	v57 =	vand.u32 $0x7F, v2  }
0x3b2: {  	v35 =	vand.u32 $0x7F, v35;
	v2 =	vld [tilespmem:s26+$0x2040];
	v49 =	vor.u32 v57, v7;
	v43 =	vadd.s32 v50, v43;
	_, v51, vm0 =	vpop (xrf1)  }
0x3b3: {  	v9 =	vand.u32 $0x7F, v9;
	v7 =	vand.u32 $0xFF, v47;
	v46 =	vld.idx.msk [tilespmem:v38+s24+$0x0], $0xffff;
	v61 =	vadd.s32 $0x800, v43;
	_, v54, vm3 =	vpop (xrf1)  }
0x3b4: {  	v52 =	vor.u32 $0xA00, v7;
	[tilespmem:v37+s24+$0x0] =	vst.idx.add.s32.msk vm1, v58;
	v44 =	vadd.s32 v54, v59;
	v59 =	vand.u32 $0x680, v22  }
0x3b5: {  	v36 =	vand.u32 $0x280, v36;
	v24 =	vld [tilespmem:s26+$0x840];
	(xrf1) =	vunique.msk.u32 $0xffff, v52;
	[tilespmem:v48+s25+$0x0] =	vst.idx.msk $0xffff, v34;
	_, v56, vm1 =	vpop (xrf1);
	v34 =	vor.u32 v9, v59  }
0x3b6: {  	v35 =	vor.u32 v35, v36;
	v36 =	vshrl.u32 v3, $0x10;
	v53 =	vshrl.u32 v23, $0x10;
	[tilespmem:v41+s24+$0x0] =	vst.idx.add.s32.msk vm2, v50  }
0x3b7: {  	v55 =	vand.u32 $0xFF, v53;
	v47 =	vand.u32 $0x7F, v47;
	v58 =	vand.u32 $0xFF, v36;
	v63 =	vld.idx.msk [tilespmem:v49+s24+$0x0], $0xffff  }
0x3b8: {  	v57 =	vand.u32 $0xA80, v52;
	v37 =	vor.u32 $0xE00, v58;
	v46 =	vadd.s32 v56, v46;
	v9 =	vld [tilespmem:s26+$0x870];
	[tilespmem:v61+s25+$0x0] =	vst.idx.msk $0xffff, v29  }
0x3b9: {  	(xrf1) =	vunique.msk.u32 $0xffff, v37;
	v22 =	vor.u32 $0xA00, v55;
	v46 =	vadd.s32 $0x1000, v46;
	[tilespmem:v39+s24+$0x0] =	vst.idx.add.s32.msk vm3, v54  }
0x3ba: {  	v48 =	vshrl.u32 v26, $0x10;
	(xrf1) =	vunique.msk.u32 $0xffff, v22;
	v39 =	vor.u32 v47, v57;
	[tilespmem:v44+s25+$0x0] =	vst.idx.msk $0xffff, v32;
	v29 =	vld.idx.msk [tilespmem:v34+s24+$0x0], $0xffff  }
0x3bb: {  	v55 =	vand.u32 $0xFF, v48;
	[tilespmem:v38+s24+$0x0] =	vst.idx.add.s32.msk vm1, v56;
	_, v58, vm2 =	vpop (xrf1)  }
0x3bc: {  	v50 =	vor.u32 $0x600, v55;
	v44 =	vld.idx.msk [tilespmem:v35+s24+$0x0], $0xffff;
	v59 =	vadd.s32 v58, v63;
	_, v42, vm1 =	vpop (xrf1)  }
0x3bd: {  	v40 =	vand.u32 $0x7F, v40;
	v45 =	vand.u32 $0x280, v45;
	(xrf1) =	vunique.msk.u32 $0xffff, v50;
	v61 =	vadd.s32 $0x1800, v59;
	_, v63, vm3 =	vpop (xrf1)  }
0x3be: {  	v40 =	vor.u32 v40, v45;
	v36 =	vand.u32 $0x7F, v36;
	v37 =	vand.u32 $0xE80, v37;
	[tilespmem:v46+s25+$0x0] =	vst.idx.msk $0xffff, v31  }
0x3bf: {  	v43 =	vshrl.u32 v20, $0x10;
	v36 =	vor.u32 v36, v37;
	v41 =	vand.u32 $0xA80, v22;
	v56 =	vld.idx.msk [tilespmem:v39+s24+$0x0], $0xffff  }
0x3c0: {  	v22 =	vand.u32 $0x7F, v48;
	v48 =	vshrl.u32 v25, $0x10;
	v47 =	vshrl.u32 v21, $0x10;
	[tilespmem:v35+s24+$0x0] =	vst.idx.add.s32.msk vm0, v51  }
0x3c1: {  	v57 =	vand.u32 $0xFF, v48;
	v29 =	vadd.s32 v63, v29;
	v44 =	vadd.s32 v51, v44;
	[tilespmem:v49+s24+$0x0] =	vst.idx.add.s32.msk vm2, v58  }
0x3c2: {  	v59 =	vand.u32 $0x680, v50;
	v29 =	vadd.s32 $0x800, v29;
	[tilespmem:v61+s25+$0x0] =	vst.idx.msk $0xffff, v1;
	v1 =	vshrl.u32 v27, $0x10  }
0x3c3: {  	v32 =	vor.u32 $0xE00, v57;
	v35 =	vor.u32 v22, v59;
	_, v58, vm2 =	vpop (xrf1);
	v61 =	vand.u32 $0xFF, v1;
	[tilespmem:v34+s24+$0x0] =	vst.idx.add.s32.msk vm3, v63  }
0x3c4: {  	(xrf1) =	vunique.msk.u32 $0xffff, v32;
	v22 =	vand.u32 $0xFF, v47;
	v63 =	vadd.s32 v58, v56;
	v49 =	vld.idx.msk [tilespmem:v36+s24+$0x0], $0xffff;
	v38 =	vor.u32 $0x200, v61  }
0x3c5: {  	v50 =	vand.u32 $0x7F, v53;
	v34 =	vor.u32 $0x600, v22;
	v31 =	vadd.s32 $0x1000, v63;
	(xrf1) =	vunique.msk.u32 $0xffff, v38  }
0x3c6: {  	v41 =	vor.u32 v50, v41;
	v51 =	vand.u32 $0xFF, v43;
	[tilespmem:v44+s25+$0x0] =	vst.idx.msk $0xffff, v0;
	(xrf1) =	vunique.msk.u32 $0xffff, v34  }
0x3c7: {  	v52 =	vor.u32 $0xA00, v51;
	_, v0, vm3 =	vpop (xrf1);
	[tilespmem:v29+s25+$0x0] =	vst.idx.msk $0xffff, v30;
	v54 =	vld.idx.msk [tilespmem:v40+s24+$0x0], $0xffff  }
0x3c8: {  	_, v53, vm0 =	vpop (xrf1);
	v56 =	vld.idx.msk [tilespmem:v35+s24+$0x0], $0xffff;
	(xrf1) =	vunique.msk.u32 $0xffff, v52  }
0x3c9: {  	v32 =	vand.u32 $0xE80, v32;
	v29 =	vshrl.u32 v2, $0x10;
	[tilespmem:v39+s24+$0x0] =	vst.idx.add.s32.msk vm2, v58;
	v58 =	vadd.s32 v0, v49  }
0x3ca: {  	v59 =	vand.u32 $0x7F, v48;
	v57 =	vand.u32 $0xFF, v29;
	[tilespmem:v31+s25+$0x0] =	vst.idx.msk $0xffff, v33;
	v33 =	vadd.s32 $0x1800, v58  }
0x3cb: {  	v37 =	vshrl.u32 v24, $0x10;
	v32 =	vor.u32 v59, v32;
	_, v55, vm2 =	vpop (xrf1);
	v31 =	vor.u32 $0xE00, v57;
	v61 =	vld.idx.msk [tilespmem:v41+s24+$0x0], $0xffff  }
0x3cc: {  	v46 =	vand.u32 $0x7F, v47;
	v1 =	vand.u32 $0x7F, v1;
	[tilespmem:v40+s24+$0x0] =	vst.idx.add.s32.msk vm1, v42;
	(xrf1) =	vunique.msk.u32 $0xffff, v31  }
0x3cd: {  	v63 =	vand.u32 $0x280, v38;
	[tilespmem:v36+s24+$0x0] =	vst.idx.add.s32.msk vm3, v0;
	v22 =	vadd.s32 v42, v54;
	v44 =	vadd.s32 v55, v56  }
0x3ce: {  	v34 =	vand.u32 $0x680, v34;
	v1 =	vor.u32 v1, v63;
	v45 =	vadd.s32 $0x800, v44;
	[tilespmem:v41+s24+$0x0] =	vst.idx.add.s32.msk vm0, v53  }
0x3cf: {  	v48 =	vand.u32 $0xFF, v37;
	v50 =	vand.u32 $0x7F, v43;
	[tilespmem:v33+s25+$0x0] =	vst.idx.msk $0xffff, v3;
	v3 =	vor.u32 v46, v34  }
0x3d0: {  	v0 =	vand.u32 $0xA80, v52;
	v36 =	vshrl.u32 v19, $0x10;
	v47 =	vadd.s32 v53, v61;
	v49 =	vld.idx.msk [tilespmem:v32+s24+$0x0], $0xffff  }
0x3d1: {  	v51 =	vand.u32 $0xFF, v36;
	[tilespmem:v35+s24+$0x0] =	vst.idx.add.s32.msk vm2, v55;
	v34 =	vor.u32 $0x200, v48;
	v33 =	vadd.s32 $0x1000, v47  }
0x3d2: {  	_, v52, vm1 =	vpop (xrf1);
	v0 =	vor.u32 v50, v0;
	v53 =	vor.u32 $0x600, v51;
	(xrf1) =	vunique.msk.u32 $0xffff, v34;
	[tilespmem:v22+s25+$0x0] =	vst.idx.msk $0xffff, v28  }
0x3d3: {  	v37 =	vand.u32 $0x7F, v37;
	v38 =	vld.idx.msk [tilespmem:v1+s24+$0x0], $0xffff;
	[tilespmem:v45+s25+$0x0] =	vst.idx.msk $0xffff, v26;
	_, v41, vm0 =	vpop (xrf1);
	(xrf1) =	vunique.msk.u32 $0xffff, v53  }
0x3d4: {  	v30 =	vshrl.u32 v4, $0x10;
	v29 =	vand.u32 $0x7F, v29;
	v39 =	vshrl.u32 v10, $0x10;
	v55 =	vld.idx.msk [tilespmem:v3+s24+$0x0], $0xffff;
	_, v54, vm2 =	vpop (xrf1)  }
0x3d5: {  	v57 =	vand.u32 $0xFF, v30;
	v30 =	vand.u32 $0x7F, v30;
	v58 =	vadd.s32 v52, v49  }
0x3d6: {  	v31 =	vand.u32 $0xE80, v31;
	_, v56, vm3 =	vpop (xrf1);
	[tilespmem:v33+s25+$0x0] =	vst.idx.msk $0xffff, v23;
	v63 =	vadd.s32 $0x1800, v58;
	v23 =	vor.u32 $0xA00, v57  }
0x3d7: {  	v29 =	vor.u32 v29, v31;
	v36 =	vand.u32 $0x7F, v36;
	v34 =	vand.u32 $0x280, v34;
	v59 =	vld.idx.msk [tilespmem:v0+s24+$0x0], $0xffff;
	(xrf1) =	vunique.msk.u32 $0xffff, v23  }
0x3d8: {  	v61 =	vshrl.u32 v18, $0x10;
	v28 =	vand.u32 $0xFF, v39;
	v40 =	vand.u32 $0x680, v53;
	[tilespmem:v32+s24+$0x0] =	vst.idx.add.s32.msk vm1, v52  }
0x3d9: {  	v47 =	vshrl.u32 v16, $0x10;
	v43 =	vadd.s32 v54, v55;
	[tilespmem:v1+s24+$0x0] =	vst.idx.add.s32.msk vm0, v41;
	v1 =	vadd.s32 v41, v38  }
0x3da: {  	v26 =	vshrl.u32 v11, $0x10;
	v44 =	vadd.s32 $0x800, v43;
	_, v49, vm0 =	vpop (xrf1);
	[tilespmem:v3+s24+$0x0] =	vst.idx.add.s32.msk vm2, v54;
	v3 =	vor.u32 v37, v34  }
0x3db: {  	v51 =	vand.u32 $0xFF, v47;
	v48 =	vand.u32 $0xFF, v26;
	v41 =	vand.u32 $0xFF, v61;
	[tilespmem:v63+s25+$0x0] =	vst.idx.msk $0xffff, v25  }
0x3dc: {  	v33 =	vor.u32 $0xE00, v41;
	[tilespmem:v0+s24+$0x0] =	vst.idx.add.s32.msk vm3, v56;
	v0 =	vor.u32 v36, v40;
	v35 =	vadd.s32 v56, v59  }
0x3dd: {  	v52 =	vor.u32 $0x200, v48;
	v23 =	vand.u32 $0xA80, v23;
	(xrf1) =	vunique.msk.u32 $0xffff, v33;
	v53 =	vld.idx.msk [tilespmem:v29+s24+$0x0], $0xffff;
	v50 =	vadd.s32 $0x1000, v35  }
0x3de: {  	v32 =	vor.u32 $0x600, v51;
	(xrf1) =	vunique.msk.u32 $0xffff, v52;
	[tilespmem:v1+s25+$0x0] =	vst.idx.msk $0xffff, v27;
	v1 =	vor.u32 v30, v23  }
0x3df: {  	v31 =	vand.u32 $0x7F, v61;
	v55 =	vor.u32 $0xA00, v28;
	(xrf1) =	vunique.msk.u32 $0xffff, v32;
	[tilespmem:v44+s25+$0x0] =	vst.idx.msk $0xffff, v21;
	v56 =	vld.idx.msk [tilespmem:v3+s24+$0x0], $0xffff  }
0x3e0: {  	v45 =	vshrl.u32 v6, $0x10;
	v46 =	vand.u32 $0x7F, v47;
	_, v58, vm1 =	vpop (xrf1);
	(xrf1) =	vunique.msk.u32 $0xffff, v55;
	[tilespmem:v29+s24+$0x0] =	vst.idx.add.s32.msk vm0, v49  }
0x3e1: {  	v26 =	vand.u32 $0x7F, v26;
	v48 =	vand.u32 $0x7F, v39;
	v57 =	vshrl.u32 v5, $0x10;
	v40 =	vld.idx.msk [tilespmem:v0+s24+$0x0], $0xffff;
	_, v61, vm2 =	vpop (xrf1)  }
0x3e2: {  	v22 =	vand.u32 $0xFF, v57;
	v54 =	vand.u32 $0xFF, v45;
	v63 =	vadd.s32 v49, v53;
	[tilespmem:v50+s25+$0x0] =	vst.idx.msk $0xffff, v20  }
0x3e3: {  	v59 =	vand.u32 $0x280, v52;
	v33 =	vand.u32 $0xE80, v33;
	v29 =	vadd.s32 $0x1800, v63;
	v41 =	vld.idx.msk [tilespmem:v1+s24+$0x0], $0xffff  }
0x3e4: {  	v36 =	vor.u32 $0x200, v22;
	v31 =	vor.u32 v31, v33;
	v23 =	vor.u32 $0xE00, v54  }
0x3e5: {  	v25 =	vor.u32 v26, v59;
	v32 =	vand.u32 $0x680, v32;
	(xrf1) =	vunique.msk.u32 $0xffff, v23;
	v28 =	vadd.s32 v58, v56;
	_, v47, vm0 =	vpop (xrf1)  }
0x3e6: {  	v21 =	vshrl.u32 v17, $0x10;
	v32 =	vor.u32 v46, v32;
	(xrf1) =	vunique.msk.u32 $0xffff, v36;
	v43 =	vadd.s32 v61, v40  }
0x3e7: {  	v20 =	vshrl.u32 v60, $0x10;
	v44 =	vadd.s32 $0x800, v43;
	[tilespmem:v0+s24+$0x0] =	vst.idx.add.s32.msk vm2, v61;
	v0 =	vand.u32 $0xFF, v21  }
0x3e8: {  	v42 =	vand.u32 $0xFF, v20;
	[tilespmem:v29+s25+$0x0] =	vst.idx.msk $0xffff, v2;
	v2 =	vor.u32 $0xA00, v0;
	v0 =	vadd.s32 v47, v41  }
0x3e9: {  	v27 =	vand.u32 $0xA80, v55;
	[tilespmem:v3+s24+$0x0] =	vst.idx.add.s32.msk vm1, v58;
	v3 =	vor.u32 $0x600, v42;
	v0 =	vadd.s32 $0x1000, v0  }
0x3ea: {  	v27 =	vor.u32 v48, v27;
	(xrf1) =	vunique.msk.u32 $0xffff, v3;
	v49 =	vld.idx.msk [tilespmem:v31+s24+$0x0], $0xffff;
	[tilespmem:v28+s25+$0x0] =	vst.idx.msk $0xffff, v24  }
0x3eb: {  	(v2sf) =	vpush v12, $0xF;
	(xrf1) =	vunique.msk.u32 $0xffff, v2;
	_, v50, vm1 =	vpop (xrf1);
	[tilespmem:v1+s24+$0x0] =	vst.idx.add.s32.msk vm0, v47  }
0x3ec: {  	(v2sf) =	vpush v13, $0xF;
	v51 =	vld.idx.msk [tilespmem:v25+s24+$0x0], $0xffff;
	_, v52, vm2 =	vpop (xrf1);
	[tilespmem:v44+s25+$0x0] =	vst.idx.msk $0xffff, v19  }
0x3ed: {  	(v2sf) =	vpush v14, $0xF;
	v12 =	vshrl.u32 v62, $0x10;
	_, v14, vm0 =	vpop (xrf1);
	v53 =	vld.idx.msk [tilespmem:v32+s24+$0x0], $0xffff  }
0x3ee: {  	(v2sf) =	vpush v15, $0xF;
	v13 =	vshrl.u32 v9, $0x10;
	v19 =	vand.u32 $0xFF, v12;
	[tilespmem:v0+s25+$0x0] =	vst.idx.msk $0xffff, v4;
	_, v0, vm3 =	vpop (xrf1)  }
0x3ef: {  	v54 =	vand.u32 $0x7F, v45;
	v1 =	vand.u32 $0xFF, v13;
	v19 =	vor.u32 $0xE00, v19;
	v55 =	vld.idx.msk [tilespmem:v27+s24+$0x0], $0xffff  }
0x3f0: {  	v15 =	vor.u32 $0x200, v1;
	v1 =	vand.u32 $0xE80, v23;
	(xrf1) =	vunique.msk.u32 $0xffff, v19;
	v4 =	vadd.s32 v50, v49  }
0x3f1: {  	v57 =	vand.u32 $0x7F, v57;
	v23 =	vor.u32 v54, v1;
	(xrf1) =	vunique.msk.u32 $0xffff, v15;
	v4 =	vadd.s32 $0x1800, v4  }
0x3f2: {  	v1 =	vand.u32 $0x280, v36;
	[tilespmem:v31+s24+$0x0] =	vst.idx.add.s32.msk vm1, v50;
	v56 =	vadd.s32 v52, v51;
	v58 =	vadd.s32 v14, v53  }
0x3f3: {  	v59 =	vor.u32 v57, v1;
	_, v61, vm1 =	vpop (xrf1);
	[tilespmem:v32+s24+$0x0] =	vst.idx.add.s32.msk vm0, v14;
	v1 =	vadd.s32 $0x800, v58  }
0x3f4: {  	_, v14, vm0 =	vpop (xrf1);
	[tilespmem:v27+s24+$0x0] =	vst.idx.add.s32.msk vm3, v0;
	v24 =	vadd.s32 v0, v55;
	v0 =	vand.u32 $0x7F, v20  }
0x3f5: {  	[tilespmem:v25+s24+$0x0] =	vst.idx.add.s32.msk vm2, v52  }
0x3f6: {  	v3 =	vand.u32 $0x680, v3;
	[tilespmem:v4+s25+$0x0] =	vst.idx.msk $0xffff, v18;
	v4 =	vadd.s32 $0x1000, v24  }
0x3f7: {  	v63 =	vand.u32 $0x7F, v21;
	[tilespmem:v56+s25+$0x0] =	vst.idx.msk $0xffff, v11;
	v11 =	vand.u32 $0xA80, v2;
	v3 =	vor.u32 v0, v3;
	v18 =	vld.idx.msk [tilespmem:v23+s24+$0x0], $0xffff  }
0x3f8: {  	v20 =	vor.u32 v63, v11;
	[tilespmem:v1+s25+$0x0] =	vst.idx.msk $0xffff, v16;
	v16 =	vld.idx.msk [tilespmem:v59+s24+$0x0], $0xffff;
	_, v0, vm2 =	vpop (xrf1)  }
0x3f9: {  	[tilespmem:v23+s24+$0x0] =	vst.idx.add.s32.msk vm1, v61;
	_, v1, vm3 =	vpop (xrf1)  }
0x3fa: {  	p0 =	por $0x0, $0x0;
	[tilespmem:v59+s24+$0x0] =	vst.idx.add.s32.msk vm0, v14  }
.Ltmp7:
0x3fb: {  	[tilespmem:v4+s25+$0x0] =	vst.idx.msk $0xffff, v10;
	v10 =	vand.u32 $0x280, v15;
	(pc) =	sbr.rel @p0 .LBB2_18-.Ltmp7, $4  }
0x3fc: {  	s28 =	spop (v2sf);
	v12 =	vand.u32 $0x7F, v12;
	v11 =	vld.idx.msk [tilespmem:v3+s24+$0x0], $0xffff  }
0x3fd: {  	s29 =	spop (v2sf);
	v2 =	vadd.s32 v61, v18;
	v15 =	vld.idx.msk [tilespmem:v20+s24+$0x0], $0xffff;
	v14 =	vadd.s32 v14, v16;
	v16 =	vand.u32 $0xE80, v19  }
0x3fe: {  	s30 =	spop (v2sf);
	v18 =	vand.u32 $0x7F, v13;
	v13 =	vor.u32 v12, v16;
	v16 =	vadd.s32 $0x1800, v2;
	[tilespmem:v3+s24+$0x0] =	vst.idx.add.s32.msk vm2, v0;
	_, v3, vm0 =	vpop (xrf1)  }
0x3ff: {  	s7 =	simm.s32 $0xFFFFE200;
	s31 =	spop (v2sf);
	v12 =	vor.u32 v18, v10;
	[tilespmem:v20+s24+$0x0] =	vst.idx.add.s32.msk vm3, v1;
	_, v10, vm1 =	vpop (xrf1)  }
.LBB2_17:
0x400: {  	_ =	sdelay $0x1  }
0x401: {  	v0 =	vadd.s32 v0, v11  }
0x402: {  	[tilespmem:v16+s25+$0x0] =	vst.idx.msk $0xffff, v6;
	v0 =	vadd.s32 $0x800, v0  }
0x403: {  	v1 =	vadd.s32 v1, v15;
	[tilespmem:v14+s25+$0x0] =	vst.idx.msk $0xffff, v5;
	v5 =	vld.idx.msk [tilespmem:v13+s24+$0x0], $0xffff  }
0x404: {  	v1 =	vadd.s32 $0x1000, v1;
	[tilespmem:v13+s24+$0x0] =	vst.idx.add.s32.msk vm0, v3  }
0x405: {  	v11 =	vld.idx.msk [tilespmem:v12+s24+$0x0], $0xffff  }
0x406: {  	s0 =	smov.u32 s7;
	[tilespmem:v12+s24+$0x0] =	vst.idx.add.s32.msk vm1, v10  }
0x407: {  	s0 =	sshra.s32 s0, $0x2;
	[tilespmem:v0+s25+$0x0] =	vst.idx.msk $0xffff, v60  }
0x408: {  	v35 =	vld [tilespmem:s0+$0x1010]  }
0x409: {  	[tilespmem:v1+s25+$0x0] =	vst.idx.msk $0xffff, v17;
	v8 =	vld [tilespmem:s0+$0x1000]  }
0x40a: {  	v1 =	vld [tilespmem:s0+$0x1800]  }
0x40b: {  	v0 =	vadd.s32 v3, v5;
	v2 =	vld [tilespmem:s0+$0x1860]  }
0x40c: {  	v3 =	vadd.s32 v10, v11;
	v0 =	vadd.s32 $0x1800, v0;
	v11 =	vld [tilespmem:s0+$0x1870]  }
0x40d: {  	v40 =	vld [tilespmem:s0+$0x1810]  }
0x40e: {  	v24 =	vld [tilespmem:s0+$0x1830]  }
0x40f: {  	v21 =	vld [tilespmem:s0+$0x1840]  }
0x410: {  	v6 =	vshrl.u32 v8, $0x10;
	[tilespmem:$0x1FCB0] =	vst v2  }
0x411: {  	v25 =	vshrl.u32 v35, $0x10;
	[tilespmem:v0+s25+$0x0] =	vst.idx.msk $0xffff, v62;
	v0 =	vand.u32 $0xFF, v6  }
0x412: {  	v7 =	vshrl.u32 v1, $0x10;
	[tilespmem:v3+s25+$0x0] =	vst.idx.msk $0xffff, v9;
	v2 =	vshrl.u32 v2, $0x10;
	v3 =	vor.u32 $0x600, v0  }
0x413: {  	v16 =	vld [tilespmem:s0+$0x1060];
	v32 =	vshrl.u32 v40, $0x10;
	v43 =	vshrl.u32 v24, $0x10;
	v0 =	vand.u32 $0xFF, v7;
	(xrf1) =	vunique.msk.u32 $0xffff, v3  }
0x414: {  	[tilespmem:$0x1FC50] =	vst v11;
	v29 =	vshrl.u32 v21, $0x10;
	v5 =	vand.u32 $0xFF, v25;
	v31 =	vld [tilespmem:s0+$0x2010];
	v9 =	vor.u32 $0xA00, v0  }
0x415: {  	v6 =	vand.u32 $0x7F, v6;
	v18 =	vor.u32 $0x600, v5;
	v5 =	vshrl.u32 v11, $0x10;
	v11 =	vld [tilespmem:s0+$0x2000];
	(xrf1) =	vunique.msk.u32 $0xffff, v9  }
0x416: {  	v4 =	vld [tilespmem:s0+$0x860];
	v23 =	vand.u32 $0xFF, v32;
	v44 =	vand.u32 $0xFF, v43;
	v61 =	vand.u32 $0xFF, v29  }
0x417: {  	v36 =	vld [tilespmem:s0+$0x810];
	v25 =	vand.u32 $0x7F, v25;
	v63 =	vand.u32 $0x7F, v32;
	v3 =	vand.u32 $0x680, v3  }
0x418: {  	v10 =	vld [tilespmem:s0+$0x850];
	v7 =	vand.u32 $0x7F, v7;
	v34 =	vor.u32 $0xA00, v23;
	v3 =	vor.u32 v6, v3  }
0x419: {  	v41 =	vld [tilespmem:s0+$0x800];
	v51 =	vor.u32 $0xA00, v44;
	v44 =	vor.u32 $0xA00, v61;
	v6 =	vand.u32 $0xA80, v9  }
0x41a: {  	v19 =	vld [tilespmem:s0+$0x2050];
	v0 =	vand.u32 $0xFF, v5;
	v7 =	vor.u32 v7, v6;
	v28 =	vshrl.u32 v11, $0x10  }
0x41b: {  	[tilespmem:$0x1FC60] =	vst v2;
	v15 =	vld [tilespmem:s0+$0x2060];
	v26 =	vand.u32 $0x680, v18;
	v0 =	vor.u32 $0xA00, v0;
	v20 =	vand.u32 $0xFF, v28  }
0x41c: {  	v23 =	vld [tilespmem:s0+$0x1040];
	v47 =	vand.u32 $0xA80, v34;
	[tilespmem:$0x1FC30] =	vst v0;
	v49 =	vshrl.u32 v36, $0x10;
	v20 =	vor.u32 $0xE00, v20  }
0x41d: {  	v0 =	vand.u32 $0xFF, v2;
	v2 =	vshrl.u32 v10, $0x10;
	v60 =	vand.u32 $0xFF, v49;
	v33 =	vld.idx.msk [tilespmem:v3+s24+$0x0], $0xffff;
	(xrf1) =	vunique.msk.u32 $0xffff, v20  }
0x41e: {  	v9 =	vshrl.u32 v41, $0x10;
	[tilespmem:$0x1FC10] =	vst v2;
	v2 =	vld [tilespmem:s0+$0x1070];
	v42 =	vor.u32 $0x200, v60;
	(xrf1) =	vunique.msk.u32 $0xffff, v18  }
0x41f: {  	v56 =	vor.u32 v25, v26;
	v59 =	vor.u32 v63, v47;
	v6 =	vand.u32 $0xFF, v9;
	v39 =	vld.idx.msk [tilespmem:v7+s24+$0x0], $0xffff;
	(xrf1) =	vunique.msk.u32 $0xffff, v42  }
0x420: {  	[tilespmem:$0x1FC40] =	vst v0;
	v30 =	vor.u32 $0x200, v6;
	v45 =	vand.u32 $0x7F, v28;
	v28 =	vld [tilespmem:s0+$0x1030];
	v38 =	vand.u32 $0xE80, v20  }
0x421: {  	v0 =	vshrl.u32 v4, $0x10;
	v27 =	vshrl.u32 v31, $0x10;
	v20 =	vld [tilespmem:s0+$0x1050];
	v52 =	vor.u32 v45, v38;
	_, v53, vm1 =	vpop (xrf1);
	(xrf1) =	vunique.msk.u32 $0xffff, v30  }
0x422: {  	v13 =	vand.u32 $0xFF, v27;
	v50 =	vand.u32 $0x280, v42;
	v42 =	vld [tilespmem:s0+$0x1020];
	v33 =	vadd.s32 v53, v33  }
0x423: {  	v9 =	vand.u32 $0x7F, v9;
	v46 =	vand.u32 $0x280, v30;
	_, v55, vm0 =	vpop (xrf1);
	(xrf1) =	vunique.msk.u32 $0xffff, v34;
	v34 =	vld [tilespmem:s0+$0x820];
	v54 =	vadd.s32 $0x800, v33  }
0x424: {  	v37 =	vor.u32 $0xE00, v13;
	v58 =	vor.u32 v9, v46;
	v46 =	vld [tilespmem:s0+$0x1820];
	v62 =	vadd.s32 v55, v39  }
0x425: {  	[tilespmem:$0x1FC80] =	vst v10;
	v38 =	vld [tilespmem:s0+$0x2020];
	v22 =	vshrl.u32 v28, $0x10;
	v39 =	vshrl.u32 v23, $0x10;
	v57 =	vadd.s32 $0x1000, v62  }
0x426: {  	[tilespmem:$0x1FC20] =	vst v0;
	v48 =	vand.u32 $0xE80, v37;
	v47 =	vand.u32 $0x7F, v22;
	v32 =	vld.idx.msk [tilespmem:v52+s24+$0x0], $0xffff;
	v9 =	vand.u32 $0xFF, v39  }
0x427: {  	(xrf1) =	vunique.msk.u32 $0xffff, v37;
	v10 =	vor.u32 $0x600, v9;
	v9 =	vshrl.u32 v42, $0x10;
	[tilespmem:v3+s24+$0x0] =	vst.idx.add.s32.msk vm1, v53  }
0x428: {  	v0 =	vld [tilespmem:s0+$0x1850];
	v37 =	vand.u32 $0xFF, v9;
	[tilespmem:v54+s25+$0x0] =	vst.idx.msk $0xffff, v8;
	v8 =	vand.u32 $0x7F, v27;
	v54 =	vshrl.u32 v34, $0x10  }
0x429: {  	[tilespmem:v7+s24+$0x0] =	vst.idx.add.s32.msk vm0, v55;
	v61 =	vor.u32 v8, v48;
	v7 =	vand.u32 $0xFF, v54;
	v8 =	vand.u32 $0x7F, v49  }
0x42a: {  	v12 =	vld [tilespmem:s0+$0x2070];
	[tilespmem:v57+s25+$0x0] =	vst.idx.msk $0xffff, v1;
	v49 =	vshrl.u32 v38, $0x10;
	v57 =	vor.u32 $0x200, v7;
	v63 =	vor.u32 v8, v50  }
0x42b: {  	[tilespmem:$0x1FCA0] =	vst v4;
	v30 =	vld [tilespmem:s0+$0x2030];
	_, v55, vm1 =	vpop (xrf1);
	v1 =	vand.u32 $0xFF, v49;
	v50 =	vshrl.u32 v46, $0x10;
	v7 =	vand.u32 $0xFF, v22  }
0x42c: {  	v62 =	vld.idx.msk [tilespmem:v58+s24+$0x0], $0xffff;
	_, v22, vm2 =	vpop (xrf1);
	v4 =	vor.u32 $0xE00, v1;
	v1 =	vadd.s32 v55, v32;
	(xrf1) =	vunique.msk.u32 $0xffff, v57;
	v32 =	vor.u32 $0x600, v37  }
0x42d: {  	v27 =	vld [tilespmem:s0+$0x2040];
	v6 =	vor.u32 $0x600, v7;
	v7 =	vand.u32 $0xFF, v50;
	_, v17, vm0 =	vpop (xrf1);
	(xrf1) =	vunique.msk.u32 $0xffff, v32  }
0x42e: {  	[tilespmem:$0x1FC90] =	vst v5;
	v48 =	vld.idx.msk [tilespmem:v56+s24+$0x0], $0xffff;
	v5 =	vadd.s32 $0x1800, v1;
	v7 =	vor.u32 $0xA00, v7  }
0x42f: {  	[tilespmem:$0x1FC70] =	vst v0;
	v25 =	vshrl.u32 v0, $0x10;
	v37 =	vld [tilespmem:s0+$0x830];
	_, v0, vm3 =	vpop (xrf1);
	(xrf1) =	vunique.msk.u32 $0xffff, v7  }
0x430: {  	v43 =	vand.u32 $0x7F, v43;
	v45 =	vand.u32 $0xA80, v51;
	v3 =	vld.idx.msk [tilespmem:v59+s24+$0x0], $0xffff  }
0x431: {  	v26 =	vshrl.u32 v20, $0x10;
	v9 =	vand.u32 $0x7F, v9;
	v53 =	vshrl.u32 v30, $0x10;
	[tilespmem:v52+s24+$0x0] =	vst.idx.add.s32.msk vm1, v55  }
0x432: {  	[tilespmem:$0x1FC00] =	vst v2;
	v2 =	vand.u32 $0xA80, v7;
	v7 =	vadd.s32 v0, v62;
	v62 =	vand.u32 $0x680, v32;
	v32 =	vld [tilespmem:s0+$0x840]  }
0x433: {  	v18 =	vld [tilespmem:s0+$0x870];
	v8 =	vand.u32 $0xE80, v4;
	v1 =	vand.u32 $0xFF, v53;
	v48 =	vadd.s32 v22, v48;
	[tilespmem:v5+s25+$0x0] =	vst.idx.msk $0xffff, v11  }
0x434: {  	v1 =	vor.u32 $0xE00, v1;
	_, v52, vm1 =	vpop (xrf1);
	v55 =	vshrl.u32 v37, $0x10;
	(xrf1) =	vunique.msk.u32 $0xffff, v4;
	v5 =	vadd.s32 $0x800, v48;
	v11 =	vld.idx.msk [tilespmem:v61+s24+$0x0], $0xffff  }
0x435: {  	[tilespmem:v56+s24+$0x0] =	vst.idx.add.s32.msk vm2, v22;
	v4 =	vand.u32 $0x7F, v54;
	v3 =	vadd.s32 v52, v3;
	(xrf1) =	vunique.msk.u32 $0xffff, v51  }
0x436: {  	v62 =	vor.u32 v9, v62;
	_, v56, vm2 =	vpop (xrf1);
	v3 =	vadd.s32 $0x1000, v3;
	(xrf1) =	vunique.msk.u32 $0xffff, v6;
	[tilespmem:v58+s24+$0x0] =	vst.idx.add.s32.msk vm3, v0  }
0x437: {  	v9 =	vand.u32 $0x7F, v50;
	v0 =	vand.u32 $0x280, v57;
	v48 =	vshrl.u32 v32, $0x10;
	[tilespmem:v7+s25+$0x0] =	vst.idx.msk $0xffff, v41  }
0x438: {  	v22 =	vor.u32 v9, v2;
	v4 =	vor.u32 v4, v0;
	v0 =	vand.u32 $0xFF, v48;
	v7 =	vld.idx.msk [tilespmem:v63+s24+$0x0], $0xffff  }
0x439: {  	v2 =	vand.u32 $0xFF, v55;
	[tilespmem:v5+s25+$0x0] =	vst.idx.msk $0xffff, v35;
	v5 =	vor.u32 $0x200, v0;
	v0 =	vadd.s32 v56, v11  }
0x43a: {  	v51 =	vor.u32 $0x200, v2;
	v2 =	vand.u32 $0x7F, v49;
	[tilespmem:v59+s24+$0x0] =	vst.idx.add.s32.msk vm1, v52;
	v58 =	vadd.s32 $0x1800, v0;
	_, v59, vm1 =	vpop (xrf1)  }
0x43b: {  	v60 =	vand.u32 $0xFF, v26;
	(xrf1) =	vunique.msk.u32 $0xffff, v1;
	v8 =	vor.u32 v2, v8;
	v41 =	vld.idx.msk [tilespmem:v62+s24+$0x0], $0xffff;
	[tilespmem:v3+s25+$0x0] =	vst.idx.msk $0xffff, v40;
	_, v40, vm3 =	vpop (xrf1)  }
0x43c: {  	v33 =	vand.u32 $0xA80, v44;
	v13 =	vand.u32 $0x680, v10;
	v50 =	vshrl.u32 v27, $0x10;
	[tilespmem:v61+s24+$0x0] =	vst.idx.add.s32.msk vm2, v56  }
0x43d: {  	v54 =	vor.u32 $0x600, v60;
	v11 =	vand.u32 $0xFF, v50;
	[tilespmem:v63+s24+$0x0] =	vst.idx.add.s32.msk vm0, v17;
	v7 =	vadd.s32 v17, v7;
	_, v56, vm2 =	vpop (xrf1)  }
0x43e: {  	v60 =	vand.u32 $0xFF, v25;
	v35 =	vshrl.u32 v15, $0x10;
	v3 =	vor.u32 $0xE00, v11;
	v11 =	vld.idx.msk [tilespmem:v22+s24+$0x0], $0xffff  }
0x43f: {  	v9 =	vshrl.u32 v19, $0x10;
	v6 =	vand.u32 $0x680, v6;
	v0 =	vand.u32 $0xFF, v35;
	[tilespmem:v58+s25+$0x0] =	vst.idx.msk $0xffff, v31  }
0x440: {  	v6 =	vor.u32 v47, v6;
	v2 =	vor.u32 $0xE00, v0;
	v58 =	vor.u32 $0xA00, v60;
	v60 =	vld.idx.msk [tilespmem:v8+s24+$0x0], $0xffff  }
0x441: {  	v0 =	vand.u32 $0xFF, v9;
	v41 =	vadd.s32 v40, v41;
	(xrf1) =	vunique.msk.u32 $0xffff, v51;
	[tilespmem:v62+s24+$0x0] =	vst.idx.add.s32.msk vm3, v40  }
0x442: {  	v57 =	vand.u32 $0x280, v51;
	v47 =	vor.u32 $0xE00, v0;
	v0 =	vadd.s32 $0x800, v41;
	_, v17, vm3 =	vpop (xrf1);
	[tilespmem:v7+s25+$0x0] =	vst.idx.msk $0xffff, v36  }
0x443: {  	v51 =	vand.u32 $0x7F, v9;
	(xrf1) =	vunique.msk.u32 $0xffff, v10;
	v10 =	vadd.s32 v56, v11;
	_, v9, vm0 =	vpop (xrf1);
	[tilespmem:v22+s24+$0x0] =	vst.idx.add.s32.msk vm2, v56  }
0x444: {  	v11 =	vor.u32 v43, v45;
	v45 =	vshrl.u32 v16, $0x10;
	v7 =	vadd.s32 $0x1000, v10;
	_, v22, vm4 =	vpop (xrf1);
	(xrf1) =	vunique.msk.u32 $0xffff, v44;
	v44 =	vld.idx.msk [tilespmem:v4+s24+$0x0], $0xffff  }
0x445: {  	v63 =	vand.u32 $0xFF, v45;
	[tilespmem:v4+s24+$0x0] =	vst.idx.add.s32.msk vm1, v59  }
0x446: {  	v56 =	vor.u32 $0x600, v63;
	v60 =	vadd.s32 v17, v60;
	v63 =	vld [tilespmem:$0x1FC10]  }
0x447: {  	v31 =	vshrl.u32 v18, $0x10;
	v4 =	vadd.s32 $0x1800, v60;
	v60 =	vld [tilespmem:$0x1FC00]  }
0x448: {  	v1 =	vand.u32 $0xE80, v1;
	v14 =	vand.u32 $0xE80, v3;
	v61 =	vand.u32 $0xFF, v31;
	[tilespmem:v0+s25+$0x0] =	vst.idx.msk $0xffff, v42  }
0x449: {  	v41 =	vor.u32 $0x200, v61;
	v61 =	vld.idx.msk [tilespmem:v6+s24+$0x0], $0xffff;
	_, v0, vm2 =	vpop (xrf1);
	(xrf1) =	vunique.msk.u32 $0xffff, v3;
	v3 =	vand.u32 $0x7F, v53;
	[tilespmem:v7+s25+$0x0] =	vst.idx.msk $0xffff, v46  }
0x44a: {  	v7 =	vor.u32 v3, v1;
	[tilespmem:v8+s24+$0x0] =	vst.idx.add.s32.msk vm3, v17  }
0x44b: {  	(xrf1) =	vunique.msk.u32 $0xffff, v5;
	v46 =	vld.idx.msk [tilespmem:v11+s24+$0x0], $0xffff  }
0x44c: {  	[tilespmem:v11+s24+$0x0] =	vst.idx.add.s32.msk vm0, v9;
	v1 =	vand.u32 $0xFF, v63;
	v3 =	vshrl.u32 v60, $0x10  }
0x44d: {  	v17 =	vand.u32 $0x7F, v55;
	v53 =	vor.u32 $0x200, v1;
	[tilespmem:v6+s24+$0x0] =	vst.idx.add.s32.msk vm4, v22;
	v1 =	vand.u32 $0xFF, v3  }
0x44e: {  	v8 =	vadd.s32 v59, v44;
	[tilespmem:v4+s25+$0x0] =	vst.idx.msk $0xffff, v38;
	v55 =	vor.u32 $0x600, v1;
	v1 =	vadd.s32 v22, v61  }
0x44f: {  	(xrf1) =	vunique.msk.u32 $0xffff, v54;
	v6 =	vor.u32 v17, v57;
	v59 =	vld.idx.msk [tilespmem:v7+s24+$0x0], $0xffff;
	_, v11, vm0 =	vpop (xrf1);
	v17 =	vadd.s32 $0x800, v1  }
0x450: {  	v1 =	vand.u32 $0x7F, v39;
	v39 =	vld [tilespmem:$0x1FC20]  }
0x451: {  	v13 =	vor.u32 v1, v13  }
0x452: {  	[tilespmem:v7+s24+$0x0] =	vst.idx.add.s32.msk vm2, v0;
	v9 =	vadd.s32 v9, v46  }
0x453: {  	_, v7, vm1 =	vpop (xrf1);
	[tilespmem:v8+s25+$0x0] =	vst.idx.msk $0xffff, v34;
	v8 =	vadd.s32 $0x1000, v9  }
0x454: {  	v29 =	vand.u32 $0x7F, v29;
	v46 =	vld.idx.msk [tilespmem:v6+s24+$0x0], $0xffff;
	v0 =	vadd.s32 v0, v59;
	[tilespmem:v17+s25+$0x0] =	vst.idx.msk $0xffff, v28  }
0x455: {  	v9 =	vor.u32 v29, v33;
	v61 =	vand.u32 $0xFF, v39;
	_, v17, vm2 =	vpop (xrf1);
	[tilespmem:v6+s24+$0x0] =	vst.idx.add.s32.msk vm0, v11;
	v0 =	vadd.s32 $0x1800, v0  }
0x456: {  	v6 =	vand.u32 $0x7F, v50;
	v28 =	vld.idx.msk [tilespmem:v13+s24+$0x0], $0xffff  }
0x457: {  	v10 =	vand.u32 $0xA80, v58;
	(xrf1) =	vunique.msk.u32 $0xffff, v58;
	_, v58, vm0 =	vpop (xrf1);
	v6 =	vor.u32 v6, v14  }
0x458: {  	[tilespmem:v8+s25+$0x0] =	vst.idx.msk $0xffff, v24  }
0x459: {  	v38 =	vor.u32 $0x200, v61;
	[tilespmem:v13+s24+$0x0] =	vst.idx.add.s32.msk vm1, v7;
	v11 =	vadd.s32 v11, v46;
	_, v61, vm3 =	vpop (xrf1);
	(xrf1) =	vunique.msk.u32 $0xffff, v47  }
0x45a: {  	v49 =	vand.u32 $0x680, v54;
	v62 =	vmov v12;
	v40 =	vshrl.u32 v12, $0x10;
	v12 =	vld.idx.msk [tilespmem:v9+s24+$0x0], $0xffff;
	[tilespmem:v0+s25+$0x0] =	vst.idx.msk $0xffff, v30  }
0x45b: {  	v52 =	vand.u32 $0x280, v5;
	v59 =	vand.u32 $0x7F, v48;
	[tilespmem:v9+s24+$0x0] =	vst.idx.add.s32.msk vm2, v17;
	v7 =	vadd.s32 v7, v28  }
0x45c: {  	v8 =	vor.u32 v59, v52;
	v9 =	vld.idx.msk [tilespmem:v6+s24+$0x0], $0xffff;
	v0 =	vadd.s32 $0x800, v7;
	v7 =	vand.u32 $0x7F, v26  }
0x45d: {  	[tilespmem:v6+s24+$0x0] =	vst.idx.add.s32.msk vm0, v58;
	_, v6, vm0 =	vpop (xrf1);
	v7 =	vor.u32 v7, v49  }
0x45e: {  	(xrf1) =	vunique.msk.u32 $0xffff, v53;
	[tilespmem:v11+s25+$0x0] =	vst.idx.msk $0xffff, v37;
	v11 =	vld [tilespmem:$0x1FC40];
	_ =	sdelay $0x1  }
0x45f: {  	v12 =	vadd.s32 v17, v12  }
0x460: {  	v13 =	vand.u32 $0x7F, v25;
	v17 =	vld.idx.msk [tilespmem:v8+s24+$0x0], $0xffff;
	v12 =	vadd.s32 $0x1000, v12;
	[tilespmem:v0+s25+$0x0] =	vst.idx.msk $0xffff, v23  }
0x461: {  	v4 =	vand.u32 $0x280, v53;
	v10 =	vor.u32 v13, v10;
	(xrf1) =	vunique.msk.u32 $0xffff, v56;
	v9 =	vadd.s32 v58, v9;
	v0 =	vld.idx.msk [tilespmem:v7+s24+$0x0], $0xffff  }
0x462: {  	v11 =	vor.u32 $0xA00, v11;
	[tilespmem:v7+s24+$0x0] =	vst.idx.add.s32.msk vm0, v6;
	v7 =	vadd.s32 $0x1800, v9;
	v9 =	vand.u32 $0xE80, v47  }
0x463: {  	(xrf1) =	vunique.msk.u32 $0xffff, v11;
	v9 =	vor.u32 v51, v9  }
0x464: {  	[tilespmem:v8+s24+$0x0] =	vst.idx.add.s32.msk vm3, v61  }
0x465: {  	v13 =	vand.u32 $0x7F, v63;
	_, v8, vm1 =	vpop (xrf1);
	[tilespmem:v12+s25+$0x0] =	vst.idx.msk $0xffff, v21  }
0x466: {  	v43 =	vand.u32 $0xE80, v2;
	v12 =	vadd.s32 v61, v17;
	v17 =	vld.idx.msk [tilespmem:v10+s24+$0x0], $0xffff;
	(xrf1) =	vunique.msk.u32 $0xffff, v2;
	v2 =	vor.u32 v13, v4;
	_, v4, vm0 =	vpop (xrf1)  }
0x467: {  	v5 =	vand.u32 $0x680, v56;
	v13 =	vld [tilespmem:$0x1FC60];
	v0 =	vadd.s32 v6, v0;
	v6 =	vand.u32 $0x7F, v45;
	[tilespmem:v7+s25+$0x0] =	vst.idx.msk $0xffff, v27  }
0x468: {  	v5 =	vor.u32 v6, v5;
	v6 =	vld.idx.msk [tilespmem:v9+s24+$0x0], $0xffff;
	_ =	sdelay $0x1  }
0x469: {  	v54 =	vld [tilespmem:$0x1FC30];
	v0 =	vadd.s32 $0x800, v0  }
0x46a: {  	[tilespmem:v10+s24+$0x0] =	vst.idx.add.s32.msk vm1, v8;
	_, v10, vm1 =	vpop (xrf1)  }
0x46b: {  	v11 =	vand.u32 $0xA80, v11;
	(xrf1) =	vunique.msk.u32 $0xffff, v38;
	v8 =	vadd.s32 v8, v17;
	[tilespmem:v9+s24+$0x0] =	vst.idx.add.s32.msk vm0, v4  }
0x46c: {  	v13 =	vand.u32 $0x7F, v13;
	v8 =	vadd.s32 $0x1000, v8;
	v4 =	vadd.s32 v4, v6;
	v6 =	vld [tilespmem:$0x1FC70]  }
0x46d: {  	[tilespmem:v12+s25+$0x0] =	vst.idx.msk $0xffff, v32;
	(xrf1) =	vunique.msk.u32 $0xffff, v55;
	v11 =	vor.u32 v13, v11  }
0x46e: {  	v12 =	vld.idx.msk [tilespmem:v2+s24+$0x0], $0xffff;
	_, v7, vm2 =	vpop (xrf1);
	[tilespmem:v0+s25+$0x0] =	vst.idx.msk $0xffff, v20  }
0x46f: {  	(xrf1) =	vunique.msk.u32 $0xffff, v54;
	v0 =	vld.idx.msk [tilespmem:v5+s24+$0x0], $0xffff  }
0x470: {  	[tilespmem:v2+s24+$0x0] =	vst.idx.add.s32.msk vm1, v10;
	_, v2, vm0 =	vpop (xrf1)  }
0x471: {  	[tilespmem:v8+s25+$0x0] =	vst.idx.msk $0xffff, v6  }
0x472: {  	v9 =	vld.idx.msk [tilespmem:v11+s24+$0x0], $0xffff  }
0x473: {  	v42 =	vand.u32 $0xFF, v40  }
0x474: {  	v42 =	vor.u32 $0xE00, v42;
	v4 =	vadd.s32 $0x1800, v4;
	[tilespmem:v5+s24+$0x0] =	vst.idx.add.s32.msk vm2, v7;
	v0 =	vadd.s32 v7, v0  }
0x475: {  	v5 =	vadd.s32 v10, v12;
	(xrf1) =	vunique.msk.u32 $0xffff, v42;
	v7 =	vadd.s32 $0x800, v0;
	v0 =	vld [tilespmem:$0x1FC80]  }
0x476: {  	(xrf1) =	vunique.msk.u32 $0xffff, v41;
	v6 =	vand.u32 $0x7F, v35;
	[tilespmem:v11+s24+$0x0] =	vst.idx.add.s32.msk vm0, v2  }
0x477: {  	v6 =	vor.u32 v6, v43;
	_, v10, vm0 =	vpop (xrf1);
	v2 =	vadd.s32 v2, v9;
	v9 =	vld [tilespmem:$0x1FC90]  }
0x478: {  	v57 =	vand.u32 $0x280, v38;
	v8 =	vand.u32 $0x7F, v39  }
0x479: {  	v1 =	vand.u32 $0xA80, v54;
	v8 =	vor.u32 v8, v57;
	[tilespmem:v4+s25+$0x0] =	vst.idx.msk $0xffff, v19;
	_, v12, vm1 =	vpop (xrf1)  }
0x47a: {  	v3 =	vand.u32 $0x7F, v3;
	v44 =	vand.u32 $0x680, v55;
	v17 =	vld [tilespmem:$0x1FC50];
	[tilespmem:v5+s25+$0x0] =	vst.idx.msk $0xffff, v0  }
0x47b: {  	v3 =	vor.u32 v3, v44;
	_, v0, vm2 =	vpop (xrf1);
	v2 =	vadd.s32 $0x1000, v2;
	[tilespmem:v7+s25+$0x0] =	vst.idx.msk $0xffff, v16;
	v7 =	vld [tilespmem:$0x1FCB0]  }
0x47c: {  	v4 =	vld.idx.msk [tilespmem:v6+s24+$0x0], $0xffff;
	v9 =	vand.u32 $0x7F, v9  }
0x47d: {  	[tilespmem:v6+s24+$0x0] =	vst.idx.add.s32.msk vm0, v10;
	v9 =	vor.u32 v9, v1;
	_, v1, vm0 =	vpop (xrf1)  }
0x47e: {  	v5 =	vld.idx.msk [tilespmem:v8+s24+$0x0], $0xffff  }
0x47f: {  	p0 =	seq.s32 s7, $0xFFFFFE00;
	[tilespmem:v8+s24+$0x0] =	vst.idx.add.s32.msk vm1, v12  }
.Ltmp8:
0x480: {  	v11 =	vld.idx.msk [tilespmem:v3+s24+$0x0], $0xffff;
	[tilespmem:v2+s25+$0x0] =	vst.idx.msk $0xffff, v7;
	(pc) =	sbr.rel @!p0 .LBB2_17-.Ltmp8, $4  }
0x481: {  	v8 =	vadd.s32 v10, v4;
	[tilespmem:v3+s24+$0x0] =	vst.idx.add.s32.msk vm2, v0  }
0x482: {  	v36 =	vand.u32 $0x280, v41;
	v6 =	vmovc v15;
	v4 =	vand.u32 $0x7F, v40;
	v16 =	vadd.s32 $0x1800, v8;
	v15 =	vld.idx.msk [tilespmem:v9+s24+$0x0], $0xffff  }
0x483: {  	v2 =	vand.u32 $0xE80, v42;
	v7 =	vand.u32 $0x7F, v31;
	v14 =	vadd.s32 v12, v5;
	[tilespmem:v9+s24+$0x0] =	vst.idx.add.s32.msk vm0, v1;
	_, v3, vm0 =	vpop (xrf1)  }
0x484: {  	s7 =	sadd.s32 $0x200, s7;
	v5 =	vld [tilespmem:$0x1FCA0];
	v13 =	vor.u32 v4, v2;
	v12 =	vor.u32 v7, v36;
	v9 =	vmov v18;
	_, v10, vm1 =	vpop (xrf1)  }
.LBB2_18:
0x485: {  	_ =	sdelay $0x3  }
0x486: {  	[tilespmem:v16+s25+$0x0] =	vst.idx.msk $0xffff, v6  }
0x487: {  	v2 =	vld.idx.msk [tilespmem:v13+s24+$0x0], $0xffff  }
0x488: {  	[tilespmem:v14+s25+$0x0] =	vst.idx.msk $0xffff, v5  }
0x489: {  	v4 =	vld.idx.msk [tilespmem:v12+s24+$0x0], $0xffff  }
0x48a: {  	v0 =	vadd.s32 v0, v11  }
0x48b: {  	v0 =	vadd.s32 $0x800, v0;
	v1 =	vadd.s32 v1, v15  }
0x48c: {  	v1 =	vadd.s32 $0x1000, v1;
	v2 =	vadd.s32 v3, v2  }
0x48d: {  	v2 =	vadd.s32 $0x1800, v2  }
0x48e: {  	[tilespmem:v13+s24+$0x0] =	vst.idx.add.s32.msk vm0, v3;
	v3 =	vadd.s32 v10, v4  }
0x48f: {  	[tilespmem:v12+s24+$0x0] =	vst.idx.add.s32.msk vm1, v10  }
0x490: {  	[tilespmem:v0+s25+$0x0] =	vst.idx.msk $0xffff, v60  }
0x491: {  	[tilespmem:v1+s25+$0x0] =	vst.idx.msk $0xffff, v17  }
0x492: {  	s1 =	simm.s32 $0x0;
	[tilespmem:v2+s25+$0x0] =	vst.idx.msk $0xffff, v62  }
0x493: {  	s1 =	sand.u32 $0xE0, s1;
	[tilespmem:v3+s25+$0x0] =	vst.idx.msk $0xffff, v9  }
0x494: {  	v0 =	vld [tilespmem:s1+$0x4B00];
	_ =	sdelay $0x4  }
0x495: {  	(xrf0) =	vadd.scan.msk.s32 $0xffff, v0;
	_ =	sdelay $0x5  }
0x496: {  	v4, _, _ =	vpop (xrf0)  }
0x497: {  	(v2sf) =	vpush v4, $0xF  }
0x498: {  	v1 =	vld [tilespmem:s1+$0x4300]  }
0x499: {  	v2 =	vld [tilespmem:s1+$0x4700]  }
0x49a: {  	v3 =	vld [tilespmem:s1+$0x4F00];
	_ =	sdelay $0x2  }
0x49b: {  	(xrf0) =	vadd.scan.msk.s32 $0xffff, v1  }
0x49c: {  	(xrf0) =	vadd.scan.msk.s32 $0xffff, v2  }
0x49d: {  	(xrf0) =	vadd.scan.msk.s32 $0xffff, v3;
	_ =	sdelay $0x3  }
0x49e: {  	s5 =	simm.s32 $0xFFFFFFFF;
	v5, _, _ =	vpop (xrf0)  }
0x49f: {  	v0 =	vsub.s32 s5, v0;
	v6, _, _ =	vpop (xrf0);
	(v2sf) =	vpush v5, $0xF  }
0x4a0: {  	v1 =	vsub.s32 s5, v1;
	v0 =	vadd.s32 v4, v0;
	v7, _, _ =	vpop (xrf0);
	(v2sf) =	vpush v6, $0xF  }
0x4a1: {  	v1 =	vadd.s32 v5, v1;
	[tilespmem:s1+$0x4B00] =	vst v0;
	v0 =	vsub.s32 s5, v2;
	s9 =	spop (v2sf);
	(v2sf) =	vpush v7, $0xF  }
0x4a2: {  	v3 =	vsub.s32 s5, v3;
	[tilespmem:s1+$0x4300] =	vst v1;
	v0 =	vadd.s32 v6, v0  }
0x4a3: {  	v2 =	vadd.s32 v7, v3;
	[tilespmem:s1+$0x4700] =	vst v0  }
0x4a4: {  	s0 =	simm.s32 $0x4B10;
	[tilespmem:s1+$0x4F00] =	vst v2  }
0x4a5: {  	v4 =	vld [tilespmem:s0+$0x0]  }
0x4a6: {  	v3 =	vld [tilespmem:s0+$0xFFFFF800]  }
0x4a7: {  	v1 =	vld [tilespmem:s0+$0x400]  }
0x4a8: {  	v0 =	vld [tilespmem:s0+$0xFFFFFC00];
	_ =	sdelay $0x1  }
0x4a9: {  	(xrf0) =	vadd.scan.msk.s32 $0xffff, v4  }
0x4aa: {  	s3 =	simm.s32 $0x2;
	(xrf0) =	vadd.scan.msk.s32 $0xffff, v3  }
0x4ab: {  	s4 =	simm.s32 $0x20;
	s7 =	simm.s32 $0xFFFFFFFF;
	s8 =	simm.s32 $0xFFFFFFFF;
	(xrf0) =	vadd.scan.msk.s32 $0xffff, v1  }
0x4ac: {  	s6 =	simm.s32 $0xFFFFFFFF;
	s2 =	simm.s32 $0x4B10;
	s1 =	sand.u32 $0xE0, s4;
	(xrf0) =	vadd.scan.msk.s32 $0xffff, v0  }
.LBB2_19:
0x4ad: {  	s3 =	sadd.s32 $0x2, s3;
	s0 =	sadd.s32 $0x20, s0;
	s10 =	spop (v2sf)  }
0x4ae: {  	s5 =	sadd.s32 s5, s9;
	p0 =	slt.u32 s3, $0xE;
	s9 =	spop (v2sf)  }
0x4af: {  	s7 =	sadd.s32 s7, s10;
	v7 =	vsub.s32 s5, v4;
	s10 =	spop (v2sf);
	v4, _, _ =	vpop (xrf0)  }
0x4b0: {  	v8 =	vsub.s32 s7, v3;
	s8 =	sadd.s32 s8, s10;
	v6 =	vadd.s32 v4, v7;
	v5, _, _ =	vpop (xrf0);
	(v2sf) =	vpush v4, $0xF  }
0x4b1: {  	s6 =	sadd.s32 s6, s9;
	v4 =	vadd.s32 v5, v8;
	[tilespmem:s2+$0x0] =	vst v6;
	v1 =	vsub.s32 s8, v1;
	(v2sf) =	vpush v5, $0xF;
	v2, _, _ =	vpop (xrf0)  }
0x4b2: {  	v0 =	vsub.s32 s6, v0;
	[tilespmem:s2+$0xFFFFF800] =	vst v4;
	v1 =	vadd.s32 v2, v1;
	v3, _, _ =	vpop (xrf0);
	(v2sf) =	vpush v2, $0xF  }
0x4b3: {  	v0 =	vadd.s32 v3, v0;
	[tilespmem:s2+$0x400] =	vst v1;
	(v2sf) =	vpush v3, $0xF  }
0x4b4: {  	[tilespmem:s2+$0xFFFFFC00] =	vst v0;
	s2 =	smov.u32 s0  }
0x4b5: {  	v0 =	vld [tilespmem:s1+$0x4B00]  }
0x4b6: {  	v1 =	vld [tilespmem:s1+$0x4300]  }
0x4b7: {  	v2 =	vld [tilespmem:s1+$0x4700]  }
0x4b8: {  	v3 =	vld [tilespmem:s1+$0x4F00];
	_ =	sdelay $0x1  }
0x4b9: {  	(xrf0) =	vadd.scan.msk.s32 $0xffff, v0  }
0x4ba: {  	(xrf0) =	vadd.scan.msk.s32 $0xffff, v1  }
0x4bb: {  	(xrf0) =	vadd.scan.msk.s32 $0xffff, v2  }
0x4bc: {  	(xrf0) =	vadd.scan.msk.s32 $0xffff, v3;
	_ =	sdelay $0x1  }
0x4bd: {  	s9 =	spop (v2sf)  }
0x4be: {  	v4, _, _ =	vpop (xrf0);
	s5 =	sadd.s32 s5, s9;
	s9 =	spop (v2sf)  }
0x4bf: {  	v0 =	vsub.s32 s5, v0;
	v5, _, _ =	vpop (xrf0);
	(v2sf) =	vpush v4, $0xF;
	s7 =	sadd.s32 s7, s9;
	s9 =	spop (v2sf)  }
0x4c0: {  	v1 =	vsub.s32 s7, v1;
	v0 =	vadd.s32 v4, v0;
	(v2sf) =	vpush v5, $0xF;
	v4, _, _ =	vpop (xrf0);
	s8 =	sadd.s32 s8, s9;
	s9 =	spop (v2sf)  }
0x4c1: {  	v1 =	vadd.s32 v5, v1;
	v3 =	vsub.s32 s8, v3;
	(v2sf) =	vpush v4, $0xF;
	v5, _, _ =	vpop (xrf0);
	s6 =	sadd.s32 s6, s9  }
0x4c2: {  	v2 =	vsub.s32 s6, v2;
	[tilespmem:s1+$0x4B00] =	vst v0;
	v0 =	vadd.s32 v5, v3;
	(v2sf) =	vpush v5, $0xF  }
0x4c3: {  	[tilespmem:s1+$0x4300] =	vst v1;
	v1 =	vadd.s32 v4, v2  }
0x4c4: {  	[tilespmem:s1+$0x4F00] =	vst v0  }
0x4c5: {  	[tilespmem:s1+$0x4700] =	vst v1  }
0x4c6: {  	v4 =	vld [tilespmem:s0+$0x0]  }
0x4c7: {  	s4 =	sadd.s32 $0x20, s4;
	v3 =	vld [tilespmem:s0+$0xFFFFF800]  }
0x4c8: {  	s1 =	sand.u32 $0xE0, s4;
	v1 =	vld [tilespmem:s0+$0x400]  }
0x4c9: {  	v0 =	vld [tilespmem:s0+$0xFFFFFC00]  }
.Ltmp9:
0x4ca: {  	(pc) =	sbr.rel @p0 .LBB2_19-.Ltmp9, $4  }
0x4cb: {  	(xrf0) =	vadd.scan.msk.s32 $0xffff, v4  }
0x4cc: {  	(xrf0) =	vadd.scan.msk.s32 $0xffff, v3  }
0x4cd: {  	(xrf0) =	vadd.scan.msk.s32 $0xffff, v1  }
0x4ce: {  	s9 =	spop (v2sf);
	(xrf0) =	vadd.scan.msk.s32 $0xffff, v0  }
0x4cf: {  	_ = 	snop  }
0x4d0: {  	s3 =	spop (v2sf);
	s4 =	sadd.s32 s5, s9  }
0x4d1: {  	s3 =	sadd.s32 s7, s3;
	v2 =	vsub.s32 s4, v4;
	v4, _, _ =	vpop (xrf0)  }
0x4d2: {  	s13 =	spop (v2sf);
	v3 =	vsub.s32 s3, v3;
	v5, _, _ =	vpop (xrf0)  }
0x4d3: {  	s14 =	spop (v2sf);
	v3 =	vadd.s32 v5, v3  }
0x4d4: {  	s7 =	sadd.s32 s8, s14;
	v2 =	vadd.s32 v4, v2;
	(v2sf) =	vpush v4, $0xF  }
0x4d5: {  	s5 =	sadd.s32 s6, s13;
	[tilespmem:s2+$0x0] =	vst v2;
	v1 =	vsub.s32 s7, v1;
	(v2sf) =	vpush v5, $0xF;
	v58, _, _ =	vpop (xrf0)  }
0x4d6: {  	v0 =	vsub.s32 s5, v0;
	[tilespmem:s2+$0xFFFFF800] =	vst v3;
	v1 =	vadd.s32 v58, v1;
	(v2sf) =	vpush v58, $0xF;
	v3, _, _ =	vpop (xrf0)  }
0x4d7: {  	[tilespmem:s2+$0x400] =	vst v1;
	v0 =	vadd.s32 v3, v0;
	(v2sf) =	vpush v3, $0xF  }
0x4d8: {  	[tilespmem:s2+$0xFFFFFC00] =	vst v0  }
0x4d9: {  	v0 =	vld [tilespmem:s1+$0x4B00]  }
0x4da: {  	v1 =	vld [tilespmem:s1+$0x4300]  }
0x4db: {  	v59 =	vld [tilespmem:s1+$0x4700]  }
0x4dc: {  	v3 =	vld [tilespmem:s1+$0x4F00];
	_ =	sdelay $0x1  }
0x4dd: {  	(xrf0) =	vadd.scan.msk.s32 $0xffff, v0  }
0x4de: {  	(xrf0) =	vadd.scan.msk.s32 $0xffff, v1  }
0x4df: {  	(xrf0) =	vadd.scan.msk.s32 $0xffff, v59  }
0x4e0: {  	(xrf0) =	vadd.scan.msk.s32 $0xffff, v3;
	_ =	sdelay $0x1  }
0x4e1: {  	s15 =	spop (v2sf)  }
0x4e2: {  	s2 =	sadd.s32 s4, s15;
	s16 =	spop (v2sf);
	v4, _, _ =	vpop (xrf0)  }
0x4e3: {  	v0 =	vsub.s32 s2, v0;
	s3 =	sadd.s32 s3, s16;
	s17 =	spop (v2sf);
	v5, _, _ =	vpop (xrf0)  }
0x4e4: {  	v1 =	vsub.s32 s3, v1;
	s4 =	sadd.s32 s7, s17;
	v0 =	vadd.s32 v4, v0;
	v6, _, _ =	vpop (xrf0);
	s18 =	spop (v2sf)  }
0x4e5: {  	v3 =	vsub.s32 s4, v3;
	v1 =	vadd.s32 v5, v1;
	[tilespmem:s1+$0x4B00] =	vst v0;
	v7, _, _ =	vpop (xrf0);
	s5 =	sadd.s32 s5, s18  }
0x4e6: {  	[tilespmem:s1+$0x4300] =	vst v1;
	v60 =	vsub.s32 s5, v59;
	v61 =	vadd.s32 v7, v3  }
0x4e7: {  	v0 =	vadd.s32 v6, v60;
	[tilespmem:s1+$0x4F00] =	vst v61  }
0x4e8: {  	s0 =	sadd.s32 $0x20, s0;
	[tilespmem:s1+$0x4700] =	vst v0  }
0x4e9: {  	v0 =	vld [tilespmem:s0+$0x0]  }
0x4ea: {  	v1 =	vld [tilespmem:s0+$0xFFFFF800]  }
0x4eb: {  	v2 =	vld [tilespmem:s0+$0x400]  }
0x4ec: {  	v3 =	vld [tilespmem:s0+$0xFFFFFC00];
	_ =	sdelay $0x1  }
0x4ed: {  	(xrf0) =	vadd.scan.msk.s32 $0xffff, v0  }
0x4ee: {  	(v2sf) =	vpush v4, $0xF;
	(xrf0) =	vadd.scan.msk.s32 $0xffff, v1  }
0x4ef: {  	(v2sf) =	vpush v5, $0xF;
	(xrf0) =	vadd.scan.msk.s32 $0xffff, v2  }
0x4f0: {  	(v2sf) =	vpush v6, $0xF;
	(xrf0) =	vadd.scan.msk.s32 $0xffff, v3  }
0x4f1: {  	(v2sf) =	vpush v7, $0xF;
	_ =	sdelay $0x1  }
0x4f2: {  	v4, _, _ =	vpop (xrf0)  }
0x4f3: {  	v5, _, _ =	vpop (xrf0);
	(v2sf) =	vpush v4, $0xF  }
0x4f4: {  	(v2sf) =	vpush v5, $0xF;
	v6, _, _ =	vpop (xrf0)  }
0x4f5: {  	v7, _, _ =	vpop (xrf0);
	(v2sf) =	vpush v6, $0xF  }
0x4f6: {  	(v2sf) =	vpush v7, $0xF;
	_ =	sdelay $0x5  }
0x4f7: {  	s19 =	spop (v2sf)  }
0x4f8: {  	s20 =	spop (v2sf)  }
0x4f9: {  	s1 =	sadd.s32 s2, s19;
	s21 =	spop (v2sf)  }
0x4fa: {  	s3 =	sadd.s32 s3, s20;
	v0 =	vsub.s32 s1, v0;
	s22 =	spop (v2sf)  }
0x4fb: {  	v0 =	vadd.s32 v4, v0;
	v1 =	vsub.s32 s3, v1;
	s23 =	sadd.s32 s4, s22  }
0x4fc: {  	s26 =	sadd.s32 s5, s21;
	v1 =	vadd.s32 v5, v1;
	[tilespmem:s0+$0x0] =	vst v0;
	v62 =	vsub.s32 s23, v2  }
0x4fd: {  	s6 =	simm.s32 $0xA030;
	s7 =	rddreg [dreg:$0x14];
	v63 =	vsub.s32 s26, v3;
	[tilespmem:s0+$0xFFFFF800] =	vst v1;
	v0 =	vadd.s32 v6, v62;
	s28 =	spop (v2sf)  }
0x4fe: {  	s2 =	simm.s32 $0xA000;
	s3 =	simm.s32 $0xA010;
	v1 =	vadd.s32 v7, v63;
	[tilespmem:s0+$0x400] =	vst v0;
	s29 =	spop (v2sf)  }
0x4ff: {  	s5 =	simm.s32 $0xA020;
	[tilespmem:s0+$0xFFFFFC00] =	vst v1;
	s0 =	rddreg [dreg:$0x16];
	s30 =	spop (v2sf)  }
0x500: {  	v60 =	vimm.s32 $0x80000000;
	s4 =	simm.s32 $0x9000;
	v4 =	vmov s0;
	s0 =	simm.s32 $0xFFFFE000;
	s31 =	spop (v2sf)  }
.LBB2_21:
0x501: {  	s1 =	sshra.s32 s0, $0x2  }
0x502: {  	v29 =	vld [tilespmem:s1+$0x2800];
	_ =	sdelay $0x4  }
0x503: {  	v0 =	vshrl.u32 v29, $0x18  }
0x504: {  	v0 =	vor.u32 $0x300, v0  }
0x505: {  	(xrf1) =	vunique.msk.u32 $0xffff, v0;
	_ =	sdelay $0x1  }
0x506: {  	v28 =	vld [tilespmem:s1+$0x2810];
	_ =	sdelay $0x2  }
0x507: {  	v26 =	vld [tilespmem:s1+$0x2820];
	_ =	sdelay $0x1  }
0x508: {  	v1 =	vshrl.u32 v28, $0x18  }
0x509: {  	v1 =	vor.u32 $0x300, v1  }
0x50a: {  	(xrf1) =	vunique.msk.u32 $0xffff, v1  }
0x50b: {  	v2 =	vshrl.u32 v26, $0x18  }
0x50c: {  	v2 =	vor.u32 $0x300, v2  }
0x50d: {  	(xrf1) =	vunique.msk.u32 $0xffff, v2;
	_ =	sdelay $0x1  }
0x50e: {  	v23 =	vld [tilespmem:s1+$0x2830];
	_, v3, vm0 =	vpop (xrf1)  }
0x50f: {  	v32 =	vld [tilespmem:s1+$0x2840]  }
0x510: {  	v25 =	vld [tilespmem:s1+$0x2850]  }
0x511: {  	v20 =	vld [tilespmem:s1+$0x2860]  }
0x512: {  	v5 =	vld.idx.msk [tilespmem:v0+s24+$0x0], $0xffff  }
0x513: {  	v11 =	vld [tilespmem:s1+$0x2870]  }
0x514: {  	v46 =	vshrl.u32 v23, $0x18;
	[tilespmem:v0+s24+$0x0] =	vst.idx.add.s32.msk vm0, v3  }
0x515: {  	v7 =	vor.u32 $0x300, v46;
	v6 =	vld.idx.msk [tilespmem:v1+s24+$0x0], $0xffff  }
0x516: {  	(xrf1) =	vunique.msk.u32 $0xffff, v7;
	v47 =	vadd.s32 v4, v3  }
0x517: {  	v8 =	vshrl.u32 v32, $0x18;
	_, v3, vm0 =	vpop (xrf1);
	v0 =	vadd.s32 v5, v47  }
0x518: {  	v5 =	vor.u32 $0x300, v8  }
0x519: {  	v48 =	vadd.s32 v4, v3;
	(xrf1) =	vunique.msk.u32 $0xffff, v5  }
0x51a: {  	_, v49, vm1 =	vpop (xrf1);
	v6 =	vadd.s32 v6, v48  }
0x51b: {  	v19 =	vld [tilespmem:s1+$0x3000]  }
0x51c: {  	v35 =	vld.idx.msk [tilespmem:v0+s4+$0x0], $0xffff  }
0x51d: {  	[tilespmem:v1+s24+$0x0] =	vst.idx.add.s32.msk vm0, v3  }
0x51e: {  	v9 =	vshrl.u32 v25, $0x18;
	v1 =	vld.idx.msk [tilespmem:v2+s24+$0x0], $0xffff  }
0x51f: {  	v50 =	vshrl.u32 v20, $0x18;
	v51 =	vshrl.u32 v11, $0x18;
	v9 =	vor.u32 $0x300, v9;
	v31 =	vld.idx.msk [tilespmem:v6+s4+$0x0], $0xffff  }
0x520: {  	v16 =	vor.u32 $0x300, v50;
	(xrf1) =	vunique.msk.u32 $0xffff, v9;
	v3 =	vshrl.u32 v19, $0x18;
	[tilespmem:v2+s24+$0x0] =	vst.idx.add.s32.msk vm1, v49  }
0x521: {  	(xrf1) =	vunique.msk.u32 $0xffff, v16;
	v0 =	vor.u32 $0x300, v51;
	v52 =	vor.u32 $0x700, v3;
	v3 =	vld.idx.msk [tilespmem:v7+s24+$0x0], $0xffff  }
0x522: {  	(xrf1) =	vunique.msk.u32 $0xffff, v0  }
0x523: {  	(xrf1) =	vunique.msk.u32 $0xffff, v52;
	v6 =	vadd.s32 v4, v49  }
0x524: {  	_, v53, vm14 =	vpop (xrf1);
	v1 =	vadd.s32 v1, v6  }
0x525: {  	v33 =	vld [tilespmem:s1+$0x3010];
	v6 =	vadd.s32 v4, v53  }
0x526: {  	v3 =	vadd.s32 v3, v6  }
0x527: {  	_, v10, vm2 =	vpop (xrf1)  }
0x528: {  	v22 =	vld [tilespmem:s1+$0x3020]  }
0x529: {  	v44 =	vld.idx.msk [tilespmem:v1+s4+$0x0], $0xffff  }
0x52a: {  	v54 =	vshrl.u32 v33, $0x18;
	[tilespmem:v7+s24+$0x0] =	vst.idx.add.s32.msk vm14, v53  }
0x52b: {  	v55 =	vor.u32 $0x700, v54;
	v43 =	vld.idx.msk [tilespmem:v3+s4+$0x0], $0xffff  }
0x52c: {  	(xrf1) =	vunique.msk.u32 $0xffff, v55;
	v3 =	vld.idx.msk [tilespmem:v5+s24+$0x0], $0xffff  }
0x52d: {  	[tilespmem:v5+s24+$0x0] =	vst.idx.add.s32.msk vm2, v10;
	v5 =	vshrl.u32 v22, $0x18  }
0x52e: {  	_, v56, vm3 =	vpop (xrf1);
	v5 =	vor.u32 $0x700, v5  }
0x52f: {  	_, v38, vm15 =	vpop (xrf1);
	(xrf1) =	vunique.msk.u32 $0xffff, v5  }
0x530: {  	v27 =	vld [tilespmem:s1+$0x3030];
	_, v39, vm0 =	vpop (xrf1)  }
0x531: {  	_, v14, vm9 =	vpop (xrf1);
	v13 =	vld.idx.msk [tilespmem:v9+s24+$0x0], $0xffff  }
0x532: {  	v17 =	vld [tilespmem:s1+$0x3040]  }
0x533: {  	v12 =	vld [tilespmem:s1+$0x3050];
	v10 =	vadd.s32 v4, v10  }
0x534: {  	v15 =	vld.idx.msk [tilespmem:v52+s24+$0x0], $0xffff;
	v3 =	vadd.s32 v3, v10  }
0x535: {  	v7 =	vld [tilespmem:s1+$0x3060];
	v57 =	vadd.s32 v4, v56  }
0x536: {  	v6 =	vld [tilespmem:s1+$0x3070];
	v2 =	vadd.s32 v13, v57  }
0x537: {  	v59 =	vshrl.u32 v27, $0x18;
	[tilespmem:v52+s24+$0x0] =	vst.idx.add.s32.msk vm9, v14  }
0x538: {  	v21 =	vor.u32 $0x700, v59;
	v58 =	vld.idx.msk [tilespmem:v55+s24+$0x0], $0xffff  }
0x539: {  	(xrf1) =	vunique.msk.u32 $0xffff, v21;
	v14 =	vadd.s32 v4, v14;
	v49 =	vld.idx.msk [tilespmem:v3+s4+$0x0], $0xffff  }
0x53a: {  	v62 =	vshrl.u32 v17, $0x18;
	_, v18, vm10 =	vpop (xrf1);
	v61 =	vadd.s32 v15, v14;
	[tilespmem:v9+s24+$0x0] =	vst.idx.add.s32.msk vm3, v56  }
0x53b: {  	v47 =	vld.idx.msk [tilespmem:v2+s4+$0x0], $0xffff;
	v2 =	vor.u32 $0x700, v62  }
0x53c: {  	v36 =	vld [tilespmem:s1+$0x3800];
	v3 =	vadd.s32 v4, v18;
	(xrf1) =	vunique.msk.u32 $0xffff, v2  }
0x53d: {  	v34 =	vld [tilespmem:s1+$0x3810];
	v3 =	vadd.s32 v58, v3;
	_, v63, vm11 =	vpop (xrf1)  }
0x53e: {  	v24 =	vld [tilespmem:s1+$0x3820]  }
0x53f: {  	v42 =	vld.idx.msk [tilespmem:v61+s4+$0x0], $0xffff  }
0x540: {  	[tilespmem:v55+s24+$0x0] =	vst.idx.add.s32.msk vm10, v18  }
0x541: {  	v8 =	vld.idx.msk [tilespmem:v5+s24+$0x0], $0xffff  }
0x542: {  	v45 =	vld.idx.msk [tilespmem:v3+s4+$0x0], $0xffff  }
0x543: {  	[tilespmem:v5+s24+$0x0] =	vst.idx.add.s32.msk vm11, v63;
	v5 =	vshrl.u32 v12, $0x18  }
0x544: {  	v10 =	vld [tilespmem:s1+$0x4000];
	[tilespmem:$0x1FBD0] =	vst v42;
	v42 =	vor.u32 $0x700, v5;
	v5 =	vshrl.u32 v7, $0x18  }
0x545: {  	v46 =	vld.idx.msk [tilespmem:v21+s24+$0x0], $0xffff;
	(xrf1) =	vunique.msk.u32 $0xffff, v42;
	v51 =	vor.u32 $0x700, v5;
	v5 =	vshrl.u32 v6, $0x18  }
0x546: {  	v13 =	vld [tilespmem:s1+$0x3850];
	v56 =	vshrl.u32 v36, $0x18;
	(xrf1) =	vunique.msk.u32 $0xffff, v51;
	v30 =	vor.u32 $0x700, v5;
	v5 =	vadd.s32 v4, v63  }
0x547: {  	v14 =	vld [tilespmem:s1+$0x3840];
	v53 =	vor.u32 $0xB00, v56;
	_, v37, vm12 =	vpop (xrf1);
	(xrf1) =	vunique.msk.u32 $0xffff, v30;
	v40 =	vadd.s32 v8, v5  }
0x548: {  	v9 =	vld.idx.msk [tilespmem:v16+s24+$0x0], $0xffff;
	(xrf1) =	vunique.msk.u32 $0xffff, v53  }
0x549: {  	v18 =	vld [tilespmem:s1+$0x3830];
	v5 =	vadd.s32 v4, v37  }
0x54a: {  	v8 =	vld [tilespmem:s1+$0x3860];
	_, v50, vm13 =	vpop (xrf1);
	v15 =	vadd.s32 v46, v5;
	v5 =	vshrl.u32 v34, $0x18  }
0x54b: {  	v54 =	vor.u32 $0xB00, v5;
	v5 =	vld [tilespmem:s1+$0x3870]  }
0x54c: {  	v48 =	vld.idx.msk [tilespmem:v40+s4+$0x0], $0xffff  }
0x54d: {  	v57 =	vshrl.u32 v24, $0x18;
	[tilespmem:v21+s24+$0x0] =	vst.idx.add.s32.msk vm12, v37  }
0x54e: {  	v59 =	vshrl.u32 v13, $0x18;
	v55 =	vor.u32 $0xB00, v57;
	(xrf1) =	vunique.msk.u32 $0xffff, v54;
	v63 =	vld.idx.msk [tilespmem:v2+s24+$0x0], $0xffff  }
0x54f: {  	v58 =	vshrl.u32 v14, $0x18;
	v61 =	vadd.s32 v4, v38;
	v41 =	vshrl.u32 v18, $0x18;
	[tilespmem:$0x1FBE0] =	vst v45;
	v45 =	vld.idx.msk [tilespmem:v15+s4+$0x0], $0xffff  }
0x550: {  	v52 =	vadd.s32 v9, v61;
	v46 =	vor.u32 $0xB00, v41;
	(xrf1) =	vunique.msk.u32 $0xffff, v55;
	[tilespmem:v2+s24+$0x0] =	vst.idx.add.s32.msk vm13, v50  }
0x551: {  	v41 =	vor.u32 $0xB00, v58;
	(xrf1) =	vunique.msk.u32 $0xffff, v46;
	v56 =	vld.idx.msk [tilespmem:v42+s24+$0x0], $0xffff  }
0x552: {  	[tilespmem:v16+s24+$0x0] =	vst.idx.add.s32.msk vm15, v38;
	v37 =	vor.u32 $0xB00, v59;
	v62 =	vshrl.u32 v8, $0x18;
	(xrf1) =	vunique.msk.u32 $0xffff, v41  }
0x553: {  	v57 =	vld.idx.msk [tilespmem:v53+s24+$0x0], $0xffff;
	v21 =	vor.u32 $0xB00, v62;
	v50 =	vadd.s32 v4, v50;
	(xrf1) =	vunique.msk.u32 $0xffff, v37;
	v1 =	vshrl.u32 v5, $0x18;
	_, v58, vm14 =	vpop (xrf1)  }
0x554: {  	v15 =	vshrl.u32 v10, $0x18;
	(xrf1) =	vunique.msk.u32 $0xffff, v21;
	v9 =	vor.u32 $0xB00, v1;
	v38 =	vadd.s32 v63, v50;
	_, v59, vm6 =	vpop (xrf1)  }
0x555: {  	v3 =	vld.idx.msk [tilespmem:v52+s4+$0x0], $0xffff;
	v2 =	vor.u32 $0xF00, v15;
	(xrf1) =	vunique.msk.u32 $0xffff, v9;
	v52 =	vadd.s32 v4, v58;
	_, v40, vm2 =	vpop (xrf1)  }
0x556: {  	v15 =	vld [tilespmem:s1+$0x4010];
	(xrf1) =	vunique.msk.u32 $0xffff, v2;
	v50 =	vadd.s32 v56, v52;
	_, v61, vm15 =	vpop (xrf1)  }
0x557: {  	v16 =	vld [tilespmem:s1+$0x4020];
	v56 =	vadd.s32 v4, v61  }
0x558: {  	v62 =	vld.idx.msk [tilespmem:v0+s24+$0x0], $0xffff;
	v56 =	vadd.s32 v57, v56  }
0x559: {  	v52 =	vld.idx.msk [tilespmem:v38+s4+$0x0], $0xffff  }
0x55a: {  	[tilespmem:v42+s24+$0x0] =	vst.idx.add.s32.msk vm14, v58  }
0x55b: {  	vm12 =	vgt.s32 v29, $0xFFFFFFFF;
	v63 =	vshrl.u32 v15, $0x18;
	v50 =	vld.idx.msk [tilespmem:v50+s4+$0x0], $0xffff  }
0x55c: {  	vm13 =	vgt.s32 v28, $0xFFFFFFFF;
	v63 =	vor.u32 $0xF00, v63;
	v38 =	vsel vm12, $0xFFFFFFFF, v60;
	_, v57, vm8 =	vpop (xrf1);
	[tilespmem:v53+s24+$0x0] =	vst.idx.add.s32.msk vm15, v61  }
0x55d: {  	(xrf1) =	vunique.msk.u32 $0xffff, v63;
	v29 =	vxor.u32 v29, v38;
	v38 =	vsel vm13, $0xFFFFFFFF, v60;
	v53 =	vld.idx.msk [tilespmem:v56+s4+$0x0], $0xffff  }
0x55e: {  	v28 =	vxor.u32 v28, v38;
	vm14 =	vgt.s32 v26, $0xFFFFFFFF;
	_, v58, vm7 =	vpop (xrf1);
	v56 =	vld.idx.msk [tilespmem:v54+s24+$0x0], $0xffff  }
0x55f: {  	[tilespmem:v0+s24+$0x0] =	vst.idx.add.s32.msk vm0, v39;
	v35 =	vmul.f32 v29, v35;
	v28 =	vmul.f32 v28, v31;
	v0 =	vsel vm14, $0xFFFFFFFF, v60;
	_, v1, vm5 =	vpop (xrf1)  }
0x560: {  	vm9 =	vgt.s32 v23, $0xFFFFFFFF;
	v26 =	vxor.u32 v26, v0;
	[tilespmem:$0x1FBF0] =	vst v50;
	_, v50, vm4 =	vpop (xrf1)  }
0x561: {  	v31 =	vld [tilespmem:s1+$0x4040];
	v0 =	vadd.s32 v4, v57;
	v61 =	vshrl.u32 v16, $0x18;
	v28 =	vadd.f32 v28, v35;
	_, v42, vm3 =	vpop (xrf1)  }
0x562: {  	v26 =	vmul.f32 v26, v44;
	v61 =	vor.u32 $0xF00, v61;
	[tilespmem:v54+s24+$0x0] =	vst.idx.add.s32.msk vm8, v57;
	v54 =	vsel vm9, $0xFFFFFFFF, v60;
	_, v38, vm1 =	vpop (xrf1)  }
0x563: {  	v35 =	vld [tilespmem:s1+$0x4030];
	(xrf1) =	vunique.msk.u32 $0xffff, v61;
	v23 =	vxor.u32 v23, v54;
	_, v29, vm0 =	vpop (xrf1);
	v56 =	vadd.s32 v56, v0  }
0x564: {  	vm12 =	vgt.s32 v32, $0xFFFFFFFF;
	v26 =	vadd.f32 v26, v28;
	v28 =	vld [tilespmem:s1+$0x4050];
	v23 =	vmul.f32 v23, v43;
	_, v44, vm15 =	vpop (xrf1)  }
0x565: {  	vm13 =	vgt.s32 v25, $0xFFFFFFFF;
	v57 =	vsel vm12, $0xFFFFFFFF, v60;
	v43 =	vld.idx.msk [tilespmem:v2+s24+$0x0], $0xffff  }
0x566: {  	v32 =	vxor.u32 v32, v57;
	v57 =	vsel vm13, $0xFFFFFFFF, v60;
	v54 =	vadd.f32 v23, v26;
	v26 =	vld [tilespmem:s1+$0x4060]  }
0x567: {  	v25 =	vxor.u32 v25, v57;
	v23 =	vld [tilespmem:s1+$0x4070]  }
0x568: {  	v0 =	vshrl.u32 v35, $0x18;
	v25 =	vmul.f32 v25, v47;
	v47 =	vld.idx.msk [tilespmem:v56+s4+$0x0], $0xffff  }
0x569: {  	v0 =	vor.u32 $0xF00, v0;
	v56 =	vadd.s32 v4, v39;
	v39 =	vld.idx.msk [tilespmem:v55+s24+$0x0], $0xffff  }
0x56a: {  	(xrf1) =	vunique.msk.u32 $0xffff, v0;
	[tilespmem:v2+s24+$0x0] =	vst.idx.add.s32.msk vm15, v44;
	v2 =	vmul.f32 v32, v49;
	v44 =	vadd.s32 v4, v44  }
0x56b: {  	_, v32, vm14 =	vpop (xrf1);
	vm15 =	vgt.s32 v20, $0xFFFFFFFF;
	v43 =	vadd.s32 v43, v44;
	v44 =	vld.idx.msk [tilespmem:v63+s24+$0x0], $0xffff  }
0x56c: {  	v49 =	vld.idx.msk [tilespmem:v51+s24+$0x0], $0xffff;
	v2 =	vadd.f32 v2, v54;
	v54 =	vsel vm15, $0xFFFFFFFF, v60  }
0x56d: {  	vm11 =	vgt.s32 v19, $0xFFFFFFFF;
	[tilespmem:v51+s24+$0x0] =	vst.idx.add.s32.msk vm6, v59;
	v20 =	vxor.u32 v20, v54  }
0x56e: {  	vm12 =	vgt.s32 v33, $0xFFFFFFFF;
	v57 =	vadd.s32 v4, v32;
	v51 =	vmul.f32 v20, v3;
	v3 =	vld [tilespmem:$0x1FBD0]  }
0x56f: {  	[tilespmem:v55+s24+$0x0] =	vst.idx.add.s32.msk vm7, v58;
	v54 =	vadd.s32 v62, v56;
	v62 =	vshrl.u32 v31, $0x18;
	v56 =	vsel vm12, $0xFFFFFFFF, v60  }
0x570: {  	v25 =	vadd.f32 v25, v2;
	v2 =	vadd.s32 v44, v57;
	v20 =	vld.idx.msk [tilespmem:v43+s4+$0x0], $0xffff;
	v43 =	vor.u32 $0xF00, v62  }
0x571: {  	_, v55, vm7 =	vpop (xrf1);
	[tilespmem:v63+s24+$0x0] =	vst.idx.add.s32.msk vm14, v32;
	v63 =	vsel vm11, $0xFFFFFFFF, v60;
	v57 =	vadd.s32 v4, v58;
	(xrf1) =	vunique.msk.u32 $0xffff, v43  }
0x572: {  	v32 =	vxor.u32 v33, v56;
	v19 =	vxor.u32 v19, v63;
	v33 =	vadd.s32 v39, v57;
	v39 =	vld.idx.msk [tilespmem:v61+s24+$0x0], $0xffff  }
0x573: {  	vm10 =	vgt.s32 v17, $0xFFFFFFFF;
	vm8 =	vgt.s32 v18, $0xFFFFFFFF;
	v19 =	vmul.f32 v19, v3;
	v3 =	vld [tilespmem:$0x1FBE0]  }
0x574: {  	vm13 =	vgt.s32 v11, $0xFFFFFFFF;
	vm6 =	vgt.s32 v10, $0xFFFFFFFF;
	v58 =	vadd.s32 v4, v59;
	v44 =	vld.idx.msk [tilespmem:v46+s24+$0x0], $0xffff  }
0x575: {  	vm15 =	vgt.s32 v27, $0xFFFFFFFF;
	vm12 =	vgt.s32 v34, $0xFFFFFFFF;
	v59 =	vsel vm13, $0xFFFFFFFF, v60;
	v56 =	vld.idx.msk [tilespmem:v54+s4+$0x0], $0xffff  }
0x576: {  	vm14 =	vgt.s32 v22, $0xFFFFFFFF;
	v25 =	vadd.f32 v51, v25;
	vm11 =	vgt.s32 v36, $0xFFFFFFFF;
	v2 =	vld.idx.msk [tilespmem:v2+s4+$0x0], $0xffff  }
0x577: {  	v11 =	vxor.u32 v11, v59;
	v62 =	vsel vm14, $0xFFFFFFFF, v60;
	v57 =	vadd.s32 v4, v55;
	[tilespmem:v61+s24+$0x0] =	vst.idx.add.s32.msk vm7, v55  }
0x578: {  	v33 =	vld.idx.msk [tilespmem:v33+s4+$0x0], $0xffff;
	v39 =	vadd.s32 v39, v57;
	v3 =	vmul.f32 v32, v3;
	v32 =	vadd.s32 v49, v58;
	_, v58, vm9 =	vpop (xrf1)  }
0x579: {  	v59 =	vsel vm15, $0xFFFFFFFF, v60;
	v61 =	vshrl.u32 v28, $0x18;
	[tilespmem:v46+s24+$0x0] =	vst.idx.add.s32.msk vm5, v1;
	v1 =	vadd.s32 v4, v1  }
0x57a: {  	vm14 =	vgt.s32 v12, $0xFFFFFFFF;
	v1 =	vadd.s32 v44, v1;
	v44 =	vor.u32 $0xF00, v61;
	v51 =	vld.idx.msk [tilespmem:v41+s24+$0x0], $0xffff  }
0x57b: {  	vm15 =	vgt.s32 v24, $0xFFFFFFFF;
	v63 =	vxor.u32 v22, v62;
	v27 =	vxor.u32 v27, v59;
	v61 =	vld.idx.msk [tilespmem:v30+s24+$0x0], $0xffff;
	(xrf1) =	vunique.msk.u32 $0xffff, v44  }
0x57c: {  	v54 =	vsel vm11, $0xFFFFFFFF, v60;
	v3 =	vadd.f32 v3, v19;
	v19 =	vmul.f32 v63, v48;
	v63 =	vld.idx.msk [tilespmem:v0+s24+$0x0], $0xffff  }
0x57d: {  	v59 =	vadd.s32 v4, v50;
	vm11 =	vgt.s32 v14, $0xFFFFFFFF;
	v55 =	vshrl.u32 v26, $0x18;
	v22 =	vld.idx.msk [tilespmem:v39+s4+$0x0], $0xffff  }
0x57e: {  	v62 =	vmul.f32 v27, v45;
	vm7 =	vgt.s32 v15, $0xFFFFFFFF;
	[tilespmem:v0+s24+$0x0] =	vst.idx.add.s32.msk vm9, v58;
	v0 =	vor.u32 $0xF00, v55  }
0x57f: {  	v57 =	vsel vm12, $0xFFFFFFFF, v60;
	v11 =	vmul.f32 v11, v56;
	v56 =	vadd.s32 v4, v58;
	v1 =	vld.idx.msk [tilespmem:v1+s4+$0x0], $0xffff;
	_, v58, vm13 =	vpop (xrf1);
	(xrf1) =	vunique.msk.u32 $0xffff, v0  }
0x580: {  	vm12 =	vgt.s32 v13, $0xFFFFFFFF;
	v46 =	vsel vm6, $0xFFFFFFFF, v60;
	v34 =	vxor.u32 v34, v57;
	[tilespmem:v41+s24+$0x0] =	vst.idx.add.s32.msk vm4, v50  }
0x581: {  	v49 =	vsel vm10, $0xFFFFFFFF, v60;
	v39 =	vadd.s32 v51, v59;
	v59 =	vld [tilespmem:$0x1FBF0];
	v27 =	vadd.s32 v63, v56  }
0x582: {  	v17 =	vxor.u32 v17, v49;
	v3 =	vadd.f32 v19, v3;
	v19 =	vxor.u32 v36, v54;
	v41 =	vld.idx.msk [tilespmem:v37+s24+$0x0], $0xffff  }
0x583: {  	v10 =	vxor.u32 v10, v46;
	v17 =	vmul.f32 v17, v52;
	v32 =	vld.idx.msk [tilespmem:v32+s4+$0x0], $0xffff;
	v19 =	vmul.f32 v19, v53  }
0x584: {  	v48 =	vsel vm15, $0xFFFFFFFF, v60;
	[tilespmem:v30+s24+$0x0] =	vst.idx.add.s32.msk vm2, v40;
	v3 =	vadd.f32 v62, v3;
	v62 =	vmul.f32 v34, v47  }
0x585: {  	v10 =	vmul.f32 v10, v20;
	v49 =	vxor.u32 v24, v48;
	v51 =	vadd.s32 v4, v42;
	v50 =	vld.idx.msk [tilespmem:v43+s24+$0x0], $0xffff  }
0x586: {  	v3 =	vadd.f32 v17, v3;
	v19 =	vadd.f32 v62, v19;
	v17 =	vmul.f32 v49, v33;
	v27 =	vld.idx.msk [tilespmem:v27+s4+$0x0], $0xffff  }
0x587: {  	v11 =	vadd.f32 v11, v25;
	v55 =	vshrl.u32 v23, $0x18;
	v30 =	vadd.s32 v41, v51;
	[tilespmem:v43+s24+$0x0] =	vst.idx.add.s32.msk vm13, v58  }
0x588: {  	vm15 =	vgt.s32 v8, $0xFFFFFFFF;
	v17 =	vadd.f32 v17, v19;
	v19 =	vor.u32 $0xF00, v55;
	v56 =	vld.idx.msk [tilespmem:v44+s24+$0x0], $0xffff  }
0x589: {  	v52 =	vadd.s32 v4, v40;
	v45 =	vsel vm15, $0xFFFFFFFF, v60;
	v36 =	vadd.s32 v4, v58;
	v54 =	vld.idx.msk [tilespmem:v39+s4+$0x0], $0xffff;
	_, v57, vm10 =	vpop (xrf1);
	(xrf1) =	vunique.msk.u32 $0xffff, v19  }
0x58a: {  	vm15 =	vgt.s32 v23, $0xFFFFFFFF;
	v53 =	vsel vm8, $0xFFFFFFFF, v60;
	[tilespmem:v37+s24+$0x0] =	vst.idx.add.s32.msk vm3, v42;
	v24 =	vadd.s32 v50, v36  }
0x58b: {  	v8 =	vxor.u32 v8, v45;
	v18 =	vxor.u32 v18, v53;
	v63 =	vsel vm14, $0xFFFFFFFF, v60;
	v62 =	vld.idx.msk [tilespmem:v21+s24+$0x0], $0xffff  }
0x58c: {  	v12 =	vxor.u32 v12, v63;
	v33 =	vadd.s32 v61, v52;
	v30 =	vld.idx.msk [tilespmem:v30+s4+$0x0], $0xffff;
	v63 =	vadd.s32 v4, v57  }
0x58d: {  	vm9 =	vgt.s32 v7, $0xFFFFFFFF;
	v1 =	vmul.f32 v18, v1;
	[tilespmem:v21+s24+$0x0] =	vst.idx.add.s32.msk vm1, v38;
	v18 =	vadd.s32 v56, v63;
	_, v37, vm13 =	vpop (xrf1)  }
0x58e: {  	v61 =	vsel vm11, $0xFFFFFFFF, v60;
	v12 =	vmul.f32 v12, v59;
	v58 =	vsel vm9, $0xFFFFFFFF, v60;
	v43 =	vld.idx.msk [tilespmem:v9+s24+$0x0], $0xffff  }
0x58f: {  	vm8 =	vgt.s32 v16, $0xFFFFFFFF;
	v14 =	vxor.u32 v14, v61;
	v7 =	vxor.u32 v7, v58;
	v24 =	vld.idx.msk [tilespmem:v24+s4+$0x0], $0xffff  }
0x590: {  	vm14 =	vgt.s32 v6, $0xFFFFFFFF;
	v3 =	vadd.f32 v12, v3;
	v7 =	vmul.f32 v7, v32;
	[tilespmem:v44+s24+$0x0] =	vst.idx.add.s32.msk vm10, v57  }
0x591: {  	v39 =	vsel vm12, $0xFFFFFFFF, v60;
	v41 =	vadd.s32 v4, v38;
	v1 =	vadd.f32 v1, v17;
	v44 =	vld.idx.msk [tilespmem:v0+s24+$0x0], $0xffff  }
0x592: {  	v14 =	vmul.f32 v14, v54;
	v42 =	vadd.s32 v62, v41;
	v3 =	vadd.f32 v7, v3;
	v7 =	vld.idx.msk [tilespmem:v18+s4+$0x0], $0xffff  }
0x593: {  	v47 =	vsel vm7, $0xFFFFFFFF, v60;
	v40 =	vsel vm14, $0xFFFFFFFF, v60;
	v12 =	vxor.u32 v13, v39;
	[tilespmem:v0+s24+$0x0] =	vst.idx.add.s32.msk vm13, v37  }
0x594: {  	v49 =	vadd.s32 v4, v29;
	v1 =	vadd.f32 v14, v1;
	v12 =	vmul.f32 v12, v30;
	v48 =	vld.idx.msk [tilespmem:v19+s24+$0x0], $0xffff  }
0x595: {  	v52 =	vsel vm8, $0xFFFFFFFF, v60;
	vm11 =	vgt.s32 v31, $0xFFFFFFFF;
	v50 =	vadd.s32 v4, v37  }
0x596: {  	v1 =	vadd.f32 v12, v1;
	v12 =	vadd.s32 v44, v50;
	v0 =	vxor.u32 v15, v47  }
0x597: {  	v14 =	vxor.u32 v16, v52;
	v13 =	vld.idx.msk [tilespmem:v42+s4+$0x0], $0xffff;
	v0 =	vmul.f32 v0, v2;
	v2 =	vadd.s32 v43, v49;
	_, v51, vm9 =	vpop (xrf1)  }
0x598: {  	v14 =	vmul.f32 v14, v22;
	vm10 =	vgt.s32 v35, $0xFFFFFFFF;
	v53 =	vadd.s32 v4, v51  }
0x599: {  	v33 =	vld.idx.msk [tilespmem:v33+s4+$0x0], $0xffff;
	v54 =	vsel vm10, $0xFFFFFFFF, v60;
	v0 =	vadd.f32 v0, v10;
	v15 =	vadd.s32 v48, v53  }
0x59a: {  	vm14 =	vgt.s32 v26, $0xFFFFFFFF;
	vm12 =	vgt.s32 v5, $0xFFFFFFFF;
	[tilespmem:v9+s24+$0x0] =	vst.idx.add.s32.msk vm0, v29;
	v55 =	vxor.u32 v35, v54  }
0x59b: {  	v56 =	vsel vm11, $0xFFFFFFFF, v60;
	v9 =	vmul.f32 v55, v27;
	v12 =	vld.idx.msk [tilespmem:v12+s4+$0x0], $0xffff;
	v0 =	vadd.f32 v14, v0  }
0x59c: {  	v8 =	vmul.f32 v8, v13;
	v13 =	vxor.u32 v31, v56;
	vm13 =	vgt.s32 v28, $0xFFFFFFFF;
	v2 =	vld.idx.msk [tilespmem:v2+s4+$0x0], $0xffff  }
0x59d: {  	v57 =	vmul.f32 v13, v24;
	v58 =	vsel vm13, $0xFFFFFFFF, v60;
	v0 =	vadd.f32 v9, v0;
	[tilespmem:v19+s24+$0x0] =	vst.idx.add.s32.msk vm9, v51  }
0x59e: {  	v6 =	vxor.u32 v6, v40;
	v59 =	vsel vm12, $0xFFFFFFFF, v60;
	v13 =	vxor.u32 v28, v58;
	v61 =	vld.idx.msk [tilespmem:v15+s4+$0x0], $0xffff  }
0x59f: {  	v62 =	vsel vm14, $0xFFFFFFFF, v60;
	v7 =	vmul.f32 v13, v7;
	v0 =	vadd.f32 v57, v0  }
0x5a0: {  	v5 =	vxor.u32 v5, v59;
	v6 =	vmul.f32 v6, v33;
	v9 =	vxor.u32 v26, v62  }
0x5a1: {  	v63 =	vsel vm15, $0xFFFFFFFF, v60;
	v0 =	vadd.f32 v7, v0;
	v7 =	vmul.f32 v9, v12  }
0x5a2: {  	p0 =	sne.s32 s0, $0xFFFFFE00;
	v1 =	vadd.f32 v8, v1;
	v2 =	vmul.f32 v5, v2;
	v5 =	vxor.u32 v23, v63  }
.Ltmp10:
0x5a3: {  	v3 =	vadd.f32 v6, v3;
	v0 =	vadd.f32 v7, v0;
	v5 =	vmul.f32 v5, v61;
	(pc) =	sbr.rel @p0 .LBB2_21-.Ltmp10, $4  }
0x5a4: {  	[tilespmem:s2+$0x0] =	vst.add.f32.msk $0xffff, v11;
	v1 =	vadd.f32 v2, v1  }
0x5a5: {  	[tilespmem:s3+$0x0] =	vst.add.f32.msk $0xffff, v3;
	v0 =	vadd.f32 v5, v0  }
0x5a6: {  	[tilespmem:s5+$0x0] =	vst.add.f32.msk $0xffff, v1  }
0x5a7: {  	s0 =	sadd.s32 $0x200, s0;
	[tilespmem:s6+$0x0] =	vst.add.f32.msk $0xffff, v0  }
0x5a8: {  	v0 =	vld [tilespmem:$0xA000];
	_ =	sdelay $0x4  }
0x5a9: {  	(xrf2) =	vadd.scan.msk.f32 $0xffff, v0;
	_ =	sdelay $0x7  }
0x5aa: {  	v0 =	vmov s7;
	_ =	sdelay $0x1  }
0x5ab: {  	v1, _, _ =	vpop (xrf2)  }
0x5ac: {  	v1 =	vbroadcast v1, $0xF  }
0x5ad: {  	s1 =	simm.s32 $0xA080  }
0x5ae: {  	[tilespmem:v0+s1+$0x0] =	vst.idx.msk $0x1, v1  }
0x5af: {  	v0 =	vld [tilespmem:$0xA010];
	_ =	sdelay $0x4  }
0x5b0: {  	(xrf2) =	vadd.scan.msk.f32 $0xffff, v0;
	_ =	sdelay $0x6  }
0x5b1: {  	s0 =	sor.u32 $0x20, s7  }
0x5b2: {  	v0 =	vmov s0;
	_ =	sdelay $0x1  }
0x5b3: {  	v1, _, _ =	vpop (xrf2)  }
0x5b4: {  	v1 =	vbroadcast v1, $0xF;
	_ =	sdelay $0x1  }
0x5b5: {  	[tilespmem:v0+s1+$0x0] =	vst.idx.msk $0x1, v1  }
0x5b6: {  	v0 =	vld [tilespmem:$0xA020];
	_ =	sdelay $0x4  }
0x5b7: {  	(xrf2) =	vadd.scan.msk.f32 $0xffff, v0;
	_ =	sdelay $0x6  }
0x5b8: {  	s30 =	sor.u32 $0x40, s7  }
0x5b9: {  	v0 =	vmov s30;
	_ =	sdelay $0x1  }
0x5ba: {  	v1, _, _ =	vpop (xrf2)  }
0x5bb: {  	v1 =	vbroadcast v1, $0xF;
	_ =	sdelay $0x1  }
0x5bc: {  	[tilespmem:v0+s1+$0x0] =	vst.idx.msk $0x1, v1  }
0x5bd: {  	v0 =	vld [tilespmem:$0xA030];
	_ =	sdelay $0x4  }
0x5be: {  	(xrf2) =	vadd.scan.msk.f32 $0xffff, v0;
	_ =	sdelay $0x6  }
0x5bf: {  	s31 =	sor.u32 $0x60, s7;
	s9 =	rddreg [dreg:$0x15]  }
0x5c0: {  	p0 =	sne.s32 s9, $0x20;
	v0 =	vmov s31  }
.Ltmp11:
0x5c1: {  	_ = 	snop;
	(pc) =	sbr.rel @p0 .LBB2_2-.Ltmp11, $3  }
0x5c2: {  	v1, _, _ =	vpop (xrf2)  }
0x5c3: {  	v1 =	vbroadcast v1, $0xF;
	_ =	sdelay $0x1  }
0x5c4: {  	s2 =	simm.s32 $0xA080;
	v2 =	vimm.s32 $0x1;
	[tilespmem:v0+s1+$0x0] =	vst.idx.msk $0x1, v1;
	v1 =	vimm.s32 $0x0  }
0x5c5: {  	s0 =	simm.s32 $0x0;
	s1 =	rddreg [dreg:$0xe];
	s21 =	simm.s32 $0x2  }
0x5c6: {  	[hbm4b:s1+s0] =	stream.linear.scatter [tilespmem:s2], [sflag:$0x2], $0x20, $0x38;
	[tilespmem:$0xA100] =	vst v63  }
0x5c7: {  	_ =	swait.ge [sflag:s21], $0x20  }
0x5c8: {  	[sflag:s21] =	ssyncset.done $0x0  }
0x5c9: {  	s3 =	simm.s32 $0xA0A0;
	s22 =	rddreg [dreg:$0xf];
	[sflag:s21] =	ssyncadd.s32 $0xFFFFFFE0  }
0x5ca: {  	[hbm4b:s22+s0] =	stream.linear.scatter [tilespmem:s3], [sflag:$0x2], $0x20, $0x38;
	[tilespmem:$0xA100] =	vst v63  }
0x5cb: {  	_ =	swait.ge [sflag:s21], $0x20  }
0x5cc: {  	[sflag:s21] =	ssyncset.done $0x0  }
0x5cd: {  	s26 =	simm.s32 $0xA0C0;
	s23 =	rddreg [dreg:$0x10];
	[sflag:s21] =	ssyncadd.s32 $0xFFFFFFE0  }
0x5ce: {  	[hbm4b:s23+s0] =	stream.linear.scatter [tilespmem:s26], [sflag:$0x2], $0x20, $0x38;
	[tilespmem:$0xA100] =	vst v63  }
0x5cf: {  	_ =	swait.ge [sflag:s21], $0x20  }
0x5d0: {  	[sflag:s21] =	ssyncset.done $0x0  }
0x5d1: {  	s29 =	simm.s32 $0xA0E0;
	s28 =	rddreg [dreg:$0x11];
	[sflag:s21] =	ssyncadd.s32 $0xFFFFFFE0  }
0x5d2: {  	[hbm4b:s28+s0] =	stream.linear.scatter [tilespmem:s29], [sflag:$0x2], $0x20, $0x38;
	[tilespmem:$0xA100] =	vst v63  }
0x5d3: {  	_ =	swait.ge [sflag:s21], $0x20  }
0x5d4: {  	s30 =	rddreg [dreg:$0x13]  }
0x5d5: {  	s31 =	rddreg [dreg:$0x12];
	s1 =	sadd.s32 $0x1, s30  }
0x5d6: {  	p0 =	sne.s32 s1, s31  }
.Ltmp12:
0x5d7: {  	_ = 	snop;
	(pc) =	sbr.rel @p0 .LBB2_1-.Ltmp12, $3  }
0x5d8: {  	_ =	sdelay $0x1  }
0x5d9: {  	[sflag:s21] =	ssyncset.done $0x0  }
0x5da: {  	[sflag:s21] =	ssyncadd.s32 $0xFFFFFFE0  }
0x5db: {  	_ =	sfence.sel $0x180000  }
0x5dc: {  	[bflag:$0x0] =	sbarrier.arrive $0xFFFF  }
0x5dd: {  	_ =	strace $0x90000047  }
0x5de: {  	s0 =	stileid.u32;
	[bflag:$0x2] =	sbarrier.arrive $0xFFFF  }
0x5df: {  	p0 =	sne.s32 s0, $0x0;
	s0 =	rddreg [dreg:$0x3]  }
0x5e0: {  	s0 =	sadd.s32 @!p0 $0x100000, s0  }
0x5e1: {  	[sflag:s0] =	ssyncadd.tile.s32 @!p0 $0x1;
	_ =	shalt  }
.Lfunc_end2:
_tile_overlayer_lowered:
.L_overlay_start_2:
0x5e2: {  	(tag) =	ssettag $0x2  }
0x5e3: {  	s0 =	rddreg [dreg:$0x0];
	s2 =	stileid.u32  }
0x5e4: {  	s1 =	rddreg [dreg:$0x1];
	p0 =	sne.s32 s2, $0x0  }
0x5e5: {  	s3 =	rddreg [dreg:$0x2];
	[bflag:$0x3] =	sbarrier.arrive $0xFFFF;
	s2 =	simm.s32 @!p0 $0x1C02  }
0x5e6: {  	[timem:s3], [sflag:s2] =	dma.local @!p0 [hbm:s0], s1  }
0x5e7: {  	s0 =	simm.s32 @!p0 $0x2  }
0x5e8: {  	_ =	swait.ge @!p0 [sflag:s0], s1  }
0x5e9: {  	s1 =	ssub.s32 @!p0 $0x0, s1;
	[sflag:s0] =	ssyncset.done @!p0 $0x0  }
0x5ea: {  	[sflag:s0] =	ssyncadd.s32 @!p0 s1  }
0x5eb: {  	[bflag:$0x3] =	sbarrier.arrive $0xFFFF  }
0x5ec: {  	_ =	shalt  }

</sc_bundles>
